<compile_context>
chip_gen: v7x
topology: tpu7x:2x2x1
jax: 0.10.2.dev20260603
libtpu: 0.0.44.dev20260713+nightly
codegen_flags: <defaults>
</compile_context>

<pallas_src>
import functools

import jax
import jax.numpy as jnp
from jax import lax
from jax.experimental import pallas as pl
from jax.experimental.pallas import tpu as pltpu
from jax.experimental.pallas import tpu_sc as plsc

_B = 4
_S = 8192
_D = 1024
_NC, _NS, _L = 2, 16, 16
_NW = _NC * _NS
_ROWS = _S // _NW
_R = 8
_NJ = _ROWS // _R
_ST = 3
_NG = 10


def _sc_body(x_hbm, t_hbm, out_hbm, *rest):
    xbs = tuple(rest[0:3])
    tbs = tuple(rest[3:6])
    sis = tuple(rest[6:9])
    sos = tuple(rest[9:12])
    sts = tuple(rest[12:15])

    wid = lax.axis_index("s") * _NC + lax.axis_index("c")
    base = wid * _ROWS

    def start_in(j, st):
        pltpu.async_copy(
            x_hbm.at[pl.ds(0, _B), pl.ds(base + j * _R, _R), :], xbs[st],
            sis[st])

    def wait_in(st):
        pltpu.make_async_copy(
            x_hbm.at[pl.ds(0, _B), pl.ds(base, _R), :], xbs[st],
            sis[st]).wait()

    def start_t(j, ti):
        pltpu.async_copy(
            t_hbm.at[pl.ds(base + j * _R, _R), :], tbs[ti], sts[ti])

    def wait_t(ti):
        pltpu.make_async_copy(
            t_hbm.at[pl.ds(base, _R), :], tbs[ti], sts[ti]).wait()

    def start_out(j, st):
        pltpu.async_copy(
            xbs[st], out_hbm.at[pl.ds(0, _B), pl.ds(base + j * _R, _R), :],
            sos[st])

    def wait_out(st):
        pltpu.make_async_copy(
            xbs[st], out_hbm.at[pl.ds(0, _B), pl.ds(base, _R), :],
            sos[st]).wait()

    def compute(st, ti):
        def _add(u, c):
            s = pl.ds(u * _L, _L)
            for r in range(_R):
                tv = tbs[ti][r, s]
                for b in range(_B):
                    xbs[st][b, r, s] = xbs[st][b, r, s] + tv
            return c

        lax.fori_loop(0, _D // _L, _add, 0)

    start_t(0, 0)
    start_in(0, 0)
    start_in(1, 1)

    def outer(g, carry):
        for jj in range(_ST):
            j = 3 * g + jj
            wait_in(jj)
            wait_t(jj)
            start_t(j + 1, (jj + 1) % 3)
            compute(jj, jj)
            start_out(j, jj)
            if jj == 0:
                @pl.when(g > 0)
                def _():
                    wait_out((jj + 2) % 3)
            else:
                wait_out((jj + 2) % 3)
            start_in(j + 2, (jj + 2) % 3)
        return carry

    lax.fori_loop(0, _NG, outer, 0)

    wait_in(0)
    wait_t(0)
    start_t(31, 1)
    compute(0, 0)
    start_out(30, 0)
    wait_out(2)

    wait_in(1)
    wait_t(1)
    compute(1, 1)
    start_out(31, 1)
    wait_out(0)
    wait_out(1)


@jax.jit
def _sc_add(x, table):
    mesh = plsc.VectorSubcoreMesh(core_axis_name="c", subcore_axis_name="s")
    f = functools.partial(
        pl.kernel,
        mesh=mesh,
        out_type=jax.ShapeDtypeStruct((_B, _S, _D), jnp.float32),
        scratch_types=(
            [pltpu.VMEM((_B, _R, _D), jnp.float32)] * _ST
            + [pltpu.VMEM((_R, _D), jnp.float32)] * _ST
            + [pltpu.SemaphoreType.DMA] * (3 * _ST)
        ),
    )(_sc_body)
    return f(x, table)


def kernel(x, table):
    return _sc_add(x, table)

# --- scband reference (transcript-rebuilt; emitter-appended) ---
"""Pipeline reference for scband-positional-embedding-75488345194612 (READ-ONLY COPY).

The authoritative reference and input builder live on the scoring server;
editing this copy changes nothing except your own understanding.
"""

import jax, jax.numpy as jnp
import numpy as np

MAX_SEQ_LENGTH = 8192
EMBEDDING_DIM = 1024

def setup_inputs(seed: int = 0) -> dict:
    key = jax.random.key(seed)
    kx, kt = jax.random.split(key)
    x = jax.random.normal(kx, (4, 8192, 1024), dtype=jnp.float32)
    table = jax.random.normal(kt, (MAX_SEQ_LENGTH, EMBEDDING_DIM), dtype=jnp.float32)
    return {"x": x, "table": table}

def reference(x, table):
    seq_len = x.shape[1]
    position_indices = jnp.arange(seq_len)  # int positions [S]
    pos_embeddings = jnp.take(table, position_indices, axis=0)  # [S, D] embedding gather
    pos_embeddings = pos_embeddings[None, :, :]  # unsqueeze(0) -> [1, S, D]
    return pos_embeddings + x

if __name__ == "__main__":
    import jax
    _d = setup_inputs()
    print(jax.jit(kernel)(*tuple(_d.values())))

</pallas_src>

<mosaic_0001>
#map = affine_map<(d0, d1) -> (0, 0, 0)>
#map1 = affine_map<(d0, d1) -> (0, 0)>
module attributes {stable_mosaic.version = 14 : i64} {
  func.func @_sc_body(%arg0: i32, %arg1: i32, %arg2: memref<4x8192x1024xf32, #tpu.memory_space<hbm>>, %arg3: memref<8192x1024xf32, #tpu.memory_space<hbm>>, %arg4: memref<4x8192x1024xf32, #tpu.memory_space<hbm>>, %arg5: memref<4x8x1024xf32, #tpu.memory_space<vmem>>, %arg6: memref<4x8x1024xf32, #tpu.memory_space<vmem>>, %arg7: memref<4x8x1024xf32, #tpu.memory_space<vmem>>, %arg8: memref<8x1024xf32, #tpu.memory_space<vmem>>, %arg9: memref<8x1024xf32, #tpu.memory_space<vmem>>, %arg10: memref<8x1024xf32, #tpu.memory_space<vmem>>, %arg11: memref<!tpu.dma_semaphore, #tpu.memory_space<semaphore_mem>>, %arg12: memref<!tpu.dma_semaphore, #tpu.memory_space<semaphore_mem>>, %arg13: memref<!tpu.dma_semaphore, #tpu.memory_space<semaphore_mem>>, %arg14: memref<!tpu.dma_semaphore, #tpu.memory_space<semaphore_mem>>, %arg15: memref<!tpu.dma_semaphore, #tpu.memory_space<semaphore_mem>>, %arg16: memref<!tpu.dma_semaphore, #tpu.memory_space<semaphore_mem>>, %arg17: memref<!tpu.dma_semaphore, #tpu.memory_space<semaphore_mem>>, %arg18: memref<!tpu.dma_semaphore, #tpu.memory_space<semaphore_mem>>, %arg19: memref<!tpu.dma_semaphore, #tpu.memory_space<semaphore_mem>>) attributes {dimension_semantics = [#tpu.dimension_semantics<core_parallel>, #tpu.dimension_semantics<subcore_parallel>], iteration_bounds = array<i64: 2, 16>, scalar_prefetch = 0 : i64, scratch_operands = 15 : i64, tpu.core_type = #tpu.core_type<sc_vector_subcore>, window_params = [{transform_indices = #map}, {transform_indices = #map1}, {transform_indices = #map}]} {
    %mul3A = arith.constant 2 : i32
    %mul3A_0 = arith.muli %arg1, %mul3A : i32
    %add3A = arith.addi %mul3A_0, %arg0 : i32
    %mul3A_1 = arith.constant 256 : i32
    %mul3A_2 = arith.muli %add3A, %mul3A_1 : i32
    %add3A_3 = arith.constant 0 : i32
    %add3A_4 = arith.addi %mul3A_2, %add3A_3 : i32
    %dma_start3A = arith.constant 0 : i32
    %dma_start3A_5 = tpu.memref_slice %arg3[%add3A_4, %dma_start3A] : memref<8192x1024xf32, #tpu.memory_space<hbm>> -> memref<8x1024xf32, #tpu.memory_space<hbm>>
    %dma_start3A_6 = arith.constant 0 : i32
    %dma_start3A_7 = tpu.memref_slice %arg3[%add3A_4, %dma_start3A_6] : memref<8192x1024xf32, #tpu.memory_space<hbm>> -> memref<8x1024xf32, #tpu.memory_space<hbm>>
    tpu.enqueue_dma source(%dma_start3A_7 : memref<8x1024xf32, #tpu.memory_space<hbm>>) target(%arg8 : memref<8x1024xf32, #tpu.memory_space<vmem>>) target_semaphore(%arg17 : memref<!tpu.dma_semaphore, #tpu.memory_space<semaphore_mem>>)
    %add3A_8 = arith.constant 0 : i32
    %add3A_9 = arith.addi %mul3A_2, %add3A_8 : i32
    %dma_start3A_10 = arith.constant 0 : i32
    %dma_start3A_11 = arith.constant 0 : i32
    %dma_start3A_12 = tpu.memref_slice %arg2[%dma_start3A_10, %add3A_9, %dma_start3A_11] : memref<4x8192x1024xf32, #tpu.memory_space<hbm>> -> memref<4x8x1024xf32, #tpu.memory_space<hbm>>
    %dma_start3A_13 = arith.constant 0 : i32
    %dma_start3A_14 = arith.constant 0 : i32
    %dma_start3A_15 = tpu.memref_slice %arg2[%dma_start3A_13, %add3A_9, %dma_start3A_14] : memref<4x8192x1024xf32, #tpu.memory_space<hbm>> -> memref<4x8x1024xf32, #tpu.memory_space<hbm>>
    tpu.enqueue_dma source(%dma_start3A_15 : memref<4x8x1024xf32, #tpu.memory_space<hbm>>) target(%arg5 : memref<4x8x1024xf32, #tpu.memory_space<vmem>>) target_semaphore(%arg11 : memref<!tpu.dma_semaphore, #tpu.memory_space<semaphore_mem>>)
    %add3A_16 = arith.constant 8 : i32
    %add3A_17 = arith.addi %mul3A_2, %add3A_16 : i32
    %dma_start3A_18 = arith.constant 0 : i32
    %dma_start3A_19 = arith.constant 0 : i32
    %dma_start3A_20 = tpu.memref_slice %arg2[%dma_start3A_18, %add3A_17, %dma_start3A_19] : memref<4x8192x1024xf32, #tpu.memory_space<hbm>> -> memref<4x8x1024xf32, #tpu.memory_space<hbm>>
    %dma_start3A_21 = arith.constant 0 : i32
    %dma_start3A_22 = arith.constant 0 : i32
    %dma_start3A_23 = tpu.memref_slice %arg2[%dma_start3A_21, %add3A_17, %dma_start3A_22] : memref<4x8192x1024xf32, #tpu.memory_space<hbm>> -> memref<4x8x1024xf32, #tpu.memory_space<hbm>>
    tpu.enqueue_dma source(%dma_start3A_23 : memref<4x8x1024xf32, #tpu.memory_space<hbm>>) target(%arg6 : memref<4x8x1024xf32, #tpu.memory_space<vmem>>) target_semaphore(%arg12 : memref<!tpu.dma_semaphore, #tpu.memory_space<semaphore_mem>>)
    %scan3A = arith.constant 0 : i32
    %scan3A_24 = arith.constant 0 : i32
    %scan3A_25 = arith.constant 10 : i32
    %scan3A_26 = arith.addi %scan3A_24, %scan3A_25 : i32
    %scan3A_27 = arith.constant 1 : i32
    scf.for %scan3A_100 = %scan3A_24 to %scan3A_26 step %scan3A_27  : i32 {
      %mul3A_101 = arith.constant 3 : i32
      %mul3A_102 = arith.muli %mul3A_101, %scan3A_100 : i32
      %add3A_103 = arith.constant 0 : i32
      %add3A_104 = arith.addi %mul3A_102, %add3A_103 : i32
      %dma_wait3A_105 = arith.constant 0 : i32
      %dma_wait3A_106 = arith.constant 0 : i32
      %dma_wait3A_107 = tpu.memref_slice %arg2[%dma_wait3A_105, %mul3A_2, %dma_wait3A_106] : memref<4x8192x1024xf32, #tpu.memory_space<hbm>> -> memref<4x8x1024xf32, #tpu.memory_space<hbm>>
      %dma_wait3A_108 = arith.constant 0 : i32
      %dma_wait3A_109 = arith.constant 0 : i32
      %dma_wait3A_110 = tpu.memref_slice %arg2[%dma_wait3A_108, %mul3A_2, %dma_wait3A_109] : memref<4x8192x1024xf32, #tpu.memory_space<hbm>> -> memref<4x8x1024xf32, #tpu.memory_space<hbm>>
      tpu.wait_dma2 semaphore(%arg11 : memref<!tpu.dma_semaphore, #tpu.memory_space<semaphore_mem>>) src(%dma_wait3A_110 : memref<4x8x1024xf32, #tpu.memory_space<hbm>>) dst(%arg5 : memref<4x8x1024xf32, #tpu.memory_space<vmem>>)
      %dma_wait3A_111 = arith.constant 0 : i32
      %dma_wait3A_112 = tpu.memref_slice %arg3[%mul3A_2, %dma_wait3A_111] : memref<8192x1024xf32, #tpu.memory_space<hbm>> -> memref<8x1024xf32, #tpu.memory_space<hbm>>
      %dma_wait3A_113 = arith.constant 0 : i32
      %dma_wait3A_114 = tpu.memref_slice %arg3[%mul3A_2, %dma_wait3A_113] : memref<8192x1024xf32, #tpu.memory_space<hbm>> -> memref<8x1024xf32, #tpu.memory_space<hbm>>
      tpu.wait_dma2 semaphore(%arg17 : memref<!tpu.dma_semaphore, #tpu.memory_space<semaphore_mem>>) src(%dma_wait3A_114 : memref<8x1024xf32, #tpu.memory_space<hbm>>) dst(%arg8 : memref<8x1024xf32, #tpu.memory_space<vmem>>)
      %add3A_115 = arith.constant 1 : i32
      %add3A_116 = arith.addi %add3A_104, %add3A_115 : i32
      %mul3A_117 = arith.constant 8 : i32
      %mul3A_118 = arith.muli %add3A_116, %mul3A_117 : i32
      %add3A_119 = arith.addi %mul3A_2, %mul3A_118 : i32
      %dma_start3A_120 = arith.constant 0 : i32
      %dma_start3A_121 = tpu.memref_slice %arg3[%add3A_119, %dma_start3A_120] : memref<8192x1024xf32, #tpu.memory_space<hbm>> -> memref<8x1024xf32, #tpu.memory_space<hbm>>
      %dma_start3A_122 = arith.constant 0 : i32
      %dma_start3A_123 = tpu.memref_slice %arg3[%add3A_119, %dma_start3A_122] : memref<8192x1024xf32, #tpu.memory_space<hbm>> -> memref<8x1024xf32, #tpu.memory_space<hbm>>
      tpu.enqueue_dma source(%dma_start3A_123 : memref<8x1024xf32, #tpu.memory_space<hbm>>) target(%arg9 : memref<8x1024xf32, #tpu.memory_space<vmem>>) target_semaphore(%arg18 : memref<!tpu.dma_semaphore, #tpu.memory_space<semaphore_mem>>)
      %scan3A_124 = arith.constant 0 : i32
      %scan3A_125 = arith.constant 0 : i32
      %scan3A_126 = arith.constant 64 : i32
      %scan3A_127 = arith.addi %scan3A_125, %scan3A_126 : i32
      %scan3A_128 = arith.constant 1 : i32
      scf.for %scan3A_262 = %scan3A_125 to %scan3A_127 step %scan3A_128  : i32 {
        %mul3A_263 = arith.constant 16 : i32
        %mul3A_264 = arith.muli %scan3A_262, %mul3A_263 : i32
        %get3A = arith.constant 0 : i32
        %get3A_265 = arith.index_cast %get3A : i32 to index
        %get3A_266 = arith.index_cast %mul3A_264 : i32 to index
        %get3A_267 = tpu.vector_load %arg8[%get3A_265, %get3A_266] {strides = array<i32>} : memref<8x1024xf32, #tpu.memory_space<vmem>>, vector<1x16xf32>,
        %get3A_268 = vector.shape_cast %get3A_267 : vector<1x16xf32> to vector<16xf32>
        %get3A_269 = arith.constant 0 : i32
        %get3A_270 = arith.constant 0 : i32
        %get3A_271 = arith.index_cast %get3A_269 : i32 to index
        %get3A_272 = arith.index_cast %get3A_270 : i32 to index
        %get3A_273 = arith.index_cast %mul3A_264 : i32 to index
        %get3A_274 = tpu.vector_load %arg5[%get3A_271, %get3A_272, %get3A_273] {strides = array<i32>} : memref<4x8x1024xf32, #tpu.memory_space<vmem>>, vector<1x1x16xf32>,
        %get3A_275 = vector.shape_cast %get3A_274 : vector<1x1x16xf32> to vector<16xf32>
        %add3A_276 = arith.addf %get3A_275, %get3A_268 : vector<16xf32>
        %swap3A = arith.constant 0 : i32
        %swap3A_277 = arith.constant 0 : i32
        %swap3A_278 = arith.index_cast %swap3A : i32 to index
        %swap3A_279 = arith.index_cast %swap3A_277 : i32 to index
        %swap3A_280 = arith.index_cast %mul3A_264 : i32 to index
        %swap3A_281 = tpu.vector_load %arg5[%swap3A_278, %swap3A_279, %swap3A_280] {strides = array<i32>} : memref<4x8x1024xf32, #tpu.memory_space<vmem>>, vector<1x1x16xf32>,
        %swap3A_282 = vector.shape_cast %swap3A_281 : vector<1x1x16xf32> to vector<16xf32>
        %swap3A_283 = vector.shape_cast %add3A_276 : vector<16xf32> to vector<1x1x16xf32>
        tpu.vector_store %arg5[%swap3A_278, %swap3A_279, %swap3A_280], %swap3A_283 {strides = array<i32>} : memref<4x8x1024xf32, #tpu.memory_space<vmem>>, vector<1x1x16xf32>,
        %get3A_284 = arith.constant 1 : i32
        %get3A_285 = arith.constant 0 : i32
        %get3A_286 = arith.index_cast %get3A_284 : i32 to index
        %get3A_287 = arith.index_cast %get3A_285 : i32 to index
        %get3A_288 = arith.index_cast %mul3A_264 : i32 to index
        %get3A_289 = tpu.vector_load %arg5[%get3A_286, %get3A_287, %get3A_288] {strides = array<i32>} : memref<4x8x1024xf32, #tpu.memory_space<vmem>>, vector<1x1x16xf32>,
        %get3A_290 = vector.shape_cast %get3A_289 : vector<1x1x16xf32> to vector<16xf32>
        %add3A_291 = arith.addf %get3A_290, %get3A_268 : vector<16xf32>
        %swap3A_292 = arith.constant 1 : i32
        %swap3A_293 = arith.constant 0 : i32
        %swap3A_294 = arith.index_cast %swap3A_292 : i32 to index
        %swap3A_295 = arith.index_cast %swap3A_293 : i32 to index
        %swap3A_296 = arith.index_cast %mul3A_264 : i32 to index
        %swap3A_297 = tpu.vector_load %arg5[%swap3A_294, %swap3A_295, %swap3A_296] {strides = array<i32>} : memref<4x8x1024xf32, #tpu.memory_space<vmem>>, vector<1x1x16xf32>,
        %swap3A_298 = vector.shape_cast %swap3A_297 : vector<1x1x16xf32> to vector<16xf32>
        %swap3A_299 = vector.shape_cast %add3A_291 : vector<16xf32> to vector<1x1x16xf32>
        tpu.vector_store %arg5[%swap3A_294, %swap3A_295, %swap3A_296], %swap3A_299 {strides = array<i32>} : memref<4x8x1024xf32, #tpu.memory_space<vmem>>, vector<1x1x16xf32>,
        %get3A_300 = arith.constant 2 : i32
        %get3A_301 = arith.constant 0 : i32
        %get3A_302 = arith.index_cast %get3A_300 : i32 to index
        %get3A_303 = arith.index_cast %get3A_301 : i32 to index
        %get3A_304 = arith.index_cast %mul3A_264 : i32 to index
        %get3A_305 = tpu.vector_load %arg5[%get3A_302, %get3A_303, %get3A_304] {strides = array<i32>} : memref<4x8x1024xf32, #tpu.memory_space<vmem>>, vector<1x1x16xf32>,
        %get3A_306 = vector.shape_cast %get3A_305 : vector<1x1x16xf32> to vector<16xf32>
        %add3A_307 = arith.addf %get3A_306, %get3A_268 : vector<16xf32>
        %swap3A_308 = arith.constant 2 : i32
        %swap3A_309 = arith.constant 0 : i32
        %swap3A_310 = arith.index_cast %swap3A_308 : i32 to index
        %swap3A_311 = arith.index_cast %swap3A_309 : i32 to index
        %swap3A_312 = arith.index_cast %mul3A_264 : i32 to index
        %swap3A_313 = tpu.vector_load %arg5[%swap3A_310, %swap3A_311, %swap3A_312] {strides = array<i32>} : memref<4x8x1024xf32, #tpu.memory_space<vmem>>, vector<1x1x16xf32>,
        %swap3A_314 = vector.shape_cast %swap3A_313 : vector<1x1x16xf32> to vector<16xf32>
        %swap3A_315 = vector.shape_cast %add3A_307 : vector<16xf32> to vector<1x1x16xf32>
        tpu.vector_store %arg5[%swap3A_310, %swap3A_311, %swap3A_312], %swap3A_315 {strides = array<i32>} : memref<4x8x1024xf32, #tpu.memory_space<vmem>>, vector<1x1x16xf32>,
        %get3A_316 = arith.constant 3 : i32
        %get3A_317 = arith.constant 0 : i32
        %get3A_318 = arith.index_cast %get3A_316 : i32 to index
        %get3A_319 = arith.index_cast %get3A_317 : i32 to index
        %get3A_320 = arith.index_cast %mul3A_264 : i32 to index
        %get3A_321 = tpu.vector_load %arg5[%get3A_318, %get3A_319, %get3A_320] {strides = array<i32>} : memref<4x8x1024xf32, #tpu.memory_space<vmem>>, vector<1x1x16xf32>,
        %get3A_322 = vector.shape_cast %get3A_321 : vector<1x1x16xf32> to vector<16xf32>
        %add3A_323 = arith.addf %get3A_322, %get3A_268 : vector<16xf32>
        %swap3A_324 = arith.constant 3 : i32
        %swap3A_325 = arith.constant 0 : i32
        %swap3A_326 = arith.index_cast %swap3A_324 : i32 to index
        %swap3A_327 = arith.index_cast %swap3A_325 : i32 to index
        %swap3A_328 = arith.index_cast %mul3A_264 : i32 to index
        %swap3A_329 = tpu.vector_load %arg5[%swap3A_326, %swap3A_327, %swap3A_328] {strides = array<i32>} : memref<4x8x1024xf32, #tpu.memory_space<vmem>>, vector<1x1x16xf32>,
        %swap3A_330 = vector.shape_cast %swap3A_329 : vector<1x1x16xf32> to vector<16xf32>
        %swap3A_331 = vector.shape_cast %add3A_323 : vector<16xf32> to vector<1x1x16xf32>
        tpu.vector_store %arg5[%swap3A_326, %swap3A_327, %swap3A_328], %swap3A_331 {strides = array<i32>} : memref<4x8x1024xf32, #tpu.memory_space<vmem>>, vector<1x1x16xf32>,
        %get3A_332 = arith.constant 1 : i32
        %get3A_333 = arith.index_cast %get3A_332 : i32 to index
        %get3A_334 = arith.index_cast %mul3A_264 : i32 to index
        %get3A_335 = tpu.vector_load %arg8[%get3A_333, %get3A_334] {strides = array<i32>} : memref<8x1024xf32, #tpu.memory_space<vmem>>, vector<1x16xf32>,
        %get3A_336 = vector.shape_cast %get3A_335 : vector<1x16xf32> to vector<16xf32>
        %get3A_337 = arith.constant 0 : i32
        %get3A_338 = arith.constant 1 : i32
        %get3A_339 = arith.index_cast %get3A_337 : i32 to index
        %get3A_340 = arith.index_cast %get3A_338 : i32 to index
        %get3A_341 = arith.index_cast %mul3A_264 : i32 to index
        %get3A_342 = tpu.vector_load %arg5[%get3A_339, %get3A_340, %get3A_341] {strides = array<i32>} : memref<4x8x1024xf32, #tpu.memory_space<vmem>>, vector<1x1x16xf32>,
        %get3A_343 = vector.shape_cast %get3A_342 : vector<1x1x16xf32> to vector<16xf32>
        %add3A_344 = arith.addf %get3A_343, %get3A_336 : vector<16xf32>
        %swap3A_345 = arith.constant 0 : i32
        %swap3A_346 = arith.constant 1 : i32
        %swap3A_347 = arith.index_cast %swap3A_345 : i32 to index
        %swap3A_348 = arith.index_cast %swap3A_346 : i32 to index
        %swap3A_349 = arith.index_cast %mul3A_264 : i32 to index
        %swap3A_350 = tpu.vector_load %arg5[%swap3A_347, %swap3A_348, %swap3A_349] {strides = array<i32>} : memref<4x8x1024xf32, #tpu.memory_space<vmem>>, vector<1x1x16xf32>,
        %swap3A_351 = vector.shape_cast %swap3A_350 : vector<1x1x16xf32> to vector<16xf32>
        %swap3A_352 = vector.shape_cast %add3A_344 : vector<16xf32> to vector<1x1x16xf32>
        tpu.vector_store %arg5[%swap3A_347, %swap3A_348, %swap3A_349], %swap3A_352 {strides = array<i32>} : memref<4x8x1024xf32, #tpu.memory_space<vmem>>, vector<1x1x16xf32>,
        %get3A_353 = arith.constant 1 : i32
        %get3A_354 = arith.constant 1 : i32
        %get3A_355 = arith.index_cast %get3A_353 : i32 to index
        %get3A_356 = arith.index_cast %get3A_354 : i32 to index
        %get3A_357 = arith.index_cast %mul3A_264 : i32 to index
        %get3A_358 = tpu.vector_load %arg5[%get3A_355, %get3A_356, %get3A_357] {strides = array<i32>} : memref<4x8x1024xf32, #tpu.memory_space<vmem>>, vector<1x1x16xf32>,
        %get3A_359 = vector.shape_cast %get3A_358 : vector<1x1x16xf32> to vector<16xf32>
        %add3A_360 = arith.addf %get3A_359, %get3A_336 : vector<16xf32>
        %swap3A_361 = arith.constant 1 : i32
        %swap3A_362 = arith.constant 1 : i32
        %swap3A_363 = arith.index_cast %swap3A_361 : i32 to index
        %swap3A_364 = arith.index_cast %swap3A_362 : i32 to index
        %swap3A_365 = arith.index_cast %mul3A_264 : i32 to index
        %swap3A_366 = tpu.vector_load %arg5[%swap3A_363, %swap3A_364, %swap3A_365] {strides = array<i32>} : memref<4x8x1024xf32, #tpu.memory_space<vmem>>, vector<1x1x16xf32>,
        %swap3A_367 = vector.shape_cast %swap3A_366 : vector<1x1x16xf32> to vector<16xf32>
        %swap3A_368 = vector.shape_cast %add3A_360 : vector<16xf32> to vector<1x1x16xf32>
        tpu.vector_store %arg5[%swap3A_363, %swap3A_364, %swap3A_365], %swap3A_368 {strides = array<i32>} : memref<4x8x1024xf32, #tpu.memory_space<vmem>>, vector<1x1x16xf32>,
        %get3A_369 = arith.constant 2 : i32
        %get3A_370 = arith.constant 1 : i32
        %get3A_371 = arith.index_cast %get3A_369 : i32 to index
        %get3A_372 = arith.index_cast %get3A_370 : i32 to index
        %get3A_373 = arith.index_cast %mul3A_264 : i32 to index
        %get3A_374 = tpu.vector_load %arg5[%get3A_371, %get3A_372, %get3A_373] {strides = array<i32>} : memref<4x8x1024xf32, #tpu.memory_space<vmem>>, vector<1x1x16xf32>,
        %get3A_375 = vector.shape_cast %get3A_374 : vector<1x1x16xf32> to vector<16xf32>
        %add3A_376 = arith.addf %get3A_375, %get3A_336 : vector<16xf32>
        %swap3A_377 = arith.constant 2 : i32
        %swap3A_378 = arith.constant 1 : i32
        %swap3A_379 = arith.index_cast %swap3A_377 : i32 to index
        %swap3A_380 = arith.index_cast %swap3A_378 : i32 to index
        %swap3A_381 = arith.index_cast %mul3A_264 : i32 to index
        %swap3A_382 = tpu.vector_load %arg5[%swap3A_379, %swap3A_380, %swap3A_381] {strides = array<i32>} : memref<4x8x1024xf32, #tpu.memory_space<vmem>>, vector<1x1x16xf32>,
        %swap3A_383 = vector.shape_cast %swap3A_382 : vector<1x1x16xf32> to vector<16xf32>
        %swap3A_384 = vector.shape_cast %add3A_376 : vector<16xf32> to vector<1x1x16xf32>
        tpu.vector_store %arg5[%swap3A_379, %swap3A_380, %swap3A_381], %swap3A_384 {strides = array<i32>} : memref<4x8x1024xf32, #tpu.memory_space<vmem>>, vector<1x1x16xf32>,
        %get3A_385 = arith.constant 3 : i32
        %get3A_386 = arith.constant 1 : i32
        %get3A_387 = arith.index_cast %get3A_385 : i32 to index
        %get3A_388 = arith.index_cast %get3A_386 : i32 to index
        %get3A_389 = arith.index_cast %mul3A_264 : i32 to index
        %get3A_390 = tpu.vector_load %arg5[%get3A_387, %get3A_388, %get3A_389] {strides = array<i32>} : memref<4x8x1024xf32, #tpu.memory_space<vmem>>, vector<1x1x16xf32>,
        %get3A_391 = vector.shape_cast %get3A_390 : vector<1x1x16xf32> to vector<16xf32>
        %add3A_392 = arith.addf %get3A_391, %get3A_336 : vector<16xf32>
        %swap3A_393 = arith.constant 3 : i32
        %swap3A_394 = arith.constant 1 : i32
        %swap3A_395 = arith.index_cast %swap3A_393 : i32 to index
        %swap3A_396 = arith.index_cast %swap3A_394 : i32 to index
        %swap3A_397 = arith.index_cast %mul3A_264 : i32 to index
        %swap3A_398 = tpu.vector_load %arg5[%swap3A_395, %swap3A_396, %swap3A_397] {strides = array<i32>} : memref<4x8x1024xf32, #tpu.memory_space<vmem>>, vector<1x1x16xf32>,
        %swap3A_399 = vector.shape_cast %swap3A_398 : vector<1x1x16xf32> to vector<16xf32>
        %swap3A_400 = vector.shape_cast %add3A_392 : vector<16xf32> to vector<1x1x16xf32>
        tpu.vector_store %arg5[%swap3A_395, %swap3A_396, %swap3A_397], %swap3A_400 {strides = array<i32>} : memref<4x8x1024xf32, #tpu.memory_space<vmem>>, vector<1x1x16xf32>,
        %get3A_401 = arith.constant 2 : i32
        %get3A_402 = arith.index_cast %get3A_401 : i32 to index
        %get3A_403 = arith.index_cast %mul3A_264 : i32 to index
        %get3A_404 = tpu.vector_load %arg8[%get3A_402, %get3A_403] {strides = array<i32>} : memref<8x1024xf32, #tpu.memory_space<vmem>>, vector<1x16xf32>,
        %get3A_405 = vector.shape_cast %get3A_404 : vector<1x16xf32> to vector<16xf32>
        %get3A_406 = arith.constant 0 : i32
        %get3A_407 = arith.constant 2 : i32
        %get3A_408 = arith.index_cast %get3A_406 : i32 to index
        %get3A_409 = arith.index_cast %get3A_407 : i32 to index
        %get3A_410 = arith.index_cast %mul3A_264 : i32 to index
        %get3A_411 = tpu.vector_load %arg5[%get3A_408, %get3A_409, %get3A_410] {strides = array<i32>} : memref<4x8x1024xf32, #tpu.memory_space<vmem>>, vector<1x1x16xf32>,
        %get3A_412 = vector.shape_cast %get3A_411 : vector<1x1x16xf32> to vector<16xf32>
        %add3A_413 = arith.addf %get3A_412, %get3A_405 : vector<16xf32>
        %swap3A_414 = arith.constant 0 : i32
        %swap3A_415 = arith.constant 2 : i32
        %swap3A_416 = arith.index_cast %swap3A_414 : i32 to index
        %swap3A_417 = arith.index_cast %swap3A_415 : i32 to index
        %swap3A_418 = arith.index_cast %mul3A_264 : i32 to index
        %swap3A_419 = tpu.vector_load %arg5[%swap3A_416, %swap3A_417, %swap3A_418] {strides = array<i32>} : memref<4x8x1024xf32, #tpu.memory_space<vmem>>, vector<1x1x16xf32>,
        %swap3A_420 = vector.shape_cast %swap3A_419 : vector<1x1x16xf32> to vector<16xf32>
        %swap3A_421 = vector.shape_cast %add3A_413 : vector<16xf32> to vector<1x1x16xf32>
        tpu.vector_store %arg5[%swap3A_416, %swap3A_417, %swap3A_418], %swap3A_421 {strides = array<i32>} : memref<4x8x1024xf32, #tpu.memory_space<vmem>>, vector<1x1x16xf32>,
        %get3A_422 = arith.constant 1 : i32
        %get3A_423 = arith.constant 2 : i32
        %get3A_424 = arith.index_cast %get3A_422 : i32 to index
        %get3A_425 = arith.index_cast %get3A_423 : i32 to index
        %get3A_426 = arith.index_cast %mul3A_264 : i32 to index
        %get3A_427 = tpu.vector_load %arg5[%get3A_424, %get3A_425, %get3A_426] {strides = array<i32>} : memref<4x8x1024xf32, #tpu.memory_space<vmem>>, vector<1x1x16xf32>,
        %get3A_428 = vector.shape_cast %get3A_427 : vector<1x1x16xf32> to vector<16xf32>
        %add3A_429 = arith.addf %get3A_428, %get3A_405 : vector<16xf32>
        %swap3A_430 = arith.constant 1 : i32
        %swap3A_431 = arith.constant 2 : i32
        %swap3A_432 = arith.index_cast %swap3A_430 : i32 to index
        %swap3A_433 = arith.index_cast %swap3A_431 : i32 to index
        %swap3A_434 = arith.index_cast %mul3A_264 : i32 to index
        %swap3A_435 = tpu.vector_load %arg5[%swap3A_432, %swap3A_433, %swap3A_434] {strides = array<i32>} : memref<4x8x1024xf32, #tpu.memory_space<vmem>>, vector<1x1x16xf32>,
        %swap3A_436 = vector.shape_cast %swap3A_435 : vector<1x1x16xf32> to vector<16xf32>
        %swap3A_437 = vector.shape_cast %add3A_429 : vector<16xf32> to vector<1x1x16xf32>
        tpu.vector_store %arg5[%swap3A_432, %swap3A_433, %swap3A_434], %swap3A_437 {strides = array<i32>} : memref<4x8x1024xf32, #tpu.memory_space<vmem>>, vector<1x1x16xf32>,
        %get3A_438 = arith.constant 2 : i32
        %get3A_439 = arith.constant 2 : i32
        %get3A_440 = arith.index_cast %get3A_438 : i32 to index
        %get3A_441 = arith.index_cast %get3A_439 : i32 to index
        %get3A_442 = arith.index_cast %mul3A_264 : i32 to index
        %get3A_443 = tpu.vector_load %arg5[%get3A_440, %get3A_441, %get3A_442] {strides = array<i32>} : memref<4x8x1024xf32, #tpu.memory_space<vmem>>, vector<1x1x16xf32>,
        %get3A_444 = vector.shape_cast %get3A_443 : vector<1x1x16xf32> to vector<16xf32>
        %add3A_445 = arith.addf %get3A_444, %get3A_405 : vector<16xf32>
        %swap3A_446 = arith.constant 2 : i32
        %swap3A_447 = arith.constant 2 : i32
        %swap3A_448 = arith.index_cast %swap3A_446 : i32 to index
        %swap3A_449 = arith.index_cast %swap3A_447 : i32 to index
        %swap3A_450 = arith.index_cast %mul3A_264 : i32 to index
        %swap3A_451 = tpu.vector_load %arg5[%swap3A_448, %swap3A_449, %swap3A_450] {strides = array<i32>} : memref<4x8x1024xf32, #tpu.memory_space<vmem>>, vector<1x1x16xf32>,
        %swap3A_452 = vector.shape_cast %swap3A_451 : vector<1x1x16xf32> to vector<16xf32>
        %swap3A_453 = vector.shape_cast %add3A_445 : vector<16xf32> to vector<1x1x16xf32>
        tpu.vector_store %arg5[%swap3A_448, %swap3A_449, %swap3A_450], %swap3A_453 {strides = array<i32>} : memref<4x8x1024xf32, #tpu.memory_space<vmem>>, vector<1x1x16xf32>,
        %get3A_454 = arith.constant 3 : i32
        %get3A_455 = arith.constant 2 : i32
        %get3A_456 = arith.index_cast %get3A_454 : i32 to index
        %get3A_457 = arith.index_cast %get3A_455 : i32 to index
        %get3A_458 = arith.index_cast %mul3A_264 : i32 to index
        %get3A_459 = tpu.vector_load %arg5[%get3A_456, %get3A_457, %get3A_458] {strides = array<i32>} : memref<4x8x1024xf32, #tpu.memory_space<vmem>>, vector<1x1x16xf32>,
        %get3A_460 = vector.shape_cast %get3A_459 : vector<1x1x16xf32> to vector<16xf32>
        %add3A_461 = arith.addf %get3A_460, %get3A_405 : vector<16xf32>
        %swap3A_462 = arith.constant 3 : i32
        %swap3A_463 = arith.constant 2 : i32
        %swap3A_464 = arith.index_cast %swap3A_462 : i32 to index
        %swap3A_465 = arith.index_cast %swap3A_463 : i32 to index
        %swap3A_466 = arith.index_cast %mul3A_264 : i32 to index
        %swap3A_467 = tpu.vector_load %arg5[%swap3A_464, %swap3A_465, %swap3A_466] {strides = array<i32>} : memref<4x8x1024xf32, #tpu.memory_space<vmem>>, vector<1x1x16xf32>,
        %swap3A_468 = vector.shape_cast %swap3A_467 : vector<1x1x16xf32> to vector<16xf32>
        %swap3A_469 = vector.shape_cast %add3A_461 : vector<16xf32> to vector<1x1x16xf32>
        tpu.vector_store %arg5[%swap3A_464, %swap3A_465, %swap3A_466], %swap3A_469 {strides = array<i32>} : memref<4x8x1024xf32, #tpu.memory_space<vmem>>, vector<1x1x16xf32>,
        %get3A_470 = arith.constant 3 : i32
        %get3A_471 = arith.index_cast %get3A_470 : i32 to index
        %get3A_472 = arith.index_cast %mul3A_264 : i32 to index
        %get3A_473 = tpu.vector_load %arg8[%get3A_471, %get3A_472] {strides = array<i32>} : memref<8x1024xf32, #tpu.memory_space<vmem>>, vector<1x16xf32>,
        %get3A_474 = vector.shape_cast %get3A_473 : vector<1x16xf32> to vector<16xf32>
        %get3A_475 = arith.constant 0 : i32
        %get3A_476 = arith.constant 3 : i32
        %get3A_477 = arith.index_cast %get3A_475 : i32 to index
        %get3A_478 = arith.index_cast %get3A_476 : i32 to index
        %get3A_479 = arith.index_cast %mul3A_264 : i32 to index
        %get3A_480 = tpu.vector_load %arg5[%get3A_477, %get3A_478, %get3A_479] {strides = array<i32>} : memref<4x8x1024xf32, #tpu.memory_space<vmem>>, vector<1x1x16xf32>,
        %get3A_481 = vector.shape_cast %get3A_480 : vector<1x1x16xf32> to vector<16xf32>
        %add3A_482 = arith.addf %get3A_481, %get3A_474 : vector<16xf32>
        %swap3A_483 = arith.constant 0 : i32
        %swap3A_484 = arith.constant 3 : i32
        %swap3A_485 = arith.index_cast %swap3A_483 : i32 to index
        %swap3A_486 = arith.index_cast %swap3A_484 : i32 to index
        %swap3A_487 = arith.index_cast %mul3A_264 : i32 to index
        %swap3A_488 = tpu.vector_load %arg5[%swap3A_485, %swap3A_486, %swap3A_487] {strides = array<i32>} : memref<4x8x1024xf32, #tpu.memory_space<vmem>>, vector<1x1x16xf32>,
        %swap3A_489 = vector.shape_cast %swap3A_488 : vector<1x1x16xf32> to vector<16xf32>
        %swap3A_490 = vector.shape_cast %add3A_482 : vector<16xf32> to vector<1x1x16xf32>
        tpu.vector_store %arg5[%swap3A_485, %swap3A_486, %swap3A_487], %swap3A_490 {strides = array<i32>} : memref<4x8x1024xf32, #tpu.memory_space<vmem>>, vector<1x1x16xf32>,
        %get3A_491 = arith.constant 1 : i32
        %get3A_492 = arith.constant 3 : i32
        %get3A_493 = arith.index_cast %get3A_491 : i32 to index
        %get3A_494 = arith.index_cast %get3A_492 : i32 to index
        %get3A_495 = arith.index_cast %mul3A_264 : i32 to index
        %get3A_496 = tpu.vector_load %arg5[%get3A_493, %get3A_494, %get3A_495] {strides = array<i32>} : memref<4x8x1024xf32, #tpu.memory_space<vmem>>, vector<1x1x16xf32>,
        %get3A_497 = vector.shape_cast %get3A_496 : vector<1x1x16xf32> to vector<16xf32>
        %add3A_498 = arith.addf %get3A_497, %get3A_474 : vector<16xf32>
        %swap3A_499 = arith.constant 1 : i32
        %swap3A_500 = arith.constant 3 : i32
        %swap3A_501 = arith.index_cast %swap3A_499 : i32 to index
        %swap3A_502 = arith.index_cast %swap3A_500 : i32 to index
        %swap3A_503 = arith.index_cast %mul3A_264 : i32 to index
        %swap3A_504 = tpu.vector_load %arg5[%swap3A_501, %swap3A_502, %swap3A_503] {strides = array<i32>} : memref<4x8x1024xf32, #tpu.memory_space<vmem>>, vector<1x1x16xf32>,
        %swap3A_505 = vector.shape_cast %swap3A_504 : vector<1x1x16xf32> to vector<16xf32>
        %swap3A_506 = vector.shape_cast %add3A_498 : vector<16xf32> to vector<1x1x16xf32>
        tpu.vector_store %arg5[%swap3A_501, %swap3A_502, %swap3A_503], %swap3A_506 {strides = array<i32>} : memref<4x8x1024xf32, #tpu.memory_space<vmem>>, vector<1x1x16xf32>,
        %get3A_507 = arith.constant 2 : i32
        %get3A_508 = arith.constant 3 : i32
        %get3A_509 = arith.index_cast %get3A_507 : i32 to index
        %get3A_510 = arith.index_cast %get3A_508 : i32 to index
        %get3A_511 = arith.index_cast %mul3A_264 : i32 to index
        %get3A_512 = tpu.vector_load %arg5[%get3A_509, %get3A_510, %get3A_511] {strides = array<i32>} : memref<4x8x1024xf32, #tpu.memory_space<vmem>>, vector<1x1x16xf32>,
        %get3A_513 = vector.shape_cast %get3A_512 : vector<1x1x16xf32> to vector<16xf32>
        %add3A_514 = arith.addf %get3A_513, %get3A_474 : vector<16xf32>
        %swap3A_515 = arith.constant 2 : i32
        %swap3A_516 = arith.constant 3 : i32
        %swap3A_517 = arith.index_cast %swap3A_515 : i32 to index
        %swap3A_518 = arith.index_cast %swap3A_516 : i32 to index
        %swap3A_519 = arith.index_cast %mul3A_264 : i32 to index
        %swap3A_520 = tpu.vector_load %arg5[%swap3A_517, %swap3A_518, %swap3A_519] {strides = array<i32>} : memref<4x8x1024xf32, #tpu.memory_space<vmem>>, vector<1x1x16xf32>,
        %swap3A_521 = vector.shape_cast %swap3A_520 : vector<1x1x16xf32> to vector<16xf32>
        %swap3A_522 = vector.shape_cast %add3A_514 : vector<16xf32> to vector<1x1x16xf32>
        tpu.vector_store %arg5[%swap3A_517, %swap3A_518, %swap3A_519], %swap3A_522 {strides = array<i32>} : memref<4x8x1024xf32, #tpu.memory_space<vmem>>, vector<1x1x16xf32>,
        %get3A_523 = arith.constant 3 : i32
        %get3A_524 = arith.constant 3 : i32
        %get3A_525 = arith.index_cast %get3A_523 : i32 to index
        %get3A_526 = arith.index_cast %get3A_524 : i32 to index
        %get3A_527 = arith.index_cast %mul3A_264 : i32 to index
        %get3A_528 = tpu.vector_load %arg5[%get3A_525, %get3A_526, %get3A_527] {strides = array<i32>} : memref<4x8x1024xf32, #tpu.memory_space<vmem>>, vector<1x1x16xf32>,
        %get3A_529 = vector.shape_cast %get3A_528 : vector<1x1x16xf32> to vector<16xf32>
        %add3A_530 = arith.addf %get3A_529, %get3A_474 : vector<16xf32>
        %swap3A_531 = arith.constant 3 : i32
        %swap3A_532 = arith.constant 3 : i32
        %swap3A_533 = arith.index_cast %swap3A_531 : i32 to index
        %swap3A_534 = arith.index_cast %swap3A_532 : i32 to index
        %swap3A_535 = arith.index_cast %mul3A_264 : i32 to index
        %swap3A_536 = tpu.vector_load %arg5[%swap3A_533, %swap3A_534, %swap3A_535] {strides = array<i32>} : memref<4x8x1024xf32, #tpu.memory_space<vmem>>, vector<1x1x16xf32>,
        %swap3A_537 = vector.shape_cast %swap3A_536 : vector<1x1x16xf32> to vector<16xf32>
        %swap3A_538 = vector.shape_cast %add3A_530 : vector<16xf32> to vector<1x1x16xf32>
        tpu.vector_store %arg5[%swap3A_533, %swap3A_534, %swap3A_535], %swap3A_538 {strides = array<i32>} : memref<4x8x1024xf32, #tpu.memory_space<vmem>>, vector<1x1x16xf32>,
        %get3A_539 = arith.constant 4 : i32
        %get3A_540 = arith.index_cast %get3A_539 : i32 to index
        %get3A_541 = arith.index_cast %mul3A_264 : i32 to index
        %get3A_542 = tpu.vector_load %arg8[%get3A_540, %get3A_541] {strides = array<i32>} : memref<8x1024xf32, #tpu.memory_space<vmem>>, vector<1x16xf32>,
        %get3A_543 = vector.shape_cast %get3A_542 : vector<1x16xf32> to vector<16xf32>
        %get3A_544 = arith.constant 0 : i32
        %get3A_545 = arith.constant 4 : i32
        %get3A_546 = arith.index_cast %get3A_544 : i32 to index
        %get3A_547 = arith.index_cast %get3A_545 : i32 to index
        %get3A_548 = arith.index_cast %mul3A_264 : i32 to index
        %get3A_549 = tpu.vector_load %arg5[%get3A_546, %get3A_547, %get3A_548] {strides = array<i32>} : memref<4x8x1024xf32, #tpu.memory_space<vmem>>, vector<1x1x16xf32>,
        %get3A_550 = vector.shape_cast %get3A_549 : vector<1x1x16xf32> to vector<16xf32>
        %add3A_551 = arith.addf %get3A_550, %get3A_543 : vector<16xf32>
        %swap3A_552 = arith.constant 0 : i32
        %swap3A_553 = arith.constant 4 : i32
        %swap3A_554 = arith.index_cast %swap3A_552 : i32 to index
        %swap3A_555 = arith.index_cast %swap3A_553 : i32 to index
        %swap3A_556 = arith.index_cast %mul3A_264 : i32 to index
        %swap3A_557 = tpu.vector_load %arg5[%swap3A_554, %swap3A_555, %swap3A_556] {strides = array<i32>} : memref<4x8x1024xf32, #tpu.memory_space<vmem>>, vector<1x1x16xf32>,
        %swap3A_558 = vector.shape_cast %swap3A_557 : vector<1x1x16xf32> to vector<16xf32>
        %swap3A_559 = vector.shape_cast %add3A_551 : vector<16xf32> to vector<1x1x16xf32>
        tpu.vector_store %arg5[%swap3A_554, %swap3A_555, %swap3A_556], %swap3A_559 {strides = array<i32>} : memref<4x8x1024xf32, #tpu.memory_space<vmem>>, vector<1x1x16xf32>,
        %get3A_560 = arith.constant 1 : i32
        %get3A_561 = arith.constant 4 : i32
        %get3A_562 = arith.index_cast %get3A_560 : i32 to index
        %get3A_563 = arith.index_cast %get3A_561 : i32 to index
        %get3A_564 = arith.index_cast %mul3A_264 : i32 to index
        %get3A_565 = tpu.vector_load %arg5[%get3A_562, %get3A_563, %get3A_564] {strides = array<i32>} : memref<4x8x1024xf32, #tpu.memory_space<vmem>>, vector<1x1x16xf32>,
        %get3A_566 = vector.shape_cast %get3A_565 : vector<1x1x16xf32> to vector<16xf32>
        %add3A_567 = arith.addf %get3A_566, %get3A_543 : vector<16xf32>
        %swap3A_568 = arith.constant 1 : i32
        %swap3A_569 = arith.constant 4 : i32
        %swap3A_570 = arith.index_cast %swap3A_568 : i32 to index
        %swap3A_571 = arith.index_cast %swap3A_569 : i32 to index
        %swap3A_572 = arith.index_cast %mul3A_264 : i32 to index
        %swap3A_573 = tpu.vector_load %arg5[%swap3A_570, %swap3A_571, %swap3A_572] {strides = array<i32>} : memref<4x8x1024xf32, #tpu.memory_space<vmem>>, vector<1x1x16xf32>,
        %swap3A_574 = vector.shape_cast %swap3A_573 : vector<1x1x16xf32> to vector<16xf32>
        %swap3A_575 = vector.shape_cast %add3A_567 : vector<16xf32> to vector<1x1x16xf32>
        tpu.vector_store %arg5[%swap3A_570, %swap3A_571, %swap3A_572], %swap3A_575 {strides = array<i32>} : memref<4x8x1024xf32, #tpu.memory_space<vmem>>, vector<1x1x16xf32>,
        %get3A_576 = arith.constant 2 : i32
        %get3A_577 = arith.constant 4 : i32
        %get3A_578 = arith.index_cast %get3A_576 : i32 to index
        %get3A_579 = arith.index_cast %get3A_577 : i32 to index
        %get3A_580 = arith.index_cast %mul3A_264 : i32 to index
        %get3A_581 = tpu.vector_load %arg5[%get3A_578, %get3A_579, %get3A_580] {strides = array<i32>} : memref<4x8x1024xf32, #tpu.memory_space<vmem>>, vector<1x1x16xf32>,
        %get3A_582 = vector.shape_cast %get3A_581 : vector<1x1x16xf32> to vector<16xf32>
        %add3A_583 = arith.addf %get3A_582, %get3A_543 : vector<16xf32>
        %swap3A_584 = arith.constant 2 : i32
        %swap3A_585 = arith.constant 4 : i32
        %swap3A_586 = arith.index_cast %swap3A_584 : i32 to index
        %swap3A_587 = arith.index_cast %swap3A_585 : i32 to index
        %swap3A_588 = arith.index_cast %mul3A_264 : i32 to index
        %swap3A_589 = tpu.vector_load %arg5[%swap3A_586, %swap3A_587, %swap3A_588] {strides = array<i32>} : memref<4x8x1024xf32, #tpu.memory_space<vmem>>, vector<1x1x16xf32>,
        %swap3A_590 = vector.shape_cast %swap3A_589 : vector<1x1x16xf32> to vector<16xf32>
        %swap3A_591 = vector.shape_cast %add3A_583 : vector<16xf32> to vector<1x1x16xf32>
        tpu.vector_store %arg5[%swap3A_586, %swap3A_587, %swap3A_588], %swap3A_591 {strides = array<i32>} : memref<4x8x1024xf32, #tpu.memory_space<vmem>>, vector<1x1x16xf32>,
        %get3A_592 = arith.constant 3 : i32
        %get3A_593 = arith.constant 4 : i32
        %get3A_594 = arith.index_cast %get3A_592 : i32 to index
        %get3A_595 = arith.index_cast %get3A_593 : i32 to index
        %get3A_596 = arith.index_cast %mul3A_264 : i32 to index
        %get3A_597 = tpu.vector_load %arg5[%get3A_594, %get3A_595, %get3A_596] {strides = array<i32>} : memref<4x8x1024xf32, #tpu.memory_space<vmem>>, vector<1x1x16xf32>,
        %get3A_598 = vector.shape_cast %get3A_597 : vector<1x1x16xf32> to vector<16xf32>
        %add3A_599 = arith.addf %get3A_598, %get3A_543 : vector<16xf32>
        %swap3A_600 = arith.constant 3 : i32
        %swap3A_601 = arith.constant 4 : i32
        %swap3A_602 = arith.index_cast %swap3A_600 : i32 to index
        %swap3A_603 = arith.index_cast %swap3A_601 : i32 to index
        %swap3A_604 = arith.index_cast %mul3A_264 : i32 to index
        %swap3A_605 = tpu.vector_load %arg5[%swap3A_602, %swap3A_603, %swap3A_604] {strides = array<i32>} : memref<4x8x1024xf32, #tpu.memory_space<vmem>>, vector<1x1x16xf32>,
        %swap3A_606 = vector.shape_cast %swap3A_605 : vector<1x1x16xf32> to vector<16xf32>
        %swap3A_607 = vector.shape_cast %add3A_599 : vector<16xf32> to vector<1x1x16xf32>
        tpu.vector_store %arg5[%swap3A_602, %swap3A_603, %swap3A_604], %swap3A_607 {strides = array<i32>} : memref<4x8x1024xf32, #tpu.memory_space<vmem>>, vector<1x1x16xf32>,
        %get3A_608 = arith.constant 5 : i32
        %get3A_609 = arith.index_cast %get3A_608 : i32 to index
        %get3A_610 = arith.index_cast %mul3A_264 : i32 to index
        %get3A_611 = tpu.vector_load %arg8[%get3A_609, %get3A_610] {strides = array<i32>} : memref<8x1024xf32, #tpu.memory_space<vmem>>, vector<1x16xf32>,
        %get3A_612 = vector.shape_cast %get3A_611 : vector<1x16xf32> to vector<16xf32>
        %get3A_613 = arith.constant 0 : i32
        %get3A_614 = arith.constant 5 : i32
        %get3A_615 = arith.index_cast %get3A_613 : i32 to index
        %get3A_616 = arith.index_cast %get3A_614 : i32 to index
        %get3A_617 = arith.index_cast %mul3A_264 : i32 to index
        %get3A_618 = tpu.vector_load %arg5[%get3A_615, %get3A_616, %get3A_617] {strides = array<i32>} : memref<4x8x1024xf32, #tpu.memory_space<vmem>>, vector<1x1x16xf32>,
        %get3A_619 = vector.shape_cast %get3A_618 : vector<1x1x16xf32> to vector<16xf32>
        %add3A_620 = arith.addf %get3A_619, %get3A_612 : vector<16xf32>
        %swap3A_621 = arith.constant 0 : i32
        %swap3A_622 = arith.constant 5 : i32
        %swap3A_623 = arith.index_cast %swap3A_621 : i32 to index
        %swap3A_624 = arith.index_cast %swap3A_622 : i32 to index
        %swap3A_625 = arith.index_cast %mul3A_264 : i32 to index
        %swap3A_626 = tpu.vector_load %arg5[%swap3A_623, %swap3A_624, %swap3A_625] {strides = array<i32>} : memref<4x8x1024xf32, #tpu.memory_space<vmem>>, vector<1x1x16xf32>,
        %swap3A_627 = vector.shape_cast %swap3A_626 : vector<1x1x16xf32> to vector<16xf32>
        %swap3A_628 = vector.shape_cast %add3A_620 : vector<16xf32> to vector<1x1x16xf32>
        tpu.vector_store %arg5[%swap3A_623, %swap3A_624, %swap3A_625], %swap3A_628 {strides = array<i32>} : memref<4x8x1024xf32, #tpu.memory_space<vmem>>, vector<1x1x16xf32>,
        %get3A_629 = arith.constant 1 : i32
        %get3A_630 = arith.constant 5 : i32
        %get3A_631 = arith.index_cast %get3A_629 : i32 to index
        %get3A_632 = arith.index_cast %get3A_630 : i32 to index
        %get3A_633 = arith.index_cast %mul3A_264 : i32 to index
        %get3A_634 = tpu.vector_load %arg5[%get3A_631, %get3A_632, %get3A_633] {strides = array<i32>} : memref<4x8x1024xf32, #tpu.memory_space<vmem>>, vector<1x1x16xf32>,
        %get3A_635 = vector.shape_cast %get3A_634 : vector<1x1x16xf32> to vector<16xf32>
        %add3A_636 = arith.addf %get3A_635, %get3A_612 : vector<16xf32>
        %swap3A_637 = arith.constant 1 : i32
        %swap3A_638 = arith.constant 5 : i32
        %swap3A_639 = arith.index_cast %swap3A_637 : i32 to index
        %swap3A_640 = arith.index_cast %swap3A_638 : i32 to index
        %swap3A_641 = arith.index_cast %mul3A_264 : i32 to index
        %swap3A_642 = tpu.vector_load %arg5[%swap3A_639, %swap3A_640, %swap3A_641] {strides = array<i32>} : memref<4x8x1024xf32, #tpu.memory_space<vmem>>, vector<1x1x16xf32>,
        %swap3A_643 = vector.shape_cast %swap3A_642 : vector<1x1x16xf32> to vector<16xf32>
        %swap3A_644 = vector.shape_cast %add3A_636 : vector<16xf32> to vector<1x1x16xf32>
        tpu.vector_store %arg5[%swap3A_639, %swap3A_640, %swap3A_641], %swap3A_644 {strides = array<i32>} : memref<4x8x1024xf32, #tpu.memory_space<vmem>>, vector<1x1x16xf32>,
        %get3A_645 = arith.constant 2 : i32
        %get3A_646 = arith.constant 5 : i32
        %get3A_647 = arith.index_cast %get3A_645 : i32 to index
        %get3A_648 = arith.index_cast %get3A_646 : i32 to index
        %get3A_649 = arith.index_cast %mul3A_264 : i32 to index
        %get3A_650 = tpu.vector_load %arg5[%get3A_647, %get3A_648, %get3A_649] {strides = array<i32>} : memref<4x8x1024xf32, #tpu.memory_space<vmem>>, vector<1x1x16xf32>,
        %get3A_651 = vector.shape_cast %get3A_650 : vector<1x1x16xf32> to vector<16xf32>
        %add3A_652 = arith.addf %get3A_651, %get3A_612 : vector<16xf32>
        %swap3A_653 = arith.constant 2 : i32
        %swap3A_654 = arith.constant 5 : i32
        %swap3A_655 = arith.index_cast %swap3A_653 : i32 to index
        %swap3A_656 = arith.index_cast %swap3A_654 : i32 to index
        %swap3A_657 = arith.index_cast %mul3A_264 : i32 to index
        %swap3A_658 = tpu.vector_load %arg5[%swap3A_655, %swap3A_656, %swap3A_657] {strides = array<i32>} : memref<4x8x1024xf32, #tpu.memory_space<vmem>>, vector<1x1x16xf32>,
        %swap3A_659 = vector.shape_cast %swap3A_658 : vector<1x1x16xf32> to vector<16xf32>
        %swap3A_660 = vector.shape_cast %add3A_652 : vector<16xf32> to vector<1x1x16xf32>
        tpu.vector_store %arg5[%swap3A_655, %swap3A_656, %swap3A_657], %swap3A_660 {strides = array<i32>} : memref<4x8x1024xf32, #tpu.memory_space<vmem>>, vector<1x1x16xf32>,
        %get3A_661 = arith.constant 3 : i32
        %get3A_662 = arith.constant 5 : i32
        %get3A_663 = arith.index_cast %get3A_661 : i32 to index
        %get3A_664 = arith.index_cast %get3A_662 : i32 to index
        %get3A_665 = arith.index_cast %mul3A_264 : i32 to index
        %get3A_666 = tpu.vector_load %arg5[%get3A_663, %get3A_664, %get3A_665] {strides = array<i32>} : memref<4x8x1024xf32, #tpu.memory_space<vmem>>, vector<1x1x16xf32>,
        %get3A_667 = vector.shape_cast %get3A_666 : vector<1x1x16xf32> to vector<16xf32>
        %add3A_668 = arith.addf %get3A_667, %get3A_612 : vector<16xf32>
        %swap3A_669 = arith.constant 3 : i32
        %swap3A_670 = arith.constant 5 : i32
        %swap3A_671 = arith.index_cast %swap3A_669 : i32 to index
        %swap3A_672 = arith.index_cast %swap3A_670 : i32 to index
        %swap3A_673 = arith.index_cast %mul3A_264 : i32 to index
        %swap3A_674 = tpu.vector_load %arg5[%swap3A_671, %swap3A_672, %swap3A_673] {strides = array<i32>} : memref<4x8x1024xf32, #tpu.memory_space<vmem>>, vector<1x1x16xf32>,
        %swap3A_675 = vector.shape_cast %swap3A_674 : vector<1x1x16xf32> to vector<16xf32>
        %swap3A_676 = vector.shape_cast %add3A_668 : vector<16xf32> to vector<1x1x16xf32>
        tpu.vector_store %arg5[%swap3A_671, %swap3A_672, %swap3A_673], %swap3A_676 {strides = array<i32>} : memref<4x8x1024xf32, #tpu.memory_space<vmem>>, vector<1x1x16xf32>,
        %get3A_677 = arith.constant 6 : i32
        %get3A_678 = arith.index_cast %get3A_677 : i32 to index
        %get3A_679 = arith.index_cast %mul3A_264 : i32 to index
        %get3A_680 = tpu.vector_load %arg8[%get3A_678, %get3A_679] {strides = array<i32>} : memref<8x1024xf32, #tpu.memory_space<vmem>>, vector<1x16xf32>,
        %get3A_681 = vector.shape_cast %get3A_680 : vector<1x16xf32> to vector<16xf32>
        %get3A_682 = arith.constant 0 : i32
        %get3A_683 = arith.constant 6 : i32
        %get3A_684 = arith.index_cast %get3A_682 : i32 to index
        %get3A_685 = arith.index_cast %get3A_683 : i32 to index
        %get3A_686 = arith.index_cast %mul3A_264 : i32 to index
        %get3A_687 = tpu.vector_load %arg5[%get3A_684, %get3A_685, %get3A_686] {strides = array<i32>} : memref<4x8x1024xf32, #tpu.memory_space<vmem>>, vector<1x1x16xf32>,
        %get3A_688 = vector.shape_cast %get3A_687 : vector<1x1x16xf32> to vector<16xf32>
        %add3A_689 = arith.addf %get3A_688, %get3A_681 : vector<16xf32>
        %swap3A_690 = arith.constant 0 : i32
        %swap3A_691 = arith.constant 6 : i32
        %swap3A_692 = arith.index_cast %swap3A_690 : i32 to index
        %swap3A_693 = arith.index_cast %swap3A_691 : i32 to index
        %swap3A_694 = arith.index_cast %mul3A_264 : i32 to index
        %swap3A_695 = tpu.vector_load %arg5[%swap3A_692, %swap3A_693, %swap3A_694] {strides = array<i32>} : memref<4x8x1024xf32, #tpu.memory_space<vmem>>, vector<1x1x16xf32>,
        %swap3A_696 = vector.shape_cast %swap3A_695 : vector<1x1x16xf32> to vector<16xf32>
        %swap3A_697 = vector.shape_cast %add3A_689 : vector<16xf32> to vector<1x1x16xf32>
        tpu.vector_store %arg5[%swap3A_692, %swap3A_693, %swap3A_694], %swap3A_697 {strides = array<i32>} : memref<4x8x1024xf32, #tpu.memory_space<vmem>>, vector<1x1x16xf32>,
        %get3A_698 = arith.constant 1 : i32
        %get3A_699 = arith.constant 6 : i32
        %get3A_700 = arith.index_cast %get3A_698 : i32 to index
        %get3A_701 = arith.index_cast %get3A_699 : i32 to index
        %get3A_702 = arith.index_cast %mul3A_264 : i32 to index
        %get3A_703 = tpu.vector_load %arg5[%get3A_700, %get3A_701, %get3A_702] {strides = array<i32>} : memref<4x8x1024xf32, #tpu.memory_space<vmem>>, vector<1x1x16xf32>,
        %get3A_704 = vector.shape_cast %get3A_703 : vector<1x1x16xf32> to vector<16xf32>
        %add3A_705 = arith.addf %get3A_704, %get3A_681 : vector<16xf32>
        %swap3A_706 = arith.constant 1 : i32
        %swap3A_707 = arith.constant 6 : i32
        %swap3A_708 = arith.index_cast %swap3A_706 : i32 to index
        %swap3A_709 = arith.index_cast %swap3A_707 : i32 to index
        %swap3A_710 = arith.index_cast %mul3A_264 : i32 to index
        %swap3A_711 = tpu.vector_load %arg5[%swap3A_708, %swap3A_709, %swap3A_710] {strides = array<i32>} : memref<4x8x1024xf32, #tpu.memory_space<vmem>>, vector<1x1x16xf32>,
        %swap3A_712 = vector.shape_cast %swap3A_711 : vector<1x1x16xf32> to vector<16xf32>
        %swap3A_713 = vector.shape_cast %add3A_705 : vector<16xf32> to vector<1x1x16xf32>
        tpu.vector_store %arg5[%swap3A_708, %swap3A_709, %swap3A_710], %swap3A_713 {strides = array<i32>} : memref<4x8x1024xf32, #tpu.memory_space<vmem>>, vector<1x1x16xf32>,
        %get3A_714 = arith.constant 2 : i32
        %get3A_715 = arith.constant 6 : i32
        %get3A_716 = arith.index_cast %get3A_714 : i32 to index
        %get3A_717 = arith.index_cast %get3A_715 : i32 to index
        %get3A_718 = arith.index_cast %mul3A_264 : i32 to index
        %get3A_719 = tpu.vector_load %arg5[%get3A_716, %get3A_717, %get3A_718] {strides = array<i32>} : memref<4x8x1024xf32, #tpu.memory_space<vmem>>, vector<1x1x16xf32>,
        %get3A_720 = vector.shape_cast %get3A_719 : vector<1x1x16xf32> to vector<16xf32>
        %add3A_721 = arith.addf %get3A_720, %get3A_681 : vector<16xf32>
        %swap3A_722 = arith.constant 2 : i32
        %swap3A_723 = arith.constant 6 : i32
        %swap3A_724 = arith.index_cast %swap3A_722 : i32 to index
        %swap3A_725 = arith.index_cast %swap3A_723 : i32 to index
        %swap3A_726 = arith.index_cast %mul3A_264 : i32 to index
        %swap3A_727 = tpu.vector_load %arg5[%swap3A_724, %swap3A_725, %swap3A_726] {strides = array<i32>} : memref<4x8x1024xf32, #tpu.memory_space<vmem>>, vector<1x1x16xf32>,
        %swap3A_728 = vector.shape_cast %swap3A_727 : vector<1x1x16xf32> to vector<16xf32>
        %swap3A_729 = vector.shape_cast %add3A_721 : vector<16xf32> to vector<1x1x16xf32>
        tpu.vector_store %arg5[%swap3A_724, %swap3A_725, %swap3A_726], %swap3A_729 {strides = array<i32>} : memref<4x8x1024xf32, #tpu.memory_space<vmem>>, vector<1x1x16xf32>,
        %get3A_730 = arith.constant 3 : i32
        %get3A_731 = arith.constant 6 : i32
        %get3A_732 = arith.index_cast %get3A_730 : i32 to index
        %get3A_733 = arith.index_cast %get3A_731 : i32 to index
        %get3A_734 = arith.index_cast %mul3A_264 : i32 to index
        %get3A_735 = tpu.vector_load %arg5[%get3A_732, %get3A_733, %get3A_734] {strides = array<i32>} : memref<4x8x1024xf32, #tpu.memory_space<vmem>>, vector<1x1x16xf32>,
        %get3A_736 = vector.shape_cast %get3A_735 : vector<1x1x16xf32> to vector<16xf32>
        %add3A_737 = arith.addf %get3A_736, %get3A_681 : vector<16xf32>
        %swap3A_738 = arith.constant 3 : i32
        %swap3A_739 = arith.constant 6 : i32
        %swap3A_740 = arith.index_cast %swap3A_738 : i32 to index
        %swap3A_741 = arith.index_cast %swap3A_739 : i32 to index
        %swap3A_742 = arith.index_cast %mul3A_264 : i32 to index
        %swap3A_743 = tpu.vector_load %arg5[%swap3A_740, %swap3A_741, %swap3A_742] {strides = array<i32>} : memref<4x8x1024xf32, #tpu.memory_space<vmem>>, vector<1x1x16xf32>,
        %swap3A_744 = vector.shape_cast %swap3A_743 : vector<1x1x16xf32> to vector<16xf32>
        %swap3A_745 = vector.shape_cast %add3A_737 : vector<16xf32> to vector<1x1x16xf32>
        tpu.vector_store %arg5[%swap3A_740, %swap3A_741, %swap3A_742], %swap3A_745 {strides = array<i32>} : memref<4x8x1024xf32, #tpu.memory_space<vmem>>, vector<1x1x16xf32>,
        %get3A_746 = arith.constant 7 : i32
        %get3A_747 = arith.index_cast %get3A_746 : i32 to index
        %get3A_748 = arith.index_cast %mul3A_264 : i32 to index
        %get3A_749 = tpu.vector_load %arg8[%get3A_747, %get3A_748] {strides = array<i32>} : memref<8x1024xf32, #tpu.memory_space<vmem>>, vector<1x16xf32>,
        %get3A_750 = vector.shape_cast %get3A_749 : vector<1x16xf32> to vector<16xf32>
        %get3A_751 = arith.constant 0 : i32
        %get3A_752 = arith.constant 7 : i32
        %get3A_753 = arith.index_cast %get3A_751 : i32 to index
        %get3A_754 = arith.index_cast %get3A_752 : i32 to index
        %get3A_755 = arith.index_cast %mul3A_264 : i32 to index
        %get3A_756 = tpu.vector_load %arg5[%get3A_753, %get3A_754, %get3A_755] {strides = array<i32>} : memref<4x8x1024xf32, #tpu.memory_space<vmem>>, vector<1x1x16xf32>,
        %get3A_757 = vector.shape_cast %get3A_756 : vector<1x1x16xf32> to vector<16xf32>
        %add3A_758 = arith.addf %get3A_757, %get3A_750 : vector<16xf32>
        %swap3A_759 = arith.constant 0 : i32
        %swap3A_760 = arith.constant 7 : i32
        %swap3A_761 = arith.index_cast %swap3A_759 : i32 to index
        %swap3A_762 = arith.index_cast %swap3A_760 : i32 to index
        %swap3A_763 = arith.index_cast %mul3A_264 : i32 to index
        %swap3A_764 = tpu.vector_load %arg5[%swap3A_761, %swap3A_762, %swap3A_763] {strides = array<i32>} : memref<4x8x1024xf32, #tpu.memory_space<vmem>>, vector<1x1x16xf32>,
        %swap3A_765 = vector.shape_cast %swap3A_764 : vector<1x1x16xf32> to vector<16xf32>
        %swap3A_766 = vector.shape_cast %add3A_758 : vector<16xf32> to vector<1x1x16xf32>
        tpu.vector_store %arg5[%swap3A_761, %swap3A_762, %swap3A_763], %swap3A_766 {strides = array<i32>} : memref<4x8x1024xf32, #tpu.memory_space<vmem>>, vector<1x1x16xf32>,
        %get3A_767 = arith.constant 1 : i32
        %get3A_768 = arith.constant 7 : i32
        %get3A_769 = arith.index_cast %get3A_767 : i32 to index
        %get3A_770 = arith.index_cast %get3A_768 : i32 to index
        %get3A_771 = arith.index_cast %mul3A_264 : i32 to index
        %get3A_772 = tpu.vector_load %arg5[%get3A_769, %get3A_770, %get3A_771] {strides = array<i32>} : memref<4x8x1024xf32, #tpu.memory_space<vmem>>, vector<1x1x16xf32>,
        %get3A_773 = vector.shape_cast %get3A_772 : vector<1x1x16xf32> to vector<16xf32>
        %add3A_774 = arith.addf %get3A_773, %get3A_750 : vector<16xf32>
        %swap3A_775 = arith.constant 1 : i32
        %swap3A_776 = arith.constant 7 : i32
        %swap3A_777 = arith.index_cast %swap3A_775 : i32 to index
        %swap3A_778 = arith.index_cast %swap3A_776 : i32 to index
        %swap3A_779 = arith.index_cast %mul3A_264 : i32 to index
        %swap3A_780 = tpu.vector_load %arg5[%swap3A_777, %swap3A_778, %swap3A_779] {strides = array<i32>} : memref<4x8x1024xf32, #tpu.memory_space<vmem>>, vector<1x1x16xf32>,
        %swap3A_781 = vector.shape_cast %swap3A_780 : vector<1x1x16xf32> to vector<16xf32>
        %swap3A_782 = vector.shape_cast %add3A_774 : vector<16xf32> to vector<1x1x16xf32>
        tpu.vector_store %arg5[%swap3A_777, %swap3A_778, %swap3A_779], %swap3A_782 {strides = array<i32>} : memref<4x8x1024xf32, #tpu.memory_space<vmem>>, vector<1x1x16xf32>,
        %get3A_783 = arith.constant 2 : i32
        %get3A_784 = arith.constant 7 : i32
        %get3A_785 = arith.index_cast %get3A_783 : i32 to index
        %get3A_786 = arith.index_cast %get3A_784 : i32 to index
        %get3A_787 = arith.index_cast %mul3A_264 : i32 to index
        %get3A_788 = tpu.vector_load %arg5[%get3A_785, %get3A_786, %get3A_787] {strides = array<i32>} : memref<4x8x1024xf32, #tpu.memory_space<vmem>>, vector<1x1x16xf32>,
        %get3A_789 = vector.shape_cast %get3A_788 : vector<1x1x16xf32> to vector<16xf32>
        %add3A_790 = arith.addf %get3A_789, %get3A_750 : vector<16xf32>
        %swap3A_791 = arith.constant 2 : i32
        %swap3A_792 = arith.constant 7 : i32
        %swap3A_793 = arith.index_cast %swap3A_791 : i32 to index
        %swap3A_794 = arith.index_cast %swap3A_792 : i32 to index
        %swap3A_795 = arith.index_cast %mul3A_264 : i32 to index
        %swap3A_796 = tpu.vector_load %arg5[%swap3A_793, %swap3A_794, %swap3A_795] {strides = array<i32>} : memref<4x8x1024xf32, #tpu.memory_space<vmem>>, vector<1x1x16xf32>,
        %swap3A_797 = vector.shape_cast %swap3A_796 : vector<1x1x16xf32> to vector<16xf32>
        %swap3A_798 = vector.shape_cast %add3A_790 : vector<16xf32> to vector<1x1x16xf32>
        tpu.vector_store %arg5[%swap3A_793, %swap3A_794, %swap3A_795], %swap3A_798 {strides = array<i32>} : memref<4x8x1024xf32, #tpu.memory_space<vmem>>, vector<1x1x16xf32>,
        %get3A_799 = arith.constant 3 : i32
        %get3A_800 = arith.constant 7 : i32
        %get3A_801 = arith.index_cast %get3A_799 : i32 to index
        %get3A_802 = arith.index_cast %get3A_800 : i32 to index
        %get3A_803 = arith.index_cast %mul3A_264 : i32 to index
        %get3A_804 = tpu.vector_load %arg5[%get3A_801, %get3A_802, %get3A_803] {strides = array<i32>} : memref<4x8x1024xf32, #tpu.memory_space<vmem>>, vector<1x1x16xf32>,
        %get3A_805 = vector.shape_cast %get3A_804 : vector<1x1x16xf32> to vector<16xf32>
        %add3A_806 = arith.addf %get3A_805, %get3A_750 : vector<16xf32>
        %swap3A_807 = arith.constant 3 : i32
        %swap3A_808 = arith.constant 7 : i32
        %swap3A_809 = arith.index_cast %swap3A_807 : i32 to index
        %swap3A_810 = arith.index_cast %swap3A_808 : i32 to index
        %swap3A_811 = arith.index_cast %mul3A_264 : i32 to index
        %swap3A_812 = tpu.vector_load %arg5[%swap3A_809, %swap3A_810, %swap3A_811] {strides = array<i32>} : memref<4x8x1024xf32, #tpu.memory_space<vmem>>, vector<1x1x16xf32>,
        %swap3A_813 = vector.shape_cast %swap3A_812 : vector<1x1x16xf32> to vector<16xf32>
        %swap3A_814 = vector.shape_cast %add3A_806 : vector<16xf32> to vector<1x1x16xf32>
        tpu.vector_store %arg5[%swap3A_809, %swap3A_810, %swap3A_811], %swap3A_814 {strides = array<i32>} : memref<4x8x1024xf32, #tpu.memory_space<vmem>>, vector<1x1x16xf32>,
      }
      %scan3A_129 = arith.constant 64 : i32
      %mul3A_130 = arith.constant 8 : i32
      %mul3A_131 = arith.muli %add3A_104, %mul3A_130 : i32
      %add3A_132 = arith.addi %mul3A_2, %mul3A_131 : i32
      %dma_start3A_133 = arith.constant 0 : i32
      %dma_start3A_134 = arith.constant 0 : i32
      %dma_start3A_135 = tpu.memref_slice %arg4[%dma_start3A_133, %add3A_132, %dma_start3A_134] : memref<4x8192x1024xf32, #tpu.memory_space<hbm>> -> memref<4x8x1024xf32, #tpu.memory_space<hbm>>
      %dma_start3A_136 = arith.constant 0 : i32
      %dma_start3A_137 = arith.constant 0 : i32
      %dma_start3A_138 = tpu.memref_slice %arg4[%dma_start3A_136, %add3A_132, %dma_start3A_137] : memref<4x8192x1024xf32, #tpu.memory_space<hbm>> -> memref<4x8x1024xf32, #tpu.memory_space<hbm>>
      tpu.enqueue_dma source(%arg5 : memref<4x8x1024xf32, #tpu.memory_space<vmem>>) target(%dma_start3A_138 : memref<4x8x1024xf32, #tpu.memory_space<hbm>>) target_semaphore(%arg14 : memref<!tpu.dma_semaphore, #tpu.memory_space<semaphore_mem>>)
      %gt3A = arith.constant 0 : i32
      %gt3A_139 = arith.cmpi sgt, %scan3A_100, %gt3A : i32
      %convert_element_type3A = arith.extui %gt3A_139 : i1 to i32
      %cond3A = arith.constant 0 : i32
      %cond3A_140 = arith.cmpi ne, %convert_element_type3A, %cond3A : i32
      scf.if %cond3A_140 {
        %dma_wait3A_262 = arith.constant 0 : i32
        %dma_wait3A_263 = arith.constant 0 : i32
        %dma_wait3A_264 = tpu.memref_slice %arg4[%dma_wait3A_262, %mul3A_2, %dma_wait3A_263] : memref<4x8192x1024xf32, #tpu.memory_space<hbm>> -> memref<4x8x1024xf32, #tpu.memory_space<hbm>>
        %dma_wait3A_265 = arith.constant 0 : i32
        %dma_wait3A_266 = arith.constant 0 : i32
        %dma_wait3A_267 = tpu.memref_slice %arg4[%dma_wait3A_265, %mul3A_2, %dma_wait3A_266] : memref<4x8192x1024xf32, #tpu.memory_space<hbm>> -> memref<4x8x1024xf32, #tpu.memory_space<hbm>>
        tpu.wait_dma2 semaphore(%arg16 : memref<!tpu.dma_semaphore, #tpu.memory_space<semaphore_mem>>) src(%arg7 : memref<4x8x1024xf32, #tpu.memory_space<vmem>>) dst(%dma_wait3A_267 : memref<4x8x1024xf32, #tpu.memory_space<hbm>>)
      } else {
      }
      %add3A_141 = arith.constant 2 : i32
      %add3A_142 = arith.addi %add3A_104, %add3A_141 : i32
      %mul3A_143 = arith.constant 8 : i32
      %mul3A_144 = arith.muli %add3A_142, %mul3A_143 : i32
      %add3A_145 = arith.addi %mul3A_2, %mul3A_144 : i32
      %dma_start3A_146 = arith.constant 0 : i32
      %dma_start3A_147 = arith.constant 0 : i32
      %dma_start3A_148 = tpu.memref_slice %arg2[%dma_start3A_146, %add3A_145, %dma_start3A_147] : memref<4x8192x1024xf32, #tpu.memory_space<hbm>> -> memref<4x8x1024xf32, #tpu.memory_space<hbm>>
      %dma_start3A_149 = arith.constant 0 : i32
      %dma_start3A_150 = arith.constant 0 : i32
      %dma_start3A_151 = tpu.memref_slice %arg2[%dma_start3A_149, %add3A_145, %dma_start3A_150] : memref<4x8192x1024xf32, #tpu.memory_space<hbm>> -> memref<4x8x1024xf32, #tpu.memory_space<hbm>>
      tpu.enqueue_dma source(%dma_start3A_151 : memref<4x8x1024xf32, #tpu.memory_space<hbm>>) target(%arg7 : memref<4x8x1024xf32, #tpu.memory_space<vmem>>) target_semaphore(%arg13 : memref<!tpu.dma_semaphore, #tpu.memory_space<semaphore_mem>>)
      %mul3A_152 = arith.constant 3 : i32
      %mul3A_153 = arith.muli %mul3A_152, %scan3A_100 : i32
      %add3A_154 = arith.constant 1 : i32
      %add3A_155 = arith.addi %mul3A_153, %add3A_154 : i32
      %dma_wait3A_156 = arith.constant 0 : i32
      %dma_wait3A_157 = arith.constant 0 : i32
      %dma_wait3A_158 = tpu.memref_slice %arg2[%dma_wait3A_156, %mul3A_2, %dma_wait3A_157] : memref<4x8192x1024xf32, #tpu.memory_space<hbm>> -> memref<4x8x1024xf32, #tpu.memory_space<hbm>>
      %dma_wait3A_159 = arith.constant 0 : i32
      %dma_wait3A_160 = arith.constant 0 : i32
      %dma_wait3A_161 = tpu.memref_slice %arg2[%dma_wait3A_159, %mul3A_2, %dma_wait3A_160] : memref<4x8192x1024xf32, #tpu.memory_space<hbm>> -> memref<4x8x1024xf32, #tpu.memory_space<hbm>>
      tpu.wait_dma2 semaphore(%arg12 : memref<!tpu.dma_semaphore, #tpu.memory_space<semaphore_mem>>) src(%dma_wait3A_161 : memref<4x8x1024xf32, #tpu.memory_space<hbm>>) dst(%arg6 : memref<4x8x1024xf32, #tpu.memory_space<vmem>>)
      %dma_wait3A_162 = arith.constant 0 : i32
      %dma_wait3A_163 = tpu.memref_slice %arg3[%mul3A_2, %dma_wait3A_162] : memref<8192x1024xf32, #tpu.memory_space<hbm>> -> memref<8x1024xf32, #tpu.memory_space<hbm>>
      %dma_wait3A_164 = arith.constant 0 : i32
      %dma_wait3A_165 = tpu.memref_slice %arg3[%mul3A_2, %dma_wait3A_164] : memref<8192x1024xf32, #tpu.memory_space<hbm>> -> memref<8x1024xf32, #tpu.memory_space<hbm>>
      tpu.wait_dma2 semaphore(%arg18 : memref<!tpu.dma_semaphore, #tpu.memory_space<semaphore_mem>>) src(%dma_wait3A_165 : memref<8x1024xf32, #tpu.memory_space<hbm>>) dst(%arg9 : memref<8x1024xf32, #tpu.memory_space<vmem>>)
      %add3A_166 = arith.constant 1 : i32
      %add3A_167 = arith.addi %add3A_155, %add3A_166 : i32
      %mul3A_168 = arith.constant 8 : i32
      %mul3A_169 = arith.muli %add3A_167, %mul3A_168 : i32
      %add3A_170 = arith.addi %mul3A_2, %mul3A_169 : i32
      %dma_start3A_171 = arith.constant 0 : i32
      %dma_start3A_172 = tpu.memref_slice %arg3[%add3A_170, %dma_start3A_171] : memref<8192x1024xf32, #tpu.memory_space<hbm>> -> memref<8x1024xf32, #tpu.memory_space<hbm>>
      %dma_start3A_173 = arith.constant 0 : i32
      %dma_start3A_174 = tpu.memref_slice %arg3[%add3A_170, %dma_start3A_173] : memref<8192x1024xf32, #tpu.memory_space<hbm>> -> memref<8x1024xf32, #tpu.memory_space<hbm>>
      tpu.enqueue_dma source(%dma_start3A_174 : memref<8x1024xf32, #tpu.memory_space<hbm>>) target(%arg10 : memref<8x1024xf32, #tpu.memory_space<vmem>>) target_semaphore(%arg19 : memref<!tpu.dma_semaphore, #tpu.memory_space<semaphore_mem>>)
      %scan3A_175 = arith.constant 0 : i32
      %scan3A_176 = arith.constant 0 : i32
      %scan3A_177 = arith.constant 64 : i32
      %scan3A_178 = arith.addi %scan3A_176, %scan3A_177 : i32
      %scan3A_179 = arith.constant 1 : i32
      scf.for %scan3A_262 = %scan3A_176 to %scan3A_178 step %scan3A_179  : i32 {
        %mul3A_263 = arith.constant 16 : i32
        %mul3A_264 = arith.muli %scan3A_262, %mul3A_263 : i32
        %get3A = arith.constant 0 : i32
        %get3A_265 = arith.index_cast %get3A : i32 to index
        %get3A_266 = arith.index_cast %mul3A_264 : i32 to index
        %get3A_267 = tpu.vector_load %arg9[%get3A_265, %get3A_266] {strides = array<i32>} : memref<8x1024xf32, #tpu.memory_space<vmem>>, vector<1x16xf32>,
        %get3A_268 = vector.shape_cast %get3A_267 : vector<1x16xf32> to vector<16xf32>
        %get3A_269 = arith.constant 0 : i32
        %get3A_270 = arith.constant 0 : i32
        %get3A_271 = arith.index_cast %get3A_269 : i32 to index
        %get3A_272 = arith.index_cast %get3A_270 : i32 to index
        %get3A_273 = arith.index_cast %mul3A_264 : i32 to index
        %get3A_274 = tpu.vector_load %arg6[%get3A_271, %get3A_272, %get3A_273] {strides = array<i32>} : memref<4x8x1024xf32, #tpu.memory_space<vmem>>, vector<1x1x16xf32>,
        %get3A_275 = vector.shape_cast %get3A_274 : vector<1x1x16xf32> to vector<16xf32>
        %add3A_276 = arith.addf %get3A_275, %get3A_268 : vector<16xf32>
        %swap3A = arith.constant 0 : i32
        %swap3A_277 = arith.constant 0 : i32
        %swap3A_278 = arith.index_cast %swap3A : i32 to index
        %swap3A_279 = arith.index_cast %swap3A_277 : i32 to index
        %swap3A_280 = arith.index_cast %mul3A_264 : i32 to index
        %swap3A_281 = tpu.vector_load %arg6[%swap3A_278, %swap3A_279, %swap3A_280] {strides = array<i32>} : memref<4x8x1024xf32, #tpu.memory_space<vmem>>, vector<1x1x16xf32>,
        %swap3A_282 = vector.shape_cast %swap3A_281 : vector<1x1x16xf32> to vector<16xf32>
        %swap3A_283 = vector.shape_cast %add3A_276 : vector<16xf32> to vector<1x1x16xf32>
        tpu.vector_store %arg6[%swap3A_278, %swap3A_279, %swap3A_280], %swap3A_283 {strides = array<i32>} : memref<4x8x1024xf32, #tpu.memory_space<vmem>>, vector<1x1x16xf32>,
        %get3A_284 = arith.constant 1 : i32
        %get3A_285 = arith.constant 0 : i32
        %get3A_286 = arith.index_cast %get3A_284 : i32 to index
        %get3A_287 = arith.index_cast %get3A_285 : i32 to index
        %get3A_288 = arith.index_cast %mul3A_264 : i32 to index
        %get3A_289 = tpu.vector_load %arg6[%get3A_286, %get3A_287, %get3A_288] {strides = array<i32>} : memref<4x8x1024xf32, #tpu.memory_space<vmem>>, vector<1x1x16xf32>,
        %get3A_290 = vector.shape_cast %get3A_289 : vector<1x1x16xf32> to vector<16xf32>
        %add3A_291 = arith.addf %get3A_290, %get3A_268 : vector<16xf32>
        %swap3A_292 = arith.constant 1 : i32
        %swap3A_293 = arith.constant 0 : i32
        %swap3A_294 = arith.index_cast %swap3A_292 : i32 to index
        %swap3A_295 = arith.index_cast %swap3A_293 : i32 to index
        %swap3A_296 = arith.index_cast %mul3A_264 : i32 to index
        %swap3A_297 = tpu.vector_load %arg6[%swap3A_294, %swap3A_295, %swap3A_296] {strides = array<i32>} : memref<4x8x1024xf32, #tpu.memory_space<vmem>>, vector<1x1x16xf32>,
        %swap3A_298 = vector.shape_cast %swap3A_297 : vector<1x1x16xf32> to vector<16xf32>
        %swap3A_299 = vector.shape_cast %add3A_291 : vector<16xf32> to vector<1x1x16xf32>
        tpu.vector_store %arg6[%swap3A_294, %swap3A_295, %swap3A_296], %swap3A_299 {strides = array<i32>} : memref<4x8x1024xf32, #tpu.memory_space<vmem>>, vector<1x1x16xf32>,
        %get3A_300 = arith.constant 2 : i32
        %get3A_301 = arith.constant 0 : i32
        %get3A_302 = arith.index_cast %get3A_300 : i32 to index
        %get3A_303 = arith.index_cast %get3A_301 : i32 to index
        %get3A_304 = arith.index_cast %mul3A_264 : i32 to index
        %get3A_305 = tpu.vector_load %arg6[%get3A_302, %get3A_303, %get3A_304] {strides = array<i32>} : memref<4x8x1024xf32, #tpu.memory_space<vmem>>, vector<1x1x16xf32>,
        %get3A_306 = vector.shape_cast %get3A_305 : vector<1x1x16xf32> to vector<16xf32>
        %add3A_307 = arith.addf %get3A_306, %get3A_268 : vector<16xf32>
        %swap3A_308 = arith.constant 2 : i32
        %swap3A_309 = arith.constant 0 : i32
        %swap3A_310 = arith.index_cast %swap3A_308 : i32 to index
        %swap3A_311 = arith.index_cast %swap3A_309 : i32 to index
        %swap3A_312 = arith.index_cast %mul3A_264 : i32 to index
        %swap3A_313 = tpu.vector_load %arg6[%swap3A_310, %swap3A_311, %swap3A_312] {strides = array<i32>} : memref<4x8x1024xf32, #tpu.memory_space<vmem>>, vector<1x1x16xf32>,
        %swap3A_314 = vector.shape_cast %swap3A_313 : vector<1x1x16xf32> to vector<16xf32>
        %swap3A_315 = vector.shape_cast %add3A_307 : vector<16xf32> to vector<1x1x16xf32>
        tpu.vector_store %arg6[%swap3A_310, %swap3A_311, %swap3A_312], %swap3A_315 {strides = array<i32>} : memref<4x8x1024xf32, #tpu.memory_space<vmem>>, vector<1x1x16xf32>,
        %get3A_316 = arith.constant 3 : i32
        %get3A_317 = arith.constant 0 : i32
        %get3A_318 = arith.index_cast %get3A_316 : i32 to index
        %get3A_319 = arith.index_cast %get3A_317 : i32 to index
        %get3A_320 = arith.index_cast %mul3A_264 : i32 to index
        %get3A_321 = tpu.vector_load %arg6[%get3A_318, %get3A_319, %get3A_320] {strides = array<i32>} : memref<4x8x1024xf32, #tpu.memory_space<vmem>>, vector<1x1x16xf32>,
        %get3A_322 = vector.shape_cast %get3A_321 : vector<1x1x16xf32> to vector<16xf32>
        %add3A_323 = arith.addf %get3A_322, %get3A_268 : vector<16xf32>
        %swap3A_324 = arith.constant 3 : i32
        %swap3A_325 = arith.constant 0 : i32
        %swap3A_326 = arith.index_cast %swap3A_324 : i32 to index
        %swap3A_327 = arith.index_cast %swap3A_325 : i32 to index
        %swap3A_328 = arith.index_cast %mul3A_264 : i32 to index
        %swap3A_329 = tpu.vector_load %arg6[%swap3A_326, %swap3A_327, %swap3A_328] {strides = array<i32>} : memref<4x8x1024xf32, #tpu.memory_space<vmem>>, vector<1x1x16xf32>,
        %swap3A_330 = vector.shape_cast %swap3A_329 : vector<1x1x16xf32> to vector<16xf32>
        %swap3A_331 = vector.shape_cast %add3A_323 : vector<16xf32> to vector<1x1x16xf32>
        tpu.vector_store %arg6[%swap3A_326, %swap3A_327, %swap3A_328], %swap3A_331 {strides = array<i32>} : memref<4x8x1024xf32, #tpu.memory_space<vmem>>, vector<1x1x16xf32>,
        %get3A_332 = arith.constant 1 : i32
        %get3A_333 = arith.index_cast %get3A_332 : i32 to index
        %get3A_334 = arith.index_cast %mul3A_264 : i32 to index
        %get3A_335 = tpu.vector_load %arg9[%get3A_333, %get3A_334] {strides = array<i32>} : memref<8x1024xf32, #tpu.memory_space<vmem>>, vector<1x16xf32>,
        %get3A_336 = vector.shape_cast %get3A_335 : vector<1x16xf32> to vector<16xf32>
        %get3A_337 = arith.constant 0 : i32
        %get3A_338 = arith.constant 1 : i32
        %get3A_339 = arith.index_cast %get3A_337 : i32 to index
        %get3A_340 = arith.index_cast %get3A_338 : i32 to index
        %get3A_341 = arith.index_cast %mul3A_264 : i32 to index
        %get3A_342 = tpu.vector_load %arg6[%get3A_339, %get3A_340, %get3A_341] {strides = array<i32>} : memref<4x8x1024xf32, #tpu.memory_space<vmem>>, vector<1x1x16xf32>,
        %get3A_343 = vector.shape_cast %get3A_342 : vector<1x1x16xf32> to vector<16xf32>
        %add3A_344 = arith.addf %get3A_343, %get3A_336 : vector<16xf32>
        %swap3A_345 = arith.constant 0 : i32
        %swap3A_346 = arith.constant 1 : i32
        %swap3A_347 = arith.index_cast %swap3A_345 : i32 to index
        %swap3A_348 = arith.index_cast %swap3A_346 : i32 to index
        %swap3A_349 = arith.index_cast %mul3A_264 : i32 to index
        %swap3A_350 = tpu.vector_load %arg6[%swap3A_347, %swap3A_348, %swap3A_349] {strides = array<i32>} : memref<4x8x1024xf32, #tpu.memory_space<vmem>>, vector<1x1x16xf32>,
        %swap3A_351 = vector.shape_cast %swap3A_350 : vector<1x1x16xf32> to vector<16xf32>
        %swap3A_352 = vector.shape_cast %add3A_344 : vector<16xf32> to vector<1x1x16xf32>
        tpu.vector_store %arg6[%swap3A_347, %swap3A_348, %swap3A_349], %swap3A_352 {strides = array<i32>} : memref<4x8x1024xf32, #tpu.memory_space<vmem>>, vector<1x1x16xf32>,
        %get3A_353 = arith.constant 1 : i32
        %get3A_354 = arith.constant 1 : i32
        %get3A_355 = arith.index_cast %get3A_353 : i32 to index
        %get3A_356 = arith.index_cast %get3A_354 : i32 to index
        %get3A_357 = arith.index_cast %mul3A_264 : i32 to index
        %get3A_358 = tpu.vector_load %arg6[%get3A_355, %get3A_356, %get3A_357] {strides = array<i32>} : memref<4x8x1024xf32, #tpu.memory_space<vmem>>, vector<1x1x16xf32>,
        %get3A_359 = vector.shape_cast %get3A_358 : vector<1x1x16xf32> to vector<16xf32>
        %add3A_360 = arith.addf %get3A_359, %get3A_336 : vector<16xf32>
        %swap3A_361 = arith.constant 1 : i32
        %swap3A_362 = arith.constant 1 : i32
        %swap3A_363 = arith.index_cast %swap3A_361 : i32 to index
        %swap3A_364 = arith.index_cast %swap3A_362 : i32 to index
        %swap3A_365 = arith.index_cast %mul3A_264 : i32 to index
        %swap3A_366 = tpu.vector_load %arg6[%swap3A_363, %swap3A_364, %swap3A_365] {strides = array<i32>} : memref<4x8x1024xf32, #tpu.memory_space<vmem>>, vector<1x1x16xf32>,
        %swap3A_367 = vector.shape_cast %swap3A_366 : vector<1x1x16xf32> to vector<16xf32>
        %swap3A_368 = vector.shape_cast %add3A_360 : vector<16xf32> to vector<1x1x16xf32>
        tpu.vector_store %arg6[%swap3A_363, %swap3A_364, %swap3A_365], %swap3A_368 {strides = array<i32>} : memref<4x8x1024xf32, #tpu.memory_space<vmem>>, vector<1x1x16xf32>,
        %get3A_369 = arith.constant 2 : i32
        %get3A_370 = arith.constant 1 : i32
        %get3A_371 = arith.index_cast %get3A_369 : i32 to index
        %get3A_372 = arith.index_cast %get3A_370 : i32 to index
        %get3A_373 = arith.index_cast %mul3A_264 : i32 to index
        %get3A_374 = tpu.vector_load %arg6[%get3A_371, %get3A_372, %get3A_373] {strides = array<i32>} : memref<4x8x1024xf32, #tpu.memory_space<vmem>>, vector<1x1x16xf32>,
        %get3A_375 = vector.shape_cast %get3A_374 : vector<1x1x16xf32> to vector<16xf32>
        %add3A_376 = arith.addf %get3A_375, %get3A_336 : vector<16xf32>
        %swap3A_377 = arith.constant 2 : i32
        %swap3A_378 = arith.constant 1 : i32
        %swap3A_379 = arith.index_cast %swap3A_377 : i32 to index
        %swap3A_380 = arith.index_cast %swap3A_378 : i32 to index
        %swap3A_381 = arith.index_cast %mul3A_264 : i32 to index
        %swap3A_382 = tpu.vector_load %arg6[%swap3A_379, %swap3A_380, %swap3A_381] {strides = array<i32>} : memref<4x8x1024xf32, #tpu.memory_space<vmem>>, vector<1x1x16xf32>,
        %swap3A_383 = vector.shape_cast %swap3A_382 : vector<1x1x16xf32> to vector<16xf32>
        %swap3A_384 = vector.shape_cast %add3A_376 : vector<16xf32> to vector<1x1x16xf32>
        tpu.vector_store %arg6[%swap3A_379, %swap3A_380, %swap3A_381], %swap3A_384 {strides = array<i32>} : memref<4x8x1024xf32, #tpu.memory_space<vmem>>, vector<1x1x16xf32>,
        %get3A_385 = arith.constant 3 : i32
        %get3A_386 = arith.constant 1 : i32
        %get3A_387 = arith.index_cast %get3A_385 : i32 to index
        %get3A_388 = arith.index_cast %get3A_386 : i32 to index
        %get3A_389 = arith.index_cast %mul3A_264 : i32 to index
        %get3A_390 = tpu.vector_load %arg6[%get3A_387, %get3A_388, %get3A_389] {strides = array<i32>} : memref<4x8x1024xf32, #tpu.memory_space<vmem>>, vector<1x1x16xf32>,
        %get3A_391 = vector.shape_cast %get3A_390 : vector<1x1x16xf32> to vector<16xf32>
        %add3A_392 = arith.addf %get3A_391, %get3A_336 : vector<16xf32>
        %swap3A_393 = arith.constant 3 : i32
        %swap3A_394 = arith.constant 1 : i32
        %swap3A_395 = arith.index_cast %swap3A_393 : i32 to index
        %swap3A_396 = arith.index_cast %swap3A_394 : i32 to index
        %swap3A_397 = arith.index_cast %mul3A_264 : i32 to index
        %swap3A_398 = tpu.vector_load %arg6[%swap3A_395, %swap3A_396, %swap3A_397] {strides = array<i32>} : memref<4x8x1024xf32, #tpu.memory_space<vmem>>, vector<1x1x16xf32>,
        %swap3A_399 = vector.shape_cast %swap3A_398 : vector<1x1x16xf32> to vector<16xf32>
        %swap3A_400 = vector.shape_cast %add3A_392 : vector<16xf32> to vector<1x1x16xf32>
        tpu.vector_store %arg6[%swap3A_395, %swap3A_396, %swap3A_397], %swap3A_400 {strides = array<i32>} : memref<4x8x1024xf32, #tpu.memory_space<vmem>>, vector<1x1x16xf32>,
        %get3A_401 = arith.constant 2 : i32
        %get3A_402 = arith.index_cast %get3A_401 : i32 to index
        %get3A_403 = arith.index_cast %mul3A_264 : i32 to index
        %get3A_404 = tpu.vector_load %arg9[%get3A_402, %get3A_403] {strides = array<i32>} : memref<8x1024xf32, #tpu.memory_space<vmem>>, vector<1x16xf32>,
        %get3A_405 = vector.shape_cast %get3A_404 : vector<1x16xf32> to vector<16xf32>
        %get3A_406 = arith.constant 0 : i32
        %get3A_407 = arith.constant 2 : i32
        %get3A_408 = arith.index_cast %get3A_406 : i32 to index
        %get3A_409 = arith.index_cast %get3A_407 : i32 to index
        %get3A_410 = arith.index_cast %mul3A_264 : i32 to index
        %get3A_411 = tpu.vector_load %arg6[%get3A_408, %get3A_409, %get3A_410] {strides = array<i32>} : memref<4x8x1024xf32, #tpu.memory_space<vmem>>, vector<1x1x16xf32>,
        %get3A_412 = vector.shape_cast %get3A_411 : vector<1x1x16xf32> to vector<16xf32>
        %add3A_413 = arith.addf %get3A_412, %get3A_405 : vector<16xf32>
        %swap3A_414 = arith.constant 0 : i32
        %swap3A_415 = arith.constant 2 : i32
        %swap3A_416 = arith.index_cast %swap3A_414 : i32 to index
        %swap3A_417 = arith.index_cast %swap3A_415 : i32 to index
        %swap3A_418 = arith.index_cast %mul3A_264 : i32 to index
        %swap3A_419 = tpu.vector_load %arg6[%swap3A_416, %swap3A_417, %swap3A_418] {strides = array<i32>} : memref<4x8x1024xf32, #tpu.memory_space<vmem>>, vector<1x1x16xf32>,
        %swap3A_420 = vector.shape_cast %swap3A_419 : vector<1x1x16xf32> to vector<16xf32>
        %swap3A_421 = vector.shape_cast %add3A_413 : vector<16xf32> to vector<1x1x16xf32>
        tpu.vector_store %arg6[%swap3A_416, %swap3A_417, %swap3A_418], %swap3A_421 {strides = array<i32>} : memref<4x8x1024xf32, #tpu.memory_space<vmem>>, vector<1x1x16xf32>,
        %get3A_422 = arith.constant 1 : i32
        %get3A_423 = arith.constant 2 : i32
        %get3A_424 = arith.index_cast %get3A_422 : i32 to index
        %get3A_425 = arith.index_cast %get3A_423 : i32 to index
        %get3A_426 = arith.index_cast %mul3A_264 : i32 to index
        %get3A_427 = tpu.vector_load %arg6[%get3A_424, %get3A_425, %get3A_426] {strides = array<i32>} : memref<4x8x1024xf32, #tpu.memory_space<vmem>>, vector<1x1x16xf32>,
        %get3A_428 = vector.shape_cast %get3A_427 : vector<1x1x16xf32> to vector<16xf32>
        %add3A_429 = arith.addf %get3A_428, %get3A_405 : vector<16xf32>
        %swap3A_430 = arith.constant 1 : i32
        %swap3A_431 = arith.constant 2 : i32
        %swap3A_432 = arith.index_cast %swap3A_430 : i32 to index
        %swap3A_433 = arith.index_cast %swap3A_431 : i32 to index
        %swap3A_434 = arith.index_cast %mul3A_264 : i32 to index
        %swap3A_435 = tpu.vector_load %arg6[%swap3A_432, %swap3A_433, %swap3A_434] {strides = array<i32>} : memref<4x8x1024xf32, #tpu.memory_space<vmem>>, vector<1x1x16xf32>,
        %swap3A_436 = vector.shape_cast %swap3A_435 : vector<1x1x16xf32> to vector<16xf32>
        %swap3A_437 = vector.shape_cast %add3A_429 : vector<16xf32> to vector<1x1x16xf32>
        tpu.vector_store %arg6[%swap3A_432, %swap3A_433, %swap3A_434], %swap3A_437 {strides = array<i32>} : memref<4x8x1024xf32, #tpu.memory_space<vmem>>, vector<1x1x16xf32>,
        %get3A_438 = arith.constant 2 : i32
        %get3A_439 = arith.constant 2 : i32
        %get3A_440 = arith.index_cast %get3A_438 : i32 to index
        %get3A_441 = arith.index_cast %get3A_439 : i32 to index
        %get3A_442 = arith.index_cast %mul3A_264 : i32 to index
        %get3A_443 = tpu.vector_load %arg6[%get3A_440, %get3A_441, %get3A_442] {strides = array<i32>} : memref<4x8x1024xf32, #tpu.memory_space<vmem>>, vector<1x1x16xf32>,
        %get3A_444 = vector.shape_cast %get3A_443 : vector<1x1x16xf32> to vector<16xf32>
        %add3A_445 = arith.addf %get3A_444, %get3A_405 : vector<16xf32>
        %swap3A_446 = arith.constant 2 : i32
        %swap3A_447 = arith.constant 2 : i32
        %swap3A_448 = arith.index_cast %swap3A_446 : i32 to index
        %swap3A_449 = arith.index_cast %swap3A_447 : i32 to index
        %swap3A_450 = arith.index_cast %mul3A_264 : i32 to index
        %swap3A_451 = tpu.vector_load %arg6[%swap3A_448, %swap3A_449, %swap3A_450] {strides = array<i32>} : memref<4x8x1024xf32, #tpu.memory_space<vmem>>, vector<1x1x16xf32>,
        %swap3A_452 = vector.shape_cast %swap3A_451 : vector<1x1x16xf32> to vector<16xf32>
        %swap3A_453 = vector.shape_cast %add3A_445 : vector<16xf32> to vector<1x1x16xf32>
        tpu.vector_store %arg6[%swap3A_448, %swap3A_449, %swap3A_450], %swap3A_453 {strides = array<i32>} : memref<4x8x1024xf32, #tpu.memory_space<vmem>>, vector<1x1x16xf32>,
        %get3A_454 = arith.constant 3 : i32
        %get3A_455 = arith.constant 2 : i32
        %get3A_456 = arith.index_cast %get3A_454 : i32 to index
        %get3A_457 = arith.index_cast %get3A_455 : i32 to index
        %get3A_458 = arith.index_cast %mul3A_264 : i32 to index
        %get3A_459 = tpu.vector_load %arg6[%get3A_456, %get3A_457, %get3A_458] {strides = array<i32>} : memref<4x8x1024xf32, #tpu.memory_space<vmem>>, vector<1x1x16xf32>,
        %get3A_460 = vector.shape_cast %get3A_459 : vector<1x1x16xf32> to vector<16xf32>
        %add3A_461 = arith.addf %get3A_460, %get3A_405 : vector<16xf32>
        %swap3A_462 = arith.constant 3 : i32
        %swap3A_463 = arith.constant 2 : i32
        %swap3A_464 = arith.index_cast %swap3A_462 : i32 to index
        %swap3A_465 = arith.index_cast %swap3A_463 : i32 to index
        %swap3A_466 = arith.index_cast %mul3A_264 : i32 to index
        %swap3A_467 = tpu.vector_load %arg6[%swap3A_464, %swap3A_465, %swap3A_466] {strides = array<i32>} : memref<4x8x1024xf32, #tpu.memory_space<vmem>>, vector<1x1x16xf32>,
        %swap3A_468 = vector.shape_cast %swap3A_467 : vector<1x1x16xf32> to vector<16xf32>
        %swap3A_469 = vector.shape_cast %add3A_461 : vector<16xf32> to vector<1x1x16xf32>
        tpu.vector_store %arg6[%swap3A_464, %swap3A_465, %swap3A_466], %swap3A_469 {strides = array<i32>} : memref<4x8x1024xf32, #tpu.memory_space<vmem>>, vector<1x1x16xf32>,
        %get3A_470 = arith.constant 3 : i32
        %get3A_471 = arith.index_cast %get3A_470 : i32 to index
        %get3A_472 = arith.index_cast %mul3A_264 : i32 to index
        %get3A_473 = tpu.vector_load %arg9[%get3A_471, %get3A_472] {strides = array<i32>} : memref<8x1024xf32, #tpu.memory_space<vmem>>, vector<1x16xf32>,
        %get3A_474 = vector.shape_cast %get3A_473 : vector<1x16xf32> to vector<16xf32>
        %get3A_475 = arith.constant 0 : i32
        %get3A_476 = arith.constant 3 : i32
        %get3A_477 = arith.index_cast %get3A_475 : i32 to index
        %get3A_478 = arith.index_cast %get3A_476 : i32 to index
        %get3A_479 = arith.index_cast %mul3A_264 : i32 to index
        %get3A_480 = tpu.vector_load %arg6[%get3A_477, %get3A_478, %get3A_479] {strides = array<i32>} : memref<4x8x1024xf32, #tpu.memory_space<vmem>>, vector<1x1x16xf32>,
        %get3A_481 = vector.shape_cast %get3A_480 : vector<1x1x16xf32> to vector<16xf32>
        %add3A_482 = arith.addf %get3A_481, %get3A_474 : vector<16xf32>
        %swap3A_483 = arith.constant 0 : i32
        %swap3A_484 = arith.constant 3 : i32
        %swap3A_485 = arith.index_cast %swap3A_483 : i32 to index
        %swap3A_486 = arith.index_cast %swap3A_484 : i32 to index
        %swap3A_487 = arith.index_cast %mul3A_264 : i32 to index
        %swap3A_488 = tpu.vector_load %arg6[%swap3A_485, %swap3A_486, %swap3A_487] {strides = array<i32>} : memref<4x8x1024xf32, #tpu.memory_space<vmem>>, vector<1x1x16xf32>,
        %swap3A_489 = vector.shape_cast %swap3A_488 : vector<1x1x16xf32> to vector<16xf32>
        %swap3A_490 = vector.shape_cast %add3A_482 : vector<16xf32> to vector<1x1x16xf32>
        tpu.vector_store %arg6[%swap3A_485, %swap3A_486, %swap3A_487], %swap3A_490 {strides = array<i32>} : memref<4x8x1024xf32, #tpu.memory_space<vmem>>, vector<1x1x16xf32>,
        %get3A_491 = arith.constant 1 : i32
        %get3A_492 = arith.constant 3 : i32
        %get3A_493 = arith.index_cast %get3A_491 : i32 to index
        %get3A_494 = arith.index_cast %get3A_492 : i32 to index
        %get3A_495 = arith.index_cast %mul3A_264 : i32 to index
        %get3A_496 = tpu.vector_load %arg6[%get3A_493, %get3A_494, %get3A_495] {strides = array<i32>} : memref<4x8x1024xf32, #tpu.memory_space<vmem>>, vector<1x1x16xf32>,
        %get3A_497 = vector.shape_cast %get3A_496 : vector<1x1x16xf32> to vector<16xf32>
        %add3A_498 = arith.addf %get3A_497, %get3A_474 : vector<16xf32>
        %swap3A_499 = arith.constant 1 : i32
        %swap3A_500 = arith.constant 3 : i32
        %swap3A_501 = arith.index_cast %swap3A_499 : i32 to index
        %swap3A_502 = arith.index_cast %swap3A_500 : i32 to index
        %swap3A_503 = arith.index_cast %mul3A_264 : i32 to index
        %swap3A_504 = tpu.vector_load %arg6[%swap3A_501, %swap3A_502, %swap3A_503] {strides = array<i32>} : memref<4x8x1024xf32, #tpu.memory_space<vmem>>, vector<1x1x16xf32>,
        %swap3A_505 = vector.shape_cast %swap3A_504 : vector<1x1x16xf32> to vector<16xf32>
        %swap3A_506 = vector.shape_cast %add3A_498 : vector<16xf32> to vector<1x1x16xf32>
        tpu.vector_store %arg6[%swap3A_501, %swap3A_502, %swap3A_503], %swap3A_506 {strides = array<i32>} : memref<4x8x1024xf32, #tpu.memory_space<vmem>>, vector<1x1x16xf32>,
        %get3A_507 = arith.constant 2 : i32
        %get3A_508 = arith.constant 3 : i32
        %get3A_509 = arith.index_cast %get3A_507 : i32 to index
        %get3A_510 = arith.index_cast %get3A_508 : i32 to index
        %get3A_511 = arith.index_cast %mul3A_264 : i32 to index
        %get3A_512 = tpu.vector_load %arg6[%get3A_509, %get3A_510, %get3A_511] {strides = array<i32>} : memref<4x8x1024xf32, #tpu.memory_space<vmem>>, vector<1x1x16xf32>,
        %get3A_513 = vector.shape_cast %get3A_512 : vector<1x1x16xf32> to vector<16xf32>
        %add3A_514 = arith.addf %get3A_513, %get3A_474 : vector<16xf32>
        %swap3A_515 = arith.constant 2 : i32
        %swap3A_516 = arith.constant 3 : i32
        %swap3A_517 = arith.index_cast %swap3A_515 : i32 to index
        %swap3A_518 = arith.index_cast %swap3A_516 : i32 to index
        %swap3A_519 = arith.index_cast %mul3A_264 : i32 to index
        %swap3A_520 = tpu.vector_load %arg6[%swap3A_517, %swap3A_518, %swap3A_519] {strides = array<i32>} : memref<4x8x1024xf32, #tpu.memory_space<vmem>>, vector<1x1x16xf32>,
        %swap3A_521 = vector.shape_cast %swap3A_520 : vector<1x1x16xf32> to vector<16xf32>
        %swap3A_522 = vector.shape_cast %add3A_514 : vector<16xf32> to vector<1x1x16xf32>
        tpu.vector_store %arg6[%swap3A_517, %swap3A_518, %swap3A_519], %swap3A_522 {strides = array<i32>} : memref<4x8x1024xf32, #tpu.memory_space<vmem>>, vector<1x1x16xf32>,
        %get3A_523 = arith.constant 3 : i32
        %get3A_524 = arith.constant 3 : i32
        %get3A_525 = arith.index_cast %get3A_523 : i32 to index
        %get3A_526 = arith.index_cast %get3A_524 : i32 to index
        %get3A_527 = arith.index_cast %mul3A_264 : i32 to index
        %get3A_528 = tpu.vector_load %arg6[%get3A_525, %get3A_526, %get3A_527] {strides = array<i32>} : memref<4x8x1024xf32, #tpu.memory_space<vmem>>, vector<1x1x16xf32>,
        %get3A_529 = vector.shape_cast %get3A_528 : vector<1x1x16xf32> to vector<16xf32>
        %add3A_530 = arith.addf %get3A_529, %get3A_474 : vector<16xf32>
        %swap3A_531 = arith.constant 3 : i32
        %swap3A_532 = arith.constant 3 : i32
        %swap3A_533 = arith.index_cast %swap3A_531 : i32 to index
        %swap3A_534 = arith.index_cast %swap3A_532 : i32 to index
        %swap3A_535 = arith.index_cast %mul3A_264 : i32 to index
        %swap3A_536 = tpu.vector_load %arg6[%swap3A_533, %swap3A_534, %swap3A_535] {strides = array<i32>} : memref<4x8x1024xf32, #tpu.memory_space<vmem>>, vector<1x1x16xf32>,
        %swap3A_537 = vector.shape_cast %swap3A_536 : vector<1x1x16xf32> to vector<16xf32>
        %swap3A_538 = vector.shape_cast %add3A_530 : vector<16xf32> to vector<1x1x16xf32>
        tpu.vector_store %arg6[%swap3A_533, %swap3A_534, %swap3A_535], %swap3A_538 {strides = array<i32>} : memref<4x8x1024xf32, #tpu.memory_space<vmem>>, vector<1x1x16xf32>,
        %get3A_539 = arith.constant 4 : i32
        %get3A_540 = arith.index_cast %get3A_539 : i32 to index
        %get3A_541 = arith.index_cast %mul3A_264 : i32 to index
        %get3A_542 = tpu.vector_load %arg9[%get3A_540, %get3A_541] {strides = array<i32>} : memref<8x1024xf32, #tpu.memory_space<vmem>>, vector<1x16xf32>,
        %get3A_543 = vector.shape_cast %get3A_542 : vector<1x16xf32> to vector<16xf32>
        %get3A_544 = arith.constant 0 : i32
        %get3A_545 = arith.constant 4 : i32
        %get3A_546 = arith.index_cast %get3A_544 : i32 to index
        %get3A_547 = arith.index_cast %get3A_545 : i32 to index
        %get3A_548 = arith.index_cast %mul3A_264 : i32 to index
        %get3A_549 = tpu.vector_load %arg6[%get3A_546, %get3A_547, %get3A_548] {strides = array<i32>} : memref<4x8x1024xf32, #tpu.memory_space<vmem>>, vector<1x1x16xf32>,
        %get3A_550 = vector.shape_cast %get3A_549 : vector<1x1x16xf32> to vector<16xf32>
        %add3A_551 = arith.addf %get3A_550, %get3A_543 : vector<16xf32>
        %swap3A_552 = arith.constant 0 : i32
        %swap3A_553 = arith.constant 4 : i32
        %swap3A_554 = arith.index_cast %swap3A_552 : i32 to index
        %swap3A_555 = arith.index_cast %swap3A_553 : i32 to index
        %swap3A_556 = arith.index_cast %mul3A_264 : i32 to index
        %swap3A_557 = tpu.vector_load %arg6[%swap3A_554, %swap3A_555, %swap3A_556] {strides = array<i32>} : memref<4x8x1024xf32, #tpu.memory_space<vmem>>, vector<1x1x16xf32>,
        %swap3A_558 = vector.shape_cast %swap3A_557 : vector<1x1x16xf32> to vector<16xf32>
        %swap3A_559 = vector.shape_cast %add3A_551 : vector<16xf32> to vector<1x1x16xf32>
        tpu.vector_store %arg6[%swap3A_554, %swap3A_555, %swap3A_556], %swap3A_559 {strides = array<i32>} : memref<4x8x1024xf32, #tpu.memory_space<vmem>>, vector<1x1x16xf32>,
        %get3A_560 = arith.constant 1 : i32
        %get3A_561 = arith.constant 4 : i32
        %get3A_562 = arith.index_cast %get3A_560 : i32 to index
        %get3A_563 = arith.index_cast %get3A_561 : i32 to index
        %get3A_564 = arith.index_cast %mul3A_264 : i32 to index
        %get3A_565 = tpu.vector_load %arg6[%get3A_562, %get3A_563, %get3A_564] {strides = array<i32>} : memref<4x8x1024xf32, #tpu.memory_space<vmem>>, vector<1x1x16xf32>,
        %get3A_566 = vector.shape_cast %get3A_565 : vector<1x1x16xf32> to vector<16xf32>
        %add3A_567 = arith.addf %get3A_566, %get3A_543 : vector<16xf32>
        %swap3A_568 = arith.constant 1 : i32
        %swap3A_569 = arith.constant 4 : i32
        %swap3A_570 = arith.index_cast %swap3A_568 : i32 to index
        %swap3A_571 = arith.index_cast %swap3A_569 : i32 to index
        %swap3A_572 = arith.index_cast %mul3A_264 : i32 to index
        %swap3A_573 = tpu.vector_load %arg6[%swap3A_570, %swap3A_571, %swap3A_572] {strides = array<i32>} : memref<4x8x1024xf32, #tpu.memory_space<vmem>>, vector<1x1x16xf32>,
        %swap3A_574 = vector.shape_cast %swap3A_573 : vector<1x1x16xf32> to vector<16xf32>
        %swap3A_575 = vector.shape_cast %add3A_567 : vector<16xf32> to vector<1x1x16xf32>
        tpu.vector_store %arg6[%swap3A_570, %swap3A_571, %swap3A_572], %swap3A_575 {strides = array<i32>} : memref<4x8x1024xf32, #tpu.memory_space<vmem>>, vector<1x1x16xf32>,
        %get3A_576 = arith.constant 2 : i32
        %get3A_577 = arith.constant 4 : i32
        %get3A_578 = arith.index_cast %get3A_576 : i32 to index
        %get3A_579 = arith.index_cast %get3A_577 : i32 to index
        %get3A_580 = arith.index_cast %mul3A_264 : i32 to index
        %get3A_581 = tpu.vector_load %arg6[%get3A_578, %get3A_579, %get3A_580] {strides = array<i32>} : memref<4x8x1024xf32, #tpu.memory_space<vmem>>, vector<1x1x16xf32>,
        %get3A_582 = vector.shape_cast %get3A_581 : vector<1x1x16xf32> to vector<16xf32>
        %add3A_583 = arith.addf %get3A_582, %get3A_543 : vector<16xf32>
        %swap3A_584 = arith.constant 2 : i32
        %swap3A_585 = arith.constant 4 : i32
        %swap3A_586 = arith.index_cast %swap3A_584 : i32 to index
        %swap3A_587 = arith.index_cast %swap3A_585 : i32 to index
        %swap3A_588 = arith.index_cast %mul3A_264 : i32 to index
        %swap3A_589 = tpu.vector_load %arg6[%swap3A_586, %swap3A_587, %swap3A_588] {strides = array<i32>} : memref<4x8x1024xf32, #tpu.memory_space<vmem>>, vector<1x1x16xf32>,
        %swap3A_590 = vector.shape_cast %swap3A_589 : vector<1x1x16xf32> to vector<16xf32>
        %swap3A_591 = vector.shape_cast %add3A_583 : vector<16xf32> to vector<1x1x16xf32>
        tpu.vector_store %arg6[%swap3A_586, %swap3A_587, %swap3A_588], %swap3A_591 {strides = array<i32>} : memref<4x8x1024xf32, #tpu.memory_space<vmem>>, vector<1x1x16xf32>,
        %get3A_592 = arith.constant 3 : i32
        %get3A_593 = arith.constant 4 : i32
        %get3A_594 = arith.index_cast %get3A_592 : i32 to index
        %get3A_595 = arith.index_cast %get3A_593 : i32 to index
        %get3A_596 = arith.index_cast %mul3A_264 : i32 to index
        %get3A_597 = tpu.vector_load %arg6[%get3A_594, %get3A_595, %get3A_596] {strides = array<i32>} : memref<4x8x1024xf32, #tpu.memory_space<vmem>>, vector<1x1x16xf32>,
        %get3A_598 = vector.shape_cast %get3A_597 : vector<1x1x16xf32> to vector<16xf32>
        %add3A_599 = arith.addf %get3A_598, %get3A_543 : vector<16xf32>
        %swap3A_600 = arith.constant 3 : i32
        %swap3A_601 = arith.constant 4 : i32
        %swap3A_602 = arith.index_cast %swap3A_600 : i32 to index
        %swap3A_603 = arith.index_cast %swap3A_601 : i32 to index
        %swap3A_604 = arith.index_cast %mul3A_264 : i32 to index
        %swap3A_605 = tpu.vector_load %arg6[%swap3A_602, %swap3A_603, %swap3A_604] {strides = array<i32>} : memref<4x8x1024xf32, #tpu.memory_space<vmem>>, vector<1x1x16xf32>,
        %swap3A_606 = vector.shape_cast %swap3A_605 : vector<1x1x16xf32> to vector<16xf32>
        %swap3A_607 = vector.shape_cast %add3A_599 : vector<16xf32> to vector<1x1x16xf32>
        tpu.vector_store %arg6[%swap3A_602, %swap3A_603, %swap3A_604], %swap3A_607 {strides = array<i32>} : memref<4x8x1024xf32, #tpu.memory_space<vmem>>, vector<1x1x16xf32>,
        %get3A_608 = arith.constant 5 : i32
        %get3A_609 = arith.index_cast %get3A_608 : i32 to index
        %get3A_610 = arith.index_cast %mul3A_264 : i32 to index
        %get3A_611 = tpu.vector_load %arg9[%get3A_609, %get3A_610] {strides = array<i32>} : memref<8x1024xf32, #tpu.memory_space<vmem>>, vector<1x16xf32>,
        %get3A_612 = vector.shape_cast %get3A_611 : vector<1x16xf32> to vector<16xf32>
        %get3A_613 = arith.constant 0 : i32
        %get3A_614 = arith.constant 5 : i32
        %get3A_615 = arith.index_cast %get3A_613 : i32 to index
        %get3A_616 = arith.index_cast %get3A_614 : i32 to index
        %get3A_617 = arith.index_cast %mul3A_264 : i32 to index
        %get3A_618 = tpu.vector_load %arg6[%get3A_615, %get3A_616, %get3A_617] {strides = array<i32>} : memref<4x8x1024xf32, #tpu.memory_space<vmem>>, vector<1x1x16xf32>,
        %get3A_619 = vector.shape_cast %get3A_618 : vector<1x1x16xf32> to vector<16xf32>
        %add3A_620 = arith.addf %get3A_619, %get3A_612 : vector<16xf32>
        %swap3A_621 = arith.constant 0 : i32
        %swap3A_622 = arith.constant 5 : i32
        %swap3A_623 = arith.index_cast %swap3A_621 : i32 to index
        %swap3A_624 = arith.index_cast %swap3A_622 : i32 to index
        %swap3A_625 = arith.index_cast %mul3A_264 : i32 to index
        %swap3A_626 = tpu.vector_load %arg6[%swap3A_623, %swap3A_624, %swap3A_625] {strides = array<i32>} : memref<4x8x1024xf32, #tpu.memory_space<vmem>>, vector<1x1x16xf32>,
        %swap3A_627 = vector.shape_cast %swap3A_626 : vector<1x1x16xf32> to vector<16xf32>
        %swap3A_628 = vector.shape_cast %add3A_620 : vector<16xf32> to vector<1x1x16xf32>
        tpu.vector_store %arg6[%swap3A_623, %swap3A_624, %swap3A_625], %swap3A_628 {strides = array<i32>} : memref<4x8x1024xf32, #tpu.memory_space<vmem>>, vector<1x1x16xf32>,
        %get3A_629 = arith.constant 1 : i32
        %get3A_630 = arith.constant 5 : i32
        %get3A_631 = arith.index_cast %get3A_629 : i32 to index
        %get3A_632 = arith.index_cast %get3A_630 : i32 to index
        %get3A_633 = arith.index_cast %mul3A_264 : i32 to index
        %get3A_634 = tpu.vector_load %arg6[%get3A_631, %get3A_632, %get3A_633] {strides = array<i32>} : memref<4x8x1024xf32, #tpu.memory_space<vmem>>, vector<1x1x16xf32>,
        %get3A_635 = vector.shape_cast %get3A_634 : vector<1x1x16xf32> to vector<16xf32>
        %add3A_636 = arith.addf %get3A_635, %get3A_612 : vector<16xf32>
        %swap3A_637 = arith.constant 1 : i32
        %swap3A_638 = arith.constant 5 : i32
        %swap3A_639 = arith.index_cast %swap3A_637 : i32 to index
        %swap3A_640 = arith.index_cast %swap3A_638 : i32 to index
        %swap3A_641 = arith.index_cast %mul3A_264 : i32 to index
        %swap3A_642 = tpu.vector_load %arg6[%swap3A_639, %swap3A_640, %swap3A_641] {strides = array<i32>} : memref<4x8x1024xf32, #tpu.memory_space<vmem>>, vector<1x1x16xf32>,
        %swap3A_643 = vector.shape_cast %swap3A_642 : vector<1x1x16xf32> to vector<16xf32>
        %swap3A_644 = vector.shape_cast %add3A_636 : vector<16xf32> to vector<1x1x16xf32>
        tpu.vector_store %arg6[%swap3A_639, %swap3A_640, %swap3A_641], %swap3A_644 {strides = array<i32>} : memref<4x8x1024xf32, #tpu.memory_space<vmem>>, vector<1x1x16xf32>,
        %get3A_645 = arith.constant 2 : i32
        %get3A_646 = arith.constant 5 : i32
        %get3A_647 = arith.index_cast %get3A_645 : i32 to index
        %get3A_648 = arith.index_cast %get3A_646 : i32 to index
        %get3A_649 = arith.index_cast %mul3A_264 : i32 to index
        %get3A_650 = tpu.vector_load %arg6[%get3A_647, %get3A_648, %get3A_649] {strides = array<i32>} : memref<4x8x1024xf32, #tpu.memory_space<vmem>>, vector<1x1x16xf32>,
        %get3A_651 = vector.shape_cast %get3A_650 : vector<1x1x16xf32> to vector<16xf32>
        %add3A_652 = arith.addf %get3A_651, %get3A_612 : vector<16xf32>
        %swap3A_653 = arith.constant 2 : i32
        %swap3A_654 = arith.constant 5 : i32
        %swap3A_655 = arith.index_cast %swap3A_653 : i32 to index
        %swap3A_656 = arith.index_cast %swap3A_654 : i32 to index
        %swap3A_657 = arith.index_cast %mul3A_264 : i32 to index
        %swap3A_658 = tpu.vector_load %arg6[%swap3A_655, %swap3A_656, %swap3A_657] {strides = array<i32>} : memref<4x8x1024xf32, #tpu.memory_space<vmem>>, vector<1x1x16xf32>,
        %swap3A_659 = vector.shape_cast %swap3A_658 : vector<1x1x16xf32> to vector<16xf32>
        %swap3A_660 = vector.shape_cast %add3A_652 : vector<16xf32> to vector<1x1x16xf32>
        tpu.vector_store %arg6[%swap3A_655, %swap3A_656, %swap3A_657], %swap3A_660 {strides = array<i32>} : memref<4x8x1024xf32, #tpu.memory_space<vmem>>, vector<1x1x16xf32>,
        %get3A_661 = arith.constant 3 : i32
        %get3A_662 = arith.constant 5 : i32
        %get3A_663 = arith.index_cast %get3A_661 : i32 to index
        %get3A_664 = arith.index_cast %get3A_662 : i32 to index
        %get3A_665 = arith.index_cast %mul3A_264 : i32 to index
        %get3A_666 = tpu.vector_load %arg6[%get3A_663, %get3A_664, %get3A_665] {strides = array<i32>} : memref<4x8x1024xf32, #tpu.memory_space<vmem>>, vector<1x1x16xf32>,
        %get3A_667 = vector.shape_cast %get3A_666 : vector<1x1x16xf32> to vector<16xf32>
        %add3A_668 = arith.addf %get3A_667, %get3A_612 : vector<16xf32>
        %swap3A_669 = arith.constant 3 : i32
        %swap3A_670 = arith.constant 5 : i32
        %swap3A_671 = arith.index_cast %swap3A_669 : i32 to index
        %swap3A_672 = arith.index_cast %swap3A_670 : i32 to index
        %swap3A_673 = arith.index_cast %mul3A_264 : i32 to index
        %swap3A_674 = tpu.vector_load %arg6[%swap3A_671, %swap3A_672, %swap3A_673] {strides = array<i32>} : memref<4x8x1024xf32, #tpu.memory_space<vmem>>, vector<1x1x16xf32>,
        %swap3A_675 = vector.shape_cast %swap3A_674 : vector<1x1x16xf32> to vector<16xf32>
        %swap3A_676 = vector.shape_cast %add3A_668 : vector<16xf32> to vector<1x1x16xf32>
        tpu.vector_store %arg6[%swap3A_671, %swap3A_672, %swap3A_673], %swap3A_676 {strides = array<i32>} : memref<4x8x1024xf32, #tpu.memory_space<vmem>>, vector<1x1x16xf32>,
        %get3A_677 = arith.constant 6 : i32
        %get3A_678 = arith.index_cast %get3A_677 : i32 to index
        %get3A_679 = arith.index_cast %mul3A_264 : i32 to index
        %get3A_680 = tpu.vector_load %arg9[%get3A_678, %get3A_679] {strides = array<i32>} : memref<8x1024xf32, #tpu.memory_space<vmem>>, vector<1x16xf32>,
        %get3A_681 = vector.shape_cast %get3A_680 : vector<1x16xf32> to vector<16xf32>
        %get3A_682 = arith.constant 0 : i32
        %get3A_683 = arith.constant 6 : i32
        %get3A_684 = arith.index_cast %get3A_682 : i32 to index
        %get3A_685 = arith.index_cast %get3A_683 : i32 to index
        %get3A_686 = arith.index_cast %mul3A_264 : i32 to index
        %get3A_687 = tpu.vector_load %arg6[%get3A_684, %get3A_685, %get3A_686] {strides = array<i32>} : memref<4x8x1024xf32, #tpu.memory_space<vmem>>, vector<1x1x16xf32>,
        %get3A_688 = vector.shape_cast %get3A_687 : vector<1x1x16xf32> to vector<16xf32>
        %add3A_689 = arith.addf %get3A_688, %get3A_681 : vector<16xf32>
        %swap3A_690 = arith.constant 0 : i32
        %swap3A_691 = arith.constant 6 : i32
        %swap3A_692 = arith.index_cast %swap3A_690 : i32 to index
        %swap3A_693 = arith.index_cast %swap3A_691 : i32 to index
        %swap3A_694 = arith.index_cast %mul3A_264 : i32 to index
        %swap3A_695 = tpu.vector_load %arg6[%swap3A_692, %swap3A_693, %swap3A_694] {strides = array<i32>} : memref<4x8x1024xf32, #tpu.memory_space<vmem>>, vector<1x1x16xf32>,
        %swap3A_696 = vector.shape_cast %swap3A_695 : vector<1x1x16xf32> to vector<16xf32>
        %swap3A_697 = vector.shape_cast %add3A_689 : vector<16xf32> to vector<1x1x16xf32>
        tpu.vector_store %arg6[%swap3A_692, %swap3A_693, %swap3A_694], %swap3A_697 {strides = array<i32>} : memref<4x8x1024xf32, #tpu.memory_space<vmem>>, vector<1x1x16xf32>,
        %get3A_698 = arith.constant 1 : i32
        %get3A_699 = arith.constant 6 : i32
        %get3A_700 = arith.index_cast %get3A_698 : i32 to index
        %get3A_701 = arith.index_cast %get3A_699 : i32 to index
        %get3A_702 = arith.index_cast %mul3A_264 : i32 to index
        %get3A_703 = tpu.vector_load %arg6[%get3A_700, %get3A_701, %get3A_702] {strides = array<i32>} : memref<4x8x1024xf32, #tpu.memory_space<vmem>>, vector<1x1x16xf32>,
        %get3A_704 = vector.shape_cast %get3A_703 : vector<1x1x16xf32> to vector<16xf32>
        %add3A_705 = arith.addf %get3A_704, %get3A_681 : vector<16xf32>
        %swap3A_706 = arith.constant 1 : i32
        %swap3A_707 = arith.constant 6 : i32
        %swap3A_708 = arith.index_cast %swap3A_706 : i32 to index
        %swap3A_709 = arith.index_cast %swap3A_707 : i32 to index
        %swap3A_710 = arith.index_cast %mul3A_264 : i32 to index
        %swap3A_711 = tpu.vector_load %arg6[%swap3A_708, %swap3A_709, %swap3A_710] {strides = array<i32>} : memref<4x8x1024xf32, #tpu.memory_space<vmem>>, vector<1x1x16xf32>,
        %swap3A_712 = vector.shape_cast %swap3A_711 : vector<1x1x16xf32> to vector<16xf32>
        %swap3A_713 = vector.shape_cast %add3A_705 : vector<16xf32> to vector<1x1x16xf32>
        tpu.vector_store %arg6[%swap3A_708, %swap3A_709, %swap3A_710], %swap3A_713 {strides = array<i32>} : memref<4x8x1024xf32, #tpu.memory_space<vmem>>, vector<1x1x16xf32>,
        %get3A_714 = arith.constant 2 : i32
        %get3A_715 = arith.constant 6 : i32
        %get3A_716 = arith.index_cast %get3A_714 : i32 to index
        %get3A_717 = arith.index_cast %get3A_715 : i32 to index
        %get3A_718 = arith.index_cast %mul3A_264 : i32 to index
        %get3A_719 = tpu.vector_load %arg6[%get3A_716, %get3A_717, %get3A_718] {strides = array<i32>} : memref<4x8x1024xf32, #tpu.memory_space<vmem>>, vector<1x1x16xf32>,
        %get3A_720 = vector.shape_cast %get3A_719 : vector<1x1x16xf32> to vector<16xf32>
        %add3A_721 = arith.addf %get3A_720, %get3A_681 : vector<16xf32>
        %swap3A_722 = arith.constant 2 : i32
        %swap3A_723 = arith.constant 6 : i32
        %swap3A_724 = arith.index_cast %swap3A_722 : i32 to index
        %swap3A_725 = arith.index_cast %swap3A_723 : i32 to index
        %swap3A_726 = arith.index_cast %mul3A_264 : i32 to index
        %swap3A_727 = tpu.vector_load %arg6[%swap3A_724, %swap3A_725, %swap3A_726] {strides = array<i32>} : memref<4x8x1024xf32, #tpu.memory_space<vmem>>, vector<1x1x16xf32>,
        %swap3A_728 = vector.shape_cast %swap3A_727 : vector<1x1x16xf32> to vector<16xf32>
        %swap3A_729 = vector.shape_cast %add3A_721 : vector<16xf32> to vector<1x1x16xf32>
        tpu.vector_store %arg6[%swap3A_724, %swap3A_725, %swap3A_726], %swap3A_729 {strides = array<i32>} : memref<4x8x1024xf32, #tpu.memory_space<vmem>>, vector<1x1x16xf32>,
        %get3A_730 = arith.constant 3 : i32
        %get3A_731 = arith.constant 6 : i32
        %get3A_732 = arith.index_cast %get3A_730 : i32 to index
        %get3A_733 = arith.index_cast %get3A_731 : i32 to index
        %get3A_734 = arith.index_cast %mul3A_264 : i32 to index
        %get3A_735 = tpu.vector_load %arg6[%get3A_732, %get3A_733, %get3A_734] {strides = array<i32>} : memref<4x8x1024xf32, #tpu.memory_space<vmem>>, vector<1x1x16xf32>,
        %get3A_736 = vector.shape_cast %get3A_735 : vector<1x1x16xf32> to vector<16xf32>
        %add3A_737 = arith.addf %get3A_736, %get3A_681 : vector<16xf32>
        %swap3A_738 = arith.constant 3 : i32
        %swap3A_739 = arith.constant 6 : i32
        %swap3A_740 = arith.index_cast %swap3A_738 : i32 to index
        %swap3A_741 = arith.index_cast %swap3A_739 : i32 to index
        %swap3A_742 = arith.index_cast %mul3A_264 : i32 to index
        %swap3A_743 = tpu.vector_load %arg6[%swap3A_740, %swap3A_741, %swap3A_742] {strides = array<i32>} : memref<4x8x1024xf32, #tpu.memory_space<vmem>>, vector<1x1x16xf32>,
        %swap3A_744 = vector.shape_cast %swap3A_743 : vector<1x1x16xf32> to vector<16xf32>
        %swap3A_745 = vector.shape_cast %add3A_737 : vector<16xf32> to vector<1x1x16xf32>
        tpu.vector_store %arg6[%swap3A_740, %swap3A_741, %swap3A_742], %swap3A_745 {strides = array<i32>} : memref<4x8x1024xf32, #tpu.memory_space<vmem>>, vector<1x1x16xf32>,
        %get3A_746 = arith.constant 7 : i32
        %get3A_747 = arith.index_cast %get3A_746 : i32 to index
        %get3A_748 = arith.index_cast %mul3A_264 : i32 to index
        %get3A_749 = tpu.vector_load %arg9[%get3A_747, %get3A_748] {strides = array<i32>} : memref<8x1024xf32, #tpu.memory_space<vmem>>, vector<1x16xf32>,
        %get3A_750 = vector.shape_cast %get3A_749 : vector<1x16xf32> to vector<16xf32>
        %get3A_751 = arith.constant 0 : i32
        %get3A_752 = arith.constant 7 : i32
        %get3A_753 = arith.index_cast %get3A_751 : i32 to index
        %get3A_754 = arith.index_cast %get3A_752 : i32 to index
        %get3A_755 = arith.index_cast %mul3A_264 : i32 to index
        %get3A_756 = tpu.vector_load %arg6[%get3A_753, %get3A_754, %get3A_755] {strides = array<i32>} : memref<4x8x1024xf32, #tpu.memory_space<vmem>>, vector<1x1x16xf32>,
        %get3A_757 = vector.shape_cast %get3A_756 : vector<1x1x16xf32> to vector<16xf32>
        %add3A_758 = arith.addf %get3A_757, %get3A_750 : vector<16xf32>
        %swap3A_759 = arith.constant 0 : i32
        %swap3A_760 = arith.constant 7 : i32
        %swap3A_761 = arith.index_cast %swap3A_759 : i32 to index
        %swap3A_762 = arith.index_cast %swap3A_760 : i32 to index
        %swap3A_763 = arith.index_cast %mul3A_264 : i32 to index
        %swap3A_764 = tpu.vector_load %arg6[%swap3A_761, %swap3A_762, %swap3A_763] {strides = array<i32>} : memref<4x8x1024xf32, #tpu.memory_space<vmem>>, vector<1x1x16xf32>,
        %swap3A_765 = vector.shape_cast %swap3A_764 : vector<1x1x16xf32> to vector<16xf32>
        %swap3A_766 = vector.shape_cast %add3A_758 : vector<16xf32> to vector<1x1x16xf32>
        tpu.vector_store %arg6[%swap3A_761, %swap3A_762, %swap3A_763], %swap3A_766 {strides = array<i32>} : memref<4x8x1024xf32, #tpu.memory_space<vmem>>, vector<1x1x16xf32>,
        %get3A_767 = arith.constant 1 : i32
        %get3A_768 = arith.constant 7 : i32
        %get3A_769 = arith.index_cast %get3A_767 : i32 to index
        %get3A_770 = arith.index_cast %get3A_768 : i32 to index
        %get3A_771 = arith.index_cast %mul3A_264 : i32 to index
        %get3A_772 = tpu.vector_load %arg6[%get3A_769, %get3A_770, %get3A_771] {strides = array<i32>} : memref<4x8x1024xf32, #tpu.memory_space<vmem>>, vector<1x1x16xf32>,
        %get3A_773 = vector.shape_cast %get3A_772 : vector<1x1x16xf32> to vector<16xf32>
        %add3A_774 = arith.addf %get3A_773, %get3A_750 : vector<16xf32>
        %swap3A_775 = arith.constant 1 : i32
        %swap3A_776 = arith.constant 7 : i32
        %swap3A_777 = arith.index_cast %swap3A_775 : i32 to index
        %swap3A_778 = arith.index_cast %swap3A_776 : i32 to index
        %swap3A_779 = arith.index_cast %mul3A_264 : i32 to index
        %swap3A_780 = tpu.vector_load %arg6[%swap3A_777, %swap3A_778, %swap3A_779] {strides = array<i32>} : memref<4x8x1024xf32, #tpu.memory_space<vmem>>, vector<1x1x16xf32>,
        %swap3A_781 = vector.shape_cast %swap3A_780 : vector<1x1x16xf32> to vector<16xf32>
        %swap3A_782 = vector.shape_cast %add3A_774 : vector<16xf32> to vector<1x1x16xf32>
        tpu.vector_store %arg6[%swap3A_777, %swap3A_778, %swap3A_779], %swap3A_782 {strides = array<i32>} : memref<4x8x1024xf32, #tpu.memory_space<vmem>>, vector<1x1x16xf32>,
        %get3A_783 = arith.constant 2 : i32
        %get3A_784 = arith.constant 7 : i32
        %get3A_785 = arith.index_cast %get3A_783 : i32 to index
        %get3A_786 = arith.index_cast %get3A_784 : i32 to index
        %get3A_787 = arith.index_cast %mul3A_264 : i32 to index
        %get3A_788 = tpu.vector_load %arg6[%get3A_785, %get3A_786, %get3A_787] {strides = array<i32>} : memref<4x8x1024xf32, #tpu.memory_space<vmem>>, vector<1x1x16xf32>,
        %get3A_789 = vector.shape_cast %get3A_788 : vector<1x1x16xf32> to vector<16xf32>
        %add3A_790 = arith.addf %get3A_789, %get3A_750 : vector<16xf32>
        %swap3A_791 = arith.constant 2 : i32
        %swap3A_792 = arith.constant 7 : i32
        %swap3A_793 = arith.index_cast %swap3A_791 : i32 to index
        %swap3A_794 = arith.index_cast %swap3A_792 : i32 to index
        %swap3A_795 = arith.index_cast %mul3A_264 : i32 to index
        %swap3A_796 = tpu.vector_load %arg6[%swap3A_793, %swap3A_794, %swap3A_795] {strides = array<i32>} : memref<4x8x1024xf32, #tpu.memory_space<vmem>>, vector<1x1x16xf32>,
        %swap3A_797 = vector.shape_cast %swap3A_796 : vector<1x1x16xf32> to vector<16xf32>
        %swap3A_798 = vector.shape_cast %add3A_790 : vector<16xf32> to vector<1x1x16xf32>
        tpu.vector_store %arg6[%swap3A_793, %swap3A_794, %swap3A_795], %swap3A_798 {strides = array<i32>} : memref<4x8x1024xf32, #tpu.memory_space<vmem>>, vector<1x1x16xf32>,
        %get3A_799 = arith.constant 3 : i32
        %get3A_800 = arith.constant 7 : i32
        %get3A_801 = arith.index_cast %get3A_799 : i32 to index
        %get3A_802 = arith.index_cast %get3A_800 : i32 to index
        %get3A_803 = arith.index_cast %mul3A_264 : i32 to index
        %get3A_804 = tpu.vector_load %arg6[%get3A_801, %get3A_802, %get3A_803] {strides = array<i32>} : memref<4x8x1024xf32, #tpu.memory_space<vmem>>, vector<1x1x16xf32>,
        %get3A_805 = vector.shape_cast %get3A_804 : vector<1x1x16xf32> to vector<16xf32>
        %add3A_806 = arith.addf %get3A_805, %get3A_750 : vector<16xf32>
        %swap3A_807 = arith.constant 3 : i32
        %swap3A_808 = arith.constant 7 : i32
        %swap3A_809 = arith.index_cast %swap3A_807 : i32 to index
        %swap3A_810 = arith.index_cast %swap3A_808 : i32 to index
        %swap3A_811 = arith.index_cast %mul3A_264 : i32 to index
        %swap3A_812 = tpu.vector_load %arg6[%swap3A_809, %swap3A_810, %swap3A_811] {strides = array<i32>} : memref<4x8x1024xf32, #tpu.memory_space<vmem>>, vector<1x1x16xf32>,
        %swap3A_813 = vector.shape_cast %swap3A_812 : vector<1x1x16xf32> to vector<16xf32>
        %swap3A_814 = vector.shape_cast %add3A_806 : vector<16xf32> to vector<1x1x16xf32>
        tpu.vector_store %arg6[%swap3A_809, %swap3A_810, %swap3A_811], %swap3A_814 {strides = array<i32>} : memref<4x8x1024xf32, #tpu.memory_space<vmem>>, vector<1x1x16xf32>,
      }
      %scan3A_180 = arith.constant 64 : i32
      %mul3A_181 = arith.constant 8 : i32
      %mul3A_182 = arith.muli %add3A_155, %mul3A_181 : i32
      %add3A_183 = arith.addi %mul3A_2, %mul3A_182 : i32
      %dma_start3A_184 = arith.constant 0 : i32
      %dma_start3A_185 = arith.constant 0 : i32
      %dma_start3A_186 = tpu.memref_slice %arg4[%dma_start3A_184, %add3A_183, %dma_start3A_185] : memref<4x8192x1024xf32, #tpu.memory_space<hbm>> -> memref<4x8x1024xf32, #tpu.memory_space<hbm>>
      %dma_start3A_187 = arith.constant 0 : i32
      %dma_start3A_188 = arith.constant 0 : i32
      %dma_start3A_189 = tpu.memref_slice %arg4[%dma_start3A_187, %add3A_183, %dma_start3A_188] : memref<4x8192x1024xf32, #tpu.memory_space<hbm>> -> memref<4x8x1024xf32, #tpu.memory_space<hbm>>
      tpu.enqueue_dma source(%arg6 : memref<4x8x1024xf32, #tpu.memory_space<vmem>>) target(%dma_start3A_189 : memref<4x8x1024xf32, #tpu.memory_space<hbm>>) target_semaphore(%arg15 : memref<!tpu.dma_semaphore, #tpu.memory_space<semaphore_mem>>)
      %dma_wait3A_190 = arith.constant 0 : i32
      %dma_wait3A_191 = arith.constant 0 : i32
      %dma_wait3A_192 = tpu.memref_slice %arg4[%dma_wait3A_190, %mul3A_2, %dma_wait3A_191] : memref<4x8192x1024xf32, #tpu.memory_space<hbm>> -> memref<4x8x1024xf32, #tpu.memory_space<hbm>>
      %dma_wait3A_193 = arith.constant 0 : i32
      %dma_wait3A_194 = arith.constant 0 : i32
      %dma_wait3A_195 = tpu.memref_slice %arg4[%dma_wait3A_193, %mul3A_2, %dma_wait3A_194] : memref<4x8192x1024xf32, #tpu.memory_space<hbm>> -> memref<4x8x1024xf32, #tpu.memory_space<hbm>>
      tpu.wait_dma2 semaphore(%arg14 : memref<!tpu.dma_semaphore, #tpu.memory_space<semaphore_mem>>) src(%arg5 : memref<4x8x1024xf32, #tpu.memory_space<vmem>>) dst(%dma_wait3A_195 : memref<4x8x1024xf32, #tpu.memory_space<hbm>>)
      %add3A_196 = arith.constant 2 : i32
      %add3A_197 = arith.addi %add3A_155, %add3A_196 : i32
      %mul3A_198 = arith.constant 8 : i32
      %mul3A_199 = arith.muli %add3A_197, %mul3A_198 : i32
      %add3A_200 = arith.addi %mul3A_2, %mul3A_199 : i32
      %dma_start3A_201 = arith.constant 0 : i32
      %dma_start3A_202 = arith.constant 0 : i32
      %dma_start3A_203 = tpu.memref_slice %arg2[%dma_start3A_201, %add3A_200, %dma_start3A_202] : memref<4x8192x1024xf32, #tpu.memory_space<hbm>> -> memref<4x8x1024xf32, #tpu.memory_space<hbm>>
      %dma_start3A_204 = arith.constant 0 : i32
      %dma_start3A_205 = arith.constant 0 : i32
      %dma_start3A_206 = tpu.memref_slice %arg2[%dma_start3A_204, %add3A_200, %dma_start3A_205] : memref<4x8192x1024xf32, #tpu.memory_space<hbm>> -> memref<4x8x1024xf32, #tpu.memory_space<hbm>>
      tpu.enqueue_dma source(%dma_start3A_206 : memref<4x8x1024xf32, #tpu.memory_space<hbm>>) target(%arg5 : memref<4x8x1024xf32, #tpu.memory_space<vmem>>) target_semaphore(%arg11 : memref<!tpu.dma_semaphore, #tpu.memory_space<semaphore_mem>>)
      %mul3A_207 = arith.constant 3 : i32
      %mul3A_208 = arith.muli %mul3A_207, %scan3A_100 : i32
      %add3A_209 = arith.constant 2 : i32
      %add3A_210 = arith.addi %mul3A_208, %add3A_209 : i32
      %dma_wait3A_211 = arith.constant 0 : i32
      %dma_wait3A_212 = arith.constant 0 : i32
      %dma_wait3A_213 = tpu.memref_slice %arg2[%dma_wait3A_211, %mul3A_2, %dma_wait3A_212] : memref<4x8192x1024xf32, #tpu.memory_space<hbm>> -> memref<4x8x1024xf32, #tpu.memory_space<hbm>>
      %dma_wait3A_214 = arith.constant 0 : i32
      %dma_wait3A_215 = arith.constant 0 : i32
      %dma_wait3A_216 = tpu.memref_slice %arg2[%dma_wait3A_214, %mul3A_2, %dma_wait3A_215] : memref<4x8192x1024xf32, #tpu.memory_space<hbm>> -> memref<4x8x1024xf32, #tpu.memory_space<hbm>>
      tpu.wait_dma2 semaphore(%arg13 : memref<!tpu.dma_semaphore, #tpu.memory_space<semaphore_mem>>) src(%dma_wait3A_216 : memref<4x8x1024xf32, #tpu.memory_space<hbm>>) dst(%arg7 : memref<4x8x1024xf32, #tpu.memory_space<vmem>>)
      %dma_wait3A_217 = arith.constant 0 : i32
      %dma_wait3A_218 = tpu.memref_slice %arg3[%mul3A_2, %dma_wait3A_217] : memref<8192x1024xf32, #tpu.memory_space<hbm>> -> memref<8x1024xf32, #tpu.memory_space<hbm>>
      %dma_wait3A_219 = arith.constant 0 : i32
      %dma_wait3A_220 = tpu.memref_slice %arg3[%mul3A_2, %dma_wait3A_219] : memref<8192x1024xf32, #tpu.memory_space<hbm>> -> memref<8x1024xf32, #tpu.memory_space<hbm>>
      tpu.wait_dma2 semaphore(%arg19 : memref<!tpu.dma_semaphore, #tpu.memory_space<semaphore_mem>>) src(%dma_wait3A_220 : memref<8x1024xf32, #tpu.memory_space<hbm>>) dst(%arg10 : memref<8x1024xf32, #tpu.memory_space<vmem>>)
      %add3A_221 = arith.constant 1 : i32
      %add3A_222 = arith.addi %add3A_210, %add3A_221 : i32
      %mul3A_223 = arith.constant 8 : i32
      %mul3A_224 = arith.muli %add3A_222, %mul3A_223 : i32
      %add3A_225 = arith.addi %mul3A_2, %mul3A_224 : i32
      %dma_start3A_226 = arith.constant 0 : i32
      %dma_start3A_227 = tpu.memref_slice %arg3[%add3A_225, %dma_start3A_226] : memref<8192x1024xf32, #tpu.memory_space<hbm>> -> memref<8x1024xf32, #tpu.memory_space<hbm>>
      %dma_start3A_228 = arith.constant 0 : i32
      %dma_start3A_229 = tpu.memref_slice %arg3[%add3A_225, %dma_start3A_228] : memref<8192x1024xf32, #tpu.memory_space<hbm>> -> memref<8x1024xf32, #tpu.memory_space<hbm>>
      tpu.enqueue_dma source(%dma_start3A_229 : memref<8x1024xf32, #tpu.memory_space<hbm>>) target(%arg8 : memref<8x1024xf32, #tpu.memory_space<vmem>>) target_semaphore(%arg17 : memref<!tpu.dma_semaphore, #tpu.memory_space<semaphore_mem>>)
      %scan3A_230 = arith.constant 0 : i32
      %scan3A_231 = arith.constant 0 : i32
      %scan3A_232 = arith.constant 64 : i32
      %scan3A_233 = arith.addi %scan3A_231, %scan3A_232 : i32
      %scan3A_234 = arith.constant 1 : i32
      scf.for %scan3A_262 = %scan3A_231 to %scan3A_233 step %scan3A_234  : i32 {
        %mul3A_263 = arith.constant 16 : i32
        %mul3A_264 = arith.muli %scan3A_262, %mul3A_263 : i32
        %get3A = arith.constant 0 : i32
        %get3A_265 = arith.index_cast %get3A : i32 to index
        %get3A_266 = arith.index_cast %mul3A_264 : i32 to index
        %get3A_267 = tpu.vector_load %arg10[%get3A_265, %get3A_266] {strides = array<i32>} : memref<8x1024xf32, #tpu.memory_space<vmem>>, vector<1x16xf32>,
        %get3A_268 = vector.shape_cast %get3A_267 : vector<1x16xf32> to vector<16xf32>
        %get3A_269 = arith.constant 0 : i32
        %get3A_270 = arith.constant 0 : i32
        %get3A_271 = arith.index_cast %get3A_269 : i32 to index
        %get3A_272 = arith.index_cast %get3A_270 : i32 to index
        %get3A_273 = arith.index_cast %mul3A_264 : i32 to index
        %get3A_274 = tpu.vector_load %arg7[%get3A_271, %get3A_272, %get3A_273] {strides = array<i32>} : memref<4x8x1024xf32, #tpu.memory_space<vmem>>, vector<1x1x16xf32>,
        %get3A_275 = vector.shape_cast %get3A_274 : vector<1x1x16xf32> to vector<16xf32>
        %add3A_276 = arith.addf %get3A_275, %get3A_268 : vector<16xf32>
        %swap3A = arith.constant 0 : i32
        %swap3A_277 = arith.constant 0 : i32
        %swap3A_278 = arith.index_cast %swap3A : i32 to index
        %swap3A_279 = arith.index_cast %swap3A_277 : i32 to index
        %swap3A_280 = arith.index_cast %mul3A_264 : i32 to index
        %swap3A_281 = tpu.vector_load %arg7[%swap3A_278, %swap3A_279, %swap3A_280] {strides = array<i32>} : memref<4x8x1024xf32, #tpu.memory_space<vmem>>, vector<1x1x16xf32>,
        %swap3A_282 = vector.shape_cast %swap3A_281 : vector<1x1x16xf32> to vector<16xf32>
        %swap3A_283 = vector.shape_cast %add3A_276 : vector<16xf32> to vector<1x1x16xf32>
        tpu.vector_store %arg7[%swap3A_278, %swap3A_279, %swap3A_280], %swap3A_283 {strides = array<i32>} : memref<4x8x1024xf32, #tpu.memory_space<vmem>>, vector<1x1x16xf32>,
        %get3A_284 = arith.constant 1 : i32
        %get3A_285 = arith.constant 0 : i32
        %get3A_286 = arith.index_cast %get3A_284 : i32 to index
        %get3A_287 = arith.index_cast %get3A_285 : i32 to index
        %get3A_288 = arith.index_cast %mul3A_264 : i32 to index
        %get3A_289 = tpu.vector_load %arg7[%get3A_286, %get3A_287, %get3A_288] {strides = array<i32>} : memref<4x8x1024xf32, #tpu.memory_space<vmem>>, vector<1x1x16xf32>,
        %get3A_290 = vector.shape_cast %get3A_289 : vector<1x1x16xf32> to vector<16xf32>
        %add3A_291 = arith.addf %get3A_290, %get3A_268 : vector<16xf32>
        %swap3A_292 = arith.constant 1 : i32
        %swap3A_293 = arith.constant 0 : i32
        %swap3A_294 = arith.index_cast %swap3A_292 : i32 to index
        %swap3A_295 = arith.index_cast %swap3A_293 : i32 to index
        %swap3A_296 = arith.index_cast %mul3A_264 : i32 to index
        %swap3A_297 = tpu.vector_load %arg7[%swap3A_294, %swap3A_295, %swap3A_296] {strides = array<i32>} : memref<4x8x1024xf32, #tpu.memory_space<vmem>>, vector<1x1x16xf32>,
        %swap3A_298 = vector.shape_cast %swap3A_297 : vector<1x1x16xf32> to vector<16xf32>
        %swap3A_299 = vector.shape_cast %add3A_291 : vector<16xf32> to vector<1x1x16xf32>
        tpu.vector_store %arg7[%swap3A_294, %swap3A_295, %swap3A_296], %swap3A_299 {strides = array<i32>} : memref<4x8x1024xf32, #tpu.memory_space<vmem>>, vector<1x1x16xf32>,
        %get3A_300 = arith.constant 2 : i32
        %get3A_301 = arith.constant 0 : i32
        %get3A_302 = arith.index_cast %get3A_300 : i32 to index
        %get3A_303 = arith.index_cast %get3A_301 : i32 to index
        %get3A_304 = arith.index_cast %mul3A_264 : i32 to index
        %get3A_305 = tpu.vector_load %arg7[%get3A_302, %get3A_303, %get3A_304] {strides = array<i32>} : memref<4x8x1024xf32, #tpu.memory_space<vmem>>, vector<1x1x16xf32>,
        %get3A_306 = vector.shape_cast %get3A_305 : vector<1x1x16xf32> to vector<16xf32>
        %add3A_307 = arith.addf %get3A_306, %get3A_268 : vector<16xf32>
        %swap3A_308 = arith.constant 2 : i32
        %swap3A_309 = arith.constant 0 : i32
        %swap3A_310 = arith.index_cast %swap3A_308 : i32 to index
        %swap3A_311 = arith.index_cast %swap3A_309 : i32 to index
        %swap3A_312 = arith.index_cast %mul3A_264 : i32 to index
        %swap3A_313 = tpu.vector_load %arg7[%swap3A_310, %swap3A_311, %swap3A_312] {strides = array<i32>} : memref<4x8x1024xf32, #tpu.memory_space<vmem>>, vector<1x1x16xf32>,
        %swap3A_314 = vector.shape_cast %swap3A_313 : vector<1x1x16xf32> to vector<16xf32>
        %swap3A_315 = vector.shape_cast %add3A_307 : vector<16xf32> to vector<1x1x16xf32>
        tpu.vector_store %arg7[%swap3A_310, %swap3A_311, %swap3A_312], %swap3A_315 {strides = array<i32>} : memref<4x8x1024xf32, #tpu.memory_space<vmem>>, vector<1x1x16xf32>,
        %get3A_316 = arith.constant 3 : i32
        %get3A_317 = arith.constant 0 : i32
        %get3A_318 = arith.index_cast %get3A_316 : i32 to index
        %get3A_319 = arith.index_cast %get3A_317 : i32 to index
        %get3A_320 = arith.index_cast %mul3A_264 : i32 to index
        %get3A_321 = tpu.vector_load %arg7[%get3A_318, %get3A_319, %get3A_320] {strides = array<i32>} : memref<4x8x1024xf32, #tpu.memory_space<vmem>>, vector<1x1x16xf32>,
        %get3A_322 = vector.shape_cast %get3A_321 : vector<1x1x16xf32> to vector<16xf32>
        %add3A_323 = arith.addf %get3A_322, %get3A_268 : vector<16xf32>
        %swap3A_324 = arith.constant 3 : i32
        %swap3A_325 = arith.constant 0 : i32
        %swap3A_326 = arith.index_cast %swap3A_324 : i32 to index
        %swap3A_327 = arith.index_cast %swap3A_325 : i32 to index
        %swap3A_328 = arith.index_cast %mul3A_264 : i32 to index
        %swap3A_329 = tpu.vector_load %arg7[%swap3A_326, %swap3A_327, %swap3A_328] {strides = array<i32>} : memref<4x8x1024xf32, #tpu.memory_space<vmem>>, vector<1x1x16xf32>,
        %swap3A_330 = vector.shape_cast %swap3A_329 : vector<1x1x16xf32> to vector<16xf32>
        %swap3A_331 = vector.shape_cast %add3A_323 : vector<16xf32> to vector<1x1x16xf32>
        tpu.vector_store %arg7[%swap3A_326, %swap3A_327, %swap3A_328], %swap3A_331 {strides = array<i32>} : memref<4x8x1024xf32, #tpu.memory_space<vmem>>, vector<1x1x16xf32>,
        %get3A_332 = arith.constant 1 : i32
        %get3A_333 = arith.index_cast %get3A_332 : i32 to index
        %get3A_334 = arith.index_cast %mul3A_264 : i32 to index
        %get3A_335 = tpu.vector_load %arg10[%get3A_333, %get3A_334] {strides = array<i32>} : memref<8x1024xf32, #tpu.memory_space<vmem>>, vector<1x16xf32>,
        %get3A_336 = vector.shape_cast %get3A_335 : vector<1x16xf32> to vector<16xf32>
        %get3A_337 = arith.constant 0 : i32
        %get3A_338 = arith.constant 1 : i32
        %get3A_339 = arith.index_cast %get3A_337 : i32 to index
        %get3A_340 = arith.index_cast %get3A_338 : i32 to index
        %get3A_341 = arith.index_cast %mul3A_264 : i32 to index
        %get3A_342 = tpu.vector_load %arg7[%get3A_339, %get3A_340, %get3A_341] {strides = array<i32>} : memref<4x8x1024xf32, #tpu.memory_space<vmem>>, vector<1x1x16xf32>,
        %get3A_343 = vector.shape_cast %get3A_342 : vector<1x1x16xf32> to vector<16xf32>
        %add3A_344 = arith.addf %get3A_343, %get3A_336 : vector<16xf32>
        %swap3A_345 = arith.constant 0 : i32
        %swap3A_346 = arith.constant 1 : i32
        %swap3A_347 = arith.index_cast %swap3A_345 : i32 to index
        %swap3A_348 = arith.index_cast %swap3A_346 : i32 to index
        %swap3A_349 = arith.index_cast %mul3A_264 : i32 to index
        %swap3A_350 = tpu.vector_load %arg7[%swap3A_347, %swap3A_348, %swap3A_349] {strides = array<i32>} : memref<4x8x1024xf32, #tpu.memory_space<vmem>>, vector<1x1x16xf32>,
        %swap3A_351 = vector.shape_cast %swap3A_350 : vector<1x1x16xf32> to vector<16xf32>
        %swap3A_352 = vector.shape_cast %add3A_344 : vector<16xf32> to vector<1x1x16xf32>
        tpu.vector_store %arg7[%swap3A_347, %swap3A_348, %swap3A_349], %swap3A_352 {strides = array<i32>} : memref<4x8x1024xf32, #tpu.memory_space<vmem>>, vector<1x1x16xf32>,
        %get3A_353 = arith.constant 1 : i32
        %get3A_354 = arith.constant 1 : i32
        %get3A_355 = arith.index_cast %get3A_353 : i32 to index
        %get3A_356 = arith.index_cast %get3A_354 : i32 to index
        %get3A_357 = arith.index_cast %mul3A_264 : i32 to index
        %get3A_358 = tpu.vector_load %arg7[%get3A_355, %get3A_356, %get3A_357] {strides = array<i32>} : memref<4x8x1024xf32, #tpu.memory_space<vmem>>, vector<1x1x16xf32>,
        %get3A_359 = vector.shape_cast %get3A_358 : vector<1x1x16xf32> to vector<16xf32>
        %add3A_360 = arith.addf %get3A_359, %get3A_336 : vector<16xf32>
        %swap3A_361 = arith.constant 1 : i32
        %swap3A_362 = arith.constant 1 : i32
        %swap3A_363 = arith.index_cast %swap3A_361 : i32 to index
        %swap3A_364 = arith.index_cast %swap3A_362 : i32 to index
        %swap3A_365 = arith.index_cast %mul3A_264 : i32 to index
        %swap3A_366 = tpu.vector_load %arg7[%swap3A_363, %swap3A_364, %swap3A_365] {strides = array<i32>} : memref<4x8x1024xf32, #tpu.memory_space<vmem>>, vector<1x1x16xf32>,
        %swap3A_367 = vector.shape_cast %swap3A_366 : vector<1x1x16xf32> to vector<16xf32>
        %swap3A_368 = vector.shape_cast %add3A_360 : vector<16xf32> to vector<1x1x16xf32>
        tpu.vector_store %arg7[%swap3A_363, %swap3A_364, %swap3A_365], %swap3A_368 {strides = array<i32>} : memref<4x8x1024xf32, #tpu.memory_space<vmem>>, vector<1x1x16xf32>,
        %get3A_369 = arith.constant 2 : i32
        %get3A_370 = arith.constant 1 : i32
        %get3A_371 = arith.index_cast %get3A_369 : i32 to index
        %get3A_372 = arith.index_cast %get3A_370 : i32 to index
        %get3A_373 = arith.index_cast %mul3A_264 : i32 to index
        %get3A_374 = tpu.vector_load %arg7[%get3A_371, %get3A_372, %get3A_373] {strides = array<i32>} : memref<4x8x1024xf32, #tpu.memory_space<vmem>>, vector<1x1x16xf32>,
        %get3A_375 = vector.shape_cast %get3A_374 : vector<1x1x16xf32> to vector<16xf32>
        %add3A_376 = arith.addf %get3A_375, %get3A_336 : vector<16xf32>
        %swap3A_377 = arith.constant 2 : i32
        %swap3A_378 = arith.constant 1 : i32
        %swap3A_379 = arith.index_cast %swap3A_377 : i32 to index
        %swap3A_380 = arith.index_cast %swap3A_378 : i32 to index
        %swap3A_381 = arith.index_cast %mul3A_264 : i32 to index
        %swap3A_382 = tpu.vector_load %arg7[%swap3A_379, %swap3A_380, %swap3A_381] {strides = array<i32>} : memref<4x8x1024xf32, #tpu.memory_space<vmem>>, vector<1x1x16xf32>,
        %swap3A_383 = vector.shape_cast %swap3A_382 : vector<1x1x16xf32> to vector<16xf32>
        %swap3A_384 = vector.shape_cast %add3A_376 : vector<16xf32> to vector<1x1x16xf32>
        tpu.vector_store %arg7[%swap3A_379, %swap3A_380, %swap3A_381], %swap3A_384 {strides = array<i32>} : memref<4x8x1024xf32, #tpu.memory_space<vmem>>, vector<1x1x16xf32>,
        %get3A_385 = arith.constant 3 : i32
        %get3A_386 = arith.constant 1 : i32
        %get3A_387 = arith.index_cast %get3A_385 : i32 to index
        %get3A_388 = arith.index_cast %get3A_386 : i32 to index
        %get3A_389 = arith.index_cast %mul3A_264 : i32 to index
        %get3A_390 = tpu.vector_load %arg7[%get3A_387, %get3A_388, %get3A_389] {strides = array<i32>} : memref<4x8x1024xf32, #tpu.memory_space<vmem>>, vector<1x1x16xf32>,
        %get3A_391 = vector.shape_cast %get3A_390 : vector<1x1x16xf32> to vector<16xf32>
        %add3A_392 = arith.addf %get3A_391, %get3A_336 : vector<16xf32>
        %swap3A_393 = arith.constant 3 : i32
        %swap3A_394 = arith.constant 1 : i32
        %swap3A_395 = arith.index_cast %swap3A_393 : i32 to index
        %swap3A_396 = arith.index_cast %swap3A_394 : i32 to index
        %swap3A_397 = arith.index_cast %mul3A_264 : i32 to index
        %swap3A_398 = tpu.vector_load %arg7[%swap3A_395, %swap3A_396, %swap3A_397] {strides = array<i32>} : memref<4x8x1024xf32, #tpu.memory_space<vmem>>, vector<1x1x16xf32>,
        %swap3A_399 = vector.shape_cast %swap3A_398 : vector<1x1x16xf32> to vector<16xf32>
        %swap3A_400 = vector.shape_cast %add3A_392 : vector<16xf32> to vector<1x1x16xf32>
        tpu.vector_store %arg7[%swap3A_395, %swap3A_396, %swap3A_397], %swap3A_400 {strides = array<i32>} : memref<4x8x1024xf32, #tpu.memory_space<vmem>>, vector<1x1x16xf32>,
        %get3A_401 = arith.constant 2 : i32
        %get3A_402 = arith.index_cast %get3A_401 : i32 to index
        %get3A_403 = arith.index_cast %mul3A_264 : i32 to index
        %get3A_404 = tpu.vector_load %arg10[%get3A_402, %get3A_403] {strides = array<i32>} : memref<8x1024xf32, #tpu.memory_space<vmem>>, vector<1x16xf32>,
        %get3A_405 = vector.shape_cast %get3A_404 : vector<1x16xf32> to vector<16xf32>
        %get3A_406 = arith.constant 0 : i32
        %get3A_407 = arith.constant 2 : i32
        %get3A_408 = arith.index_cast %get3A_406 : i32 to index
        %get3A_409 = arith.index_cast %get3A_407 : i32 to index
        %get3A_410 = arith.index_cast %mul3A_264 : i32 to index
        %get3A_411 = tpu.vector_load %arg7[%get3A_408, %get3A_409, %get3A_410] {strides = array<i32>} : memref<4x8x1024xf32, #tpu.memory_space<vmem>>, vector<1x1x16xf32>,
        %get3A_412 = vector.shape_cast %get3A_411 : vector<1x1x16xf32> to vector<16xf32>
        %add3A_413 = arith.addf %get3A_412, %get3A_405 : vector<16xf32>
        %swap3A_414 = arith.constant 0 : i32
        %swap3A_415 = arith.constant 2 : i32
        %swap3A_416 = arith.index_cast %swap3A_414 : i32 to index
        %swap3A_417 = arith.index_cast %swap3A_415 : i32 to index
        %swap3A_418 = arith.index_cast %mul3A_264 : i32 to index
        %swap3A_419 = tpu.vector_load %arg7[%swap3A_416, %swap3A_417, %swap3A_418] {strides = array<i32>} : memref<4x8x1024xf32, #tpu.memory_space<vmem>>, vector<1x1x16xf32>,
        %swap3A_420 = vector.shape_cast %swap3A_419 : vector<1x1x16xf32> to vector<16xf32>
        %swap3A_421 = vector.shape_cast %add3A_413 : vector<16xf32> to vector<1x1x16xf32>
        tpu.vector_store %arg7[%swap3A_416, %swap3A_417, %swap3A_418], %swap3A_421 {strides = array<i32>} : memref<4x8x1024xf32, #tpu.memory_space<vmem>>, vector<1x1x16xf32>,
        %get3A_422 = arith.constant 1 : i32
        %get3A_423 = arith.constant 2 : i32
        %get3A_424 = arith.index_cast %get3A_422 : i32 to index
        %get3A_425 = arith.index_cast %get3A_423 : i32 to index
        %get3A_426 = arith.index_cast %mul3A_264 : i32 to index
        %get3A_427 = tpu.vector_load %arg7[%get3A_424, %get3A_425, %get3A_426] {strides = array<i32>} : memref<4x8x1024xf32, #tpu.memory_space<vmem>>, vector<1x1x16xf32>,
        %get3A_428 = vector.shape_cast %get3A_427 : vector<1x1x16xf32> to vector<16xf32>
        %add3A_429 = arith.addf %get3A_428, %get3A_405 : vector<16xf32>
        %swap3A_430 = arith.constant 1 : i32
        %swap3A_431 = arith.constant 2 : i32
        %swap3A_432 = arith.index_cast %swap3A_430 : i32 to index
        %swap3A_433 = arith.index_cast %swap3A_431 : i32 to index
        %swap3A_434 = arith.index_cast %mul3A_264 : i32 to index
        %swap3A_435 = tpu.vector_load %arg7[%swap3A_432, %swap3A_433, %swap3A_434] {strides = array<i32>} : memref<4x8x1024xf32, #tpu.memory_space<vmem>>, vector<1x1x16xf32>,
        %swap3A_436 = vector.shape_cast %swap3A_435 : vector<1x1x16xf32> to vector<16xf32>
        %swap3A_437 = vector.shape_cast %add3A_429 : vector<16xf32> to vector<1x1x16xf32>
        tpu.vector_store %arg7[%swap3A_432, %swap3A_433, %swap3A_434], %swap3A_437 {strides = array<i32>} : memref<4x8x1024xf32, #tpu.memory_space<vmem>>, vector<1x1x16xf32>,
        %get3A_438 = arith.constant 2 : i32
        %get3A_439 = arith.constant 2 : i32
        %get3A_440 = arith.index_cast %get3A_438 : i32 to index
        %get3A_441 = arith.index_cast %get3A_439 : i32 to index
        %get3A_442 = arith.index_cast %mul3A_264 : i32 to index
        %get3A_443 = tpu.vector_load %arg7[%get3A_440, %get3A_441, %get3A_442] {strides = array<i32>} : memref<4x8x1024xf32, #tpu.memory_space<vmem>>, vector<1x1x16xf32>,
        %get3A_444 = vector.shape_cast %get3A_443 : vector<1x1x16xf32> to vector<16xf32>
        %add3A_445 = arith.addf %get3A_444, %get3A_405 : vector<16xf32>
        %swap3A_446 = arith.constant 2 : i32
        %swap3A_447 = arith.constant 2 : i32
        %swap3A_448 = arith.index_cast %swap3A_446 : i32 to index
        %swap3A_449 = arith.index_cast %swap3A_447 : i32 to index
        %swap3A_450 = arith.index_cast %mul3A_264 : i32 to index
        %swap3A_451 = tpu.vector_load %arg7[%swap3A_448, %swap3A_449, %swap3A_450] {strides = array<i32>} : memref<4x8x1024xf32, #tpu.memory_space<vmem>>, vector<1x1x16xf32>,
        %swap3A_452 = vector.shape_cast %swap3A_451 : vector<1x1x16xf32> to vector<16xf32>
        %swap3A_453 = vector.shape_cast %add3A_445 : vector<16xf32> to vector<1x1x16xf32>
        tpu.vector_store %arg7[%swap3A_448, %swap3A_449, %swap3A_450], %swap3A_453 {strides = array<i32>} : memref<4x8x1024xf32, #tpu.memory_space<vmem>>, vector<1x1x16xf32>,
        %get3A_454 = arith.constant 3 : i32
        %get3A_455 = arith.constant 2 : i32
        %get3A_456 = arith.index_cast %get3A_454 : i32 to index
        %get3A_457 = arith.index_cast %get3A_455 : i32 to index
        %get3A_458 = arith.index_cast %mul3A_264 : i32 to index
        %get3A_459 = tpu.vector_load %arg7[%get3A_456, %get3A_457, %get3A_458] {strides = array<i32>} : memref<4x8x1024xf32, #tpu.memory_space<vmem>>, vector<1x1x16xf32>,
        %get3A_460 = vector.shape_cast %get3A_459 : vector<1x1x16xf32> to vector<16xf32>
        %add3A_461 = arith.addf %get3A_460, %get3A_405 : vector<16xf32>
        %swap3A_462 = arith.constant 3 : i32
        %swap3A_463 = arith.constant 2 : i32
        %swap3A_464 = arith.index_cast %swap3A_462 : i32 to index
        %swap3A_465 = arith.index_cast %swap3A_463 : i32 to index
        %swap3A_466 = arith.index_cast %mul3A_264 : i32 to index
        %swap3A_467 = tpu.vector_load %arg7[%swap3A_464, %swap3A_465, %swap3A_466] {strides = array<i32>} : memref<4x8x1024xf32, #tpu.memory_space<vmem>>, vector<1x1x16xf32>,
        %swap3A_468 = vector.shape_cast %swap3A_467 : vector<1x1x16xf32> to vector<16xf32>
        %swap3A_469 = vector.shape_cast %add3A_461 : vector<16xf32> to vector<1x1x16xf32>
        tpu.vector_store %arg7[%swap3A_464, %swap3A_465, %swap3A_466], %swap3A_469 {strides = array<i32>} : memref<4x8x1024xf32, #tpu.memory_space<vmem>>, vector<1x1x16xf32>,
        %get3A_470 = arith.constant 3 : i32
        %get3A_471 = arith.index_cast %get3A_470 : i32 to index
        %get3A_472 = arith.index_cast %mul3A_264 : i32 to index
        %get3A_473 = tpu.vector_load %arg10[%get3A_471, %get3A_472] {strides = array<i32>} : memref<8x1024xf32, #tpu.memory_space<vmem>>, vector<1x16xf32>,
        %get3A_474 = vector.shape_cast %get3A_473 : vector<1x16xf32> to vector<16xf32>
        %get3A_475 = arith.constant 0 : i32
        %get3A_476 = arith.constant 3 : i32
        %get3A_477 = arith.index_cast %get3A_475 : i32 to index
        %get3A_478 = arith.index_cast %get3A_476 : i32 to index
        %get3A_479 = arith.index_cast %mul3A_264 : i32 to index
        %get3A_480 = tpu.vector_load %arg7[%get3A_477, %get3A_478, %get3A_479] {strides = array<i32>} : memref<4x8x1024xf32, #tpu.memory_space<vmem>>, vector<1x1x16xf32>,
        %get3A_481 = vector.shape_cast %get3A_480 : vector<1x1x16xf32> to vector<16xf32>
        %add3A_482 = arith.addf %get3A_481, %get3A_474 : vector<16xf32>
        %swap3A_483 = arith.constant 0 : i32
        %swap3A_484 = arith.constant 3 : i32
        %swap3A_485 = arith.index_cast %swap3A_483 : i32 to index
        %swap3A_486 = arith.index_cast %swap3A_484 : i32 to index
        %swap3A_487 = arith.index_cast %mul3A_264 : i32 to index
        %swap3A_488 = tpu.vector_load %arg7[%swap3A_485, %swap3A_486, %swap3A_487] {strides = array<i32>} : memref<4x8x1024xf32, #tpu.memory_space<vmem>>, vector<1x1x16xf32>,
        %swap3A_489 = vector.shape_cast %swap3A_488 : vector<1x1x16xf32> to vector<16xf32>
        %swap3A_490 = vector.shape_cast %add3A_482 : vector<16xf32> to vector<1x1x16xf32>
        tpu.vector_store %arg7[%swap3A_485, %swap3A_486, %swap3A_487], %swap3A_490 {strides = array<i32>} : memref<4x8x1024xf32, #tpu.memory_space<vmem>>, vector<1x1x16xf32>,
        %get3A_491 = arith.constant 1 : i32
        %get3A_492 = arith.constant 3 : i32
        %get3A_493 = arith.index_cast %get3A_491 : i32 to index
        %get3A_494 = arith.index_cast %get3A_492 : i32 to index
        %get3A_495 = arith.index_cast %mul3A_264 : i32 to index
        %get3A_496 = tpu.vector_load %arg7[%get3A_493, %get3A_494, %get3A_495] {strides = array<i32>} : memref<4x8x1024xf32, #tpu.memory_space<vmem>>, vector<1x1x16xf32>,
        %get3A_497 = vector.shape_cast %get3A_496 : vector<1x1x16xf32> to vector<16xf32>
        %add3A_498 = arith.addf %get3A_497, %get3A_474 : vector<16xf32>
        %swap3A_499 = arith.constant 1 : i32
        %swap3A_500 = arith.constant 3 : i32
        %swap3A_501 = arith.index_cast %swap3A_499 : i32 to index
        %swap3A_502 = arith.index_cast %swap3A_500 : i32 to index
        %swap3A_503 = arith.index_cast %mul3A_264 : i32 to index
        %swap3A_504 = tpu.vector_load %arg7[%swap3A_501, %swap3A_502, %swap3A_503] {strides = array<i32>} : memref<4x8x1024xf32, #tpu.memory_space<vmem>>, vector<1x1x16xf32>,
        %swap3A_505 = vector.shape_cast %swap3A_504 : vector<1x1x16xf32> to vector<16xf32>
        %swap3A_506 = vector.shape_cast %add3A_498 : vector<16xf32> to vector<1x1x16xf32>
        tpu.vector_store %arg7[%swap3A_501, %swap3A_502, %swap3A_503], %swap3A_506 {strides = array<i32>} : memref<4x8x1024xf32, #tpu.memory_space<vmem>>, vector<1x1x16xf32>,
        %get3A_507 = arith.constant 2 : i32
        %get3A_508 = arith.constant 3 : i32
        %get3A_509 = arith.index_cast %get3A_507 : i32 to index
        %get3A_510 = arith.index_cast %get3A_508 : i32 to index
        %get3A_511 = arith.index_cast %mul3A_264 : i32 to index
        %get3A_512 = tpu.vector_load %arg7[%get3A_509, %get3A_510, %get3A_511] {strides = array<i32>} : memref<4x8x1024xf32, #tpu.memory_space<vmem>>, vector<1x1x16xf32>,
        %get3A_513 = vector.shape_cast %get3A_512 : vector<1x1x16xf32> to vector<16xf32>
        %add3A_514 = arith.addf %get3A_513, %get3A_474 : vector<16xf32>
        %swap3A_515 = arith.constant 2 : i32
        %swap3A_516 = arith.constant 3 : i32
        %swap3A_517 = arith.index_cast %swap3A_515 : i32 to index
        %swap3A_518 = arith.index_cast %swap3A_516 : i32 to index
        %swap3A_519 = arith.index_cast %mul3A_264 : i32 to index
        %swap3A_520 = tpu.vector_load %arg7[%swap3A_517, %swap3A_518, %swap3A_519] {strides = array<i32>} : memref<4x8x1024xf32, #tpu.memory_space<vmem>>, vector<1x1x16xf32>,
        %swap3A_521 = vector.shape_cast %swap3A_520 : vector<1x1x16xf32> to vector<16xf32>
        %swap3A_522 = vector.shape_cast %add3A_514 : vector<16xf32> to vector<1x1x16xf32>
        tpu.vector_store %arg7[%swap3A_517, %swap3A_518, %swap3A_519], %swap3A_522 {strides = array<i32>} : memref<4x8x1024xf32, #tpu.memory_space<vmem>>, vector<1x1x16xf32>,
        %get3A_523 = arith.constant 3 : i32
        %get3A_524 = arith.constant 3 : i32
        %get3A_525 = arith.index_cast %get3A_523 : i32 to index
        %get3A_526 = arith.index_cast %get3A_524 : i32 to index
        %get3A_527 = arith.index_cast %mul3A_264 : i32 to index
        %get3A_528 = tpu.vector_load %arg7[%get3A_525, %get3A_526, %get3A_527] {strides = array<i32>} : memref<4x8x1024xf32, #tpu.memory_space<vmem>>, vector<1x1x16xf32>,
        %get3A_529 = vector.shape_cast %get3A_528 : vector<1x1x16xf32> to vector<16xf32>
        %add3A_530 = arith.addf %get3A_529, %get3A_474 : vector<16xf32>
        %swap3A_531 = arith.constant 3 : i32
        %swap3A_532 = arith.constant 3 : i32
        %swap3A_533 = arith.index_cast %swap3A_531 : i32 to index
        %swap3A_534 = arith.index_cast %swap3A_532 : i32 to index
        %swap3A_535 = arith.index_cast %mul3A_264 : i32 to index
        %swap3A_536 = tpu.vector_load %arg7[%swap3A_533, %swap3A_534, %swap3A_535] {strides = array<i32>} : memref<4x8x1024xf32, #tpu.memory_space<vmem>>, vector<1x1x16xf32>,
        %swap3A_537 = vector.shape_cast %swap3A_536 : vector<1x1x16xf32> to vector<16xf32>
        %swap3A_538 = vector.shape_cast %add3A_530 : vector<16xf32> to vector<1x1x16xf32>
        tpu.vector_store %arg7[%swap3A_533, %swap3A_534, %swap3A_535], %swap3A_538 {strides = array<i32>} : memref<4x8x1024xf32, #tpu.memory_space<vmem>>, vector<1x1x16xf32>,
        %get3A_539 = arith.constant 4 : i32
        %get3A_540 = arith.index_cast %get3A_539 : i32 to index
        %get3A_541 = arith.index_cast %mul3A_264 : i32 to index
        %get3A_542 = tpu.vector_load %arg10[%get3A_540, %get3A_541] {strides = array<i32>} : memref<8x1024xf32, #tpu.memory_space<vmem>>, vector<1x16xf32>,
        %get3A_543 = vector.shape_cast %get3A_542 : vector<1x16xf32> to vector<16xf32>
        %get3A_544 = arith.constant 0 : i32
        %get3A_545 = arith.constant 4 : i32
        %get3A_546 = arith.index_cast %get3A_544 : i32 to index
        %get3A_547 = arith.index_cast %get3A_545 : i32 to index
        %get3A_548 = arith.index_cast %mul3A_264 : i32 to index
        %get3A_549 = tpu.vector_load %arg7[%get3A_546, %get3A_547, %get3A_548] {strides = array<i32>} : memref<4x8x1024xf32, #tpu.memory_space<vmem>>, vector<1x1x16xf32>,
        %get3A_550 = vector.shape_cast %get3A_549 : vector<1x1x16xf32> to vector<16xf32>
        %add3A_551 = arith.addf %get3A_550, %get3A_543 : vector<16xf32>
        %swap3A_552 = arith.constant 0 : i32
        %swap3A_553 = arith.constant 4 : i32
        %swap3A_554 = arith.index_cast %swap3A_552 : i32 to index
        %swap3A_555 = arith.index_cast %swap3A_553 : i32 to index
        %swap3A_556 = arith.index_cast %mul3A_264 : i32 to index
        %swap3A_557 = tpu.vector_load %arg7[%swap3A_554, %swap3A_555, %swap3A_556] {strides = array<i32>} : memref<4x8x1024xf32, #tpu.memory_space<vmem>>, vector<1x1x16xf32>,
        %swap3A_558 = vector.shape_cast %swap3A_557 : vector<1x1x16xf32> to vector<16xf32>
        %swap3A_559 = vector.shape_cast %add3A_551 : vector<16xf32> to vector<1x1x16xf32>
        tpu.vector_store %arg7[%swap3A_554, %swap3A_555, %swap3A_556], %swap3A_559 {strides = array<i32>} : memref<4x8x1024xf32, #tpu.memory_space<vmem>>, vector<1x1x16xf32>,
        %get3A_560 = arith.constant 1 : i32
        %get3A_561 = arith.constant 4 : i32
        %get3A_562 = arith.index_cast %get3A_560 : i32 to index
        %get3A_563 = arith.index_cast %get3A_561 : i32 to index
        %get3A_564 = arith.index_cast %mul3A_264 : i32 to index
        %get3A_565 = tpu.vector_load %arg7[%get3A_562, %get3A_563, %get3A_564] {strides = array<i32>} : memref<4x8x1024xf32, #tpu.memory_space<vmem>>, vector<1x1x16xf32>,
        %get3A_566 = vector.shape_cast %get3A_565 : vector<1x1x16xf32> to vector<16xf32>
        %add3A_567 = arith.addf %get3A_566, %get3A_543 : vector<16xf32>
        %swap3A_568 = arith.constant 1 : i32
        %swap3A_569 = arith.constant 4 : i32
        %swap3A_570 = arith.index_cast %swap3A_568 : i32 to index
        %swap3A_571 = arith.index_cast %swap3A_569 : i32 to index
        %swap3A_572 = arith.index_cast %mul3A_264 : i32 to index
        %swap3A_573 = tpu.vector_load %arg7[%swap3A_570, %swap3A_571, %swap3A_572] {strides = array<i32>} : memref<4x8x1024xf32, #tpu.memory_space<vmem>>, vector<1x1x16xf32>,
        %swap3A_574 = vector.shape_cast %swap3A_573 : vector<1x1x16xf32> to vector<16xf32>
        %swap3A_575 = vector.shape_cast %add3A_567 : vector<16xf32> to vector<1x1x16xf32>
        tpu.vector_store %arg7[%swap3A_570, %swap3A_571, %swap3A_572], %swap3A_575 {strides = array<i32>} : memref<4x8x1024xf32, #tpu.memory_space<vmem>>, vector<1x1x16xf32>,
        %get3A_576 = arith.constant 2 : i32
        %get3A_577 = arith.constant 4 : i32
        %get3A_578 = arith.index_cast %get3A_576 : i32 to index
        %get3A_579 = arith.index_cast %get3A_577 : i32 to index
        %get3A_580 = arith.index_cast %mul3A_264 : i32 to index
        %get3A_581 = tpu.vector_load %arg7[%get3A_578, %get3A_579, %get3A_580] {strides = array<i32>} : memref<4x8x1024xf32, #tpu.memory_space<vmem>>, vector<1x1x16xf32>,
        %get3A_582 = vector.shape_cast %get3A_581 : vector<1x1x16xf32> to vector<16xf32>
        %add3A_583 = arith.addf %get3A_582, %get3A_543 : vector<16xf32>
        %swap3A_584 = arith.constant 2 : i32
        %swap3A_585 = arith.constant 4 : i32
        %swap3A_586 = arith.index_cast %swap3A_584 : i32 to index
        %swap3A_587 = arith.index_cast %swap3A_585 : i32 to index
        %swap3A_588 = arith.index_cast %mul3A_264 : i32 to index
        %swap3A_589 = tpu.vector_load %arg7[%swap3A_586, %swap3A_587, %swap3A_588] {strides = array<i32>} : memref<4x8x1024xf32, #tpu.memory_space<vmem>>, vector<1x1x16xf32>,
        %swap3A_590 = vector.shape_cast %swap3A_589 : vector<1x1x16xf32> to vector<16xf32>
        %swap3A_591 = vector.shape_cast %add3A_583 : vector<16xf32> to vector<1x1x16xf32>
        tpu.vector_store %arg7[%swap3A_586, %swap3A_587, %swap3A_588], %swap3A_591 {strides = array<i32>} : memref<4x8x1024xf32, #tpu.memory_space<vmem>>, vector<1x1x16xf32>,
        %get3A_592 = arith.constant 3 : i32
        %get3A_593 = arith.constant 4 : i32
        %get3A_594 = arith.index_cast %get3A_592 : i32 to index
        %get3A_595 = arith.index_cast %get3A_593 : i32 to index
        %get3A_596 = arith.index_cast %mul3A_264 : i32 to index
        %get3A_597 = tpu.vector_load %arg7[%get3A_594, %get3A_595, %get3A_596] {strides = array<i32>} : memref<4x8x1024xf32, #tpu.memory_space<vmem>>, vector<1x1x16xf32>,
        %get3A_598 = vector.shape_cast %get3A_597 : vector<1x1x16xf32> to vector<16xf32>
        %add3A_599 = arith.addf %get3A_598, %get3A_543 : vector<16xf32>
        %swap3A_600 = arith.constant 3 : i32
        %swap3A_601 = arith.constant 4 : i32
        %swap3A_602 = arith.index_cast %swap3A_600 : i32 to index
        %swap3A_603 = arith.index_cast %swap3A_601 : i32 to index
        %swap3A_604 = arith.index_cast %mul3A_264 : i32 to index
        %swap3A_605 = tpu.vector_load %arg7[%swap3A_602, %swap3A_603, %swap3A_604] {strides = array<i32>} : memref<4x8x1024xf32, #tpu.memory_space<vmem>>, vector<1x1x16xf32>,
        %swap3A_606 = vector.shape_cast %swap3A_605 : vector<1x1x16xf32> to vector<16xf32>
        %swap3A_607 = vector.shape_cast %add3A_599 : vector<16xf32> to vector<1x1x16xf32>
        tpu.vector_store %arg7[%swap3A_602, %swap3A_603, %swap3A_604], %swap3A_607 {strides = array<i32>} : memref<4x8x1024xf32, #tpu.memory_space<vmem>>, vector<1x1x16xf32>,
        %get3A_608 = arith.constant 5 : i32
        %get3A_609 = arith.index_cast %get3A_608 : i32 to index
        %get3A_610 = arith.index_cast %mul3A_264 : i32 to index
        %get3A_611 = tpu.vector_load %arg10[%get3A_609, %get3A_610] {strides = array<i32>} : memref<8x1024xf32, #tpu.memory_space<vmem>>, vector<1x16xf32>,
        %get3A_612 = vector.shape_cast %get3A_611 : vector<1x16xf32> to vector<16xf32>
        %get3A_613 = arith.constant 0 : i32
        %get3A_614 = arith.constant 5 : i32
        %get3A_615 = arith.index_cast %get3A_613 : i32 to index
        %get3A_616 = arith.index_cast %get3A_614 : i32 to index
        %get3A_617 = arith.index_cast %mul3A_264 : i32 to index
        %get3A_618 = tpu.vector_load %arg7[%get3A_615, %get3A_616, %get3A_617] {strides = array<i32>} : memref<4x8x1024xf32, #tpu.memory_space<vmem>>, vector<1x1x16xf32>,
        %get3A_619 = vector.shape_cast %get3A_618 : vector<1x1x16xf32> to vector<16xf32>
        %add3A_620 = arith.addf %get3A_619, %get3A_612 : vector<16xf32>
        %swap3A_621 = arith.constant 0 : i32
        %swap3A_622 = arith.constant 5 : i32
        %swap3A_623 = arith.index_cast %swap3A_621 : i32 to index
        %swap3A_624 = arith.index_cast %swap3A_622 : i32 to index
        %swap3A_625 = arith.index_cast %mul3A_264 : i32 to index
        %swap3A_626 = tpu.vector_load %arg7[%swap3A_623, %swap3A_624, %swap3A_625] {strides = array<i32>} : memref<4x8x1024xf32, #tpu.memory_space<vmem>>, vector<1x1x16xf32>,
        %swap3A_627 = vector.shape_cast %swap3A_626 : vector<1x1x16xf32> to vector<16xf32>
        %swap3A_628 = vector.shape_cast %add3A_620 : vector<16xf32> to vector<1x1x16xf32>
        tpu.vector_store %arg7[%swap3A_623, %swap3A_624, %swap3A_625], %swap3A_628 {strides = array<i32>} : memref<4x8x1024xf32, #tpu.memory_space<vmem>>, vector<1x1x16xf32>,
        %get3A_629 = arith.constant 1 : i32
        %get3A_630 = arith.constant 5 : i32
        %get3A_631 = arith.index_cast %get3A_629 : i32 to index
        %get3A_632 = arith.index_cast %get3A_630 : i32 to index
        %get3A_633 = arith.index_cast %mul3A_264 : i32 to index
        %get3A_634 = tpu.vector_load %arg7[%get3A_631, %get3A_632, %get3A_633] {strides = array<i32>} : memref<4x8x1024xf32, #tpu.memory_space<vmem>>, vector<1x1x16xf32>,
        %get3A_635 = vector.shape_cast %get3A_634 : vector<1x1x16xf32> to vector<16xf32>
        %add3A_636 = arith.addf %get3A_635, %get3A_612 : vector<16xf32>
        %swap3A_637 = arith.constant 1 : i32
        %swap3A_638 = arith.constant 5 : i32
        %swap3A_639 = arith.index_cast %swap3A_637 : i32 to index
        %swap3A_640 = arith.index_cast %swap3A_638 : i32 to index
        %swap3A_641 = arith.index_cast %mul3A_264 : i32 to index
        %swap3A_642 = tpu.vector_load %arg7[%swap3A_639, %swap3A_640, %swap3A_641] {strides = array<i32>} : memref<4x8x1024xf32, #tpu.memory_space<vmem>>, vector<1x1x16xf32>,
        %swap3A_643 = vector.shape_cast %swap3A_642 : vector<1x1x16xf32> to vector<16xf32>
        %swap3A_644 = vector.shape_cast %add3A_636 : vector<16xf32> to vector<1x1x16xf32>
        tpu.vector_store %arg7[%swap3A_639, %swap3A_640, %swap3A_641], %swap3A_644 {strides = array<i32>} : memref<4x8x1024xf32, #tpu.memory_space<vmem>>, vector<1x1x16xf32>,
        %get3A_645 = arith.constant 2 : i32
        %get3A_646 = arith.constant 5 : i32
        %get3A_647 = arith.index_cast %get3A_645 : i32 to index
        %get3A_648 = arith.index_cast %get3A_646 : i32 to index
        %get3A_649 = arith.index_cast %mul3A_264 : i32 to index
        %get3A_650 = tpu.vector_load %arg7[%get3A_647, %get3A_648, %get3A_649] {strides = array<i32>} : memref<4x8x1024xf32, #tpu.memory_space<vmem>>, vector<1x1x16xf32>,
        %get3A_651 = vector.shape_cast %get3A_650 : vector<1x1x16xf32> to vector<16xf32>
        %add3A_652 = arith.addf %get3A_651, %get3A_612 : vector<16xf32>
        %swap3A_653 = arith.constant 2 : i32
        %swap3A_654 = arith.constant 5 : i32
        %swap3A_655 = arith.index_cast %swap3A_653 : i32 to index
        %swap3A_656 = arith.index_cast %swap3A_654 : i32 to index
        %swap3A_657 = arith.index_cast %mul3A_264 : i32 to index
        %swap3A_658 = tpu.vector_load %arg7[%swap3A_655, %swap3A_656, %swap3A_657] {strides = array<i32>} : memref<4x8x1024xf32, #tpu.memory_space<vmem>>, vector<1x1x16xf32>,
        %swap3A_659 = vector.shape_cast %swap3A_658 : vector<1x1x16xf32> to vector<16xf32>
        %swap3A_660 = vector.shape_cast %add3A_652 : vector<16xf32> to vector<1x1x16xf32>
        tpu.vector_store %arg7[%swap3A_655, %swap3A_656, %swap3A_657], %swap3A_660 {strides = array<i32>} : memref<4x8x1024xf32, #tpu.memory_space<vmem>>, vector<1x1x16xf32>,
        %get3A_661 = arith.constant 3 : i32
        %get3A_662 = arith.constant 5 : i32
        %get3A_663 = arith.index_cast %get3A_661 : i32 to index
        %get3A_664 = arith.index_cast %get3A_662 : i32 to index
        %get3A_665 = arith.index_cast %mul3A_264 : i32 to index
        %get3A_666 = tpu.vector_load %arg7[%get3A_663, %get3A_664, %get3A_665] {strides = array<i32>} : memref<4x8x1024xf32, #tpu.memory_space<vmem>>, vector<1x1x16xf32>,
        %get3A_667 = vector.shape_cast %get3A_666 : vector<1x1x16xf32> to vector<16xf32>
        %add3A_668 = arith.addf %get3A_667, %get3A_612 : vector<16xf32>
        %swap3A_669 = arith.constant 3 : i32
        %swap3A_670 = arith.constant 5 : i32
        %swap3A_671 = arith.index_cast %swap3A_669 : i32 to index
        %swap3A_672 = arith.index_cast %swap3A_670 : i32 to index
        %swap3A_673 = arith.index_cast %mul3A_264 : i32 to index
        %swap3A_674 = tpu.vector_load %arg7[%swap3A_671, %swap3A_672, %swap3A_673] {strides = array<i32>} : memref<4x8x1024xf32, #tpu.memory_space<vmem>>, vector<1x1x16xf32>,
        %swap3A_675 = vector.shape_cast %swap3A_674 : vector<1x1x16xf32> to vector<16xf32>
        %swap3A_676 = vector.shape_cast %add3A_668 : vector<16xf32> to vector<1x1x16xf32>
        tpu.vector_store %arg7[%swap3A_671, %swap3A_672, %swap3A_673], %swap3A_676 {strides = array<i32>} : memref<4x8x1024xf32, #tpu.memory_space<vmem>>, vector<1x1x16xf32>,
        %get3A_677 = arith.constant 6 : i32
        %get3A_678 = arith.index_cast %get3A_677 : i32 to index
        %get3A_679 = arith.index_cast %mul3A_264 : i32 to index
        %get3A_680 = tpu.vector_load %arg10[%get3A_678, %get3A_679] {strides = array<i32>} : memref<8x1024xf32, #tpu.memory_space<vmem>>, vector<1x16xf32>,
        %get3A_681 = vector.shape_cast %get3A_680 : vector<1x16xf32> to vector<16xf32>
        %get3A_682 = arith.constant 0 : i32
        %get3A_683 = arith.constant 6 : i32
        %get3A_684 = arith.index_cast %get3A_682 : i32 to index
        %get3A_685 = arith.index_cast %get3A_683 : i32 to index
        %get3A_686 = arith.index_cast %mul3A_264 : i32 to index
        %get3A_687 = tpu.vector_load %arg7[%get3A_684, %get3A_685, %get3A_686] {strides = array<i32>} : memref<4x8x1024xf32, #tpu.memory_space<vmem>>, vector<1x1x16xf32>,
        %get3A_688 = vector.shape_cast %get3A_687 : vector<1x1x16xf32> to vector<16xf32>
        %add3A_689 = arith.addf %get3A_688, %get3A_681 : vector<16xf32>
        %swap3A_690 = arith.constant 0 : i32
        %swap3A_691 = arith.constant 6 : i32
        %swap3A_692 = arith.index_cast %swap3A_690 : i32 to index
        %swap3A_693 = arith.index_cast %swap3A_691 : i32 to index
        %swap3A_694 = arith.index_cast %mul3A_264 : i32 to index
        %swap3A_695 = tpu.vector_load %arg7[%swap3A_692, %swap3A_693, %swap3A_694] {strides = array<i32>} : memref<4x8x1024xf32, #tpu.memory_space<vmem>>, vector<1x1x16xf32>,
        %swap3A_696 = vector.shape_cast %swap3A_695 : vector<1x1x16xf32> to vector<16xf32>
        %swap3A_697 = vector.shape_cast %add3A_689 : vector<16xf32> to vector<1x1x16xf32>
        tpu.vector_store %arg7[%swap3A_692, %swap3A_693, %swap3A_694], %swap3A_697 {strides = array<i32>} : memref<4x8x1024xf32, #tpu.memory_space<vmem>>, vector<1x1x16xf32>,
        %get3A_698 = arith.constant 1 : i32
        %get3A_699 = arith.constant 6 : i32
        %get3A_700 = arith.index_cast %get3A_698 : i32 to index
        %get3A_701 = arith.index_cast %get3A_699 : i32 to index
        %get3A_702 = arith.index_cast %mul3A_264 : i32 to index
        %get3A_703 = tpu.vector_load %arg7[%get3A_700, %get3A_701, %get3A_702] {strides = array<i32>} : memref<4x8x1024xf32, #tpu.memory_space<vmem>>, vector<1x1x16xf32>,
        %get3A_704 = vector.shape_cast %get3A_703 : vector<1x1x16xf32> to vector<16xf32>
        %add3A_705 = arith.addf %get3A_704, %get3A_681 : vector<16xf32>
        %swap3A_706 = arith.constant 1 : i32
        %swap3A_707 = arith.constant 6 : i32
        %swap3A_708 = arith.index_cast %swap3A_706 : i32 to index
        %swap3A_709 = arith.index_cast %swap3A_707 : i32 to index
        %swap3A_710 = arith.index_cast %mul3A_264 : i32 to index
        %swap3A_711 = tpu.vector_load %arg7[%swap3A_708, %swap3A_709, %swap3A_710] {strides = array<i32>} : memref<4x8x1024xf32, #tpu.memory_space<vmem>>, vector<1x1x16xf32>,
        %swap3A_712 = vector.shape_cast %swap3A_711 : vector<1x1x16xf32> to vector<16xf32>
        %swap3A_713 = vector.shape_cast %add3A_705 : vector<16xf32> to vector<1x1x16xf32>
        tpu.vector_store %arg7[%swap3A_708, %swap3A_709, %swap3A_710], %swap3A_713 {strides = array<i32>} : memref<4x8x1024xf32, #tpu.memory_space<vmem>>, vector<1x1x16xf32>,
        %get3A_714 = arith.constant 2 : i32
        %get3A_715 = arith.constant 6 : i32
        %get3A_716 = arith.index_cast %get3A_714 : i32 to index
        %get3A_717 = arith.index_cast %get3A_715 : i32 to index
        %get3A_718 = arith.index_cast %mul3A_264 : i32 to index
        %get3A_719 = tpu.vector_load %arg7[%get3A_716, %get3A_717, %get3A_718] {strides = array<i32>} : memref<4x8x1024xf32, #tpu.memory_space<vmem>>, vector<1x1x16xf32>,
        %get3A_720 = vector.shape_cast %get3A_719 : vector<1x1x16xf32> to vector<16xf32>
        %add3A_721 = arith.addf %get3A_720, %get3A_681 : vector<16xf32>
        %swap3A_722 = arith.constant 2 : i32
        %swap3A_723 = arith.constant 6 : i32
        %swap3A_724 = arith.index_cast %swap3A_722 : i32 to index
        %swap3A_725 = arith.index_cast %swap3A_723 : i32 to index
        %swap3A_726 = arith.index_cast %mul3A_264 : i32 to index
        %swap3A_727 = tpu.vector_load %arg7[%swap3A_724, %swap3A_725, %swap3A_726] {strides = array<i32>} : memref<4x8x1024xf32, #tpu.memory_space<vmem>>, vector<1x1x16xf32>,
        %swap3A_728 = vector.shape_cast %swap3A_727 : vector<1x1x16xf32> to vector<16xf32>
        %swap3A_729 = vector.shape_cast %add3A_721 : vector<16xf32> to vector<1x1x16xf32>
        tpu.vector_store %arg7[%swap3A_724, %swap3A_725, %swap3A_726], %swap3A_729 {strides = array<i32>} : memref<4x8x1024xf32, #tpu.memory_space<vmem>>, vector<1x1x16xf32>,
        %get3A_730 = arith.constant 3 : i32
        %get3A_731 = arith.constant 6 : i32
        %get3A_732 = arith.index_cast %get3A_730 : i32 to index
        %get3A_733 = arith.index_cast %get3A_731 : i32 to index
        %get3A_734 = arith.index_cast %mul3A_264 : i32 to index
        %get3A_735 = tpu.vector_load %arg7[%get3A_732, %get3A_733, %get3A_734] {strides = array<i32>} : memref<4x8x1024xf32, #tpu.memory_space<vmem>>, vector<1x1x16xf32>,
        %get3A_736 = vector.shape_cast %get3A_735 : vector<1x1x16xf32> to vector<16xf32>
        %add3A_737 = arith.addf %get3A_736, %get3A_681 : vector<16xf32>
        %swap3A_738 = arith.constant 3 : i32
        %swap3A_739 = arith.constant 6 : i32
        %swap3A_740 = arith.index_cast %swap3A_738 : i32 to index
        %swap3A_741 = arith.index_cast %swap3A_739 : i32 to index
        %swap3A_742 = arith.index_cast %mul3A_264 : i32 to index
        %swap3A_743 = tpu.vector_load %arg7[%swap3A_740, %swap3A_741, %swap3A_742] {strides = array<i32>} : memref<4x8x1024xf32, #tpu.memory_space<vmem>>, vector<1x1x16xf32>,
        %swap3A_744 = vector.shape_cast %swap3A_743 : vector<1x1x16xf32> to vector<16xf32>
        %swap3A_745 = vector.shape_cast %add3A_737 : vector<16xf32> to vector<1x1x16xf32>
        tpu.vector_store %arg7[%swap3A_740, %swap3A_741, %swap3A_742], %swap3A_745 {strides = array<i32>} : memref<4x8x1024xf32, #tpu.memory_space<vmem>>, vector<1x1x16xf32>,
        %get3A_746 = arith.constant 7 : i32
        %get3A_747 = arith.index_cast %get3A_746 : i32 to index
        %get3A_748 = arith.index_cast %mul3A_264 : i32 to index
        %get3A_749 = tpu.vector_load %arg10[%get3A_747, %get3A_748] {strides = array<i32>} : memref<8x1024xf32, #tpu.memory_space<vmem>>, vector<1x16xf32>,
        %get3A_750 = vector.shape_cast %get3A_749 : vector<1x16xf32> to vector<16xf32>
        %get3A_751 = arith.constant 0 : i32
        %get3A_752 = arith.constant 7 : i32
        %get3A_753 = arith.index_cast %get3A_751 : i32 to index
        %get3A_754 = arith.index_cast %get3A_752 : i32 to index
        %get3A_755 = arith.index_cast %mul3A_264 : i32 to index
        %get3A_756 = tpu.vector_load %arg7[%get3A_753, %get3A_754, %get3A_755] {strides = array<i32>} : memref<4x8x1024xf32, #tpu.memory_space<vmem>>, vector<1x1x16xf32>,
        %get3A_757 = vector.shape_cast %get3A_756 : vector<1x1x16xf32> to vector<16xf32>
        %add3A_758 = arith.addf %get3A_757, %get3A_750 : vector<16xf32>
        %swap3A_759 = arith.constant 0 : i32
        %swap3A_760 = arith.constant 7 : i32
        %swap3A_761 = arith.index_cast %swap3A_759 : i32 to index
        %swap3A_762 = arith.index_cast %swap3A_760 : i32 to index
        %swap3A_763 = arith.index_cast %mul3A_264 : i32 to index
        %swap3A_764 = tpu.vector_load %arg7[%swap3A_761, %swap3A_762, %swap3A_763] {strides = array<i32>} : memref<4x8x1024xf32, #tpu.memory_space<vmem>>, vector<1x1x16xf32>,
        %swap3A_765 = vector.shape_cast %swap3A_764 : vector<1x1x16xf32> to vector<16xf32>
        %swap3A_766 = vector.shape_cast %add3A_758 : vector<16xf32> to vector<1x1x16xf32>
        tpu.vector_store %arg7[%swap3A_761, %swap3A_762, %swap3A_763], %swap3A_766 {strides = array<i32>} : memref<4x8x1024xf32, #tpu.memory_space<vmem>>, vector<1x1x16xf32>,
        %get3A_767 = arith.constant 1 : i32
        %get3A_768 = arith.constant 7 : i32
        %get3A_769 = arith.index_cast %get3A_767 : i32 to index
        %get3A_770 = arith.index_cast %get3A_768 : i32 to index
        %get3A_771 = arith.index_cast %mul3A_264 : i32 to index
        %get3A_772 = tpu.vector_load %arg7[%get3A_769, %get3A_770, %get3A_771] {strides = array<i32>} : memref<4x8x1024xf32, #tpu.memory_space<vmem>>, vector<1x1x16xf32>,
        %get3A_773 = vector.shape_cast %get3A_772 : vector<1x1x16xf32> to vector<16xf32>
        %add3A_774 = arith.addf %get3A_773, %get3A_750 : vector<16xf32>
        %swap3A_775 = arith.constant 1 : i32
        %swap3A_776 = arith.constant 7 : i32
        %swap3A_777 = arith.index_cast %swap3A_775 : i32 to index
        %swap3A_778 = arith.index_cast %swap3A_776 : i32 to index
        %swap3A_779 = arith.index_cast %mul3A_264 : i32 to index
        %swap3A_780 = tpu.vector_load %arg7[%swap3A_777, %swap3A_778, %swap3A_779] {strides = array<i32>} : memref<4x8x1024xf32, #tpu.memory_space<vmem>>, vector<1x1x16xf32>,
        %swap3A_781 = vector.shape_cast %swap3A_780 : vector<1x1x16xf32> to vector<16xf32>
        %swap3A_782 = vector.shape_cast %add3A_774 : vector<16xf32> to vector<1x1x16xf32>
        tpu.vector_store %arg7[%swap3A_777, %swap3A_778, %swap3A_779], %swap3A_782 {strides = array<i32>} : memref<4x8x1024xf32, #tpu.memory_space<vmem>>, vector<1x1x16xf32>,
        %get3A_783 = arith.constant 2 : i32
        %get3A_784 = arith.constant 7 : i32
        %get3A_785 = arith.index_cast %get3A_783 : i32 to index
        %get3A_786 = arith.index_cast %get3A_784 : i32 to index
        %get3A_787 = arith.index_cast %mul3A_264 : i32 to index
        %get3A_788 = tpu.vector_load %arg7[%get3A_785, %get3A_786, %get3A_787] {strides = array<i32>} : memref<4x8x1024xf32, #tpu.memory_space<vmem>>, vector<1x1x16xf32>,
        %get3A_789 = vector.shape_cast %get3A_788 : vector<1x1x16xf32> to vector<16xf32>
        %add3A_790 = arith.addf %get3A_789, %get3A_750 : vector<16xf32>
        %swap3A_791 = arith.constant 2 : i32
        %swap3A_792 = arith.constant 7 : i32
        %swap3A_793 = arith.index_cast %swap3A_791 : i32 to index
        %swap3A_794 = arith.index_cast %swap3A_792 : i32 to index
        %swap3A_795 = arith.index_cast %mul3A_264 : i32 to index
        %swap3A_796 = tpu.vector_load %arg7[%swap3A_793, %swap3A_794, %swap3A_795] {strides = array<i32>} : memref<4x8x1024xf32, #tpu.memory_space<vmem>>, vector<1x1x16xf32>,
        %swap3A_797 = vector.shape_cast %swap3A_796 : vector<1x1x16xf32> to vector<16xf32>
        %swap3A_798 = vector.shape_cast %add3A_790 : vector<16xf32> to vector<1x1x16xf32>
        tpu.vector_store %arg7[%swap3A_793, %swap3A_794, %swap3A_795], %swap3A_798 {strides = array<i32>} : memref<4x8x1024xf32, #tpu.memory_space<vmem>>, vector<1x1x16xf32>,
        %get3A_799 = arith.constant 3 : i32
        %get3A_800 = arith.constant 7 : i32
        %get3A_801 = arith.index_cast %get3A_799 : i32 to index
        %get3A_802 = arith.index_cast %get3A_800 : i32 to index
        %get3A_803 = arith.index_cast %mul3A_264 : i32 to index
        %get3A_804 = tpu.vector_load %arg7[%get3A_801, %get3A_802, %get3A_803] {strides = array<i32>} : memref<4x8x1024xf32, #tpu.memory_space<vmem>>, vector<1x1x16xf32>,
        %get3A_805 = vector.shape_cast %get3A_804 : vector<1x1x16xf32> to vector<16xf32>
        %add3A_806 = arith.addf %get3A_805, %get3A_750 : vector<16xf32>
        %swap3A_807 = arith.constant 3 : i32
        %swap3A_808 = arith.constant 7 : i32
        %swap3A_809 = arith.index_cast %swap3A_807 : i32 to index
        %swap3A_810 = arith.index_cast %swap3A_808 : i32 to index
        %swap3A_811 = arith.index_cast %mul3A_264 : i32 to index
        %swap3A_812 = tpu.vector_load %arg7[%swap3A_809, %swap3A_810, %swap3A_811] {strides = array<i32>} : memref<4x8x1024xf32, #tpu.memory_space<vmem>>, vector<1x1x16xf32>,
        %swap3A_813 = vector.shape_cast %swap3A_812 : vector<1x1x16xf32> to vector<16xf32>
        %swap3A_814 = vector.shape_cast %add3A_806 : vector<16xf32> to vector<1x1x16xf32>
        tpu.vector_store %arg7[%swap3A_809, %swap3A_810, %swap3A_811], %swap3A_814 {strides = array<i32>} : memref<4x8x1024xf32, #tpu.memory_space<vmem>>, vector<1x1x16xf32>,
      }
      %scan3A_235 = arith.constant 64 : i32
      %mul3A_236 = arith.constant 8 : i32
      %mul3A_237 = arith.muli %add3A_210, %mul3A_236 : i32
      %add3A_238 = arith.addi %mul3A_2, %mul3A_237 : i32
      %dma_start3A_239 = arith.constant 0 : i32
      %dma_start3A_240 = arith.constant 0 : i32
      %dma_start3A_241 = tpu.memref_slice %arg4[%dma_start3A_239, %add3A_238, %dma_start3A_240] : memref<4x8192x1024xf32, #tpu.memory_space<hbm>> -> memref<4x8x1024xf32, #tpu.memory_space<hbm>>
      %dma_start3A_242 = arith.constant 0 : i32
      %dma_start3A_243 = arith.constant 0 : i32
      %dma_start3A_244 = tpu.memref_slice %arg4[%dma_start3A_242, %add3A_238, %dma_start3A_243] : memref<4x8192x1024xf32, #tpu.memory_space<hbm>> -> memref<4x8x1024xf32, #tpu.memory_space<hbm>>
      tpu.enqueue_dma source(%arg7 : memref<4x8x1024xf32, #tpu.memory_space<vmem>>) target(%dma_start3A_244 : memref<4x8x1024xf32, #tpu.memory_space<hbm>>) target_semaphore(%arg16 : memref<!tpu.dma_semaphore, #tpu.memory_space<semaphore_mem>>)
      %dma_wait3A_245 = arith.constant 0 : i32
      %dma_wait3A_246 = arith.constant 0 : i32
      %dma_wait3A_247 = tpu.memref_slice %arg4[%dma_wait3A_245, %mul3A_2, %dma_wait3A_246] : memref<4x8192x1024xf32, #tpu.memory_space<hbm>> -> memref<4x8x1024xf32, #tpu.memory_space<hbm>>
      %dma_wait3A_248 = arith.constant 0 : i32
      %dma_wait3A_249 = arith.constant 0 : i32
      %dma_wait3A_250 = tpu.memref_slice %arg4[%dma_wait3A_248, %mul3A_2, %dma_wait3A_249] : memref<4x8192x1024xf32, #tpu.memory_space<hbm>> -> memref<4x8x1024xf32, #tpu.memory_space<hbm>>
      tpu.wait_dma2 semaphore(%arg15 : memref<!tpu.dma_semaphore, #tpu.memory_space<semaphore_mem>>) src(%arg6 : memref<4x8x1024xf32, #tpu.memory_space<vmem>>) dst(%dma_wait3A_250 : memref<4x8x1024xf32, #tpu.memory_space<hbm>>)
      %add3A_251 = arith.constant 2 : i32
      %add3A_252 = arith.addi %add3A_210, %add3A_251 : i32
      %mul3A_253 = arith.constant 8 : i32
      %mul3A_254 = arith.muli %add3A_252, %mul3A_253 : i32
      %add3A_255 = arith.addi %mul3A_2, %mul3A_254 : i32
      %dma_start3A_256 = arith.constant 0 : i32
      %dma_start3A_257 = arith.constant 0 : i32
      %dma_start3A_258 = tpu.memref_slice %arg2[%dma_start3A_256, %add3A_255, %dma_start3A_257] : memref<4x8192x1024xf32, #tpu.memory_space<hbm>> -> memref<4x8x1024xf32, #tpu.memory_space<hbm>>
      %dma_start3A_259 = arith.constant 0 : i32
      %dma_start3A_260 = arith.constant 0 : i32
      %dma_start3A_261 = tpu.memref_slice %arg2[%dma_start3A_259, %add3A_255, %dma_start3A_260] : memref<4x8192x1024xf32, #tpu.memory_space<hbm>> -> memref<4x8x1024xf32, #tpu.memory_space<hbm>>
      tpu.enqueue_dma source(%dma_start3A_261 : memref<4x8x1024xf32, #tpu.memory_space<hbm>>) target(%arg6 : memref<4x8x1024xf32, #tpu.memory_space<vmem>>) target_semaphore(%arg12 : memref<!tpu.dma_semaphore, #tpu.memory_space<semaphore_mem>>)
    }
    %scan3A_28 = arith.constant 10 : i32
    %dma_wait3A = arith.constant 0 : i32
    %dma_wait3A_29 = arith.constant 0 : i32
    %dma_wait3A_30 = tpu.memref_slice %arg2[%dma_wait3A, %mul3A_2, %dma_wait3A_29] : memref<4x8192x1024xf32, #tpu.memory_space<hbm>> -> memref<4x8x1024xf32, #tpu.memory_space<hbm>>
    %dma_wait3A_31 = arith.constant 0 : i32
    %dma_wait3A_32 = arith.constant 0 : i32
    %dma_wait3A_33 = tpu.memref_slice %arg2[%dma_wait3A_31, %mul3A_2, %dma_wait3A_32] : memref<4x8192x1024xf32, #tpu.memory_space<hbm>> -> memref<4x8x1024xf32, #tpu.memory_space<hbm>>
    tpu.wait_dma2 semaphore(%arg11 : memref<!tpu.dma_semaphore, #tpu.memory_space<semaphore_mem>>) src(%dma_wait3A_33 : memref<4x8x1024xf32, #tpu.memory_space<hbm>>) dst(%arg5 : memref<4x8x1024xf32, #tpu.memory_space<vmem>>)
    %dma_wait3A_34 = arith.constant 0 : i32
    %dma_wait3A_35 = tpu.memref_slice %arg3[%mul3A_2, %dma_wait3A_34] : memref<8192x1024xf32, #tpu.memory_space<hbm>> -> memref<8x1024xf32, #tpu.memory_space<hbm>>
    %dma_wait3A_36 = arith.constant 0 : i32
    %dma_wait3A_37 = tpu.memref_slice %arg3[%mul3A_2, %dma_wait3A_36] : memref<8192x1024xf32, #tpu.memory_space<hbm>> -> memref<8x1024xf32, #tpu.memory_space<hbm>>
    tpu.wait_dma2 semaphore(%arg17 : memref<!tpu.dma_semaphore, #tpu.memory_space<semaphore_mem>>) src(%dma_wait3A_37 : memref<8x1024xf32, #tpu.memory_space<hbm>>) dst(%arg8 : memref<8x1024xf32, #tpu.memory_space<vmem>>)
    %add3A_38 = arith.constant 248 : i32
    %add3A_39 = arith.addi %mul3A_2, %add3A_38 : i32
    %dma_start3A_40 = arith.constant 0 : i32
    %dma_start3A_41 = tpu.memref_slice %arg3[%add3A_39, %dma_start3A_40] : memref<8192x1024xf32, #tpu.memory_space<hbm>> -> memref<8x1024xf32, #tpu.memory_space<hbm>>
    %dma_start3A_42 = arith.constant 0 : i32
    %dma_start3A_43 = tpu.memref_slice %arg3[%add3A_39, %dma_start3A_42] : memref<8192x1024xf32, #tpu.memory_space<hbm>> -> memref<8x1024xf32, #tpu.memory_space<hbm>>
    tpu.enqueue_dma source(%dma_start3A_43 : memref<8x1024xf32, #tpu.memory_space<hbm>>) target(%arg9 : memref<8x1024xf32, #tpu.memory_space<vmem>>) target_semaphore(%arg18 : memref<!tpu.dma_semaphore, #tpu.memory_space<semaphore_mem>>)
    %scan3A_44 = arith.constant 0 : i32
    %scan3A_45 = arith.constant 0 : i32
    %scan3A_46 = arith.constant 64 : i32
    %scan3A_47 = arith.addi %scan3A_45, %scan3A_46 : i32
    %scan3A_48 = arith.constant 1 : i32
    scf.for %scan3A_100 = %scan3A_45 to %scan3A_47 step %scan3A_48  : i32 {
      %mul3A_101 = arith.constant 16 : i32
      %mul3A_102 = arith.muli %scan3A_100, %mul3A_101 : i32
      %get3A = arith.constant 0 : i32
      %get3A_103 = arith.index_cast %get3A : i32 to index
      %get3A_104 = arith.index_cast %mul3A_102 : i32 to index
      %get3A_105 = tpu.vector_load %arg8[%get3A_103, %get3A_104] {strides = array<i32>} : memref<8x1024xf32, #tpu.memory_space<vmem>>, vector<1x16xf32>,
      %get3A_106 = vector.shape_cast %get3A_105 : vector<1x16xf32> to vector<16xf32>
      %get3A_107 = arith.constant 0 : i32
      %get3A_108 = arith.constant 0 : i32
      %get3A_109 = arith.index_cast %get3A_107 : i32 to index
      %get3A_110 = arith.index_cast %get3A_108 : i32 to index
      %get3A_111 = arith.index_cast %mul3A_102 : i32 to index
      %get3A_112 = tpu.vector_load %arg5[%get3A_109, %get3A_110, %get3A_111] {strides = array<i32>} : memref<4x8x1024xf32, #tpu.memory_space<vmem>>, vector<1x1x16xf32>,
      %get3A_113 = vector.shape_cast %get3A_112 : vector<1x1x16xf32> to vector<16xf32>
      %add3A_114 = arith.addf %get3A_113, %get3A_106 : vector<16xf32>
      %swap3A = arith.constant 0 : i32
      %swap3A_115 = arith.constant 0 : i32
      %swap3A_116 = arith.index_cast %swap3A : i32 to index
      %swap3A_117 = arith.index_cast %swap3A_115 : i32 to index
      %swap3A_118 = arith.index_cast %mul3A_102 : i32 to index
      %swap3A_119 = tpu.vector_load %arg5[%swap3A_116, %swap3A_117, %swap3A_118] {strides = array<i32>} : memref<4x8x1024xf32, #tpu.memory_space<vmem>>, vector<1x1x16xf32>,
      %swap3A_120 = vector.shape_cast %swap3A_119 : vector<1x1x16xf32> to vector<16xf32>
      %swap3A_121 = vector.shape_cast %add3A_114 : vector<16xf32> to vector<1x1x16xf32>
      tpu.vector_store %arg5[%swap3A_116, %swap3A_117, %swap3A_118], %swap3A_121 {strides = array<i32>} : memref<4x8x1024xf32, #tpu.memory_space<vmem>>, vector<1x1x16xf32>,
      %get3A_122 = arith.constant 1 : i32
      %get3A_123 = arith.constant 0 : i32
      %get3A_124 = arith.index_cast %get3A_122 : i32 to index
      %get3A_125 = arith.index_cast %get3A_123 : i32 to index
      %get3A_126 = arith.index_cast %mul3A_102 : i32 to index
      %get3A_127 = tpu.vector_load %arg5[%get3A_124, %get3A_125, %get3A_126] {strides = array<i32>} : memref<4x8x1024xf32, #tpu.memory_space<vmem>>, vector<1x1x16xf32>,
      %get3A_128 = vector.shape_cast %get3A_127 : vector<1x1x16xf32> to vector<16xf32>
      %add3A_129 = arith.addf %get3A_128, %get3A_106 : vector<16xf32>
      %swap3A_130 = arith.constant 1 : i32
      %swap3A_131 = arith.constant 0 : i32
      %swap3A_132 = arith.index_cast %swap3A_130 : i32 to index
      %swap3A_133 = arith.index_cast %swap3A_131 : i32 to index
      %swap3A_134 = arith.index_cast %mul3A_102 : i32 to index
      %swap3A_135 = tpu.vector_load %arg5[%swap3A_132, %swap3A_133, %swap3A_134] {strides = array<i32>} : memref<4x8x1024xf32, #tpu.memory_space<vmem>>, vector<1x1x16xf32>,
      %swap3A_136 = vector.shape_cast %swap3A_135 : vector<1x1x16xf32> to vector<16xf32>
      %swap3A_137 = vector.shape_cast %add3A_129 : vector<16xf32> to vector<1x1x16xf32>
      tpu.vector_store %arg5[%swap3A_132, %swap3A_133, %swap3A_134], %swap3A_137 {strides = array<i32>} : memref<4x8x1024xf32, #tpu.memory_space<vmem>>, vector<1x1x16xf32>,
      %get3A_138 = arith.constant 2 : i32
      %get3A_139 = arith.constant 0 : i32
      %get3A_140 = arith.index_cast %get3A_138 : i32 to index
      %get3A_141 = arith.index_cast %get3A_139 : i32 to index
      %get3A_142 = arith.index_cast %mul3A_102 : i32 to index
      %get3A_143 = tpu.vector_load %arg5[%get3A_140, %get3A_141, %get3A_142] {strides = array<i32>} : memref<4x8x1024xf32, #tpu.memory_space<vmem>>, vector<1x1x16xf32>,
      %get3A_144 = vector.shape_cast %get3A_143 : vector<1x1x16xf32> to vector<16xf32>
      %add3A_145 = arith.addf %get3A_144, %get3A_106 : vector<16xf32>
      %swap3A_146 = arith.constant 2 : i32
      %swap3A_147 = arith.constant 0 : i32
      %swap3A_148 = arith.index_cast %swap3A_146 : i32 to index
      %swap3A_149 = arith.index_cast %swap3A_147 : i32 to index
      %swap3A_150 = arith.index_cast %mul3A_102 : i32 to index
      %swap3A_151 = tpu.vector_load %arg5[%swap3A_148, %swap3A_149, %swap3A_150] {strides = array<i32>} : memref<4x8x1024xf32, #tpu.memory_space<vmem>>, vector<1x1x16xf32>,
      %swap3A_152 = vector.shape_cast %swap3A_151 : vector<1x1x16xf32> to vector<16xf32>
      %swap3A_153 = vector.shape_cast %add3A_145 : vector<16xf32> to vector<1x1x16xf32>
      tpu.vector_store %arg5[%swap3A_148, %swap3A_149, %swap3A_150], %swap3A_153 {strides = array<i32>} : memref<4x8x1024xf32, #tpu.memory_space<vmem>>, vector<1x1x16xf32>,
      %get3A_154 = arith.constant 3 : i32
      %get3A_155 = arith.constant 0 : i32
      %get3A_156 = arith.index_cast %get3A_154 : i32 to index
      %get3A_157 = arith.index_cast %get3A_155 : i32 to index
      %get3A_158 = arith.index_cast %mul3A_102 : i32 to index
      %get3A_159 = tpu.vector_load %arg5[%get3A_156, %get3A_157, %get3A_158] {strides = array<i32>} : memref<4x8x1024xf32, #tpu.memory_space<vmem>>, vector<1x1x16xf32>,
      %get3A_160 = vector.shape_cast %get3A_159 : vector<1x1x16xf32> to vector<16xf32>
      %add3A_161 = arith.addf %get3A_160, %get3A_106 : vector<16xf32>
      %swap3A_162 = arith.constant 3 : i32
      %swap3A_163 = arith.constant 0 : i32
      %swap3A_164 = arith.index_cast %swap3A_162 : i32 to index
      %swap3A_165 = arith.index_cast %swap3A_163 : i32 to index
      %swap3A_166 = arith.index_cast %mul3A_102 : i32 to index
      %swap3A_167 = tpu.vector_load %arg5[%swap3A_164, %swap3A_165, %swap3A_166] {strides = array<i32>} : memref<4x8x1024xf32, #tpu.memory_space<vmem>>, vector<1x1x16xf32>,
      %swap3A_168 = vector.shape_cast %swap3A_167 : vector<1x1x16xf32> to vector<16xf32>
      %swap3A_169 = vector.shape_cast %add3A_161 : vector<16xf32> to vector<1x1x16xf32>
      tpu.vector_store %arg5[%swap3A_164, %swap3A_165, %swap3A_166], %swap3A_169 {strides = array<i32>} : memref<4x8x1024xf32, #tpu.memory_space<vmem>>, vector<1x1x16xf32>,
      %get3A_170 = arith.constant 1 : i32
      %get3A_171 = arith.index_cast %get3A_170 : i32 to index
      %get3A_172 = arith.index_cast %mul3A_102 : i32 to index
      %get3A_173 = tpu.vector_load %arg8[%get3A_171, %get3A_172] {strides = array<i32>} : memref<8x1024xf32, #tpu.memory_space<vmem>>, vector<1x16xf32>,
      %get3A_174 = vector.shape_cast %get3A_173 : vector<1x16xf32> to vector<16xf32>
      %get3A_175 = arith.constant 0 : i32
      %get3A_176 = arith.constant 1 : i32
      %get3A_177 = arith.index_cast %get3A_175 : i32 to index
      %get3A_178 = arith.index_cast %get3A_176 : i32 to index
      %get3A_179 = arith.index_cast %mul3A_102 : i32 to index
      %get3A_180 = tpu.vector_load %arg5[%get3A_177, %get3A_178, %get3A_179] {strides = array<i32>} : memref<4x8x1024xf32, #tpu.memory_space<vmem>>, vector<1x1x16xf32>,
      %get3A_181 = vector.shape_cast %get3A_180 : vector<1x1x16xf32> to vector<16xf32>
      %add3A_182 = arith.addf %get3A_181, %get3A_174 : vector<16xf32>
      %swap3A_183 = arith.constant 0 : i32
      %swap3A_184 = arith.constant 1 : i32
      %swap3A_185 = arith.index_cast %swap3A_183 : i32 to index
      %swap3A_186 = arith.index_cast %swap3A_184 : i32 to index
      %swap3A_187 = arith.index_cast %mul3A_102 : i32 to index
      %swap3A_188 = tpu.vector_load %arg5[%swap3A_185, %swap3A_186, %swap3A_187] {strides = array<i32>} : memref<4x8x1024xf32, #tpu.memory_space<vmem>>, vector<1x1x16xf32>,
      %swap3A_189 = vector.shape_cast %swap3A_188 : vector<1x1x16xf32> to vector<16xf32>
      %swap3A_190 = vector.shape_cast %add3A_182 : vector<16xf32> to vector<1x1x16xf32>
      tpu.vector_store %arg5[%swap3A_185, %swap3A_186, %swap3A_187], %swap3A_190 {strides = array<i32>} : memref<4x8x1024xf32, #tpu.memory_space<vmem>>, vector<1x1x16xf32>,
      %get3A_191 = arith.constant 1 : i32
      %get3A_192 = arith.constant 1 : i32
      %get3A_193 = arith.index_cast %get3A_191 : i32 to index
      %get3A_194 = arith.index_cast %get3A_192 : i32 to index
      %get3A_195 = arith.index_cast %mul3A_102 : i32 to index
      %get3A_196 = tpu.vector_load %arg5[%get3A_193, %get3A_194, %get3A_195] {strides = array<i32>} : memref<4x8x1024xf32, #tpu.memory_space<vmem>>, vector<1x1x16xf32>,
      %get3A_197 = vector.shape_cast %get3A_196 : vector<1x1x16xf32> to vector<16xf32>
      %add3A_198 = arith.addf %get3A_197, %get3A_174 : vector<16xf32>
      %swap3A_199 = arith.constant 1 : i32
      %swap3A_200 = arith.constant 1 : i32
      %swap3A_201 = arith.index_cast %swap3A_199 : i32 to index
      %swap3A_202 = arith.index_cast %swap3A_200 : i32 to index
      %swap3A_203 = arith.index_cast %mul3A_102 : i32 to index
      %swap3A_204 = tpu.vector_load %arg5[%swap3A_201, %swap3A_202, %swap3A_203] {strides = array<i32>} : memref<4x8x1024xf32, #tpu.memory_space<vmem>>, vector<1x1x16xf32>,
      %swap3A_205 = vector.shape_cast %swap3A_204 : vector<1x1x16xf32> to vector<16xf32>
      %swap3A_206 = vector.shape_cast %add3A_198 : vector<16xf32> to vector<1x1x16xf32>
      tpu.vector_store %arg5[%swap3A_201, %swap3A_202, %swap3A_203], %swap3A_206 {strides = array<i32>} : memref<4x8x1024xf32, #tpu.memory_space<vmem>>, vector<1x1x16xf32>,
      %get3A_207 = arith.constant 2 : i32
      %get3A_208 = arith.constant 1 : i32
      %get3A_209 = arith.index_cast %get3A_207 : i32 to index
      %get3A_210 = arith.index_cast %get3A_208 : i32 to index
      %get3A_211 = arith.index_cast %mul3A_102 : i32 to index
      %get3A_212 = tpu.vector_load %arg5[%get3A_209, %get3A_210, %get3A_211] {strides = array<i32>} : memref<4x8x1024xf32, #tpu.memory_space<vmem>>, vector<1x1x16xf32>,
      %get3A_213 = vector.shape_cast %get3A_212 : vector<1x1x16xf32> to vector<16xf32>
      %add3A_214 = arith.addf %get3A_213, %get3A_174 : vector<16xf32>
      %swap3A_215 = arith.constant 2 : i32
      %swap3A_216 = arith.constant 1 : i32
      %swap3A_217 = arith.index_cast %swap3A_215 : i32 to index
      %swap3A_218 = arith.index_cast %swap3A_216 : i32 to index
      %swap3A_219 = arith.index_cast %mul3A_102 : i32 to index
      %swap3A_220 = tpu.vector_load %arg5[%swap3A_217, %swap3A_218, %swap3A_219] {strides = array<i32>} : memref<4x8x1024xf32, #tpu.memory_space<vmem>>, vector<1x1x16xf32>,
      %swap3A_221 = vector.shape_cast %swap3A_220 : vector<1x1x16xf32> to vector<16xf32>
      %swap3A_222 = vector.shape_cast %add3A_214 : vector<16xf32> to vector<1x1x16xf32>
      tpu.vector_store %arg5[%swap3A_217, %swap3A_218, %swap3A_219], %swap3A_222 {strides = array<i32>} : memref<4x8x1024xf32, #tpu.memory_space<vmem>>, vector<1x1x16xf32>,
      %get3A_223 = arith.constant 3 : i32
      %get3A_224 = arith.constant 1 : i32
      %get3A_225 = arith.index_cast %get3A_223 : i32 to index
      %get3A_226 = arith.index_cast %get3A_224 : i32 to index
      %get3A_227 = arith.index_cast %mul3A_102 : i32 to index
      %get3A_228 = tpu.vector_load %arg5[%get3A_225, %get3A_226, %get3A_227] {strides = array<i32>} : memref<4x8x1024xf32, #tpu.memory_space<vmem>>, vector<1x1x16xf32>,
      %get3A_229 = vector.shape_cast %get3A_228 : vector<1x1x16xf32> to vector<16xf32>
      %add3A_230 = arith.addf %get3A_229, %get3A_174 : vector<16xf32>
      %swap3A_231 = arith.constant 3 : i32
      %swap3A_232 = arith.constant 1 : i32
      %swap3A_233 = arith.index_cast %swap3A_231 : i32 to index
      %swap3A_234 = arith.index_cast %swap3A_232 : i32 to index
      %swap3A_235 = arith.index_cast %mul3A_102 : i32 to index
      %swap3A_236 = tpu.vector_load %arg5[%swap3A_233, %swap3A_234, %swap3A_235] {strides = array<i32>} : memref<4x8x1024xf32, #tpu.memory_space<vmem>>, vector<1x1x16xf32>,
      %swap3A_237 = vector.shape_cast %swap3A_236 : vector<1x1x16xf32> to vector<16xf32>
      %swap3A_238 = vector.shape_cast %add3A_230 : vector<16xf32> to vector<1x1x16xf32>
      tpu.vector_store %arg5[%swap3A_233, %swap3A_234, %swap3A_235], %swap3A_238 {strides = array<i32>} : memref<4x8x1024xf32, #tpu.memory_space<vmem>>, vector<1x1x16xf32>,
      %get3A_239 = arith.constant 2 : i32
      %get3A_240 = arith.index_cast %get3A_239 : i32 to index
      %get3A_241 = arith.index_cast %mul3A_102 : i32 to index
      %get3A_242 = tpu.vector_load %arg8[%get3A_240, %get3A_241] {strides = array<i32>} : memref<8x1024xf32, #tpu.memory_space<vmem>>, vector<1x16xf32>,
      %get3A_243 = vector.shape_cast %get3A_242 : vector<1x16xf32> to vector<16xf32>
      %get3A_244 = arith.constant 0 : i32
      %get3A_245 = arith.constant 2 : i32
      %get3A_246 = arith.index_cast %get3A_244 : i32 to index
      %get3A_247 = arith.index_cast %get3A_245 : i32 to index
      %get3A_248 = arith.index_cast %mul3A_102 : i32 to index
      %get3A_249 = tpu.vector_load %arg5[%get3A_246, %get3A_247, %get3A_248] {strides = array<i32>} : memref<4x8x1024xf32, #tpu.memory_space<vmem>>, vector<1x1x16xf32>,
      %get3A_250 = vector.shape_cast %get3A_249 : vector<1x1x16xf32> to vector<16xf32>
      %add3A_251 = arith.addf %get3A_250, %get3A_243 : vector<16xf32>
      %swap3A_252 = arith.constant 0 : i32
      %swap3A_253 = arith.constant 2 : i32
      %swap3A_254 = arith.index_cast %swap3A_252 : i32 to index
      %swap3A_255 = arith.index_cast %swap3A_253 : i32 to index
      %swap3A_256 = arith.index_cast %mul3A_102 : i32 to index
      %swap3A_257 = tpu.vector_load %arg5[%swap3A_254, %swap3A_255, %swap3A_256] {strides = array<i32>} : memref<4x8x1024xf32, #tpu.memory_space<vmem>>, vector<1x1x16xf32>,
      %swap3A_258 = vector.shape_cast %swap3A_257 : vector<1x1x16xf32> to vector<16xf32>
      %swap3A_259 = vector.shape_cast %add3A_251 : vector<16xf32> to vector<1x1x16xf32>
      tpu.vector_store %arg5[%swap3A_254, %swap3A_255, %swap3A_256], %swap3A_259 {strides = array<i32>} : memref<4x8x1024xf32, #tpu.memory_space<vmem>>, vector<1x1x16xf32>,
      %get3A_260 = arith.constant 1 : i32
      %get3A_261 = arith.constant 2 : i32
      %get3A_262 = arith.index_cast %get3A_260 : i32 to index
      %get3A_263 = arith.index_cast %get3A_261 : i32 to index
      %get3A_264 = arith.index_cast %mul3A_102 : i32 to index
      %get3A_265 = tpu.vector_load %arg5[%get3A_262, %get3A_263, %get3A_264] {strides = array<i32>} : memref<4x8x1024xf32, #tpu.memory_space<vmem>>, vector<1x1x16xf32>,
      %get3A_266 = vector.shape_cast %get3A_265 : vector<1x1x16xf32> to vector<16xf32>
      %add3A_267 = arith.addf %get3A_266, %get3A_243 : vector<16xf32>
      %swap3A_268 = arith.constant 1 : i32
      %swap3A_269 = arith.constant 2 : i32
      %swap3A_270 = arith.index_cast %swap3A_268 : i32 to index
      %swap3A_271 = arith.index_cast %swap3A_269 : i32 to index
      %swap3A_272 = arith.index_cast %mul3A_102 : i32 to index
      %swap3A_273 = tpu.vector_load %arg5[%swap3A_270, %swap3A_271, %swap3A_272] {strides = array<i32>} : memref<4x8x1024xf32, #tpu.memory_space<vmem>>, vector<1x1x16xf32>,
      %swap3A_274 = vector.shape_cast %swap3A_273 : vector<1x1x16xf32> to vector<16xf32>
      %swap3A_275 = vector.shape_cast %add3A_267 : vector<16xf32> to vector<1x1x16xf32>
      tpu.vector_store %arg5[%swap3A_270, %swap3A_271, %swap3A_272], %swap3A_275 {strides = array<i32>} : memref<4x8x1024xf32, #tpu.memory_space<vmem>>, vector<1x1x16xf32>,
      %get3A_276 = arith.constant 2 : i32
      %get3A_277 = arith.constant 2 : i32
      %get3A_278 = arith.index_cast %get3A_276 : i32 to index
      %get3A_279 = arith.index_cast %get3A_277 : i32 to index
      %get3A_280 = arith.index_cast %mul3A_102 : i32 to index
      %get3A_281 = tpu.vector_load %arg5[%get3A_278, %get3A_279, %get3A_280] {strides = array<i32>} : memref<4x8x1024xf32, #tpu.memory_space<vmem>>, vector<1x1x16xf32>,
      %get3A_282 = vector.shape_cast %get3A_281 : vector<1x1x16xf32> to vector<16xf32>
      %add3A_283 = arith.addf %get3A_282, %get3A_243 : vector<16xf32>
      %swap3A_284 = arith.constant 2 : i32
      %swap3A_285 = arith.constant 2 : i32
      %swap3A_286 = arith.index_cast %swap3A_284 : i32 to index
      %swap3A_287 = arith.index_cast %swap3A_285 : i32 to index
      %swap3A_288 = arith.index_cast %mul3A_102 : i32 to index
      %swap3A_289 = tpu.vector_load %arg5[%swap3A_286, %swap3A_287, %swap3A_288] {strides = array<i32>} : memref<4x8x1024xf32, #tpu.memory_space<vmem>>, vector<1x1x16xf32>,
      %swap3A_290 = vector.shape_cast %swap3A_289 : vector<1x1x16xf32> to vector<16xf32>
      %swap3A_291 = vector.shape_cast %add3A_283 : vector<16xf32> to vector<1x1x16xf32>
      tpu.vector_store %arg5[%swap3A_286, %swap3A_287, %swap3A_288], %swap3A_291 {strides = array<i32>} : memref<4x8x1024xf32, #tpu.memory_space<vmem>>, vector<1x1x16xf32>,
      %get3A_292 = arith.constant 3 : i32
      %get3A_293 = arith.constant 2 : i32
      %get3A_294 = arith.index_cast %get3A_292 : i32 to index
      %get3A_295 = arith.index_cast %get3A_293 : i32 to index
      %get3A_296 = arith.index_cast %mul3A_102 : i32 to index
      %get3A_297 = tpu.vector_load %arg5[%get3A_294, %get3A_295, %get3A_296] {strides = array<i32>} : memref<4x8x1024xf32, #tpu.memory_space<vmem>>, vector<1x1x16xf32>,
      %get3A_298 = vector.shape_cast %get3A_297 : vector<1x1x16xf32> to vector<16xf32>
      %add3A_299 = arith.addf %get3A_298, %get3A_243 : vector<16xf32>
      %swap3A_300 = arith.constant 3 : i32
      %swap3A_301 = arith.constant 2 : i32
      %swap3A_302 = arith.index_cast %swap3A_300 : i32 to index
      %swap3A_303 = arith.index_cast %swap3A_301 : i32 to index
      %swap3A_304 = arith.index_cast %mul3A_102 : i32 to index
      %swap3A_305 = tpu.vector_load %arg5[%swap3A_302, %swap3A_303, %swap3A_304] {strides = array<i32>} : memref<4x8x1024xf32, #tpu.memory_space<vmem>>, vector<1x1x16xf32>,
      %swap3A_306 = vector.shape_cast %swap3A_305 : vector<1x1x16xf32> to vector<16xf32>
      %swap3A_307 = vector.shape_cast %add3A_299 : vector<16xf32> to vector<1x1x16xf32>
      tpu.vector_store %arg5[%swap3A_302, %swap3A_303, %swap3A_304], %swap3A_307 {strides = array<i32>} : memref<4x8x1024xf32, #tpu.memory_space<vmem>>, vector<1x1x16xf32>,
      %get3A_308 = arith.constant 3 : i32
      %get3A_309 = arith.index_cast %get3A_308 : i32 to index
      %get3A_310 = arith.index_cast %mul3A_102 : i32 to index
      %get3A_311 = tpu.vector_load %arg8[%get3A_309, %get3A_310] {strides = array<i32>} : memref<8x1024xf32, #tpu.memory_space<vmem>>, vector<1x16xf32>,
      %get3A_312 = vector.shape_cast %get3A_311 : vector<1x16xf32> to vector<16xf32>
      %get3A_313 = arith.constant 0 : i32
      %get3A_314 = arith.constant 3 : i32
      %get3A_315 = arith.index_cast %get3A_313 : i32 to index
      %get3A_316 = arith.index_cast %get3A_314 : i32 to index
      %get3A_317 = arith.index_cast %mul3A_102 : i32 to index
      %get3A_318 = tpu.vector_load %arg5[%get3A_315, %get3A_316, %get3A_317] {strides = array<i32>} : memref<4x8x1024xf32, #tpu.memory_space<vmem>>, vector<1x1x16xf32>,
      %get3A_319 = vector.shape_cast %get3A_318 : vector<1x1x16xf32> to vector<16xf32>
      %add3A_320 = arith.addf %get3A_319, %get3A_312 : vector<16xf32>
      %swap3A_321 = arith.constant 0 : i32
      %swap3A_322 = arith.constant 3 : i32
      %swap3A_323 = arith.index_cast %swap3A_321 : i32 to index
      %swap3A_324 = arith.index_cast %swap3A_322 : i32 to index
      %swap3A_325 = arith.index_cast %mul3A_102 : i32 to index
      %swap3A_326 = tpu.vector_load %arg5[%swap3A_323, %swap3A_324, %swap3A_325] {strides = array<i32>} : memref<4x8x1024xf32, #tpu.memory_space<vmem>>, vector<1x1x16xf32>,
      %swap3A_327 = vector.shape_cast %swap3A_326 : vector<1x1x16xf32> to vector<16xf32>
      %swap3A_328 = vector.shape_cast %add3A_320 : vector<16xf32> to vector<1x1x16xf32>
      tpu.vector_store %arg5[%swap3A_323, %swap3A_324, %swap3A_325], %swap3A_328 {strides = array<i32>} : memref<4x8x1024xf32, #tpu.memory_space<vmem>>, vector<1x1x16xf32>,
      %get3A_329 = arith.constant 1 : i32
      %get3A_330 = arith.constant 3 : i32
      %get3A_331 = arith.index_cast %get3A_329 : i32 to index
      %get3A_332 = arith.index_cast %get3A_330 : i32 to index
      %get3A_333 = arith.index_cast %mul3A_102 : i32 to index
      %get3A_334 = tpu.vector_load %arg5[%get3A_331, %get3A_332, %get3A_333] {strides = array<i32>} : memref<4x8x1024xf32, #tpu.memory_space<vmem>>, vector<1x1x16xf32>,
      %get3A_335 = vector.shape_cast %get3A_334 : vector<1x1x16xf32> to vector<16xf32>
      %add3A_336 = arith.addf %get3A_335, %get3A_312 : vector<16xf32>
      %swap3A_337 = arith.constant 1 : i32
      %swap3A_338 = arith.constant 3 : i32
      %swap3A_339 = arith.index_cast %swap3A_337 : i32 to index
      %swap3A_340 = arith.index_cast %swap3A_338 : i32 to index
      %swap3A_341 = arith.index_cast %mul3A_102 : i32 to index
      %swap3A_342 = tpu.vector_load %arg5[%swap3A_339, %swap3A_340, %swap3A_341] {strides = array<i32>} : memref<4x8x1024xf32, #tpu.memory_space<vmem>>, vector<1x1x16xf32>,
      %swap3A_343 = vector.shape_cast %swap3A_342 : vector<1x1x16xf32> to vector<16xf32>
      %swap3A_344 = vector.shape_cast %add3A_336 : vector<16xf32> to vector<1x1x16xf32>
      tpu.vector_store %arg5[%swap3A_339, %swap3A_340, %swap3A_341], %swap3A_344 {strides = array<i32>} : memref<4x8x1024xf32, #tpu.memory_space<vmem>>, vector<1x1x16xf32>,
      %get3A_345 = arith.constant 2 : i32
      %get3A_346 = arith.constant 3 : i32
      %get3A_347 = arith.index_cast %get3A_345 : i32 to index
      %get3A_348 = arith.index_cast %get3A_346 : i32 to index
      %get3A_349 = arith.index_cast %mul3A_102 : i32 to index
      %get3A_350 = tpu.vector_load %arg5[%get3A_347, %get3A_348, %get3A_349] {strides = array<i32>} : memref<4x8x1024xf32, #tpu.memory_space<vmem>>, vector<1x1x16xf32>,
      %get3A_351 = vector.shape_cast %get3A_350 : vector<1x1x16xf32> to vector<16xf32>
      %add3A_352 = arith.addf %get3A_351, %get3A_312 : vector<16xf32>
      %swap3A_353 = arith.constant 2 : i32
      %swap3A_354 = arith.constant 3 : i32
      %swap3A_355 = arith.index_cast %swap3A_353 : i32 to index
      %swap3A_356 = arith.index_cast %swap3A_354 : i32 to index
      %swap3A_357 = arith.index_cast %mul3A_102 : i32 to index
      %swap3A_358 = tpu.vector_load %arg5[%swap3A_355, %swap3A_356, %swap3A_357] {strides = array<i32>} : memref<4x8x1024xf32, #tpu.memory_space<vmem>>, vector<1x1x16xf32>,
      %swap3A_359 = vector.shape_cast %swap3A_358 : vector<1x1x16xf32> to vector<16xf32>
      %swap3A_360 = vector.shape_cast %add3A_352 : vector<16xf32> to vector<1x1x16xf32>
      tpu.vector_store %arg5[%swap3A_355, %swap3A_356, %swap3A_357], %swap3A_360 {strides = array<i32>} : memref<4x8x1024xf32, #tpu.memory_space<vmem>>, vector<1x1x16xf32>,
      %get3A_361 = arith.constant 3 : i32
      %get3A_362 = arith.constant 3 : i32
      %get3A_363 = arith.index_cast %get3A_361 : i32 to index
      %get3A_364 = arith.index_cast %get3A_362 : i32 to index
      %get3A_365 = arith.index_cast %mul3A_102 : i32 to index
      %get3A_366 = tpu.vector_load %arg5[%get3A_363, %get3A_364, %get3A_365] {strides = array<i32>} : memref<4x8x1024xf32, #tpu.memory_space<vmem>>, vector<1x1x16xf32>,
      %get3A_367 = vector.shape_cast %get3A_366 : vector<1x1x16xf32> to vector<16xf32>
      %add3A_368 = arith.addf %get3A_367, %get3A_312 : vector<16xf32>
      %swap3A_369 = arith.constant 3 : i32
      %swap3A_370 = arith.constant 3 : i32
      %swap3A_371 = arith.index_cast %swap3A_369 : i32 to index
      %swap3A_372 = arith.index_cast %swap3A_370 : i32 to index
      %swap3A_373 = arith.index_cast %mul3A_102 : i32 to index
      %swap3A_374 = tpu.vector_load %arg5[%swap3A_371, %swap3A_372, %swap3A_373] {strides = array<i32>} : memref<4x8x1024xf32, #tpu.memory_space<vmem>>, vector<1x1x16xf32>,
      %swap3A_375 = vector.shape_cast %swap3A_374 : vector<1x1x16xf32> to vector<16xf32>
      %swap3A_376 = vector.shape_cast %add3A_368 : vector<16xf32> to vector<1x1x16xf32>
      tpu.vector_store %arg5[%swap3A_371, %swap3A_372, %swap3A_373], %swap3A_376 {strides = array<i32>} : memref<4x8x1024xf32, #tpu.memory_space<vmem>>, vector<1x1x16xf32>,
      %get3A_377 = arith.constant 4 : i32
      %get3A_378 = arith.index_cast %get3A_377 : i32 to index
      %get3A_379 = arith.index_cast %mul3A_102 : i32 to index
      %get3A_380 = tpu.vector_load %arg8[%get3A_378, %get3A_379] {strides = array<i32>} : memref<8x1024xf32, #tpu.memory_space<vmem>>, vector<1x16xf32>,
      %get3A_381 = vector.shape_cast %get3A_380 : vector<1x16xf32> to vector<16xf32>
      %get3A_382 = arith.constant 0 : i32
      %get3A_383 = arith.constant 4 : i32
      %get3A_384 = arith.index_cast %get3A_382 : i32 to index
      %get3A_385 = arith.index_cast %get3A_383 : i32 to index
      %get3A_386 = arith.index_cast %mul3A_102 : i32 to index
      %get3A_387 = tpu.vector_load %arg5[%get3A_384, %get3A_385, %get3A_386] {strides = array<i32>} : memref<4x8x1024xf32, #tpu.memory_space<vmem>>, vector<1x1x16xf32>,
      %get3A_388 = vector.shape_cast %get3A_387 : vector<1x1x16xf32> to vector<16xf32>
      %add3A_389 = arith.addf %get3A_388, %get3A_381 : vector<16xf32>
      %swap3A_390 = arith.constant 0 : i32
      %swap3A_391 = arith.constant 4 : i32
      %swap3A_392 = arith.index_cast %swap3A_390 : i32 to index
      %swap3A_393 = arith.index_cast %swap3A_391 : i32 to index
      %swap3A_394 = arith.index_cast %mul3A_102 : i32 to index
      %swap3A_395 = tpu.vector_load %arg5[%swap3A_392, %swap3A_393, %swap3A_394] {strides = array<i32>} : memref<4x8x1024xf32, #tpu.memory_space<vmem>>, vector<1x1x16xf32>,
      %swap3A_396 = vector.shape_cast %swap3A_395 : vector<1x1x16xf32> to vector<16xf32>
      %swap3A_397 = vector.shape_cast %add3A_389 : vector<16xf32> to vector<1x1x16xf32>
      tpu.vector_store %arg5[%swap3A_392, %swap3A_393, %swap3A_394], %swap3A_397 {strides = array<i32>} : memref<4x8x1024xf32, #tpu.memory_space<vmem>>, vector<1x1x16xf32>,
      %get3A_398 = arith.constant 1 : i32
      %get3A_399 = arith.constant 4 : i32
      %get3A_400 = arith.index_cast %get3A_398 : i32 to index
      %get3A_401 = arith.index_cast %get3A_399 : i32 to index
      %get3A_402 = arith.index_cast %mul3A_102 : i32 to index
      %get3A_403 = tpu.vector_load %arg5[%get3A_400, %get3A_401, %get3A_402] {strides = array<i32>} : memref<4x8x1024xf32, #tpu.memory_space<vmem>>, vector<1x1x16xf32>,
      %get3A_404 = vector.shape_cast %get3A_403 : vector<1x1x16xf32> to vector<16xf32>
      %add3A_405 = arith.addf %get3A_404, %get3A_381 : vector<16xf32>
      %swap3A_406 = arith.constant 1 : i32
      %swap3A_407 = arith.constant 4 : i32
      %swap3A_408 = arith.index_cast %swap3A_406 : i32 to index
      %swap3A_409 = arith.index_cast %swap3A_407 : i32 to index
      %swap3A_410 = arith.index_cast %mul3A_102 : i32 to index
      %swap3A_411 = tpu.vector_load %arg5[%swap3A_408, %swap3A_409, %swap3A_410] {strides = array<i32>} : memref<4x8x1024xf32, #tpu.memory_space<vmem>>, vector<1x1x16xf32>,
      %swap3A_412 = vector.shape_cast %swap3A_411 : vector<1x1x16xf32> to vector<16xf32>
      %swap3A_413 = vector.shape_cast %add3A_405 : vector<16xf32> to vector<1x1x16xf32>
      tpu.vector_store %arg5[%swap3A_408, %swap3A_409, %swap3A_410], %swap3A_413 {strides = array<i32>} : memref<4x8x1024xf32, #tpu.memory_space<vmem>>, vector<1x1x16xf32>,
      %get3A_414 = arith.constant 2 : i32
      %get3A_415 = arith.constant 4 : i32
      %get3A_416 = arith.index_cast %get3A_414 : i32 to index
      %get3A_417 = arith.index_cast %get3A_415 : i32 to index
      %get3A_418 = arith.index_cast %mul3A_102 : i32 to index
      %get3A_419 = tpu.vector_load %arg5[%get3A_416, %get3A_417, %get3A_418] {strides = array<i32>} : memref<4x8x1024xf32, #tpu.memory_space<vmem>>, vector<1x1x16xf32>,
      %get3A_420 = vector.shape_cast %get3A_419 : vector<1x1x16xf32> to vector<16xf32>
      %add3A_421 = arith.addf %get3A_420, %get3A_381 : vector<16xf32>
      %swap3A_422 = arith.constant 2 : i32
      %swap3A_423 = arith.constant 4 : i32
      %swap3A_424 = arith.index_cast %swap3A_422 : i32 to index
      %swap3A_425 = arith.index_cast %swap3A_423 : i32 to index
      %swap3A_426 = arith.index_cast %mul3A_102 : i32 to index
      %swap3A_427 = tpu.vector_load %arg5[%swap3A_424, %swap3A_425, %swap3A_426] {strides = array<i32>} : memref<4x8x1024xf32, #tpu.memory_space<vmem>>, vector<1x1x16xf32>,
      %swap3A_428 = vector.shape_cast %swap3A_427 : vector<1x1x16xf32> to vector<16xf32>
      %swap3A_429 = vector.shape_cast %add3A_421 : vector<16xf32> to vector<1x1x16xf32>
      tpu.vector_store %arg5[%swap3A_424, %swap3A_425, %swap3A_426], %swap3A_429 {strides = array<i32>} : memref<4x8x1024xf32, #tpu.memory_space<vmem>>, vector<1x1x16xf32>,
      %get3A_430 = arith.constant 3 : i32
      %get3A_431 = arith.constant 4 : i32
      %get3A_432 = arith.index_cast %get3A_430 : i32 to index
      %get3A_433 = arith.index_cast %get3A_431 : i32 to index
      %get3A_434 = arith.index_cast %mul3A_102 : i32 to index
      %get3A_435 = tpu.vector_load %arg5[%get3A_432, %get3A_433, %get3A_434] {strides = array<i32>} : memref<4x8x1024xf32, #tpu.memory_space<vmem>>, vector<1x1x16xf32>,
      %get3A_436 = vector.shape_cast %get3A_435 : vector<1x1x16xf32> to vector<16xf32>
      %add3A_437 = arith.addf %get3A_436, %get3A_381 : vector<16xf32>
      %swap3A_438 = arith.constant 3 : i32
      %swap3A_439 = arith.constant 4 : i32
      %swap3A_440 = arith.index_cast %swap3A_438 : i32 to index
      %swap3A_441 = arith.index_cast %swap3A_439 : i32 to index
      %swap3A_442 = arith.index_cast %mul3A_102 : i32 to index
      %swap3A_443 = tpu.vector_load %arg5[%swap3A_440, %swap3A_441, %swap3A_442] {strides = array<i32>} : memref<4x8x1024xf32, #tpu.memory_space<vmem>>, vector<1x1x16xf32>,
      %swap3A_444 = vector.shape_cast %swap3A_443 : vector<1x1x16xf32> to vector<16xf32>
      %swap3A_445 = vector.shape_cast %add3A_437 : vector<16xf32> to vector<1x1x16xf32>
      tpu.vector_store %arg5[%swap3A_440, %swap3A_441, %swap3A_442], %swap3A_445 {strides = array<i32>} : memref<4x8x1024xf32, #tpu.memory_space<vmem>>, vector<1x1x16xf32>,
      %get3A_446 = arith.constant 5 : i32
      %get3A_447 = arith.index_cast %get3A_446 : i32 to index
      %get3A_448 = arith.index_cast %mul3A_102 : i32 to index
      %get3A_449 = tpu.vector_load %arg8[%get3A_447, %get3A_448] {strides = array<i32>} : memref<8x1024xf32, #tpu.memory_space<vmem>>, vector<1x16xf32>,
      %get3A_450 = vector.shape_cast %get3A_449 : vector<1x16xf32> to vector<16xf32>
      %get3A_451 = arith.constant 0 : i32
      %get3A_452 = arith.constant 5 : i32
      %get3A_453 = arith.index_cast %get3A_451 : i32 to index
      %get3A_454 = arith.index_cast %get3A_452 : i32 to index
      %get3A_455 = arith.index_cast %mul3A_102 : i32 to index
      %get3A_456 = tpu.vector_load %arg5[%get3A_453, %get3A_454, %get3A_455] {strides = array<i32>} : memref<4x8x1024xf32, #tpu.memory_space<vmem>>, vector<1x1x16xf32>,
      %get3A_457 = vector.shape_cast %get3A_456 : vector<1x1x16xf32> to vector<16xf32>
      %add3A_458 = arith.addf %get3A_457, %get3A_450 : vector<16xf32>
      %swap3A_459 = arith.constant 0 : i32
      %swap3A_460 = arith.constant 5 : i32
      %swap3A_461 = arith.index_cast %swap3A_459 : i32 to index
      %swap3A_462 = arith.index_cast %swap3A_460 : i32 to index
      %swap3A_463 = arith.index_cast %mul3A_102 : i32 to index
      %swap3A_464 = tpu.vector_load %arg5[%swap3A_461, %swap3A_462, %swap3A_463] {strides = array<i32>} : memref<4x8x1024xf32, #tpu.memory_space<vmem>>, vector<1x1x16xf32>,
      %swap3A_465 = vector.shape_cast %swap3A_464 : vector<1x1x16xf32> to vector<16xf32>
      %swap3A_466 = vector.shape_cast %add3A_458 : vector<16xf32> to vector<1x1x16xf32>
      tpu.vector_store %arg5[%swap3A_461, %swap3A_462, %swap3A_463], %swap3A_466 {strides = array<i32>} : memref<4x8x1024xf32, #tpu.memory_space<vmem>>, vector<1x1x16xf32>,
      %get3A_467 = arith.constant 1 : i32
      %get3A_468 = arith.constant 5 : i32
      %get3A_469 = arith.index_cast %get3A_467 : i32 to index
      %get3A_470 = arith.index_cast %get3A_468 : i32 to index
      %get3A_471 = arith.index_cast %mul3A_102 : i32 to index
      %get3A_472 = tpu.vector_load %arg5[%get3A_469, %get3A_470, %get3A_471] {strides = array<i32>} : memref<4x8x1024xf32, #tpu.memory_space<vmem>>, vector<1x1x16xf32>,
      %get3A_473 = vector.shape_cast %get3A_472 : vector<1x1x16xf32> to vector<16xf32>
      %add3A_474 = arith.addf %get3A_473, %get3A_450 : vector<16xf32>
      %swap3A_475 = arith.constant 1 : i32
      %swap3A_476 = arith.constant 5 : i32
      %swap3A_477 = arith.index_cast %swap3A_475 : i32 to index
      %swap3A_478 = arith.index_cast %swap3A_476 : i32 to index
      %swap3A_479 = arith.index_cast %mul3A_102 : i32 to index
      %swap3A_480 = tpu.vector_load %arg5[%swap3A_477, %swap3A_478, %swap3A_479] {strides = array<i32>} : memref<4x8x1024xf32, #tpu.memory_space<vmem>>, vector<1x1x16xf32>,
      %swap3A_481 = vector.shape_cast %swap3A_480 : vector<1x1x16xf32> to vector<16xf32>
      %swap3A_482 = vector.shape_cast %add3A_474 : vector<16xf32> to vector<1x1x16xf32>
      tpu.vector_store %arg5[%swap3A_477, %swap3A_478, %swap3A_479], %swap3A_482 {strides = array<i32>} : memref<4x8x1024xf32, #tpu.memory_space<vmem>>, vector<1x1x16xf32>,
      %get3A_483 = arith.constant 2 : i32
      %get3A_484 = arith.constant 5 : i32
      %get3A_485 = arith.index_cast %get3A_483 : i32 to index
      %get3A_486 = arith.index_cast %get3A_484 : i32 to index
      %get3A_487 = arith.index_cast %mul3A_102 : i32 to index
      %get3A_488 = tpu.vector_load %arg5[%get3A_485, %get3A_486, %get3A_487] {strides = array<i32>} : memref<4x8x1024xf32, #tpu.memory_space<vmem>>, vector<1x1x16xf32>,
      %get3A_489 = vector.shape_cast %get3A_488 : vector<1x1x16xf32> to vector<16xf32>
      %add3A_490 = arith.addf %get3A_489, %get3A_450 : vector<16xf32>
      %swap3A_491 = arith.constant 2 : i32
      %swap3A_492 = arith.constant 5 : i32
      %swap3A_493 = arith.index_cast %swap3A_491 : i32 to index
      %swap3A_494 = arith.index_cast %swap3A_492 : i32 to index
      %swap3A_495 = arith.index_cast %mul3A_102 : i32 to index
      %swap3A_496 = tpu.vector_load %arg5[%swap3A_493, %swap3A_494, %swap3A_495] {strides = array<i32>} : memref<4x8x1024xf32, #tpu.memory_space<vmem>>, vector<1x1x16xf32>,
      %swap3A_497 = vector.shape_cast %swap3A_496 : vector<1x1x16xf32> to vector<16xf32>
      %swap3A_498 = vector.shape_cast %add3A_490 : vector<16xf32> to vector<1x1x16xf32>
      tpu.vector_store %arg5[%swap3A_493, %swap3A_494, %swap3A_495], %swap3A_498 {strides = array<i32>} : memref<4x8x1024xf32, #tpu.memory_space<vmem>>, vector<1x1x16xf32>,
      %get3A_499 = arith.constant 3 : i32
      %get3A_500 = arith.constant 5 : i32
      %get3A_501 = arith.index_cast %get3A_499 : i32 to index
      %get3A_502 = arith.index_cast %get3A_500 : i32 to index
      %get3A_503 = arith.index_cast %mul3A_102 : i32 to index
      %get3A_504 = tpu.vector_load %arg5[%get3A_501, %get3A_502, %get3A_503] {strides = array<i32>} : memref<4x8x1024xf32, #tpu.memory_space<vmem>>, vector<1x1x16xf32>,
      %get3A_505 = vector.shape_cast %get3A_504 : vector<1x1x16xf32> to vector<16xf32>
      %add3A_506 = arith.addf %get3A_505, %get3A_450 : vector<16xf32>
      %swap3A_507 = arith.constant 3 : i32
      %swap3A_508 = arith.constant 5 : i32
      %swap3A_509 = arith.index_cast %swap3A_507 : i32 to index
      %swap3A_510 = arith.index_cast %swap3A_508 : i32 to index
      %swap3A_511 = arith.index_cast %mul3A_102 : i32 to index
      %swap3A_512 = tpu.vector_load %arg5[%swap3A_509, %swap3A_510, %swap3A_511] {strides = array<i32>} : memref<4x8x1024xf32, #tpu.memory_space<vmem>>, vector<1x1x16xf32>,
      %swap3A_513 = vector.shape_cast %swap3A_512 : vector<1x1x16xf32> to vector<16xf32>
      %swap3A_514 = vector.shape_cast %add3A_506 : vector<16xf32> to vector<1x1x16xf32>
      tpu.vector_store %arg5[%swap3A_509, %swap3A_510, %swap3A_511], %swap3A_514 {strides = array<i32>} : memref<4x8x1024xf32, #tpu.memory_space<vmem>>, vector<1x1x16xf32>,
      %get3A_515 = arith.constant 6 : i32
      %get3A_516 = arith.index_cast %get3A_515 : i32 to index
      %get3A_517 = arith.index_cast %mul3A_102 : i32 to index
      %get3A_518 = tpu.vector_load %arg8[%get3A_516, %get3A_517] {strides = array<i32>} : memref<8x1024xf32, #tpu.memory_space<vmem>>, vector<1x16xf32>,
      %get3A_519 = vector.shape_cast %get3A_518 : vector<1x16xf32> to vector<16xf32>
      %get3A_520 = arith.constant 0 : i32
      %get3A_521 = arith.constant 6 : i32
      %get3A_522 = arith.index_cast %get3A_520 : i32 to index
      %get3A_523 = arith.index_cast %get3A_521 : i32 to index
      %get3A_524 = arith.index_cast %mul3A_102 : i32 to index
      %get3A_525 = tpu.vector_load %arg5[%get3A_522, %get3A_523, %get3A_524] {strides = array<i32>} : memref<4x8x1024xf32, #tpu.memory_space<vmem>>, vector<1x1x16xf32>,
      %get3A_526 = vector.shape_cast %get3A_525 : vector<1x1x16xf32> to vector<16xf32>
      %add3A_527 = arith.addf %get3A_526, %get3A_519 : vector<16xf32>
      %swap3A_528 = arith.constant 0 : i32
      %swap3A_529 = arith.constant 6 : i32
      %swap3A_530 = arith.index_cast %swap3A_528 : i32 to index
      %swap3A_531 = arith.index_cast %swap3A_529 : i32 to index
      %swap3A_532 = arith.index_cast %mul3A_102 : i32 to index
      %swap3A_533 = tpu.vector_load %arg5[%swap3A_530, %swap3A_531, %swap3A_532] {strides = array<i32>} : memref<4x8x1024xf32, #tpu.memory_space<vmem>>, vector<1x1x16xf32>,
      %swap3A_534 = vector.shape_cast %swap3A_533 : vector<1x1x16xf32> to vector<16xf32>
      %swap3A_535 = vector.shape_cast %add3A_527 : vector<16xf32> to vector<1x1x16xf32>
      tpu.vector_store %arg5[%swap3A_530, %swap3A_531, %swap3A_532], %swap3A_535 {strides = array<i32>} : memref<4x8x1024xf32, #tpu.memory_space<vmem>>, vector<1x1x16xf32>,
      %get3A_536 = arith.constant 1 : i32
      %get3A_537 = arith.constant 6 : i32
      %get3A_538 = arith.index_cast %get3A_536 : i32 to index
      %get3A_539 = arith.index_cast %get3A_537 : i32 to index
      %get3A_540 = arith.index_cast %mul3A_102 : i32 to index
      %get3A_541 = tpu.vector_load %arg5[%get3A_538, %get3A_539, %get3A_540] {strides = array<i32>} : memref<4x8x1024xf32, #tpu.memory_space<vmem>>, vector<1x1x16xf32>,
      %get3A_542 = vector.shape_cast %get3A_541 : vector<1x1x16xf32> to vector<16xf32>
      %add3A_543 = arith.addf %get3A_542, %get3A_519 : vector<16xf32>
      %swap3A_544 = arith.constant 1 : i32
      %swap3A_545 = arith.constant 6 : i32
      %swap3A_546 = arith.index_cast %swap3A_544 : i32 to index
      %swap3A_547 = arith.index_cast %swap3A_545 : i32 to index
      %swap3A_548 = arith.index_cast %mul3A_102 : i32 to index
      %swap3A_549 = tpu.vector_load %arg5[%swap3A_546, %swap3A_547, %swap3A_548] {strides = array<i32>} : memref<4x8x1024xf32, #tpu.memory_space<vmem>>, vector<1x1x16xf32>,
      %swap3A_550 = vector.shape_cast %swap3A_549 : vector<1x1x16xf32> to vector<16xf32>
      %swap3A_551 = vector.shape_cast %add3A_543 : vector<16xf32> to vector<1x1x16xf32>
      tpu.vector_store %arg5[%swap3A_546, %swap3A_547, %swap3A_548], %swap3A_551 {strides = array<i32>} : memref<4x8x1024xf32, #tpu.memory_space<vmem>>, vector<1x1x16xf32>,
      %get3A_552 = arith.constant 2 : i32
      %get3A_553 = arith.constant 6 : i32
      %get3A_554 = arith.index_cast %get3A_552 : i32 to index
      %get3A_555 = arith.index_cast %get3A_553 : i32 to index
      %get3A_556 = arith.index_cast %mul3A_102 : i32 to index
      %get3A_557 = tpu.vector_load %arg5[%get3A_554, %get3A_555, %get3A_556] {strides = array<i32>} : memref<4x8x1024xf32, #tpu.memory_space<vmem>>, vector<1x1x16xf32>,
      %get3A_558 = vector.shape_cast %get3A_557 : vector<1x1x16xf32> to vector<16xf32>
      %add3A_559 = arith.addf %get3A_558, %get3A_519 : vector<16xf32>
      %swap3A_560 = arith.constant 2 : i32
      %swap3A_561 = arith.constant 6 : i32
      %swap3A_562 = arith.index_cast %swap3A_560 : i32 to index
      %swap3A_563 = arith.index_cast %swap3A_561 : i32 to index
      %swap3A_564 = arith.index_cast %mul3A_102 : i32 to index
      %swap3A_565 = tpu.vector_load %arg5[%swap3A_562, %swap3A_563, %swap3A_564] {strides = array<i32>} : memref<4x8x1024xf32, #tpu.memory_space<vmem>>, vector<1x1x16xf32>,
      %swap3A_566 = vector.shape_cast %swap3A_565 : vector<1x1x16xf32> to vector<16xf32>
      %swap3A_567 = vector.shape_cast %add3A_559 : vector<16xf32> to vector<1x1x16xf32>
      tpu.vector_store %arg5[%swap3A_562, %swap3A_563, %swap3A_564], %swap3A_567 {strides = array<i32>} : memref<4x8x1024xf32, #tpu.memory_space<vmem>>, vector<1x1x16xf32>,
      %get3A_568 = arith.constant 3 : i32
      %get3A_569 = arith.constant 6 : i32
      %get3A_570 = arith.index_cast %get3A_568 : i32 to index
      %get3A_571 = arith.index_cast %get3A_569 : i32 to index
      %get3A_572 = arith.index_cast %mul3A_102 : i32 to index
      %get3A_573 = tpu.vector_load %arg5[%get3A_570, %get3A_571, %get3A_572] {strides = array<i32>} : memref<4x8x1024xf32, #tpu.memory_space<vmem>>, vector<1x1x16xf32>,
      %get3A_574 = vector.shape_cast %get3A_573 : vector<1x1x16xf32> to vector<16xf32>
      %add3A_575 = arith.addf %get3A_574, %get3A_519 : vector<16xf32>
      %swap3A_576 = arith.constant 3 : i32
      %swap3A_577 = arith.constant 6 : i32
      %swap3A_578 = arith.index_cast %swap3A_576 : i32 to index
      %swap3A_579 = arith.index_cast %swap3A_577 : i32 to index
      %swap3A_580 = arith.index_cast %mul3A_102 : i32 to index
      %swap3A_581 = tpu.vector_load %arg5[%swap3A_578, %swap3A_579, %swap3A_580] {strides = array<i32>} : memref<4x8x1024xf32, #tpu.memory_space<vmem>>, vector<1x1x16xf32>,
      %swap3A_582 = vector.shape_cast %swap3A_581 : vector<1x1x16xf32> to vector<16xf32>
      %swap3A_583 = vector.shape_cast %add3A_575 : vector<16xf32> to vector<1x1x16xf32>
      tpu.vector_store %arg5[%swap3A_578, %swap3A_579, %swap3A_580], %swap3A_583 {strides = array<i32>} : memref<4x8x1024xf32, #tpu.memory_space<vmem>>, vector<1x1x16xf32>,
      %get3A_584 = arith.constant 7 : i32
      %get3A_585 = arith.index_cast %get3A_584 : i32 to index
      %get3A_586 = arith.index_cast %mul3A_102 : i32 to index
      %get3A_587 = tpu.vector_load %arg8[%get3A_585, %get3A_586] {strides = array<i32>} : memref<8x1024xf32, #tpu.memory_space<vmem>>, vector<1x16xf32>,
      %get3A_588 = vector.shape_cast %get3A_587 : vector<1x16xf32> to vector<16xf32>
      %get3A_589 = arith.constant 0 : i32
      %get3A_590 = arith.constant 7 : i32
      %get3A_591 = arith.index_cast %get3A_589 : i32 to index
      %get3A_592 = arith.index_cast %get3A_590 : i32 to index
      %get3A_593 = arith.index_cast %mul3A_102 : i32 to index
      %get3A_594 = tpu.vector_load %arg5[%get3A_591, %get3A_592, %get3A_593] {strides = array<i32>} : memref<4x8x1024xf32, #tpu.memory_space<vmem>>, vector<1x1x16xf32>,
      %get3A_595 = vector.shape_cast %get3A_594 : vector<1x1x16xf32> to vector<16xf32>
      %add3A_596 = arith.addf %get3A_595, %get3A_588 : vector<16xf32>
      %swap3A_597 = arith.constant 0 : i32
      %swap3A_598 = arith.constant 7 : i32
      %swap3A_599 = arith.index_cast %swap3A_597 : i32 to index
      %swap3A_600 = arith.index_cast %swap3A_598 : i32 to index
      %swap3A_601 = arith.index_cast %mul3A_102 : i32 to index
      %swap3A_602 = tpu.vector_load %arg5[%swap3A_599, %swap3A_600, %swap3A_601] {strides = array<i32>} : memref<4x8x1024xf32, #tpu.memory_space<vmem>>, vector<1x1x16xf32>,
      %swap3A_603 = vector.shape_cast %swap3A_602 : vector<1x1x16xf32> to vector<16xf32>
      %swap3A_604 = vector.shape_cast %add3A_596 : vector<16xf32> to vector<1x1x16xf32>
      tpu.vector_store %arg5[%swap3A_599, %swap3A_600, %swap3A_601], %swap3A_604 {strides = array<i32>} : memref<4x8x1024xf32, #tpu.memory_space<vmem>>, vector<1x1x16xf32>,
      %get3A_605 = arith.constant 1 : i32
      %get3A_606 = arith.constant 7 : i32
      %get3A_607 = arith.index_cast %get3A_605 : i32 to index
      %get3A_608 = arith.index_cast %get3A_606 : i32 to index
      %get3A_609 = arith.index_cast %mul3A_102 : i32 to index
      %get3A_610 = tpu.vector_load %arg5[%get3A_607, %get3A_608, %get3A_609] {strides = array<i32>} : memref<4x8x1024xf32, #tpu.memory_space<vmem>>, vector<1x1x16xf32>,
      %get3A_611 = vector.shape_cast %get3A_610 : vector<1x1x16xf32> to vector<16xf32>
      %add3A_612 = arith.addf %get3A_611, %get3A_588 : vector<16xf32>
      %swap3A_613 = arith.constant 1 : i32
      %swap3A_614 = arith.constant 7 : i32
      %swap3A_615 = arith.index_cast %swap3A_613 : i32 to index
      %swap3A_616 = arith.index_cast %swap3A_614 : i32 to index
      %swap3A_617 = arith.index_cast %mul3A_102 : i32 to index
      %swap3A_618 = tpu.vector_load %arg5[%swap3A_615, %swap3A_616, %swap3A_617] {strides = array<i32>} : memref<4x8x1024xf32, #tpu.memory_space<vmem>>, vector<1x1x16xf32>,
      %swap3A_619 = vector.shape_cast %swap3A_618 : vector<1x1x16xf32> to vector<16xf32>
      %swap3A_620 = vector.shape_cast %add3A_612 : vector<16xf32> to vector<1x1x16xf32>
      tpu.vector_store %arg5[%swap3A_615, %swap3A_616, %swap3A_617], %swap3A_620 {strides = array<i32>} : memref<4x8x1024xf32, #tpu.memory_space<vmem>>, vector<1x1x16xf32>,
      %get3A_621 = arith.constant 2 : i32
      %get3A_622 = arith.constant 7 : i32
      %get3A_623 = arith.index_cast %get3A_621 : i32 to index
      %get3A_624 = arith.index_cast %get3A_622 : i32 to index
      %get3A_625 = arith.index_cast %mul3A_102 : i32 to index
      %get3A_626 = tpu.vector_load %arg5[%get3A_623, %get3A_624, %get3A_625] {strides = array<i32>} : memref<4x8x1024xf32, #tpu.memory_space<vmem>>, vector<1x1x16xf32>,
      %get3A_627 = vector.shape_cast %get3A_626 : vector<1x1x16xf32> to vector<16xf32>
      %add3A_628 = arith.addf %get3A_627, %get3A_588 : vector<16xf32>
      %swap3A_629 = arith.constant 2 : i32
      %swap3A_630 = arith.constant 7 : i32
      %swap3A_631 = arith.index_cast %swap3A_629 : i32 to index
      %swap3A_632 = arith.index_cast %swap3A_630 : i32 to index
      %swap3A_633 = arith.index_cast %mul3A_102 : i32 to index
      %swap3A_634 = tpu.vector_load %arg5[%swap3A_631, %swap3A_632, %swap3A_633] {strides = array<i32>} : memref<4x8x1024xf32, #tpu.memory_space<vmem>>, vector<1x1x16xf32>,
      %swap3A_635 = vector.shape_cast %swap3A_634 : vector<1x1x16xf32> to vector<16xf32>
      %swap3A_636 = vector.shape_cast %add3A_628 : vector<16xf32> to vector<1x1x16xf32>
      tpu.vector_store %arg5[%swap3A_631, %swap3A_632, %swap3A_633], %swap3A_636 {strides = array<i32>} : memref<4x8x1024xf32, #tpu.memory_space<vmem>>, vector<1x1x16xf32>,
      %get3A_637 = arith.constant 3 : i32
      %get3A_638 = arith.constant 7 : i32
      %get3A_639 = arith.index_cast %get3A_637 : i32 to index
      %get3A_640 = arith.index_cast %get3A_638 : i32 to index
      %get3A_641 = arith.index_cast %mul3A_102 : i32 to index
      %get3A_642 = tpu.vector_load %arg5[%get3A_639, %get3A_640, %get3A_641] {strides = array<i32>} : memref<4x8x1024xf32, #tpu.memory_space<vmem>>, vector<1x1x16xf32>,
      %get3A_643 = vector.shape_cast %get3A_642 : vector<1x1x16xf32> to vector<16xf32>
      %add3A_644 = arith.addf %get3A_643, %get3A_588 : vector<16xf32>
      %swap3A_645 = arith.constant 3 : i32
      %swap3A_646 = arith.constant 7 : i32
      %swap3A_647 = arith.index_cast %swap3A_645 : i32 to index
      %swap3A_648 = arith.index_cast %swap3A_646 : i32 to index
      %swap3A_649 = arith.index_cast %mul3A_102 : i32 to index
      %swap3A_650 = tpu.vector_load %arg5[%swap3A_647, %swap3A_648, %swap3A_649] {strides = array<i32>} : memref<4x8x1024xf32, #tpu.memory_space<vmem>>, vector<1x1x16xf32>,
      %swap3A_651 = vector.shape_cast %swap3A_650 : vector<1x1x16xf32> to vector<16xf32>
      %swap3A_652 = vector.shape_cast %add3A_644 : vector<16xf32> to vector<1x1x16xf32>
      tpu.vector_store %arg5[%swap3A_647, %swap3A_648, %swap3A_649], %swap3A_652 {strides = array<i32>} : memref<4x8x1024xf32, #tpu.memory_space<vmem>>, vector<1x1x16xf32>,
    }
    %scan3A_49 = arith.constant 64 : i32
    %add3A_50 = arith.constant 240 : i32
    %add3A_51 = arith.addi %mul3A_2, %add3A_50 : i32
    %dma_start3A_52 = arith.constant 0 : i32
    %dma_start3A_53 = arith.constant 0 : i32
    %dma_start3A_54 = tpu.memref_slice %arg4[%dma_start3A_52, %add3A_51, %dma_start3A_53] : memref<4x8192x1024xf32, #tpu.memory_space<hbm>> -> memref<4x8x1024xf32, #tpu.memory_space<hbm>>
    %dma_start3A_55 = arith.constant 0 : i32
    %dma_start3A_56 = arith.constant 0 : i32
    %dma_start3A_57 = tpu.memref_slice %arg4[%dma_start3A_55, %add3A_51, %dma_start3A_56] : memref<4x8192x1024xf32, #tpu.memory_space<hbm>> -> memref<4x8x1024xf32, #tpu.memory_space<hbm>>
    tpu.enqueue_dma source(%arg5 : memref<4x8x1024xf32, #tpu.memory_space<vmem>>) target(%dma_start3A_57 : memref<4x8x1024xf32, #tpu.memory_space<hbm>>) target_semaphore(%arg14 : memref<!tpu.dma_semaphore, #tpu.memory_space<semaphore_mem>>)
    %dma_wait3A_58 = arith.constant 0 : i32
    %dma_wait3A_59 = arith.constant 0 : i32
    %dma_wait3A_60 = tpu.memref_slice %arg4[%dma_wait3A_58, %mul3A_2, %dma_wait3A_59] : memref<4x8192x1024xf32, #tpu.memory_space<hbm>> -> memref<4x8x1024xf32, #tpu.memory_space<hbm>>
    %dma_wait3A_61 = arith.constant 0 : i32
    %dma_wait3A_62 = arith.constant 0 : i32
    %dma_wait3A_63 = tpu.memref_slice %arg4[%dma_wait3A_61, %mul3A_2, %dma_wait3A_62] : memref<4x8192x1024xf32, #tpu.memory_space<hbm>> -> memref<4x8x1024xf32, #tpu.memory_space<hbm>>
    tpu.wait_dma2 semaphore(%arg16 : memref<!tpu.dma_semaphore, #tpu.memory_space<semaphore_mem>>) src(%arg7 : memref<4x8x1024xf32, #tpu.memory_space<vmem>>) dst(%dma_wait3A_63 : memref<4x8x1024xf32, #tpu.memory_space<hbm>>)
    %dma_wait3A_64 = arith.constant 0 : i32
    %dma_wait3A_65 = arith.constant 0 : i32
    %dma_wait3A_66 = tpu.memref_slice %arg2[%dma_wait3A_64, %mul3A_2, %dma_wait3A_65] : memref<4x8192x1024xf32, #tpu.memory_space<hbm>> -> memref<4x8x1024xf32, #tpu.memory_space<hbm>>
    %dma_wait3A_67 = arith.constant 0 : i32
    %dma_wait3A_68 = arith.constant 0 : i32
    %dma_wait3A_69 = tpu.memref_slice %arg2[%dma_wait3A_67, %mul3A_2, %dma_wait3A_68] : memref<4x8192x1024xf32, #tpu.memory_space<hbm>> -> memref<4x8x1024xf32, #tpu.memory_space<hbm>>
    tpu.wait_dma2 semaphore(%arg12 : memref<!tpu.dma_semaphore, #tpu.memory_space<semaphore_mem>>) src(%dma_wait3A_69 : memref<4x8x1024xf32, #tpu.memory_space<hbm>>) dst(%arg6 : memref<4x8x1024xf32, #tpu.memory_space<vmem>>)
    %dma_wait3A_70 = arith.constant 0 : i32
    %dma_wait3A_71 = tpu.memref_slice %arg3[%mul3A_2, %dma_wait3A_70] : memref<8192x1024xf32, #tpu.memory_space<hbm>> -> memref<8x1024xf32, #tpu.memory_space<hbm>>
    %dma_wait3A_72 = arith.constant 0 : i32
    %dma_wait3A_73 = tpu.memref_slice %arg3[%mul3A_2, %dma_wait3A_72] : memref<8192x1024xf32, #tpu.memory_space<hbm>> -> memref<8x1024xf32, #tpu.memory_space<hbm>>
    tpu.wait_dma2 semaphore(%arg18 : memref<!tpu.dma_semaphore, #tpu.memory_space<semaphore_mem>>) src(%dma_wait3A_73 : memref<8x1024xf32, #tpu.memory_space<hbm>>) dst(%arg9 : memref<8x1024xf32, #tpu.memory_space<vmem>>)
    %scan3A_74 = arith.constant 0 : i32
    %scan3A_75 = arith.constant 0 : i32
    %scan3A_76 = arith.constant 64 : i32
    %scan3A_77 = arith.addi %scan3A_75, %scan3A_76 : i32
    %scan3A_78 = arith.constant 1 : i32
    scf.for %scan3A_100 = %scan3A_75 to %scan3A_77 step %scan3A_78  : i32 {
      %mul3A_101 = arith.constant 16 : i32
      %mul3A_102 = arith.muli %scan3A_100, %mul3A_101 : i32
      %get3A = arith.constant 0 : i32
      %get3A_103 = arith.index_cast %get3A : i32 to index
      %get3A_104 = arith.index_cast %mul3A_102 : i32 to index
      %get3A_105 = tpu.vector_load %arg9[%get3A_103, %get3A_104] {strides = array<i32>} : memref<8x1024xf32, #tpu.memory_space<vmem>>, vector<1x16xf32>,
      %get3A_106 = vector.shape_cast %get3A_105 : vector<1x16xf32> to vector<16xf32>
      %get3A_107 = arith.constant 0 : i32
      %get3A_108 = arith.constant 0 : i32
      %get3A_109 = arith.index_cast %get3A_107 : i32 to index
      %get3A_110 = arith.index_cast %get3A_108 : i32 to index
      %get3A_111 = arith.index_cast %mul3A_102 : i32 to index
      %get3A_112 = tpu.vector_load %arg6[%get3A_109, %get3A_110, %get3A_111] {strides = array<i32>} : memref<4x8x1024xf32, #tpu.memory_space<vmem>>, vector<1x1x16xf32>,
      %get3A_113 = vector.shape_cast %get3A_112 : vector<1x1x16xf32> to vector<16xf32>
      %add3A_114 = arith.addf %get3A_113, %get3A_106 : vector<16xf32>
      %swap3A = arith.constant 0 : i32
      %swap3A_115 = arith.constant 0 : i32
      %swap3A_116 = arith.index_cast %swap3A : i32 to index
      %swap3A_117 = arith.index_cast %swap3A_115 : i32 to index
      %swap3A_118 = arith.index_cast %mul3A_102 : i32 to index
      %swap3A_119 = tpu.vector_load %arg6[%swap3A_116, %swap3A_117, %swap3A_118] {strides = array<i32>} : memref<4x8x1024xf32, #tpu.memory_space<vmem>>, vector<1x1x16xf32>,
      %swap3A_120 = vector.shape_cast %swap3A_119 : vector<1x1x16xf32> to vector<16xf32>
      %swap3A_121 = vector.shape_cast %add3A_114 : vector<16xf32> to vector<1x1x16xf32>
      tpu.vector_store %arg6[%swap3A_116, %swap3A_117, %swap3A_118], %swap3A_121 {strides = array<i32>} : memref<4x8x1024xf32, #tpu.memory_space<vmem>>, vector<1x1x16xf32>,
      %get3A_122 = arith.constant 1 : i32
      %get3A_123 = arith.constant 0 : i32
      %get3A_124 = arith.index_cast %get3A_122 : i32 to index
      %get3A_125 = arith.index_cast %get3A_123 : i32 to index
      %get3A_126 = arith.index_cast %mul3A_102 : i32 to index
      %get3A_127 = tpu.vector_load %arg6[%get3A_124, %get3A_125, %get3A_126] {strides = array<i32>} : memref<4x8x1024xf32, #tpu.memory_space<vmem>>, vector<1x1x16xf32>,
      %get3A_128 = vector.shape_cast %get3A_127 : vector<1x1x16xf32> to vector<16xf32>
      %add3A_129 = arith.addf %get3A_128, %get3A_106 : vector<16xf32>
      %swap3A_130 = arith.constant 1 : i32
      %swap3A_131 = arith.constant 0 : i32
      %swap3A_132 = arith.index_cast %swap3A_130 : i32 to index
      %swap3A_133 = arith.index_cast %swap3A_131 : i32 to index
      %swap3A_134 = arith.index_cast %mul3A_102 : i32 to index
      %swap3A_135 = tpu.vector_load %arg6[%swap3A_132, %swap3A_133, %swap3A_134] {strides = array<i32>} : memref<4x8x1024xf32, #tpu.memory_space<vmem>>, vector<1x1x16xf32>,
      %swap3A_136 = vector.shape_cast %swap3A_135 : vector<1x1x16xf32> to vector<16xf32>
      %swap3A_137 = vector.shape_cast %add3A_129 : vector<16xf32> to vector<1x1x16xf32>
      tpu.vector_store %arg6[%swap3A_132, %swap3A_133, %swap3A_134], %swap3A_137 {strides = array<i32>} : memref<4x8x1024xf32, #tpu.memory_space<vmem>>, vector<1x1x16xf32>,
      %get3A_138 = arith.constant 2 : i32
      %get3A_139 = arith.constant 0 : i32
      %get3A_140 = arith.index_cast %get3A_138 : i32 to index
      %get3A_141 = arith.index_cast %get3A_139 : i32 to index
      %get3A_142 = arith.index_cast %mul3A_102 : i32 to index
      %get3A_143 = tpu.vector_load %arg6[%get3A_140, %get3A_141, %get3A_142] {strides = array<i32>} : memref<4x8x1024xf32, #tpu.memory_space<vmem>>, vector<1x1x16xf32>,
      %get3A_144 = vector.shape_cast %get3A_143 : vector<1x1x16xf32> to vector<16xf32>
      %add3A_145 = arith.addf %get3A_144, %get3A_106 : vector<16xf32>
      %swap3A_146 = arith.constant 2 : i32
      %swap3A_147 = arith.constant 0 : i32
      %swap3A_148 = arith.index_cast %swap3A_146 : i32 to index
      %swap3A_149 = arith.index_cast %swap3A_147 : i32 to index
      %swap3A_150 = arith.index_cast %mul3A_102 : i32 to index
      %swap3A_151 = tpu.vector_load %arg6[%swap3A_148, %swap3A_149, %swap3A_150] {strides = array<i32>} : memref<4x8x1024xf32, #tpu.memory_space<vmem>>, vector<1x1x16xf32>,
      %swap3A_152 = vector.shape_cast %swap3A_151 : vector<1x1x16xf32> to vector<16xf32>
      %swap3A_153 = vector.shape_cast %add3A_145 : vector<16xf32> to vector<1x1x16xf32>
      tpu.vector_store %arg6[%swap3A_148, %swap3A_149, %swap3A_150], %swap3A_153 {strides = array<i32>} : memref<4x8x1024xf32, #tpu.memory_space<vmem>>, vector<1x1x16xf32>,
      %get3A_154 = arith.constant 3 : i32
      %get3A_155 = arith.constant 0 : i32
      %get3A_156 = arith.index_cast %get3A_154 : i32 to index
      %get3A_157 = arith.index_cast %get3A_155 : i32 to index
      %get3A_158 = arith.index_cast %mul3A_102 : i32 to index
      %get3A_159 = tpu.vector_load %arg6[%get3A_156, %get3A_157, %get3A_158] {strides = array<i32>} : memref<4x8x1024xf32, #tpu.memory_space<vmem>>, vector<1x1x16xf32>,
      %get3A_160 = vector.shape_cast %get3A_159 : vector<1x1x16xf32> to vector<16xf32>
      %add3A_161 = arith.addf %get3A_160, %get3A_106 : vector<16xf32>
      %swap3A_162 = arith.constant 3 : i32
      %swap3A_163 = arith.constant 0 : i32
      %swap3A_164 = arith.index_cast %swap3A_162 : i32 to index
      %swap3A_165 = arith.index_cast %swap3A_163 : i32 to index
      %swap3A_166 = arith.index_cast %mul3A_102 : i32 to index
      %swap3A_167 = tpu.vector_load %arg6[%swap3A_164, %swap3A_165, %swap3A_166] {strides = array<i32>} : memref<4x8x1024xf32, #tpu.memory_space<vmem>>, vector<1x1x16xf32>,
      %swap3A_168 = vector.shape_cast %swap3A_167 : vector<1x1x16xf32> to vector<16xf32>
      %swap3A_169 = vector.shape_cast %add3A_161 : vector<16xf32> to vector<1x1x16xf32>
      tpu.vector_store %arg6[%swap3A_164, %swap3A_165, %swap3A_166], %swap3A_169 {strides = array<i32>} : memref<4x8x1024xf32, #tpu.memory_space<vmem>>, vector<1x1x16xf32>,
      %get3A_170 = arith.constant 1 : i32
      %get3A_171 = arith.index_cast %get3A_170 : i32 to index
      %get3A_172 = arith.index_cast %mul3A_102 : i32 to index
      %get3A_173 = tpu.vector_load %arg9[%get3A_171, %get3A_172] {strides = array<i32>} : memref<8x1024xf32, #tpu.memory_space<vmem>>, vector<1x16xf32>,
      %get3A_174 = vector.shape_cast %get3A_173 : vector<1x16xf32> to vector<16xf32>
      %get3A_175 = arith.constant 0 : i32
      %get3A_176 = arith.constant 1 : i32
      %get3A_177 = arith.index_cast %get3A_175 : i32 to index
      %get3A_178 = arith.index_cast %get3A_176 : i32 to index
      %get3A_179 = arith.index_cast %mul3A_102 : i32 to index
      %get3A_180 = tpu.vector_load %arg6[%get3A_177, %get3A_178, %get3A_179] {strides = array<i32>} : memref<4x8x1024xf32, #tpu.memory_space<vmem>>, vector<1x1x16xf32>,
      %get3A_181 = vector.shape_cast %get3A_180 : vector<1x1x16xf32> to vector<16xf32>
      %add3A_182 = arith.addf %get3A_181, %get3A_174 : vector<16xf32>
      %swap3A_183 = arith.constant 0 : i32
      %swap3A_184 = arith.constant 1 : i32
      %swap3A_185 = arith.index_cast %swap3A_183 : i32 to index
      %swap3A_186 = arith.index_cast %swap3A_184 : i32 to index
      %swap3A_187 = arith.index_cast %mul3A_102 : i32 to index
      %swap3A_188 = tpu.vector_load %arg6[%swap3A_185, %swap3A_186, %swap3A_187] {strides = array<i32>} : memref<4x8x1024xf32, #tpu.memory_space<vmem>>, vector<1x1x16xf32>,
      %swap3A_189 = vector.shape_cast %swap3A_188 : vector<1x1x16xf32> to vector<16xf32>
      %swap3A_190 = vector.shape_cast %add3A_182 : vector<16xf32> to vector<1x1x16xf32>
      tpu.vector_store %arg6[%swap3A_185, %swap3A_186, %swap3A_187], %swap3A_190 {strides = array<i32>} : memref<4x8x1024xf32, #tpu.memory_space<vmem>>, vector<1x1x16xf32>,
      %get3A_191 = arith.constant 1 : i32
      %get3A_192 = arith.constant 1 : i32
      %get3A_193 = arith.index_cast %get3A_191 : i32 to index
      %get3A_194 = arith.index_cast %get3A_192 : i32 to index
      %get3A_195 = arith.index_cast %mul3A_102 : i32 to index
      %get3A_196 = tpu.vector_load %arg6[%get3A_193, %get3A_194, %get3A_195] {strides = array<i32>} : memref<4x8x1024xf32, #tpu.memory_space<vmem>>, vector<1x1x16xf32>,
      %get3A_197 = vector.shape_cast %get3A_196 : vector<1x1x16xf32> to vector<16xf32>
      %add3A_198 = arith.addf %get3A_197, %get3A_174 : vector<16xf32>
      %swap3A_199 = arith.constant 1 : i32
      %swap3A_200 = arith.constant 1 : i32
      %swap3A_201 = arith.index_cast %swap3A_199 : i32 to index
      %swap3A_202 = arith.index_cast %swap3A_200 : i32 to index
      %swap3A_203 = arith.index_cast %mul3A_102 : i32 to index
      %swap3A_204 = tpu.vector_load %arg6[%swap3A_201, %swap3A_202, %swap3A_203] {strides = array<i32>} : memref<4x8x1024xf32, #tpu.memory_space<vmem>>, vector<1x1x16xf32>,
      %swap3A_205 = vector.shape_cast %swap3A_204 : vector<1x1x16xf32> to vector<16xf32>
      %swap3A_206 = vector.shape_cast %add3A_198 : vector<16xf32> to vector<1x1x16xf32>
      tpu.vector_store %arg6[%swap3A_201, %swap3A_202, %swap3A_203], %swap3A_206 {strides = array<i32>} : memref<4x8x1024xf32, #tpu.memory_space<vmem>>, vector<1x1x16xf32>,
      %get3A_207 = arith.constant 2 : i32
      %get3A_208 = arith.constant 1 : i32
      %get3A_209 = arith.index_cast %get3A_207 : i32 to index
      %get3A_210 = arith.index_cast %get3A_208 : i32 to index
      %get3A_211 = arith.index_cast %mul3A_102 : i32 to index
      %get3A_212 = tpu.vector_load %arg6[%get3A_209, %get3A_210, %get3A_211] {strides = array<i32>} : memref<4x8x1024xf32, #tpu.memory_space<vmem>>, vector<1x1x16xf32>,
      %get3A_213 = vector.shape_cast %get3A_212 : vector<1x1x16xf32> to vector<16xf32>
      %add3A_214 = arith.addf %get3A_213, %get3A_174 : vector<16xf32>
      %swap3A_215 = arith.constant 2 : i32
      %swap3A_216 = arith.constant 1 : i32
      %swap3A_217 = arith.index_cast %swap3A_215 : i32 to index
      %swap3A_218 = arith.index_cast %swap3A_216 : i32 to index
      %swap3A_219 = arith.index_cast %mul3A_102 : i32 to index
      %swap3A_220 = tpu.vector_load %arg6[%swap3A_217, %swap3A_218, %swap3A_219] {strides = array<i32>} : memref<4x8x1024xf32, #tpu.memory_space<vmem>>, vector<1x1x16xf32>,
      %swap3A_221 = vector.shape_cast %swap3A_220 : vector<1x1x16xf32> to vector<16xf32>
      %swap3A_222 = vector.shape_cast %add3A_214 : vector<16xf32> to vector<1x1x16xf32>
      tpu.vector_store %arg6[%swap3A_217, %swap3A_218, %swap3A_219], %swap3A_222 {strides = array<i32>} : memref<4x8x1024xf32, #tpu.memory_space<vmem>>, vector<1x1x16xf32>,
      %get3A_223 = arith.constant 3 : i32
      %get3A_224 = arith.constant 1 : i32
      %get3A_225 = arith.index_cast %get3A_223 : i32 to index
      %get3A_226 = arith.index_cast %get3A_224 : i32 to index
      %get3A_227 = arith.index_cast %mul3A_102 : i32 to index
      %get3A_228 = tpu.vector_load %arg6[%get3A_225, %get3A_226, %get3A_227] {strides = array<i32>} : memref<4x8x1024xf32, #tpu.memory_space<vmem>>, vector<1x1x16xf32>,
      %get3A_229 = vector.shape_cast %get3A_228 : vector<1x1x16xf32> to vector<16xf32>
      %add3A_230 = arith.addf %get3A_229, %get3A_174 : vector<16xf32>
      %swap3A_231 = arith.constant 3 : i32
      %swap3A_232 = arith.constant 1 : i32
      %swap3A_233 = arith.index_cast %swap3A_231 : i32 to index
      %swap3A_234 = arith.index_cast %swap3A_232 : i32 to index
      %swap3A_235 = arith.index_cast %mul3A_102 : i32 to index
      %swap3A_236 = tpu.vector_load %arg6[%swap3A_233, %swap3A_234, %swap3A_235] {strides = array<i32>} : memref<4x8x1024xf32, #tpu.memory_space<vmem>>, vector<1x1x16xf32>,
      %swap3A_237 = vector.shape_cast %swap3A_236 : vector<1x1x16xf32> to vector<16xf32>
      %swap3A_238 = vector.shape_cast %add3A_230 : vector<16xf32> to vector<1x1x16xf32>
      tpu.vector_store %arg6[%swap3A_233, %swap3A_234, %swap3A_235], %swap3A_238 {strides = array<i32>} : memref<4x8x1024xf32, #tpu.memory_space<vmem>>, vector<1x1x16xf32>,
      %get3A_239 = arith.constant 2 : i32
      %get3A_240 = arith.index_cast %get3A_239 : i32 to index
      %get3A_241 = arith.index_cast %mul3A_102 : i32 to index
      %get3A_242 = tpu.vector_load %arg9[%get3A_240, %get3A_241] {strides = array<i32>} : memref<8x1024xf32, #tpu.memory_space<vmem>>, vector<1x16xf32>,
      %get3A_243 = vector.shape_cast %get3A_242 : vector<1x16xf32> to vector<16xf32>
      %get3A_244 = arith.constant 0 : i32
      %get3A_245 = arith.constant 2 : i32
      %get3A_246 = arith.index_cast %get3A_244 : i32 to index
      %get3A_247 = arith.index_cast %get3A_245 : i32 to index
      %get3A_248 = arith.index_cast %mul3A_102 : i32 to index
      %get3A_249 = tpu.vector_load %arg6[%get3A_246, %get3A_247, %get3A_248] {strides = array<i32>} : memref<4x8x1024xf32, #tpu.memory_space<vmem>>, vector<1x1x16xf32>,
      %get3A_250 = vector.shape_cast %get3A_249 : vector<1x1x16xf32> to vector<16xf32>
      %add3A_251 = arith.addf %get3A_250, %get3A_243 : vector<16xf32>
      %swap3A_252 = arith.constant 0 : i32
      %swap3A_253 = arith.constant 2 : i32
      %swap3A_254 = arith.index_cast %swap3A_252 : i32 to index
      %swap3A_255 = arith.index_cast %swap3A_253 : i32 to index
      %swap3A_256 = arith.index_cast %mul3A_102 : i32 to index
      %swap3A_257 = tpu.vector_load %arg6[%swap3A_254, %swap3A_255, %swap3A_256] {strides = array<i32>} : memref<4x8x1024xf32, #tpu.memory_space<vmem>>, vector<1x1x16xf32>,
      %swap3A_258 = vector.shape_cast %swap3A_257 : vector<1x1x16xf32> to vector<16xf32>
      %swap3A_259 = vector.shape_cast %add3A_251 : vector<16xf32> to vector<1x1x16xf32>
      tpu.vector_store %arg6[%swap3A_254, %swap3A_255, %swap3A_256], %swap3A_259 {strides = array<i32>} : memref<4x8x1024xf32, #tpu.memory_space<vmem>>, vector<1x1x16xf32>,
      %get3A_260 = arith.constant 1 : i32
      %get3A_261 = arith.constant 2 : i32
      %get3A_262 = arith.index_cast %get3A_260 : i32 to index
      %get3A_263 = arith.index_cast %get3A_261 : i32 to index
      %get3A_264 = arith.index_cast %mul3A_102 : i32 to index
      %get3A_265 = tpu.vector_load %arg6[%get3A_262, %get3A_263, %get3A_264] {strides = array<i32>} : memref<4x8x1024xf32, #tpu.memory_space<vmem>>, vector<1x1x16xf32>,
      %get3A_266 = vector.shape_cast %get3A_265 : vector<1x1x16xf32> to vector<16xf32>
      %add3A_267 = arith.addf %get3A_266, %get3A_243 : vector<16xf32>
      %swap3A_268 = arith.constant 1 : i32
      %swap3A_269 = arith.constant 2 : i32
      %swap3A_270 = arith.index_cast %swap3A_268 : i32 to index
      %swap3A_271 = arith.index_cast %swap3A_269 : i32 to index
      %swap3A_272 = arith.index_cast %mul3A_102 : i32 to index
      %swap3A_273 = tpu.vector_load %arg6[%swap3A_270, %swap3A_271, %swap3A_272] {strides = array<i32>} : memref<4x8x1024xf32, #tpu.memory_space<vmem>>, vector<1x1x16xf32>,
      %swap3A_274 = vector.shape_cast %swap3A_273 : vector<1x1x16xf32> to vector<16xf32>
      %swap3A_275 = vector.shape_cast %add3A_267 : vector<16xf32> to vector<1x1x16xf32>
      tpu.vector_store %arg6[%swap3A_270, %swap3A_271, %swap3A_272], %swap3A_275 {strides = array<i32>} : memref<4x8x1024xf32, #tpu.memory_space<vmem>>, vector<1x1x16xf32>,
      %get3A_276 = arith.constant 2 : i32
      %get3A_277 = arith.constant 2 : i32
      %get3A_278 = arith.index_cast %get3A_276 : i32 to index
      %get3A_279 = arith.index_cast %get3A_277 : i32 to index
      %get3A_280 = arith.index_cast %mul3A_102 : i32 to index
      %get3A_281 = tpu.vector_load %arg6[%get3A_278, %get3A_279, %get3A_280] {strides = array<i32>} : memref<4x8x1024xf32, #tpu.memory_space<vmem>>, vector<1x1x16xf32>,
      %get3A_282 = vector.shape_cast %get3A_281 : vector<1x1x16xf32> to vector<16xf32>
      %add3A_283 = arith.addf %get3A_282, %get3A_243 : vector<16xf32>
      %swap3A_284 = arith.constant 2 : i32
      %swap3A_285 = arith.constant 2 : i32
      %swap3A_286 = arith.index_cast %swap3A_284 : i32 to index
      %swap3A_287 = arith.index_cast %swap3A_285 : i32 to index
      %swap3A_288 = arith.index_cast %mul3A_102 : i32 to index
      %swap3A_289 = tpu.vector_load %arg6[%swap3A_286, %swap3A_287, %swap3A_288] {strides = array<i32>} : memref<4x8x1024xf32, #tpu.memory_space<vmem>>, vector<1x1x16xf32>,
      %swap3A_290 = vector.shape_cast %swap3A_289 : vector<1x1x16xf32> to vector<16xf32>
      %swap3A_291 = vector.shape_cast %add3A_283 : vector<16xf32> to vector<1x1x16xf32>
      tpu.vector_store %arg6[%swap3A_286, %swap3A_287, %swap3A_288], %swap3A_291 {strides = array<i32>} : memref<4x8x1024xf32, #tpu.memory_space<vmem>>, vector<1x1x16xf32>,
      %get3A_292 = arith.constant 3 : i32
      %get3A_293 = arith.constant 2 : i32
      %get3A_294 = arith.index_cast %get3A_292 : i32 to index
      %get3A_295 = arith.index_cast %get3A_293 : i32 to index
      %get3A_296 = arith.index_cast %mul3A_102 : i32 to index
      %get3A_297 = tpu.vector_load %arg6[%get3A_294, %get3A_295, %get3A_296] {strides = array<i32>} : memref<4x8x1024xf32, #tpu.memory_space<vmem>>, vector<1x1x16xf32>,
      %get3A_298 = vector.shape_cast %get3A_297 : vector<1x1x16xf32> to vector<16xf32>
      %add3A_299 = arith.addf %get3A_298, %get3A_243 : vector<16xf32>
      %swap3A_300 = arith.constant 3 : i32
      %swap3A_301 = arith.constant 2 : i32
      %swap3A_302 = arith.index_cast %swap3A_300 : i32 to index
      %swap3A_303 = arith.index_cast %swap3A_301 : i32 to index
      %swap3A_304 = arith.index_cast %mul3A_102 : i32 to index
      %swap3A_305 = tpu.vector_load %arg6[%swap3A_302, %swap3A_303, %swap3A_304] {strides = array<i32>} : memref<4x8x1024xf32, #tpu.memory_space<vmem>>, vector<1x1x16xf32>,
      %swap3A_306 = vector.shape_cast %swap3A_305 : vector<1x1x16xf32> to vector<16xf32>
      %swap3A_307 = vector.shape_cast %add3A_299 : vector<16xf32> to vector<1x1x16xf32>
      tpu.vector_store %arg6[%swap3A_302, %swap3A_303, %swap3A_304], %swap3A_307 {strides = array<i32>} : memref<4x8x1024xf32, #tpu.memory_space<vmem>>, vector<1x1x16xf32>,
      %get3A_308 = arith.constant 3 : i32
      %get3A_309 = arith.index_cast %get3A_308 : i32 to index
      %get3A_310 = arith.index_cast %mul3A_102 : i32 to index
      %get3A_311 = tpu.vector_load %arg9[%get3A_309, %get3A_310] {strides = array<i32>} : memref<8x1024xf32, #tpu.memory_space<vmem>>, vector<1x16xf32>,
      %get3A_312 = vector.shape_cast %get3A_311 : vector<1x16xf32> to vector<16xf32>
      %get3A_313 = arith.constant 0 : i32
      %get3A_314 = arith.constant 3 : i32
      %get3A_315 = arith.index_cast %get3A_313 : i32 to index
      %get3A_316 = arith.index_cast %get3A_314 : i32 to index
      %get3A_317 = arith.index_cast %mul3A_102 : i32 to index
      %get3A_318 = tpu.vector_load %arg6[%get3A_315, %get3A_316, %get3A_317] {strides = array<i32>} : memref<4x8x1024xf32, #tpu.memory_space<vmem>>, vector<1x1x16xf32>,
      %get3A_319 = vector.shape_cast %get3A_318 : vector<1x1x16xf32> to vector<16xf32>
      %add3A_320 = arith.addf %get3A_319, %get3A_312 : vector<16xf32>
      %swap3A_321 = arith.constant 0 : i32
      %swap3A_322 = arith.constant 3 : i32
      %swap3A_323 = arith.index_cast %swap3A_321 : i32 to index
      %swap3A_324 = arith.index_cast %swap3A_322 : i32 to index
      %swap3A_325 = arith.index_cast %mul3A_102 : i32 to index
      %swap3A_326 = tpu.vector_load %arg6[%swap3A_323, %swap3A_324, %swap3A_325] {strides = array<i32>} : memref<4x8x1024xf32, #tpu.memory_space<vmem>>, vector<1x1x16xf32>,
      %swap3A_327 = vector.shape_cast %swap3A_326 : vector<1x1x16xf32> to vector<16xf32>
      %swap3A_328 = vector.shape_cast %add3A_320 : vector<16xf32> to vector<1x1x16xf32>
      tpu.vector_store %arg6[%swap3A_323, %swap3A_324, %swap3A_325], %swap3A_328 {strides = array<i32>} : memref<4x8x1024xf32, #tpu.memory_space<vmem>>, vector<1x1x16xf32>,
      %get3A_329 = arith.constant 1 : i32
      %get3A_330 = arith.constant 3 : i32
      %get3A_331 = arith.index_cast %get3A_329 : i32 to index
      %get3A_332 = arith.index_cast %get3A_330 : i32 to index
      %get3A_333 = arith.index_cast %mul3A_102 : i32 to index
      %get3A_334 = tpu.vector_load %arg6[%get3A_331, %get3A_332, %get3A_333] {strides = array<i32>} : memref<4x8x1024xf32, #tpu.memory_space<vmem>>, vector<1x1x16xf32>,
      %get3A_335 = vector.shape_cast %get3A_334 : vector<1x1x16xf32> to vector<16xf32>
      %add3A_336 = arith.addf %get3A_335, %get3A_312 : vector<16xf32>
      %swap3A_337 = arith.constant 1 : i32
      %swap3A_338 = arith.constant 3 : i32
      %swap3A_339 = arith.index_cast %swap3A_337 : i32 to index
      %swap3A_340 = arith.index_cast %swap3A_338 : i32 to index
      %swap3A_341 = arith.index_cast %mul3A_102 : i32 to index
      %swap3A_342 = tpu.vector_load %arg6[%swap3A_339, %swap3A_340, %swap3A_341] {strides = array<i32>} : memref<4x8x1024xf32, #tpu.memory_space<vmem>>, vector<1x1x16xf32>,
      %swap3A_343 = vector.shape_cast %swap3A_342 : vector<1x1x16xf32> to vector<16xf32>
      %swap3A_344 = vector.shape_cast %add3A_336 : vector<16xf32> to vector<1x1x16xf32>
      tpu.vector_store %arg6[%swap3A_339, %swap3A_340, %swap3A_341], %swap3A_344 {strides = array<i32>} : memref<4x8x1024xf32, #tpu.memory_space<vmem>>, vector<1x1x16xf32>,
      %get3A_345 = arith.constant 2 : i32
      %get3A_346 = arith.constant 3 : i32
      %get3A_347 = arith.index_cast %get3A_345 : i32 to index
      %get3A_348 = arith.index_cast %get3A_346 : i32 to index
      %get3A_349 = arith.index_cast %mul3A_102 : i32 to index
      %get3A_350 = tpu.vector_load %arg6[%get3A_347, %get3A_348, %get3A_349] {strides = array<i32>} : memref<4x8x1024xf32, #tpu.memory_space<vmem>>, vector<1x1x16xf32>,
      %get3A_351 = vector.shape_cast %get3A_350 : vector<1x1x16xf32> to vector<16xf32>
      %add3A_352 = arith.addf %get3A_351, %get3A_312 : vector<16xf32>
      %swap3A_353 = arith.constant 2 : i32
      %swap3A_354 = arith.constant 3 : i32
      %swap3A_355 = arith.index_cast %swap3A_353 : i32 to index
      %swap3A_356 = arith.index_cast %swap3A_354 : i32 to index
      %swap3A_357 = arith.index_cast %mul3A_102 : i32 to index
      %swap3A_358 = tpu.vector_load %arg6[%swap3A_355, %swap3A_356, %swap3A_357] {strides = array<i32>} : memref<4x8x1024xf32, #tpu.memory_space<vmem>>, vector<1x1x16xf32>,
      %swap3A_359 = vector.shape_cast %swap3A_358 : vector<1x1x16xf32> to vector<16xf32>
      %swap3A_360 = vector.shape_cast %add3A_352 : vector<16xf32> to vector<1x1x16xf32>
      tpu.vector_store %arg6[%swap3A_355, %swap3A_356, %swap3A_357], %swap3A_360 {strides = array<i32>} : memref<4x8x1024xf32, #tpu.memory_space<vmem>>, vector<1x1x16xf32>,
      %get3A_361 = arith.constant 3 : i32
      %get3A_362 = arith.constant 3 : i32
      %get3A_363 = arith.index_cast %get3A_361 : i32 to index
      %get3A_364 = arith.index_cast %get3A_362 : i32 to index
      %get3A_365 = arith.index_cast %mul3A_102 : i32 to index
      %get3A_366 = tpu.vector_load %arg6[%get3A_363, %get3A_364, %get3A_365] {strides = array<i32>} : memref<4x8x1024xf32, #tpu.memory_space<vmem>>, vector<1x1x16xf32>,
      %get3A_367 = vector.shape_cast %get3A_366 : vector<1x1x16xf32> to vector<16xf32>
      %add3A_368 = arith.addf %get3A_367, %get3A_312 : vector<16xf32>
      %swap3A_369 = arith.constant 3 : i32
      %swap3A_370 = arith.constant 3 : i32
      %swap3A_371 = arith.index_cast %swap3A_369 : i32 to index
      %swap3A_372 = arith.index_cast %swap3A_370 : i32 to index
      %swap3A_373 = arith.index_cast %mul3A_102 : i32 to index
      %swap3A_374 = tpu.vector_load %arg6[%swap3A_371, %swap3A_372, %swap3A_373] {strides = array<i32>} : memref<4x8x1024xf32, #tpu.memory_space<vmem>>, vector<1x1x16xf32>,
      %swap3A_375 = vector.shape_cast %swap3A_374 : vector<1x1x16xf32> to vector<16xf32>
      %swap3A_376 = vector.shape_cast %add3A_368 : vector<16xf32> to vector<1x1x16xf32>
      tpu.vector_store %arg6[%swap3A_371, %swap3A_372, %swap3A_373], %swap3A_376 {strides = array<i32>} : memref<4x8x1024xf32, #tpu.memory_space<vmem>>, vector<1x1x16xf32>,
      %get3A_377 = arith.constant 4 : i32
      %get3A_378 = arith.index_cast %get3A_377 : i32 to index
      %get3A_379 = arith.index_cast %mul3A_102 : i32 to index
      %get3A_380 = tpu.vector_load %arg9[%get3A_378, %get3A_379] {strides = array<i32>} : memref<8x1024xf32, #tpu.memory_space<vmem>>, vector<1x16xf32>,
      %get3A_381 = vector.shape_cast %get3A_380 : vector<1x16xf32> to vector<16xf32>
      %get3A_382 = arith.constant 0 : i32
      %get3A_383 = arith.constant 4 : i32
      %get3A_384 = arith.index_cast %get3A_382 : i32 to index
      %get3A_385 = arith.index_cast %get3A_383 : i32 to index
      %get3A_386 = arith.index_cast %mul3A_102 : i32 to index
      %get3A_387 = tpu.vector_load %arg6[%get3A_384, %get3A_385, %get3A_386] {strides = array<i32>} : memref<4x8x1024xf32, #tpu.memory_space<vmem>>, vector<1x1x16xf32>,
      %get3A_388 = vector.shape_cast %get3A_387 : vector<1x1x16xf32> to vector<16xf32>
      %add3A_389 = arith.addf %get3A_388, %get3A_381 : vector<16xf32>
      %swap3A_390 = arith.constant 0 : i32
      %swap3A_391 = arith.constant 4 : i32
      %swap3A_392 = arith.index_cast %swap3A_390 : i32 to index
      %swap3A_393 = arith.index_cast %swap3A_391 : i32 to index
      %swap3A_394 = arith.index_cast %mul3A_102 : i32 to index
      %swap3A_395 = tpu.vector_load %arg6[%swap3A_392, %swap3A_393, %swap3A_394] {strides = array<i32>} : memref<4x8x1024xf32, #tpu.memory_space<vmem>>, vector<1x1x16xf32>,
      %swap3A_396 = vector.shape_cast %swap3A_395 : vector<1x1x16xf32> to vector<16xf32>
      %swap3A_397 = vector.shape_cast %add3A_389 : vector<16xf32> to vector<1x1x16xf32>
      tpu.vector_store %arg6[%swap3A_392, %swap3A_393, %swap3A_394], %swap3A_397 {strides = array<i32>} : memref<4x8x1024xf32, #tpu.memory_space<vmem>>, vector<1x1x16xf32>,
      %get3A_398 = arith.constant 1 : i32
      %get3A_399 = arith.constant 4 : i32
      %get3A_400 = arith.index_cast %get3A_398 : i32 to index
      %get3A_401 = arith.index_cast %get3A_399 : i32 to index
      %get3A_402 = arith.index_cast %mul3A_102 : i32 to index
      %get3A_403 = tpu.vector_load %arg6[%get3A_400, %get3A_401, %get3A_402] {strides = array<i32>} : memref<4x8x1024xf32, #tpu.memory_space<vmem>>, vector<1x1x16xf32>,
      %get3A_404 = vector.shape_cast %get3A_403 : vector<1x1x16xf32> to vector<16xf32>
      %add3A_405 = arith.addf %get3A_404, %get3A_381 : vector<16xf32>
      %swap3A_406 = arith.constant 1 : i32
      %swap3A_407 = arith.constant 4 : i32
      %swap3A_408 = arith.index_cast %swap3A_406 : i32 to index
      %swap3A_409 = arith.index_cast %swap3A_407 : i32 to index
      %swap3A_410 = arith.index_cast %mul3A_102 : i32 to index
      %swap3A_411 = tpu.vector_load %arg6[%swap3A_408, %swap3A_409, %swap3A_410] {strides = array<i32>} : memref<4x8x1024xf32, #tpu.memory_space<vmem>>, vector<1x1x16xf32>,
      %swap3A_412 = vector.shape_cast %swap3A_411 : vector<1x1x16xf32> to vector<16xf32>
      %swap3A_413 = vector.shape_cast %add3A_405 : vector<16xf32> to vector<1x1x16xf32>
      tpu.vector_store %arg6[%swap3A_408, %swap3A_409, %swap3A_410], %swap3A_413 {strides = array<i32>} : memref<4x8x1024xf32, #tpu.memory_space<vmem>>, vector<1x1x16xf32>,
      %get3A_414 = arith.constant 2 : i32
      %get3A_415 = arith.constant 4 : i32
      %get3A_416 = arith.index_cast %get3A_414 : i32 to index
      %get3A_417 = arith.index_cast %get3A_415 : i32 to index
      %get3A_418 = arith.index_cast %mul3A_102 : i32 to index
      %get3A_419 = tpu.vector_load %arg6[%get3A_416, %get3A_417, %get3A_418] {strides = array<i32>} : memref<4x8x1024xf32, #tpu.memory_space<vmem>>, vector<1x1x16xf32>,
      %get3A_420 = vector.shape_cast %get3A_419 : vector<1x1x16xf32> to vector<16xf32>
      %add3A_421 = arith.addf %get3A_420, %get3A_381 : vector<16xf32>
      %swap3A_422 = arith.constant 2 : i32
      %swap3A_423 = arith.constant 4 : i32
      %swap3A_424 = arith.index_cast %swap3A_422 : i32 to index
      %swap3A_425 = arith.index_cast %swap3A_423 : i32 to index
      %swap3A_426 = arith.index_cast %mul3A_102 : i32 to index
      %swap3A_427 = tpu.vector_load %arg6[%swap3A_424, %swap3A_425, %swap3A_426] {strides = array<i32>} : memref<4x8x1024xf32, #tpu.memory_space<vmem>>, vector<1x1x16xf32>,
      %swap3A_428 = vector.shape_cast %swap3A_427 : vector<1x1x16xf32> to vector<16xf32>
      %swap3A_429 = vector.shape_cast %add3A_421 : vector<16xf32> to vector<1x1x16xf32>
      tpu.vector_store %arg6[%swap3A_424, %swap3A_425, %swap3A_426], %swap3A_429 {strides = array<i32>} : memref<4x8x1024xf32, #tpu.memory_space<vmem>>, vector<1x1x16xf32>,
      %get3A_430 = arith.constant 3 : i32
      %get3A_431 = arith.constant 4 : i32
      %get3A_432 = arith.index_cast %get3A_430 : i32 to index
      %get3A_433 = arith.index_cast %get3A_431 : i32 to index
      %get3A_434 = arith.index_cast %mul3A_102 : i32 to index
      %get3A_435 = tpu.vector_load %arg6[%get3A_432, %get3A_433, %get3A_434] {strides = array<i32>} : memref<4x8x1024xf32, #tpu.memory_space<vmem>>, vector<1x1x16xf32>,
      %get3A_436 = vector.shape_cast %get3A_435 : vector<1x1x16xf32> to vector<16xf32>
      %add3A_437 = arith.addf %get3A_436, %get3A_381 : vector<16xf32>
      %swap3A_438 = arith.constant 3 : i32
      %swap3A_439 = arith.constant 4 : i32
      %swap3A_440 = arith.index_cast %swap3A_438 : i32 to index
      %swap3A_441 = arith.index_cast %swap3A_439 : i32 to index
      %swap3A_442 = arith.index_cast %mul3A_102 : i32 to index
      %swap3A_443 = tpu.vector_load %arg6[%swap3A_440, %swap3A_441, %swap3A_442] {strides = array<i32>} : memref<4x8x1024xf32, #tpu.memory_space<vmem>>, vector<1x1x16xf32>,
      %swap3A_444 = vector.shape_cast %swap3A_443 : vector<1x1x16xf32> to vector<16xf32>
      %swap3A_445 = vector.shape_cast %add3A_437 : vector<16xf32> to vector<1x1x16xf32>
      tpu.vector_store %arg6[%swap3A_440, %swap3A_441, %swap3A_442], %swap3A_445 {strides = array<i32>} : memref<4x8x1024xf32, #tpu.memory_space<vmem>>, vector<1x1x16xf32>,
      %get3A_446 = arith.constant 5 : i32
      %get3A_447 = arith.index_cast %get3A_446 : i32 to index
      %get3A_448 = arith.index_cast %mul3A_102 : i32 to index
      %get3A_449 = tpu.vector_load %arg9[%get3A_447, %get3A_448] {strides = array<i32>} : memref<8x1024xf32, #tpu.memory_space<vmem>>, vector<1x16xf32>,
      %get3A_450 = vector.shape_cast %get3A_449 : vector<1x16xf32> to vector<16xf32>
      %get3A_451 = arith.constant 0 : i32
      %get3A_452 = arith.constant 5 : i32
      %get3A_453 = arith.index_cast %get3A_451 : i32 to index
      %get3A_454 = arith.index_cast %get3A_452 : i32 to index
      %get3A_455 = arith.index_cast %mul3A_102 : i32 to index
      %get3A_456 = tpu.vector_load %arg6[%get3A_453, %get3A_454, %get3A_455] {strides = array<i32>} : memref<4x8x1024xf32, #tpu.memory_space<vmem>>, vector<1x1x16xf32>,
      %get3A_457 = vector.shape_cast %get3A_456 : vector<1x1x16xf32> to vector<16xf32>
      %add3A_458 = arith.addf %get3A_457, %get3A_450 : vector<16xf32>
      %swap3A_459 = arith.constant 0 : i32
      %swap3A_460 = arith.constant 5 : i32
      %swap3A_461 = arith.index_cast %swap3A_459 : i32 to index
      %swap3A_462 = arith.index_cast %swap3A_460 : i32 to index
      %swap3A_463 = arith.index_cast %mul3A_102 : i32 to index
      %swap3A_464 = tpu.vector_load %arg6[%swap3A_461, %swap3A_462, %swap3A_463] {strides = array<i32>} : memref<4x8x1024xf32, #tpu.memory_space<vmem>>, vector<1x1x16xf32>,
      %swap3A_465 = vector.shape_cast %swap3A_464 : vector<1x1x16xf32> to vector<16xf32>
      %swap3A_466 = vector.shape_cast %add3A_458 : vector<16xf32> to vector<1x1x16xf32>
      tpu.vector_store %arg6[%swap3A_461, %swap3A_462, %swap3A_463], %swap3A_466 {strides = array<i32>} : memref<4x8x1024xf32, #tpu.memory_space<vmem>>, vector<1x1x16xf32>,
      %get3A_467 = arith.constant 1 : i32
      %get3A_468 = arith.constant 5 : i32
      %get3A_469 = arith.index_cast %get3A_467 : i32 to index
      %get3A_470 = arith.index_cast %get3A_468 : i32 to index
      %get3A_471 = arith.index_cast %mul3A_102 : i32 to index
      %get3A_472 = tpu.vector_load %arg6[%get3A_469, %get3A_470, %get3A_471] {strides = array<i32>} : memref<4x8x1024xf32, #tpu.memory_space<vmem>>, vector<1x1x16xf32>,
      %get3A_473 = vector.shape_cast %get3A_472 : vector<1x1x16xf32> to vector<16xf32>
      %add3A_474 = arith.addf %get3A_473, %get3A_450 : vector<16xf32>
      %swap3A_475 = arith.constant 1 : i32
      %swap3A_476 = arith.constant 5 : i32
      %swap3A_477 = arith.index_cast %swap3A_475 : i32 to index
      %swap3A_478 = arith.index_cast %swap3A_476 : i32 to index
      %swap3A_479 = arith.index_cast %mul3A_102 : i32 to index
      %swap3A_480 = tpu.vector_load %arg6[%swap3A_477, %swap3A_478, %swap3A_479] {strides = array<i32>} : memref<4x8x1024xf32, #tpu.memory_space<vmem>>, vector<1x1x16xf32>,
      %swap3A_481 = vector.shape_cast %swap3A_480 : vector<1x1x16xf32> to vector<16xf32>
      %swap3A_482 = vector.shape_cast %add3A_474 : vector<16xf32> to vector<1x1x16xf32>
      tpu.vector_store %arg6[%swap3A_477, %swap3A_478, %swap3A_479], %swap3A_482 {strides = array<i32>} : memref<4x8x1024xf32, #tpu.memory_space<vmem>>, vector<1x1x16xf32>,
      %get3A_483 = arith.constant 2 : i32
      %get3A_484 = arith.constant 5 : i32
      %get3A_485 = arith.index_cast %get3A_483 : i32 to index
      %get3A_486 = arith.index_cast %get3A_484 : i32 to index
      %get3A_487 = arith.index_cast %mul3A_102 : i32 to index
      %get3A_488 = tpu.vector_load %arg6[%get3A_485, %get3A_486, %get3A_487] {strides = array<i32>} : memref<4x8x1024xf32, #tpu.memory_space<vmem>>, vector<1x1x16xf32>,
      %get3A_489 = vector.shape_cast %get3A_488 : vector<1x1x16xf32> to vector<16xf32>
      %add3A_490 = arith.addf %get3A_489, %get3A_450 : vector<16xf32>
      %swap3A_491 = arith.constant 2 : i32
      %swap3A_492 = arith.constant 5 : i32
      %swap3A_493 = arith.index_cast %swap3A_491 : i32 to index
      %swap3A_494 = arith.index_cast %swap3A_492 : i32 to index
      %swap3A_495 = arith.index_cast %mul3A_102 : i32 to index
      %swap3A_496 = tpu.vector_load %arg6[%swap3A_493, %swap3A_494, %swap3A_495] {strides = array<i32>} : memref<4x8x1024xf32, #tpu.memory_space<vmem>>, vector<1x1x16xf32>,
      %swap3A_497 = vector.shape_cast %swap3A_496 : vector<1x1x16xf32> to vector<16xf32>
      %swap3A_498 = vector.shape_cast %add3A_490 : vector<16xf32> to vector<1x1x16xf32>
      tpu.vector_store %arg6[%swap3A_493, %swap3A_494, %swap3A_495], %swap3A_498 {strides = array<i32>} : memref<4x8x1024xf32, #tpu.memory_space<vmem>>, vector<1x1x16xf32>,
      %get3A_499 = arith.constant 3 : i32
      %get3A_500 = arith.constant 5 : i32
      %get3A_501 = arith.index_cast %get3A_499 : i32 to index
      %get3A_502 = arith.index_cast %get3A_500 : i32 to index
      %get3A_503 = arith.index_cast %mul3A_102 : i32 to index
      %get3A_504 = tpu.vector_load %arg6[%get3A_501, %get3A_502, %get3A_503] {strides = array<i32>} : memref<4x8x1024xf32, #tpu.memory_space<vmem>>, vector<1x1x16xf32>,
      %get3A_505 = vector.shape_cast %get3A_504 : vector<1x1x16xf32> to vector<16xf32>
      %add3A_506 = arith.addf %get3A_505, %get3A_450 : vector<16xf32>
      %swap3A_507 = arith.constant 3 : i32
      %swap3A_508 = arith.constant 5 : i32
      %swap3A_509 = arith.index_cast %swap3A_507 : i32 to index
      %swap3A_510 = arith.index_cast %swap3A_508 : i32 to index
      %swap3A_511 = arith.index_cast %mul3A_102 : i32 to index
      %swap3A_512 = tpu.vector_load %arg6[%swap3A_509, %swap3A_510, %swap3A_511] {strides = array<i32>} : memref<4x8x1024xf32, #tpu.memory_space<vmem>>, vector<1x1x16xf32>,
      %swap3A_513 = vector.shape_cast %swap3A_512 : vector<1x1x16xf32> to vector<16xf32>
      %swap3A_514 = vector.shape_cast %add3A_506 : vector<16xf32> to vector<1x1x16xf32>
      tpu.vector_store %arg6[%swap3A_509, %swap3A_510, %swap3A_511], %swap3A_514 {strides = array<i32>} : memref<4x8x1024xf32, #tpu.memory_space<vmem>>, vector<1x1x16xf32>,
      %get3A_515 = arith.constant 6 : i32
      %get3A_516 = arith.index_cast %get3A_515 : i32 to index
      %get3A_517 = arith.index_cast %mul3A_102 : i32 to index
      %get3A_518 = tpu.vector_load %arg9[%get3A_516, %get3A_517] {strides = array<i32>} : memref<8x1024xf32, #tpu.memory_space<vmem>>, vector<1x16xf32>,
      %get3A_519 = vector.shape_cast %get3A_518 : vector<1x16xf32> to vector<16xf32>
      %get3A_520 = arith.constant 0 : i32
      %get3A_521 = arith.constant 6 : i32
      %get3A_522 = arith.index_cast %get3A_520 : i32 to index
      %get3A_523 = arith.index_cast %get3A_521 : i32 to index
      %get3A_524 = arith.index_cast %mul3A_102 : i32 to index
      %get3A_525 = tpu.vector_load %arg6[%get3A_522, %get3A_523, %get3A_524] {strides = array<i32>} : memref<4x8x1024xf32, #tpu.memory_space<vmem>>, vector<1x1x16xf32>,
      %get3A_526 = vector.shape_cast %get3A_525 : vector<1x1x16xf32> to vector<16xf32>
      %add3A_527 = arith.addf %get3A_526, %get3A_519 : vector<16xf32>
      %swap3A_528 = arith.constant 0 : i32
      %swap3A_529 = arith.constant 6 : i32
      %swap3A_530 = arith.index_cast %swap3A_528 : i32 to index
      %swap3A_531 = arith.index_cast %swap3A_529 : i32 to index
      %swap3A_532 = arith.index_cast %mul3A_102 : i32 to index
      %swap3A_533 = tpu.vector_load %arg6[%swap3A_530, %swap3A_531, %swap3A_532] {strides = array<i32>} : memref<4x8x1024xf32, #tpu.memory_space<vmem>>, vector<1x1x16xf32>,
      %swap3A_534 = vector.shape_cast %swap3A_533 : vector<1x1x16xf32> to vector<16xf32>
      %swap3A_535 = vector.shape_cast %add3A_527 : vector<16xf32> to vector<1x1x16xf32>
      tpu.vector_store %arg6[%swap3A_530, %swap3A_531, %swap3A_532], %swap3A_535 {strides = array<i32>} : memref<4x8x1024xf32, #tpu.memory_space<vmem>>, vector<1x1x16xf32>,
      %get3A_536 = arith.constant 1 : i32
      %get3A_537 = arith.constant 6 : i32
      %get3A_538 = arith.index_cast %get3A_536 : i32 to index
      %get3A_539 = arith.index_cast %get3A_537 : i32 to index
      %get3A_540 = arith.index_cast %mul3A_102 : i32 to index
      %get3A_541 = tpu.vector_load %arg6[%get3A_538, %get3A_539, %get3A_540] {strides = array<i32>} : memref<4x8x1024xf32, #tpu.memory_space<vmem>>, vector<1x1x16xf32>,
      %get3A_542 = vector.shape_cast %get3A_541 : vector<1x1x16xf32> to vector<16xf32>
      %add3A_543 = arith.addf %get3A_542, %get3A_519 : vector<16xf32>
      %swap3A_544 = arith.constant 1 : i32
      %swap3A_545 = arith.constant 6 : i32
      %swap3A_546 = arith.index_cast %swap3A_544 : i32 to index
      %swap3A_547 = arith.index_cast %swap3A_545 : i32 to index
      %swap3A_548 = arith.index_cast %mul3A_102 : i32 to index
      %swap3A_549 = tpu.vector_load %arg6[%swap3A_546, %swap3A_547, %swap3A_548] {strides = array<i32>} : memref<4x8x1024xf32, #tpu.memory_space<vmem>>, vector<1x1x16xf32>,
      %swap3A_550 = vector.shape_cast %swap3A_549 : vector<1x1x16xf32> to vector<16xf32>
      %swap3A_551 = vector.shape_cast %add3A_543 : vector<16xf32> to vector<1x1x16xf32>
      tpu.vector_store %arg6[%swap3A_546, %swap3A_547, %swap3A_548], %swap3A_551 {strides = array<i32>} : memref<4x8x1024xf32, #tpu.memory_space<vmem>>, vector<1x1x16xf32>,
      %get3A_552 = arith.constant 2 : i32
      %get3A_553 = arith.constant 6 : i32
      %get3A_554 = arith.index_cast %get3A_552 : i32 to index
      %get3A_555 = arith.index_cast %get3A_553 : i32 to index
      %get3A_556 = arith.index_cast %mul3A_102 : i32 to index
      %get3A_557 = tpu.vector_load %arg6[%get3A_554, %get3A_555, %get3A_556] {strides = array<i32>} : memref<4x8x1024xf32, #tpu.memory_space<vmem>>, vector<1x1x16xf32>,
      %get3A_558 = vector.shape_cast %get3A_557 : vector<1x1x16xf32> to vector<16xf32>
      %add3A_559 = arith.addf %get3A_558, %get3A_519 : vector<16xf32>
      %swap3A_560 = arith.constant 2 : i32
      %swap3A_561 = arith.constant 6 : i32
      %swap3A_562 = arith.index_cast %swap3A_560 : i32 to index
      %swap3A_563 = arith.index_cast %swap3A_561 : i32 to index
      %swap3A_564 = arith.index_cast %mul3A_102 : i32 to index
      %swap3A_565 = tpu.vector_load %arg6[%swap3A_562, %swap3A_563, %swap3A_564] {strides = array<i32>} : memref<4x8x1024xf32, #tpu.memory_space<vmem>>, vector<1x1x16xf32>,
      %swap3A_566 = vector.shape_cast %swap3A_565 : vector<1x1x16xf32> to vector<16xf32>
      %swap3A_567 = vector.shape_cast %add3A_559 : vector<16xf32> to vector<1x1x16xf32>
      tpu.vector_store %arg6[%swap3A_562, %swap3A_563, %swap3A_564], %swap3A_567 {strides = array<i32>} : memref<4x8x1024xf32, #tpu.memory_space<vmem>>, vector<1x1x16xf32>,
      %get3A_568 = arith.constant 3 : i32
      %get3A_569 = arith.constant 6 : i32
      %get3A_570 = arith.index_cast %get3A_568 : i32 to index
      %get3A_571 = arith.index_cast %get3A_569 : i32 to index
      %get3A_572 = arith.index_cast %mul3A_102 : i32 to index
      %get3A_573 = tpu.vector_load %arg6[%get3A_570, %get3A_571, %get3A_572] {strides = array<i32>} : memref<4x8x1024xf32, #tpu.memory_space<vmem>>, vector<1x1x16xf32>,
      %get3A_574 = vector.shape_cast %get3A_573 : vector<1x1x16xf32> to vector<16xf32>
      %add3A_575 = arith.addf %get3A_574, %get3A_519 : vector<16xf32>
      %swap3A_576 = arith.constant 3 : i32
      %swap3A_577 = arith.constant 6 : i32
      %swap3A_578 = arith.index_cast %swap3A_576 : i32 to index
      %swap3A_579 = arith.index_cast %swap3A_577 : i32 to index
      %swap3A_580 = arith.index_cast %mul3A_102 : i32 to index
      %swap3A_581 = tpu.vector_load %arg6[%swap3A_578, %swap3A_579, %swap3A_580] {strides = array<i32>} : memref<4x8x1024xf32, #tpu.memory_space<vmem>>, vector<1x1x16xf32>,
      %swap3A_582 = vector.shape_cast %swap3A_581 : vector<1x1x16xf32> to vector<16xf32>
      %swap3A_583 = vector.shape_cast %add3A_575 : vector<16xf32> to vector<1x1x16xf32>
      tpu.vector_store %arg6[%swap3A_578, %swap3A_579, %swap3A_580], %swap3A_583 {strides = array<i32>} : memref<4x8x1024xf32, #tpu.memory_space<vmem>>, vector<1x1x16xf32>,
      %get3A_584 = arith.constant 7 : i32
      %get3A_585 = arith.index_cast %get3A_584 : i32 to index
      %get3A_586 = arith.index_cast %mul3A_102 : i32 to index
      %get3A_587 = tpu.vector_load %arg9[%get3A_585, %get3A_586] {strides = array<i32>} : memref<8x1024xf32, #tpu.memory_space<vmem>>, vector<1x16xf32>,
      %get3A_588 = vector.shape_cast %get3A_587 : vector<1x16xf32> to vector<16xf32>
      %get3A_589 = arith.constant 0 : i32
      %get3A_590 = arith.constant 7 : i32
      %get3A_591 = arith.index_cast %get3A_589 : i32 to index
      %get3A_592 = arith.index_cast %get3A_590 : i32 to index
      %get3A_593 = arith.index_cast %mul3A_102 : i32 to index
      %get3A_594 = tpu.vector_load %arg6[%get3A_591, %get3A_592, %get3A_593] {strides = array<i32>} : memref<4x8x1024xf32, #tpu.memory_space<vmem>>, vector<1x1x16xf32>,
      %get3A_595 = vector.shape_cast %get3A_594 : vector<1x1x16xf32> to vector<16xf32>
      %add3A_596 = arith.addf %get3A_595, %get3A_588 : vector<16xf32>
      %swap3A_597 = arith.constant 0 : i32
      %swap3A_598 = arith.constant 7 : i32
      %swap3A_599 = arith.index_cast %swap3A_597 : i32 to index
      %swap3A_600 = arith.index_cast %swap3A_598 : i32 to index
      %swap3A_601 = arith.index_cast %mul3A_102 : i32 to index
      %swap3A_602 = tpu.vector_load %arg6[%swap3A_599, %swap3A_600, %swap3A_601] {strides = array<i32>} : memref<4x8x1024xf32, #tpu.memory_space<vmem>>, vector<1x1x16xf32>,
      %swap3A_603 = vector.shape_cast %swap3A_602 : vector<1x1x16xf32> to vector<16xf32>
      %swap3A_604 = vector.shape_cast %add3A_596 : vector<16xf32> to vector<1x1x16xf32>
      tpu.vector_store %arg6[%swap3A_599, %swap3A_600, %swap3A_601], %swap3A_604 {strides = array<i32>} : memref<4x8x1024xf32, #tpu.memory_space<vmem>>, vector<1x1x16xf32>,
      %get3A_605 = arith.constant 1 : i32
      %get3A_606 = arith.constant 7 : i32
      %get3A_607 = arith.index_cast %get3A_605 : i32 to index
      %get3A_608 = arith.index_cast %get3A_606 : i32 to index
      %get3A_609 = arith.index_cast %mul3A_102 : i32 to index
      %get3A_610 = tpu.vector_load %arg6[%get3A_607, %get3A_608, %get3A_609] {strides = array<i32>} : memref<4x8x1024xf32, #tpu.memory_space<vmem>>, vector<1x1x16xf32>,
      %get3A_611 = vector.shape_cast %get3A_610 : vector<1x1x16xf32> to vector<16xf32>
      %add3A_612 = arith.addf %get3A_611, %get3A_588 : vector<16xf32>
      %swap3A_613 = arith.constant 1 : i32
      %swap3A_614 = arith.constant 7 : i32
      %swap3A_615 = arith.index_cast %swap3A_613 : i32 to index
      %swap3A_616 = arith.index_cast %swap3A_614 : i32 to index
      %swap3A_617 = arith.index_cast %mul3A_102 : i32 to index
      %swap3A_618 = tpu.vector_load %arg6[%swap3A_615, %swap3A_616, %swap3A_617] {strides = array<i32>} : memref<4x8x1024xf32, #tpu.memory_space<vmem>>, vector<1x1x16xf32>,
      %swap3A_619 = vector.shape_cast %swap3A_618 : vector<1x1x16xf32> to vector<16xf32>
      %swap3A_620 = vector.shape_cast %add3A_612 : vector<16xf32> to vector<1x1x16xf32>
      tpu.vector_store %arg6[%swap3A_615, %swap3A_616, %swap3A_617], %swap3A_620 {strides = array<i32>} : memref<4x8x1024xf32, #tpu.memory_space<vmem>>, vector<1x1x16xf32>,
      %get3A_621 = arith.constant 2 : i32
      %get3A_622 = arith.constant 7 : i32
      %get3A_623 = arith.index_cast %get3A_621 : i32 to index
      %get3A_624 = arith.index_cast %get3A_622 : i32 to index
      %get3A_625 = arith.index_cast %mul3A_102 : i32 to index
      %get3A_626 = tpu.vector_load %arg6[%get3A_623, %get3A_624, %get3A_625] {strides = array<i32>} : memref<4x8x1024xf32, #tpu.memory_space<vmem>>, vector<1x1x16xf32>,
      %get3A_627 = vector.shape_cast %get3A_626 : vector<1x1x16xf32> to vector<16xf32>
      %add3A_628 = arith.addf %get3A_627, %get3A_588 : vector<16xf32>
      %swap3A_629 = arith.constant 2 : i32
      %swap3A_630 = arith.constant 7 : i32
      %swap3A_631 = arith.index_cast %swap3A_629 : i32 to index
      %swap3A_632 = arith.index_cast %swap3A_630 : i32 to index
      %swap3A_633 = arith.index_cast %mul3A_102 : i32 to index
      %swap3A_634 = tpu.vector_load %arg6[%swap3A_631, %swap3A_632, %swap3A_633] {strides = array<i32>} : memref<4x8x1024xf32, #tpu.memory_space<vmem>>, vector<1x1x16xf32>,
      %swap3A_635 = vector.shape_cast %swap3A_634 : vector<1x1x16xf32> to vector<16xf32>
      %swap3A_636 = vector.shape_cast %add3A_628 : vector<16xf32> to vector<1x1x16xf32>
      tpu.vector_store %arg6[%swap3A_631, %swap3A_632, %swap3A_633], %swap3A_636 {strides = array<i32>} : memref<4x8x1024xf32, #tpu.memory_space<vmem>>, vector<1x1x16xf32>,
      %get3A_637 = arith.constant 3 : i32
      %get3A_638 = arith.constant 7 : i32
      %get3A_639 = arith.index_cast %get3A_637 : i32 to index
      %get3A_640 = arith.index_cast %get3A_638 : i32 to index
      %get3A_641 = arith.index_cast %mul3A_102 : i32 to index
      %get3A_642 = tpu.vector_load %arg6[%get3A_639, %get3A_640, %get3A_641] {strides = array<i32>} : memref<4x8x1024xf32, #tpu.memory_space<vmem>>, vector<1x1x16xf32>,
      %get3A_643 = vector.shape_cast %get3A_642 : vector<1x1x16xf32> to vector<16xf32>
      %add3A_644 = arith.addf %get3A_643, %get3A_588 : vector<16xf32>
      %swap3A_645 = arith.constant 3 : i32
      %swap3A_646 = arith.constant 7 : i32
      %swap3A_647 = arith.index_cast %swap3A_645 : i32 to index
      %swap3A_648 = arith.index_cast %swap3A_646 : i32 to index
      %swap3A_649 = arith.index_cast %mul3A_102 : i32 to index
      %swap3A_650 = tpu.vector_load %arg6[%swap3A_647, %swap3A_648, %swap3A_649] {strides = array<i32>} : memref<4x8x1024xf32, #tpu.memory_space<vmem>>, vector<1x1x16xf32>,
      %swap3A_651 = vector.shape_cast %swap3A_650 : vector<1x1x16xf32> to vector<16xf32>
      %swap3A_652 = vector.shape_cast %add3A_644 : vector<16xf32> to vector<1x1x16xf32>
      tpu.vector_store %arg6[%swap3A_647, %swap3A_648, %swap3A_649], %swap3A_652 {strides = array<i32>} : memref<4x8x1024xf32, #tpu.memory_space<vmem>>, vector<1x1x16xf32>,
    }
    %scan3A_79 = arith.constant 64 : i32
    %add3A_80 = arith.constant 248 : i32
    %add3A_81 = arith.addi %mul3A_2, %add3A_80 : i32
    %dma_start3A_82 = arith.constant 0 : i32
    %dma_start3A_83 = arith.constant 0 : i32
    %dma_start3A_84 = tpu.memref_slice %arg4[%dma_start3A_82, %add3A_81, %dma_start3A_83] : memref<4x8192x1024xf32, #tpu.memory_space<hbm>> -> memref<4x8x1024xf32, #tpu.memory_space<hbm>>
    %dma_start3A_85 = arith.constant 0 : i32
    %dma_start3A_86 = arith.constant 0 : i32
    %dma_start3A_87 = tpu.memref_slice %arg4[%dma_start3A_85, %add3A_81, %dma_start3A_86] : memref<4x8192x1024xf32, #tpu.memory_space<hbm>> -> memref<4x8x1024xf32, #tpu.memory_space<hbm>>
    tpu.enqueue_dma source(%arg6 : memref<4x8x1024xf32, #tpu.memory_space<vmem>>) target(%dma_start3A_87 : memref<4x8x1024xf32, #tpu.memory_space<hbm>>) target_semaphore(%arg15 : memref<!tpu.dma_semaphore, #tpu.memory_space<semaphore_mem>>)
    %dma_wait3A_88 = arith.constant 0 : i32
    %dma_wait3A_89 = arith.constant 0 : i32
    %dma_wait3A_90 = tpu.memref_slice %arg4[%dma_wait3A_88, %mul3A_2, %dma_wait3A_89] : memref<4x8192x1024xf32, #tpu.memory_space<hbm>> -> memref<4x8x1024xf32, #tpu.memory_space<hbm>>
    %dma_wait3A_91 = arith.constant 0 : i32
    %dma_wait3A_92 = arith.constant 0 : i32
    %dma_wait3A_93 = tpu.memref_slice %arg4[%dma_wait3A_91, %mul3A_2, %dma_wait3A_92] : memref<4x8192x1024xf32, #tpu.memory_space<hbm>> -> memref<4x8x1024xf32, #tpu.memory_space<hbm>>
    tpu.wait_dma2 semaphore(%arg14 : memref<!tpu.dma_semaphore, #tpu.memory_space<semaphore_mem>>) src(%arg5 : memref<4x8x1024xf32, #tpu.memory_space<vmem>>) dst(%dma_wait3A_93 : memref<4x8x1024xf32, #tpu.memory_space<hbm>>)
    %dma_wait3A_94 = arith.constant 0 : i32
    %dma_wait3A_95 = arith.constant 0 : i32
    %dma_wait3A_96 = tpu.memref_slice %arg4[%dma_wait3A_94, %mul3A_2, %dma_wait3A_95] : memref<4x8192x1024xf32, #tpu.memory_space<hbm>> -> memref<4x8x1024xf32, #tpu.memory_space<hbm>>
    %dma_wait3A_97 = arith.constant 0 : i32
    %dma_wait3A_98 = arith.constant 0 : i32
    %dma_wait3A_99 = tpu.memref_slice %arg4[%dma_wait3A_97, %mul3A_2, %dma_wait3A_98] : memref<4x8192x1024xf32, #tpu.memory_space<hbm>> -> memref<4x8x1024xf32, #tpu.memory_space<hbm>>
    tpu.wait_dma2 semaphore(%arg15 : memref<!tpu.dma_semaphore, #tpu.memory_space<semaphore_mem>>) src(%arg6 : memref<4x8x1024xf32, #tpu.memory_space<vmem>>) dst(%dma_wait3A_99 : memref<4x8x1024xf32, #tpu.memory_space<hbm>>)
    return
  }
}

</mosaic_0001>

<sc_bundles>
// kernel: _sc_add.3.cloned.1.call-start
scs
__scs_entry_jumppad:
0x0: {  	(pc) =	sbr.rel $0x88, $3  }
0x1: {  	(tag) =	ssettag $0x0;
	lr =	simm.s32 $0x1  }
0x2: {  	[smem:$0x3F9F] =	sst lr;
	_ =	strace $0xD0000000  }
0x3: {  	_ = 	snop  }
0x4: {  	_ = 	snop  }
0x5: {  	_ = 	snop  }
0x6: {  	_ = 	snop  }
0x7: {  	_ = 	snop  }
__scs_overlays_trampoline_lowered:
0x8: {  	[smem:$0x3FAE] =	sst s0  }
0x9: {  	[smem:$0x3FAF] =	sst s1  }
0xa: {  	[smem:$0x3FB0] =	sst s2  }
0xb: {  	[smem:$0x3FB1] =	sst s3  }
0xc: {  	[smem:$0x3FB2] =	sst s4  }
0xd: {  	[smem:$0x3FB3] =	sst s5  }
0xe: {  	[smem:$0x3FB4] =	sst s6  }
0xf: {  	[smem:$0x3FB5] =	sst s7  }
0x10: {  	[smem:$0x3FB6] =	sst s8  }
0x11: {  	[smem:$0x3FB7] =	sst s9;
	s0 =	simm.s32 @!p0 $0x0  }
0x12: {  	s1 =	sld [smem:$0x3F9D];
	s0 =	simm.s32 @p0 $0x1  }
0x13: {  	[smem:$0x3FB8] =	sst s0;
	s0 =	simm.s32 @!p1 $0x0  }
0x14: {  	s2 =	sld [smem:$0x3F9C];
	s0 =	simm.s32 @p1 $0x1  }
0x15: {  	[smem:$0x3FB9] =	sst s0;
	s0 =	simm.s32 @!p2 $0x0  }
0x16: {  	s3 =	sld [smem:$0x3FDB];
	s0 =	simm.s32 @p2 $0x1  }
0x17: {  	s4 =	simm.s32 $0x1BF5;
	[smem:$0x3FBB] =	sst s0  }
0x18: {  	s0 =	sld [smem:$0x3F9E];
	_ =	swait.ge [sflag:s4], $0x0  }
0x19: {  	s7 =	sld [smem:$0x3F9F]  }
0x1a: {  	s8 =	sadd.s32 $0xFFFFE003, lr  }
0x1b: {  	s9 =	sadd.s32 $0xFFFFFEF7, lr;
	s5 =	simm.s32 $0xFFFFFFFF;
	p2 =	slt.u32 s8, $0xFFFFF086  }
0x1c: {  	p1 =	slt.u32 s9, $0xF7A;
	s5 =	simm.s32 @!p2 $0x0  }
0x1d: {  	s5 =	simm.s32 @p1 $0x1;
	p0 =	seq.s32 s7, s2  }
0x1e: {  	s7 =	smul.u32 @!p0 $0xF7A, s2;
	p2 =	seq.s32 @!p0 s5, $0x0  }
0x1f: {  	s9 =	smul.u32 $0xF7A, s1;
	s8 =	simm.s32 @!p0 $0x1BF5;
	p2 =	por !p2, p0  }
0x20: {  	[sflag:s8] =	ssyncset.s32 @!p0 $0xFFFFF086;
	s6 =	sadd.s32 @!p0 s3, s7;
	s7 =	simm.s32 @!p0 $0x108  }
0x21: {  	s3 =	sadd.s32 s3, s9;
	s6 =	sadd.s32 @!p0 $0x88, s6;
	s7 =	simm.s32 @p2 $0x1082  }
0x22: {  	[simem:s7], [sflag:s8] =	dma.local @!p0 [hbm:s6], $0xF7A  }
0x23: {  	s9 =	sor.u32 $0xD0000000, s2;
	s6 =	simm.s32 $0x108;
	_ =	swait.ge @!p0 [sflag:s8], $0x0  }
0x24: {  	s3 =	sadd.s32 $0x88, s3;
	s6 =	simm.s32 @!p1 $0x1082;
	[sflag:s4] =	ssyncset.s32 $0xFFFFF086  }
0x25: {  	[simem:s6], [sflag:s4] =	dma.local [hbm:s3], $0xF7A  }
0x26: {  	[smem:$0x3F9F] =	sst s1;
	(tag) =	ssettag s2;
	_ =	strace s9  }
0x27: {  	s1 =	sld [smem:$0x3FAF]  }
0x28: {  	s2 =	sld [smem:$0x3FB0]  }
0x29: {  	s4 =	sld [smem:$0x3FB2]  }
0x2a: {  	p0 =	seq.s32 s5, $0x0;
	s5 =	sld [smem:$0x3FB3]  }
0x2b: {  	s6 =	sld [smem:$0x3FB4]  }
0x2c: {  	s7 =	sld [smem:$0x3FB5]  }
0x2d: {  	s3 =	simm.s32 $0x108;
	s8 =	sld [smem:$0x3FB6]  }
0x2e: {  	s3 =	simm.s32 @!p0 $0x1082;
	s9 =	sld [smem:$0x3FB7]  }
0x2f: {  	lr =	sadd.s32 s0, s3;
	s0 =	sld [smem:$0x3FAE]  }
0x30: {  	s3 =	sld [smem:$0x3FB1]  }
0x31: {  	[smem:$0x3FBA] =	sst s10  }
0x32: {  	s10 =	sld [smem:$0x3FB8];
	_ =	sdelay $0x3  }
0x33: {  	p0 =	seq.s32 s10, $0x1;
	s10 =	sld [smem:$0x3FBA];
	_ =	sdelay $0x3  }
0x34: {  	[smem:$0x3FBA] =	sst s10  }
0x35: {  	s10 =	sld [smem:$0x3FB9];
	_ =	sdelay $0x3  }
0x36: {  	p1 =	seq.s32 s10, $0x1;
	s10 =	sld [smem:$0x3FBA];
	_ =	sdelay $0x3  }
0x37: {  	[smem:$0x3FBA] =	sst s10  }
0x38: {  	s10 =	sld [smem:$0x3FBB]  }
0x39: {  	_ = 	snop;
	(pc) =	sbr.ind lr, $3  }
0x3a: {  	_ = 	snop  }
0x3b: {  	_ = 	snop  }
0x3c: {  	p2 =	seq.s32 s10, $0x1;
	s10 =	sld [smem:$0x3FBA]  }
0x3d: {  	_ =	shalt  }
0x3e: {  	_ =	shalt  }
0x3f: {  	_ =	shalt  }
0x40: {  	_ =	shalt  }
0x41: {  	_ =	shalt  }
0x42: {  	_ =	shalt  }
0x43: {  	_ =	shalt  }
0x44: {  	_ =	shalt  }
0x45: {  	_ =	shalt  }
0x46: {  	_ =	shalt  }
0x47: {  	_ =	shalt  }
0x48: {  	_ =	shalt  }
0x49: {  	_ =	shalt  }
0x4a: {  	_ =	shalt  }
0x4b: {  	_ =	shalt  }
0x4c: {  	_ =	shalt  }
0x4d: {  	_ =	shalt  }
0x4e: {  	_ =	shalt  }
0x4f: {  	_ =	shalt  }
0x50: {  	_ =	shalt  }
0x51: {  	_ =	shalt  }
0x52: {  	_ =	shalt  }
0x53: {  	_ =	shalt  }
0x54: {  	_ =	shalt  }
0x55: {  	_ =	shalt  }
0x56: {  	_ =	shalt  }
0x57: {  	_ =	shalt  }
0x58: {  	_ =	shalt  }
0x59: {  	_ =	shalt  }
0x5a: {  	_ =	shalt  }
0x5b: {  	_ =	shalt  }
0x5c: {  	_ =	shalt  }
0x5d: {  	_ =	shalt  }
0x5e: {  	_ =	shalt  }
0x5f: {  	_ =	shalt  }
0x60: {  	_ =	shalt  }
0x61: {  	_ =	shalt  }
0x62: {  	_ =	shalt  }
0x63: {  	_ =	shalt  }
0x64: {  	_ =	shalt  }
0x65: {  	_ =	shalt  }
0x66: {  	_ =	shalt  }
0x67: {  	_ =	shalt  }
0x68: {  	_ =	shalt  }
0x69: {  	_ =	shalt  }
0x6a: {  	_ =	shalt  }
0x6b: {  	_ =	shalt  }
0x6c: {  	_ =	shalt  }
0x6d: {  	_ =	shalt  }
0x6e: {  	_ =	shalt  }
0x6f: {  	_ =	shalt  }
0x70: {  	_ =	shalt  }
0x71: {  	_ =	shalt  }
0x72: {  	_ =	shalt  }
0x73: {  	_ =	shalt  }
0x74: {  	_ =	shalt  }
0x75: {  	_ =	shalt  }
0x76: {  	_ =	shalt  }
0x77: {  	_ =	shalt  }
0x78: {  	_ =	shalt  }
0x79: {  	_ =	shalt  }
0x7a: {  	_ =	shalt  }
0x7b: {  	_ =	shalt  }
0x7c: {  	_ =	shalt  }
0x7d: {  	_ =	shalt  }
0x7e: {  	_ =	shalt  }
0x7f: {  	_ =	shalt  }
0x80: {  	_ =	shalt  }
0x81: {  	_ =	shalt  }
0x82: {  	_ =	shalt  }
0x83: {  	_ =	shalt  }
0x84: {  	_ =	shalt  }
0x85: {  	_ =	shalt  }
0x86: {  	_ =	shalt  }
0x87: {  	_ =	shalt  }
.Lfunc_end0:
.L_simem_size_0:
called_computation_lowered:
.L_overlay_start_0:
0x88: {  	s2 =	sld [smem:$0x3FD9]  }
0x89: {  	s3 =	sld [smem:$0x3FFE];
	_ =	sdelay $0x1  }
0x8a: {  	s1 =	srdreg.scid  }
0x8b: {  	s0 =	sand.u32 $0x1, s1  }
0x8c: {  	s18 =	sshll.u32 s0, $0xA;
	s2 =	sadd.s32 s3, s2  }
0x8d: {  	s2 =	sadd.s32 s2, s18  }
0x8e: {  	[smem:$0x3FC6] =	sst s2  }
0x8f: {  	_ = 	snop  }
0x90: {  	s2 =	sld [smem:$0x3FC9]  }
0x91: {  	s19 =	sld [smem:$0x3FC8]  }
0x92: {  	s4 =	sld [smem:$0x3FD0];
	(tm) =	ssettm $0x1  }
0x93: {  	s5 =	sld [smem:$0x3FFB];
	_ =	sdelay $0x3  }
0x94: {  	_ =	strace s5  }
0x95: {  	s5 =	sld [smem:$0x3FFC];
	_ =	sdelay $0x3  }
0x96: {  	_ =	strace s5  }
0x97: {  	s5 =	sld [smem:$0x3FFD];
	_ =	sdelay $0x3  }
0x98: {  	_ =	strace s5  }
0x99: {  	_ =	strace $0x8FFFFFFF  }
0x9a: {  	s20 =	sld [smem:$0x3FDB];
	_ =	sdelay $0x1  }
0x9b: {  	s6 =	simm.s32 $_scs_section_size  }
0x9c: {  	s7 =	simm.s32 $_size__tile_overlayer_lowered;
	s8 =	simm.s32 $_tile_overlayer_lowered  }
0x9d: {  	s23 =	simm.s32 $0x1BFF;
	s22 =	sshll.u32 s8, $0x1;
	s5 =	sadd.s32 s6, s20  }
0x9e: {  	s9 =	simm.s32 $0x0;
	s21 =	sshll.u32 s7, $0x1;
	s7 =	sadd.s32 s22, s5  }
0x9f: {  	[timem:s9], [sflag:s23] =	dma.local [hbm:s7], s21  }
0xa0: {  	_ =	swait.ge [sflag:s23], s21  }
0xa1: {  	s6 =	ssub.s32 $0x0, s21;
	[sflag:s23] =	ssyncset.done $0x0  }
0xa2: {  	[sflag:s23] =	ssyncadd.s32 s6;
	_ =	sdelay $0x1  }
0xa3: {  	s24 =	simm.s32 $0x1B8B  }
0xa4: {  	_ =	swait.ge [sflag:s24], $0x1  }
0xa5: {  	[sflag:s24] =	ssyncset.done $0x0  }
0xa6: {  	s25 =	simm.s32 $0x1B8E;
	[sflag:s24] =	ssyncadd.s32 $0xFFFFFFFF  }
0xa7: {  	s26 =	simm.s32 $execute0_lowered;
	[smem:$0x3FD2] =	sst s25  }
0xa8: {  	s6 =	sshll.u32 s26, $0x1;
	_ =	strace $0x80000046;
	[dreg:$0x1] =	wrdreg $0xFFFFFFFF  }
0xa9: {  	s28 =	simm.s32 $_size_execute0_lowered;
	s5 =	sadd.s32 s5, s6;
	[dreg:$0x0] =	wrdreg $0x0  }
0xaa: {  	s6 =	sshll.u32 s28, $0x1;
	[dreg:$0x2] =	wrdreg s5  }
0xab: {  	[dreg:$0x3] =	wrdreg s6  }
0xac: {  	[dreg:$0x4] =	wrdreg $0xC0  }
0xad: {  	_ =	task [dreg:s9], $0x5FFFF  }
0xae: {  	[dreg:$0x1] =	wrdreg $0xFFFFFFFF  }
0xaf: {  	[dreg:$0x0] =	wrdreg $0x60  }
0xb0: {  	[dreg:$0x2] =	wrdreg s2  }
0xb1: {  	[dreg:$0x3] =	wrdreg s19  }
0xb2: {  	[dreg:$0x4] =	wrdreg s4  }
0xb3: {  	[dreg:$0x5] =	wrdreg $0x9  }
0xb4: {  	_ =	task.clear_ibuf [dreg:s9], $0x6FFFF;
	_ =	strace $0x90000046  }
0xb5: {  	s29 =	simm.s32 $0x9;
	_ =	strace $0x80000048  }
0xb6: {  	_ =	swait.ge [sflag:s29], $0x1  }
0xb7: {  	[sflag:s29] =	ssyncadd.s32 $0xFFFFFFFF  }
0xb8: {  	_ =	strace $0x90000048  }
0xb9: {  	_ =	sfence  }
0xba: {  	s30 =	sld [smem:$0x0];
	_ =	sdelay $0x2  }
0xbb: {  	s31 =	sshll.u32 s1, $0xD;
	s1 =	sshrl.u32 s1, $0x2  }
0xbc: {  	s3 =	sand.u32 $0x4000, s31;
	s1 =	sadd.s32 s1, s30  }
0xbd: {  	s0 =	sor.u32 s3, s0;
	s1 =	sshll.u32 s1, $0x11  }
0xbe: {  	s0 =	sor.u32 s1, s0  }
0xbf: {  	s0 =	sadd.s32 $0x8F2B, s0  }
0xc0: {  	[sflag:s0] =	ssyncadd.remote.s32 $0x1  }
0xc1: {  	_ =	sfence.sel $0xFFFF  }
0xc2: {  	[dreg:$0x0] =	wrdreg $0xFFFFFFFF;
	(pc) =	sbr.abs _section_cstart, $3  }
0xc3: {  	[dreg:$0x1] =	wrdreg $0xFFFFFFFF  }
0xc4: {  	_ =	task.clear_ibuf [dreg:s9], $0x2FFFF;
	_ =	strace $0x9FFFFFFF  }
0xc5: {  	(tm) =	ssettm $0x7FFFFFFF  }
tec
execute0_lowered:
.L_overlay_start_1:
0x0: {  	(tag) =	ssettag $0x1  }
0x1: {  	s1 =	rddreg [dreg:$0x0];
	s0 =	srdreg.scid  }
0x2: {  	s3 =	rddreg [dreg:$0x1];
	s2 =	stileid.u32  }
0x3: {  	s4 =	rddreg [dreg:$0x2];
	s7 =	simm.s32 $0x0;
	s19 =	simm.s32 $0x2000  }
0x4: {  	s20 =	simm.s32 $0x800000;
	s28 =	simm.s32 $0x8;
	s30 =	simm.s32 $0x4  }
0x5: {  	s31 =	simm.s32 $0x3;
	s0 =	sand.u32 $0x1, s0;
	s2 =	sshll.u32 s2, $0x9  }
0x6: {  	[smem:$0x7FF] =	sst s7;
	s5 =	sshll.u32 s0, $0x8;
	s0 =	ssub.s32 $0x2, s0  }
0x7: {  	s7 =	simm.s32 $0x0;
	s6 =	sor.u32 s5, s2;
	s21 =	sshrl.u32 s0, $0x1  }
0x8: {  	_ =	strace $0x80000047;
	s2 =	sshll.u32 s6, $0x7;
	s0 =	ssub.s32 s0, s21  }
0x9: {  	s10 =	sor.u32 $0x8, s6;
	s11 =	sor.u32 $0x10, s6;
	s12 =	sor.u32 $0x18, s6  }
0xa: {  	s13 =	sor.u32 $0x20, s6;
	s21 =	simm.s32 $0x8000;
	s23 =	sadd.s32 s3, s2  }
0xb: {  	s22 =	sadd.s32 s1, s2;
	s25 =	sor.u32 $0x7C00, s2;
	[dreg:$0x5] =	wrdreg s23  }
0xc: {  	s2 =	sadd.s32 s2, s4;
	s0 =	smax.u32 s0, $0x1;
	[dreg:$0x4] =	wrdreg s22  }
0xd: {  	s24 =	sadd.s32 $0x400, s22;
	s26 =	sadd.s32 s3, s25;
	[dreg:$0xa] =	wrdreg s0  }
0xe: {  	s2 =	sadd.s32 $0x7800, s2;
	s29 =	sadd.s32 s4, s25;
	[dreg:$0x6] =	wrdreg s24  }
0xf: {  	s22 =	simm.s32 $0x1;
	s23 =	simm.s32 $0x7;
	[dreg:$0x7] =	wrdreg s26  }
0x10: {  	s25 =	simm.s32 $0x10000;
	s0 =	simm.s32 $0x5;
	[dreg:$0x8] =	wrdreg s2  }
0x11: {  	[dreg:$0x9] =	wrdreg s29;
	s26 =	simm.s32 $0x2;
	s2 =	simm.s32 $0x9  }
.LBB2_1:
0x12: {  	[dreg:$0xb] =	wrdreg s7  }
0x13: {  	s5 =	simm.s32 $0x0;
	s18 =	rddreg [dreg:$0x5];
	s8 =	simm.s32 $0x18000  }
0x14: {  	[tilespmem:s8], [sflag:$0x7] =	stream.linear.gather [hbm4b:s18+s5], $0x2000, $0x38;
	[tilespmem:$0x1E000] =	vst v63  }
0x15: {  	s24 =	rddreg [dreg:$0x4]  }
0x16: {  	[tilespmem:s5], [sflag:$0x1] =	stream.strided.gather [hbm4b:s24+s19], $0x8000, s20, s19, $0x38;
	[tilespmem:$0x1E000] =	vst v63  }
0x17: {  	s29 =	rddreg [dreg:$0x6];
	s14 =	simm.s32 $0x0  }
0x18: {  	[tilespmem:s21], [sflag:$0x2] =	stream.strided.gather [hbm4b:s29+s19], $0x8000, s20, s19, $0x38;
	[tilespmem:$0x1E000] =	vst v63  }
.LBB2_2:
0x19: {  	_ =	swait.ge [sflag:s22], $0x8000  }
0x1a: {  	s15 =	smul.u32 $0x18, s14;
	[sflag:s22] =	ssyncset.done $0x0  }
0x1b: {  	s9 =	simm.s32 $0x0;
	s8 =	simm.s32 $0x1A000;
	[sflag:s22] =	ssyncadd.s32 $0xFFFF8000  }
0x1c: {  	s16 =	sand.u32 $0x70, s9;
	s5 =	sadd.s32 s15, s10;
	_ =	swait.ge [sflag:s23], $0x2000  }
0x1d: {  	s18 =	sand.u32 $0x1C00, s9;
	s17 =	sshll.u32 s5, $0x7;
	[sflag:s23] =	ssyncset.done $0x0  }
0x1e: {  	s16 =	sor.u32 s16, s18;
	s7 =	sadd.s32 s3, s17;
	[sflag:s23] =	ssyncadd.s32 $0xFFFFE000  }
0x1f: {  	[tilespmem:s8], [sflag:$0x8] =	stream.linear.gather [hbm4b:s7+s9], $0x2000, $0x38;
	[tilespmem:$0x1E000] =	vst v63  }
0x20: {  	v0 =	vld [tilespmem:s16+$0x6300]  }
0x21: {  	v1 =	vld [tilespmem:s16+$0x2180]  }
0x22: {  	v2 =	vld [tilespmem:s16+$0x6180]  }
0x23: {  	v3 =	vld [tilespmem:s16+$0x180]  }
0x24: {  	v4 =	vld [tilespmem:s16+$0x18180]  }
0x25: {  	v5 =	vld [tilespmem:s16+$0x300]  }
0x26: {  	v6 =	vld [tilespmem:s16+$0x4180]  }
0x27: {  	v7 =	vld [tilespmem:s16+$0x18300]  }
0x28: {  	v8 =	vld [tilespmem:s16+$0x6280]  }
0x29: {  	v9 =	vld [tilespmem:s16+$0x4280]  }
0x2a: {  	v10 =	vld [tilespmem:s16+$0x2280]  }
0x2b: {  	v14 =	vld [tilespmem:s16+$0x2300]  }
0x2c: {  	v11 =	vld [tilespmem:s16+$0x280];
	v3 =	vadd.f32 v3, v4  }
0x2d: {  	v12 =	vld [tilespmem:s16+$0x4200];
	v2 =	vadd.f32 v2, v4  }
0x2e: {  	v1 =	vadd.f32 v1, v4;
	[tilespmem:s16+$0x180] =	vst v3;
	v3 =	vld [tilespmem:s16+$0x18280]  }
0x2f: {  	v15 =	vld [tilespmem:s16+$0x4300];
	v4 =	vadd.f32 v6, v4;
	[tilespmem:s16+$0x6180] =	vst v2  }
0x30: {  	v13 =	vld [tilespmem:s16+$0x2200];
	v6 =	vadd.f32 v14, v7;
	[tilespmem:s16+$0x2180] =	vst v1  }
0x31: {  	v17 =	vld [tilespmem:s16+$0x18200];
	v0 =	vadd.f32 v0, v7;
	[tilespmem:s16+$0x4180] =	vst v4  }
0x32: {  	v5 =	vadd.f32 v5, v7;
	v2 =	vld [tilespmem:s16+$0x6200];
	[tilespmem:s16+$0x2300] =	vst v6  }
0x33: {  	v4 =	vld [tilespmem:s16+$0x18000];
	[tilespmem:s16+$0x6300] =	vst v0;
	v10 =	vadd.f32 v10, v3  }
0x34: {  	v7 =	vadd.f32 v15, v7;
	v6 =	vld [tilespmem:s16+$0x6000];
	[tilespmem:s16+$0x300] =	vst v5;
	v8 =	vadd.f32 v8, v3  }
0x35: {  	v16 =	vld [tilespmem:s16+$0x200];
	[tilespmem:s16+$0x2280] =	vst v10;
	v10 =	vadd.f32 v11, v3;
	v3 =	vadd.f32 v9, v3  }
0x36: {  	v1 =	vld [tilespmem:s16+$0x6080];
	v0 =	vadd.f32 v13, v17;
	[tilespmem:s16+$0x4300] =	vst v7  }
0x37: {  	[tilespmem:s16+$0x4280] =	vst v3;
	v3 =	vld [tilespmem:s16+$0x2000]  }
0x38: {  	[tilespmem:s16+$0x2200] =	vst v0;
	v0 =	vld [tilespmem:s16+$0x18080];
	v2 =	vadd.f32 v2, v17  }
0x39: {  	v63 =	vld [tilespmem:s16+$0x18100];
	v6 =	vadd.f32 v6, v4;
	[tilespmem:s16+$0x6280] =	vst v8  }
0x3a: {  	v8 =	vld [tilespmem:s16+$0x4000];
	[tilespmem:s16+$0x6200] =	vst v2  }
0x3b: {  	v5 =	vld [tilespmem:s16+$0x80];
	v11 =	vadd.f32 v16, v17;
	[tilespmem:s16+$0x6000] =	vst v6  }
0x3c: {  	v9 =	vld [tilespmem:s16+$0x0];
	[tilespmem:s16+$0x280] =	vst v10;
	v2 =	vadd.f32 v3, v4  }
0x3d: {  	v1 =	vadd.f32 v1, v0;
	v10 =	vld [tilespmem:s16+$0x2080];
	[tilespmem:s16+$0x200] =	vst v11  }
0x3e: {  	v3 =	vld [tilespmem:s16+$0x4100];
	[tilespmem:s16+$0x2000] =	vst v2;
	v2 =	vadd.f32 v12, v17  }
0x3f: {  	v7 =	vld [tilespmem:s16+$0x4080];
	[tilespmem:s16+$0x6080] =	vst v1;
	v8 =	vadd.f32 v8, v4  }
0x40: {  	v11 =	vld [tilespmem:s16+$0x100];
	[tilespmem:s16+$0x4200] =	vst v2;
	v2 =	vadd.f32 v5, v0  }
0x41: {  	[tilespmem:s16+$0x4000] =	vst v8;
	v4 =	vadd.f32 v9, v4;
	v5 =	vld [tilespmem:s16+$0x2100]  }
0x42: {  	v6 =	vadd.f32 v10, v0;
	[tilespmem:s16+$0x80] =	vst v2;
	v2 =	vld [tilespmem:s16+$0x6100]  }
0x43: {  	[tilespmem:s16+$0x0] =	vst v4;
	v1 =	vadd.f32 v3, v63  }
0x44: {  	[tilespmem:s16+$0x2080] =	vst v6;
	v0 =	vadd.f32 v7, v0  }
0x45: {  	[tilespmem:s16+$0x4100] =	vst v1;
	v1 =	vadd.f32 v11, v63  }
0x46: {  	[tilespmem:s16+$0x4080] =	vst v0;
	v3 =	vadd.f32 v5, v63  }
0x47: {  	[tilespmem:s16+$0x100] =	vst v1;
	v0 =	vadd.f32 v2, v63  }
0x48: {  	s5 =	sor.u32 s9, s9;
	[tilespmem:s16+$0x2100] =	vst v3  }
0x49: {  	s5 =	sor.u32 $0x380, s5;
	[tilespmem:s16+$0x6100] =	vst v0  }
0x4a: {  	v3 =	vld [tilespmem:s5+$0x18000]  }
0x4b: {  	v0 =	vld [tilespmem:s5+$0x0];
	_ =	sdelay $0x4  }
0x4c: {  	s24 =	simm.s32 $0x10;
	s8 =	simm.s32 $0x80;
	v0 =	vadd.f32 v0, v3  }
0x4d: {  	s9 =	sand.u32 $0x70, s24;
	s18 =	sand.u32 $0x1C00, s8  }
0x4e: {  	s9 =	sor.u32 s9, s18;
	[tilespmem:s5+$0x0] =	vst v0  }
0x4f: {  	v0 =	vld [tilespmem:s9+$0x6300]  }
0x50: {  	v2 =	vld [tilespmem:s9+$0x2180]  }
0x51: {  	v4 =	vld [tilespmem:s16+$0x4380]  }
0x52: {  	v9 =	vld [tilespmem:s16+$0x2380]  }
0x53: {  	v6 =	vld [tilespmem:s9+$0x6180]  }
0x54: {  	v8 =	vld [tilespmem:s16+$0x6380]  }
0x55: {  	v1 =	vld [tilespmem:s9+$0x300]  }
0x56: {  	v7 =	vld [tilespmem:s9+$0x180];
	v10 =	vadd.f32 v4, v3  }
0x57: {  	v5 =	vld [tilespmem:s9+$0x4180]  }
0x58: {  	s29 =	simm.s32 $0x20;
	s7 =	sor.u32 s8, s24;
	v4 =	vld [tilespmem:s9+$0x18180];
	v9 =	vadd.f32 v9, v3;
	[tilespmem:s16+$0x4380] =	vst v10  }
.LBB2_3:
0x59: {  	p0 =	sne.s32 s29, $0x3F0  }
0x5a: {  	v10 =	vld [tilespmem:s9+$0x18300];
	s8 =	sadd.s32 $0x80, s8;
	[tilespmem:s16+$0x2380] =	vst v9;
	v3 =	vadd.f32 v8, v3;
	s24 =	smov.u32 s29;
	s29 =	sadd.s32 $0x10, s29  }
0x5b: {  	s18 =	sor.u32 s8, s24;
	v8 =	vld [tilespmem:s9+$0x6280]  }
0x5c: {  	v9 =	vld [tilespmem:s9+$0x4280];
	[tilespmem:s16+$0x6380] =	vst v3;
	s16 =	smov.u32 s9  }
0x5d: {  	v3 =	vadd.f32 v7, v4;
	v2 =	vadd.f32 v2, v4;
	v7 =	vld [tilespmem:s16+$0x2280]  }
0x5e: {  	v5 =	vadd.f32 v5, v4;
	v4 =	vadd.f32 v6, v4;
	v6 =	vld [tilespmem:s16+$0x280]  }
0x5f: {  	[tilespmem:s16+$0x180] =	vst v3;
	v3 =	vld [tilespmem:s16+$0x18280]  }
0x60: {  	[tilespmem:s16+$0x6180] =	vst v4;
	v4 =	vld [tilespmem:s16+$0x6200]  }
0x61: {  	v11 =	vld [tilespmem:s16+$0x4200]  }
0x62: {  	v12 =	vld [tilespmem:s16+$0x2200]  }
0x63: {  	v13 =	vld [tilespmem:s16+$0x2300]  }
0x64: {  	v6 =	vadd.f32 v6, v3;
	v7 =	vadd.f32 v7, v3;
	v14 =	vld [tilespmem:s16+$0x4300]  }
0x65: {  	v9 =	vadd.f32 v9, v3;
	v3 =	vadd.f32 v8, v3;
	v15 =	vld [tilespmem:s16+$0x200]  }
0x66: {  	v8 =	vld [tilespmem:s16+$0x18200];
	[tilespmem:s16+$0x2280] =	vst v7  }
0x67: {  	[tilespmem:s16+$0x2180] =	vst v2  }
0x68: {  	v1 =	vadd.f32 v1, v10;
	v2 =	vld [tilespmem:s16+$0x6080];
	[tilespmem:s16+$0x280] =	vst v6;
	v6 =	vadd.f32 v13, v10  }
0x69: {  	v0 =	vadd.f32 v0, v10;
	v7 =	vld [tilespmem:s16+$0x2080];
	[tilespmem:s16+$0x6280] =	vst v3;
	v3 =	vadd.f32 v14, v10  }
0x6a: {  	v10 =	vld [tilespmem:s16+$0x4000];
	[tilespmem:s16+$0x4280] =	vst v9  }
0x6b: {  	v9 =	vld [tilespmem:s16+$0x2000];
	[tilespmem:s16+$0x4180] =	vst v5;
	v5 =	vadd.f32 v12, v8;
	v4 =	vadd.f32 v4, v8  }
0x6c: {  	v13 =	vadd.f32 v15, v8;
	v8 =	vadd.f32 v11, v8;
	v12 =	vld [tilespmem:s16+$0x18000];
	[tilespmem:s16+$0x2300] =	vst v6  }
0x6d: {  	v6 =	vld [tilespmem:s16+$0x6000];
	[tilespmem:s16+$0x6300] =	vst v0  }
0x6e: {  	v0 =	vld [tilespmem:s16+$0x0];
	[tilespmem:s16+$0x300] =	vst v1  }
0x6f: {  	v1 =	vld [tilespmem:s16+$0x80];
	[tilespmem:s16+$0x2200] =	vst v5  }
0x70: {  	v5 =	vld [tilespmem:s16+$0x18080];
	[tilespmem:s16+$0x4300] =	vst v3  }
0x71: {  	v3 =	vadd.f32 v9, v12;
	v9 =	vadd.f32 v10, v12;
	v10 =	vld [tilespmem:s16+$0x4080];
	[tilespmem:s16+$0x6200] =	vst v4  }
0x72: {  	v4 =	vld [tilespmem:s16+$0x4100];
	[tilespmem:s16+$0x200] =	vst v13  }
0x73: {  	v0 =	vadd.f32 v0, v12;
	[tilespmem:s16+$0x2000] =	vst v3;
	v3 =	vadd.f32 v6, v12;
	v6 =	vld [tilespmem:s16+$0x100]  }
0x74: {  	v11 =	vld [tilespmem:s16+$0x18100];
	[tilespmem:s16+$0x4200] =	vst v8  }
0x75: {  	[tilespmem:s16+$0x6000] =	vst v3;
	v1 =	vadd.f32 v1, v5;
	v3 =	vadd.f32 v7, v5  }
0x76: {  	v2 =	vadd.f32 v2, v5;
	[tilespmem:s16+$0x4000] =	vst v9;
	v7 =	vadd.f32 v10, v5;
	v5 =	vld [tilespmem:s16+$0x2100]  }
0x77: {  	[tilespmem:s16+$0x80] =	vst v1;
	v1 =	vld [tilespmem:s16+$0x6100]  }
0x78: {  	[tilespmem:s16+$0x0] =	vst v0  }
0x79: {  	[tilespmem:s16+$0x6080] =	vst v2;
	v0 =	vadd.f32 v6, v11;
	v2 =	vadd.f32 v4, v11  }
0x7a: {  	s5 =	sand.u32 $0x70, s24;
	s9 =	sand.u32 $0x1C00, s8;
	[tilespmem:s16+$0x2080] =	vst v3  }
0x7b: {  	s9 =	sor.u32 s5, s9;
	v3 =	vadd.f32 v5, v11;
	[tilespmem:s16+$0x4100] =	vst v2  }
0x7c: {  	[tilespmem:s16+$0x4080] =	vst v7;
	v1 =	vadd.f32 v1, v11  }
0x7d: {  	[tilespmem:s16+$0x2100] =	vst v3  }
0x7e: {  	[tilespmem:s16+$0x6100] =	vst v1  }
0x7f: {  	s5 =	sor.u32 $0x380, s7;
	s7 =	smov.u32 s18;
	[tilespmem:s16+$0x100] =	vst v0  }
0x80: {  	v3 =	vld [tilespmem:s5+$0x18000]  }
0x81: {  	v0 =	vld [tilespmem:s5+$0x0];
	_ =	sdelay $0x4  }
0x82: {  	v0 =	vadd.f32 v0, v3;
	_ =	sdelay $0x1  }
0x83: {  	[tilespmem:s5+$0x0] =	vst v0  }
0x84: {  	v0 =	vld [tilespmem:s9+$0x6300]  }
0x85: {  	v2 =	vld [tilespmem:s9+$0x2180]  }
0x86: {  	v4 =	vld [tilespmem:s16+$0x4380]  }
0x87: {  	v5 =	vld [tilespmem:s16+$0x2380]  }
0x88: {  	v6 =	vld [tilespmem:s9+$0x6180]  }
.Ltmp0:
0x89: {  	v8 =	vld [tilespmem:s16+$0x6380];
	(pc) =	sbr.rel @p0 .LBB2_3-.Ltmp0, $4  }
0x8a: {  	v1 =	vld [tilespmem:s9+$0x300]  }
0x8b: {  	v7 =	vld [tilespmem:s9+$0x180];
	v10 =	vadd.f32 v4, v3  }
0x8c: {  	v4 =	vld [tilespmem:s9+$0x18180];
	v9 =	vadd.f32 v5, v3  }
0x8d: {  	v5 =	vld [tilespmem:s9+$0x4180];
	[tilespmem:s16+$0x4380] =	vst v10  }
0x8e: {  	v10 =	vld [tilespmem:s9+$0x18300];
	[tilespmem:s16+$0x2380] =	vst v9;
	v3 =	vadd.f32 v8, v3  }
0x8f: {  	v8 =	vld [tilespmem:s9+$0x6280]  }
0x90: {  	v9 =	vld [tilespmem:s9+$0x4280];
	[tilespmem:s16+$0x6380] =	vst v3  }
0x91: {  	v3 =	vadd.f32 v7, v4;
	v7 =	vld [tilespmem:s9+$0x2280]  }
0x92: {  	v11 =	vld [tilespmem:s9+$0x280]  }
0x93: {  	v13 =	vld [tilespmem:s9+$0x2200]  }
0x94: {  	v6 =	vadd.f32 v6, v4;
	v14 =	vld [tilespmem:s9+$0x2300]  }
0x95: {  	v2 =	vadd.f32 v2, v4;
	v17 =	vld [tilespmem:s9+$0x18200];
	[tilespmem:s9+$0x180] =	vst v3  }
0x96: {  	v15 =	vld [tilespmem:s9+$0x4300];
	v4 =	vadd.f32 v5, v4;
	[tilespmem:s9+$0x6180] =	vst v6  }
0x97: {  	v3 =	vld [tilespmem:s9+$0x18280];
	[tilespmem:s9+$0x2180] =	vst v2;
	v0 =	vadd.f32 v0, v10  }
0x98: {  	v12 =	vld [tilespmem:s9+$0x4200];
	v1 =	vadd.f32 v1, v10;
	[tilespmem:s9+$0x4180] =	vst v4  }
0x99: {  	v16 =	vld [tilespmem:s9+$0x200];
	[tilespmem:s9+$0x6300] =	vst v0;
	v5 =	vadd.f32 v14, v10  }
0x9a: {  	v6 =	vld [tilespmem:s9+$0x6200];
	[tilespmem:s9+$0x300] =	vst v1;
	v0 =	vadd.f32 v13, v17  }
0x9b: {  	v4 =	vld [tilespmem:s9+$0x18000];
	v10 =	vadd.f32 v15, v10;
	[tilespmem:s9+$0x2300] =	vst v5  }
0x9c: {  	v1 =	vld [tilespmem:s9+$0x80];
	v7 =	vadd.f32 v7, v3;
	[tilespmem:s9+$0x2200] =	vst v0  }
0x9d: {  	v8 =	vadd.f32 v8, v3;
	v5 =	vld [tilespmem:s9+$0x6000];
	[tilespmem:s9+$0x4300] =	vst v10  }
0x9e: {  	v0 =	vld [tilespmem:s9+$0x18080];
	[tilespmem:s9+$0x2280] =	vst v7;
	v7 =	vadd.f32 v11, v3;
	v3 =	vadd.f32 v9, v3  }
0x9f: {  	v6 =	vadd.f32 v6, v17;
	[tilespmem:s9+$0x6280] =	vst v8;
	v8 =	vld [tilespmem:s9+$0x4000]  }
0xa0: {  	[tilespmem:s9+$0x4280] =	vst v3;
	v3 =	vld [tilespmem:s9+$0x2000]  }
0xa1: {  	v2 =	vld [tilespmem:s9+$0x6080];
	v11 =	vadd.f32 v16, v17;
	[tilespmem:s9+$0x6200] =	vst v6  }
0xa2: {  	v56 =	vld [tilespmem:s9+$0x18100];
	[tilespmem:s9+$0x280] =	vst v7;
	v5 =	vadd.f32 v5, v4  }
0xa3: {  	v9 =	vld [tilespmem:s9+$0x0];
	[tilespmem:s9+$0x200] =	vst v11;
	v1 =	vadd.f32 v1, v0  }
0xa4: {  	v7 =	vld [tilespmem:s9+$0x2080];
	v8 =	vadd.f32 v8, v4;
	[tilespmem:s9+$0x6000] =	vst v5  }
0xa5: {  	v6 =	vld [tilespmem:s9+$0x4100];
	[tilespmem:s9+$0x80] =	vst v1;
	v3 =	vadd.f32 v3, v4  }
0xa6: {  	v10 =	vld [tilespmem:s9+$0x4080];
	v1 =	vadd.f32 v2, v0;
	[tilespmem:s9+$0x4000] =	vst v8  }
0xa7: {  	v11 =	vld [tilespmem:s9+$0x100];
	[tilespmem:s9+$0x2000] =	vst v3;
	v3 =	vadd.f32 v12, v17  }
0xa8: {  	v2 =	vld [tilespmem:s9+$0x6100];
	v4 =	vadd.f32 v9, v4;
	[tilespmem:s9+$0x6080] =	vst v1  }
0xa9: {  	v5 =	vadd.f32 v7, v0;
	[tilespmem:s9+$0x4200] =	vst v3;
	v3 =	vld [tilespmem:s9+$0x2100]  }
0xaa: {  	v1 =	vadd.f32 v6, v56;
	[tilespmem:s9+$0x0] =	vst v4  }
0xab: {  	v0 =	vadd.f32 v10, v0;
	[tilespmem:s9+$0x2080] =	vst v5  }
0xac: {  	[tilespmem:s9+$0x4100] =	vst v1;
	v1 =	vadd.f32 v11, v56  }
0xad: {  	[tilespmem:s9+$0x4080] =	vst v0;
	v0 =	vadd.f32 v2, v56  }
0xae: {  	[tilespmem:s9+$0x100] =	vst v1;
	v3 =	vadd.f32 v3, v56  }
0xaf: {  	[tilespmem:s9+$0x6100] =	vst v0  }
0xb0: {  	s5 =	sor.u32 $0x380, s7;
	[tilespmem:s9+$0x2100] =	vst v3  }
0xb1: {  	v0 =	vld [tilespmem:s5+$0x18000]  }
0xb2: {  	v1 =	vld [tilespmem:s5+$0x0];
	_ =	sdelay $0x4  }
0xb3: {  	v1 =	vadd.f32 v1, v0;
	_ =	sdelay $0x1  }
0xb4: {  	[tilespmem:s5+$0x0] =	vst v1  }
0xb5: {  	v1 =	vld [tilespmem:s9+$0x4380]  }
0xb6: {  	v2 =	vld [tilespmem:s9+$0x2380]  }
0xb7: {  	v3 =	vld [tilespmem:s9+$0x6380];
	_ =	sdelay $0x2  }
0xb8: {  	v1 =	vadd.f32 v1, v0  }
0xb9: {  	v2 =	vadd.f32 v2, v0  }
0xba: {  	s16 =	sadd.s32 s6, s15;
	v0 =	vadd.f32 v3, v0;
	[tilespmem:s9+$0x4380] =	vst v1  }
0xbb: {  	s5 =	sshll.u32 s16, $0x7;
	[tilespmem:s9+$0x2380] =	vst v2  }
0xbc: {  	s18 =	simm.s32 $0x0;
	p0 =	seq.s32 s14, $0x0;
	s5 =	sadd.s32 s4, s5;
	[tilespmem:s9+$0x6380] =	vst v0  }
0xbd: {  	[hbm4b:s5+s19] =	stream.strided.scatter [tilespmem:s18], [sflag:$0x4], $0x8000, s20, s19, $0x38;
	[tilespmem:$0x1E000] =	vst v63  }
0xbe: {  	s5 =	simm.s32 @!p0 $0x6  }
0xbf: {  	s24 =	sadd.s32 s15, s11;
	_ =	swait.ge @!p0 [sflag:s5], $0x8000  }
0xc0: {  	s16 =	sshll.u32 s24, $0x7;
	[sflag:s5] =	ssyncset.done @!p0 $0x0  }
0xc1: {  	s8 =	sadd.s32 s1, s16;
	[sflag:s5] =	ssyncadd.s32 @!p0 $0xFFFF8000  }
0xc2: {  	[tilespmem:s25], [sflag:$0x3] =	stream.strided.gather [hbm4b:s8+s19], $0x8000, s20, s19, $0x38;
	[tilespmem:$0x1E000] =	vst v63  }
0xc3: {  	_ =	swait.ge [sflag:s26], $0x8000  }
0xc4: {  	[sflag:s26] =	ssyncset.done $0x0  }
0xc5: {  	[sflag:s26] =	ssyncadd.s32 $0xFFFF8000  }
0xc6: {  	s9 =	simm.s32 $0x0;
	_ =	swait.ge [sflag:s28], $0x2000  }
0xc7: {  	s7 =	sadd.s32 s3, s16;
	s18 =	sand.u32 $0x70, s9;
	[sflag:s28] =	ssyncset.done $0x0  }
0xc8: {  	s24 =	sand.u32 $0x1C00, s9;
	s8 =	simm.s32 $0x1C000;
	[sflag:s28] =	ssyncadd.s32 $0xFFFFE000  }
0xc9: {  	[tilespmem:s8], [sflag:$0x9] =	stream.linear.gather [hbm4b:s7+s9], $0x2000, $0x38;
	[tilespmem:$0x1E000] =	vst v63  }
0xca: {  	s7 =	sor.u32 s18, s24  }
0xcb: {  	v0 =	vld [tilespmem:s7+$0xE300]  }
0xcc: {  	v1 =	vld [tilespmem:s7+$0xA180]  }
0xcd: {  	v2 =	vld [tilespmem:s7+$0xE180]  }
0xce: {  	v3 =	vld [tilespmem:s7+$0x8180]  }
0xcf: {  	v4 =	vld [tilespmem:s7+$0x1A180]  }
0xd0: {  	v5 =	vld [tilespmem:s7+$0x8300]  }
0xd1: {  	v6 =	vld [tilespmem:s7+$0xC180]  }
0xd2: {  	v7 =	vld [tilespmem:s7+$0x1A300]  }
0xd3: {  	v8 =	vld [tilespmem:s7+$0xE280]  }
0xd4: {  	v9 =	vld [tilespmem:s7+$0xC280]  }
0xd5: {  	v10 =	vld [tilespmem:s7+$0xA280]  }
0xd6: {  	v59 =	vld [tilespmem:s7+$0xA300]  }
0xd7: {  	v11 =	vld [tilespmem:s7+$0x8280];
	v3 =	vadd.f32 v3, v4  }
0xd8: {  	v57 =	vld [tilespmem:s7+$0xC200];
	v2 =	vadd.f32 v2, v4  }
0xd9: {  	v1 =	vadd.f32 v1, v4;
	[tilespmem:s7+$0x8180] =	vst v3;
	v3 =	vld [tilespmem:s7+$0x1A280]  }
0xda: {  	v60 =	vld [tilespmem:s7+$0xC300];
	v4 =	vadd.f32 v6, v4;
	[tilespmem:s7+$0xE180] =	vst v2  }
0xdb: {  	v58 =	vld [tilespmem:s7+$0xA200];
	v6 =	vadd.f32 v59, v7;
	[tilespmem:s7+$0xA180] =	vst v1  }
0xdc: {  	v62 =	vld [tilespmem:s7+$0x1A200];
	v0 =	vadd.f32 v0, v7;
	[tilespmem:s7+$0xC180] =	vst v4  }
0xdd: {  	v5 =	vadd.f32 v5, v7;
	v2 =	vld [tilespmem:s7+$0xE200];
	[tilespmem:s7+$0xA300] =	vst v6  }
0xde: {  	v4 =	vld [tilespmem:s7+$0x1A000];
	[tilespmem:s7+$0xE300] =	vst v0;
	v10 =	vadd.f32 v10, v3  }
0xdf: {  	v7 =	vadd.f32 v60, v7;
	v6 =	vld [tilespmem:s7+$0xE000];
	[tilespmem:s7+$0x8300] =	vst v5;
	v8 =	vadd.f32 v8, v3  }
0xe0: {  	v61 =	vld [tilespmem:s7+$0x8200];
	[tilespmem:s7+$0xA280] =	vst v10;
	v10 =	vadd.f32 v11, v3;
	v3 =	vadd.f32 v9, v3  }
0xe1: {  	v1 =	vld [tilespmem:s7+$0xE080];
	v0 =	vadd.f32 v58, v62;
	[tilespmem:s7+$0xC300] =	vst v7  }
0xe2: {  	[tilespmem:s7+$0xC280] =	vst v3;
	v3 =	vld [tilespmem:s7+$0xA000]  }
0xe3: {  	[tilespmem:s7+$0xA200] =	vst v0;
	v0 =	vld [tilespmem:s7+$0x1A080];
	v2 =	vadd.f32 v2, v62  }
0xe4: {  	v63 =	vld [tilespmem:s7+$0x1A100];
	v6 =	vadd.f32 v6, v4;
	[tilespmem:s7+$0xE280] =	vst v8  }
0xe5: {  	v8 =	vld [tilespmem:s7+$0xC000];
	[tilespmem:s7+$0xE200] =	vst v2  }
0xe6: {  	v5 =	vld [tilespmem:s7+$0x8080];
	v11 =	vadd.f32 v61, v62;
	[tilespmem:s7+$0xE000] =	vst v6  }
0xe7: {  	v9 =	vld [tilespmem:s7+$0x8000];
	[tilespmem:s7+$0x8280] =	vst v10;
	v2 =	vadd.f32 v3, v4  }
0xe8: {  	v1 =	vadd.f32 v1, v0;
	v10 =	vld [tilespmem:s7+$0xA080];
	[tilespmem:s7+$0x8200] =	vst v11  }
0xe9: {  	v3 =	vld [tilespmem:s7+$0xC100];
	[tilespmem:s7+$0xA000] =	vst v2;
	v2 =	vadd.f32 v57, v62  }
0xea: {  	v7 =	vld [tilespmem:s7+$0xC080];
	[tilespmem:s7+$0xE080] =	vst v1;
	v8 =	vadd.f32 v8, v4  }
0xeb: {  	v11 =	vld [tilespmem:s7+$0x8100];
	[tilespmem:s7+$0xC200] =	vst v2;
	v2 =	vadd.f32 v5, v0  }
0xec: {  	[tilespmem:s7+$0xC000] =	vst v8;
	v4 =	vadd.f32 v9, v4;
	v5 =	vld [tilespmem:s7+$0xA100]  }
0xed: {  	v6 =	vadd.f32 v10, v0;
	[tilespmem:s7+$0x8080] =	vst v2;
	v2 =	vld [tilespmem:s7+$0xE100]  }
0xee: {  	[tilespmem:s7+$0x8000] =	vst v4;
	v1 =	vadd.f32 v3, v63  }
0xef: {  	[tilespmem:s7+$0xA080] =	vst v6;
	v0 =	vadd.f32 v7, v0  }
0xf0: {  	[tilespmem:s7+$0xC100] =	vst v1;
	v1 =	vadd.f32 v11, v63  }
0xf1: {  	[tilespmem:s7+$0xC080] =	vst v0;
	v3 =	vadd.f32 v5, v63  }
0xf2: {  	[tilespmem:s7+$0x8100] =	vst v1;
	v0 =	vadd.f32 v2, v63  }
0xf3: {  	s5 =	sor.u32 s9, s9;
	[tilespmem:s7+$0xA100] =	vst v3  }
0xf4: {  	s5 =	sor.u32 $0x380, s5;
	[tilespmem:s7+$0xE100] =	vst v0  }
0xf5: {  	v3 =	vld [tilespmem:s5+$0x1A000]  }
0xf6: {  	v0 =	vld [tilespmem:s5+$0x8000];
	_ =	sdelay $0x4  }
0xf7: {  	s8 =	simm.s32 $0x10;
	s9 =	simm.s32 $0x80;
	v0 =	vadd.f32 v0, v3  }
0xf8: {  	s18 =	sand.u32 $0x70, s8;
	s24 =	sand.u32 $0x1C00, s9  }
0xf9: {  	s29 =	sor.u32 s18, s24;
	[tilespmem:s5+$0x8000] =	vst v0  }
0xfa: {  	v0 =	vld [tilespmem:s29+$0xE300]  }
0xfb: {  	v2 =	vld [tilespmem:s29+$0xA180]  }
0xfc: {  	v4 =	vld [tilespmem:s7+$0xC380]  }
0xfd: {  	v9 =	vld [tilespmem:s7+$0xA380]  }
0xfe: {  	v6 =	vld [tilespmem:s29+$0xE180]  }
0xff: {  	v8 =	vld [tilespmem:s7+$0xE380]  }
0x100: {  	v1 =	vld [tilespmem:s29+$0x8300]  }
0x101: {  	v7 =	vld [tilespmem:s29+$0x8180];
	v10 =	vadd.f32 v4, v3  }
0x102: {  	v5 =	vld [tilespmem:s29+$0xC180]  }
0x103: {  	s8 =	sor.u32 s9, s8;
	s18 =	simm.s32 $0x20;
	v4 =	vld [tilespmem:s29+$0x1A180];
	v9 =	vadd.f32 v9, v3;
	[tilespmem:s7+$0xC380] =	vst v10  }
.LBB2_5:
0x104: {  	p0 =	sne.s32 s18, $0x3F0  }
0x105: {  	v10 =	vld [tilespmem:s29+$0x1A300];
	s9 =	sadd.s32 $0x80, s9;
	[tilespmem:s7+$0xA380] =	vst v9;
	v3 =	vadd.f32 v8, v3;
	s5 =	smov.u32 s18;
	s18 =	sadd.s32 $0x10, s18  }
0x106: {  	s24 =	sor.u32 s9, s5;
	v8 =	vld [tilespmem:s29+$0xE280]  }
0x107: {  	v9 =	vld [tilespmem:s29+$0xC280];
	[tilespmem:s7+$0xE380] =	vst v3;
	s7 =	smov.u32 s29  }
0x108: {  	v3 =	vadd.f32 v7, v4;
	v2 =	vadd.f32 v2, v4;
	v7 =	vld [tilespmem:s7+$0xA280]  }
0x109: {  	v5 =	vadd.f32 v5, v4;
	v4 =	vadd.f32 v6, v4;
	v6 =	vld [tilespmem:s7+$0x8280]  }
0x10a: {  	[tilespmem:s7+$0x8180] =	vst v3;
	v3 =	vld [tilespmem:s7+$0x1A280]  }
0x10b: {  	[tilespmem:s7+$0xE180] =	vst v4;
	v4 =	vld [tilespmem:s7+$0xE200]  }
0x10c: {  	v11 =	vld [tilespmem:s7+$0xC200]  }
0x10d: {  	v12 =	vld [tilespmem:s7+$0xA200]  }
0x10e: {  	v13 =	vld [tilespmem:s7+$0xA300]  }
0x10f: {  	v6 =	vadd.f32 v6, v3;
	v7 =	vadd.f32 v7, v3;
	v14 =	vld [tilespmem:s7+$0xC300]  }
0x110: {  	v9 =	vadd.f32 v9, v3;
	v3 =	vadd.f32 v8, v3;
	v15 =	vld [tilespmem:s7+$0x8200]  }
0x111: {  	v8 =	vld [tilespmem:s7+$0x1A200];
	[tilespmem:s7+$0xA280] =	vst v7  }
0x112: {  	[tilespmem:s7+$0xA180] =	vst v2  }
0x113: {  	v1 =	vadd.f32 v1, v10;
	v2 =	vld [tilespmem:s7+$0xE080];
	[tilespmem:s7+$0x8280] =	vst v6;
	v6 =	vadd.f32 v13, v10  }
0x114: {  	v0 =	vadd.f32 v0, v10;
	v7 =	vld [tilespmem:s7+$0xA080];
	[tilespmem:s7+$0xE280] =	vst v3;
	v3 =	vadd.f32 v14, v10  }
0x115: {  	v10 =	vld [tilespmem:s7+$0xC000];
	[tilespmem:s7+$0xC280] =	vst v9  }
0x116: {  	v9 =	vld [tilespmem:s7+$0xA000];
	[tilespmem:s7+$0xC180] =	vst v5;
	v5 =	vadd.f32 v12, v8;
	v4 =	vadd.f32 v4, v8  }
0x117: {  	v13 =	vadd.f32 v15, v8;
	v8 =	vadd.f32 v11, v8;
	v12 =	vld [tilespmem:s7+$0x1A000];
	[tilespmem:s7+$0xA300] =	vst v6  }
0x118: {  	v6 =	vld [tilespmem:s7+$0xE000];
	[tilespmem:s7+$0xE300] =	vst v0  }
0x119: {  	v0 =	vld [tilespmem:s7+$0x8000];
	[tilespmem:s7+$0x8300] =	vst v1  }
0x11a: {  	v1 =	vld [tilespmem:s7+$0x8080];
	[tilespmem:s7+$0xA200] =	vst v5  }
0x11b: {  	v5 =	vld [tilespmem:s7+$0x1A080];
	[tilespmem:s7+$0xC300] =	vst v3  }
0x11c: {  	v3 =	vadd.f32 v9, v12;
	v9 =	vadd.f32 v10, v12;
	v10 =	vld [tilespmem:s7+$0xC080];
	[tilespmem:s7+$0xE200] =	vst v4  }
0x11d: {  	v4 =	vld [tilespmem:s7+$0xC100];
	[tilespmem:s7+$0x8200] =	vst v13  }
0x11e: {  	v0 =	vadd.f32 v0, v12;
	[tilespmem:s7+$0xA000] =	vst v3;
	v3 =	vadd.f32 v6, v12;
	v6 =	vld [tilespmem:s7+$0x8100]  }
0x11f: {  	v11 =	vld [tilespmem:s7+$0x1A100];
	[tilespmem:s7+$0xC200] =	vst v8  }
0x120: {  	[tilespmem:s7+$0xE000] =	vst v3;
	v1 =	vadd.f32 v1, v5;
	v3 =	vadd.f32 v7, v5  }
0x121: {  	v2 =	vadd.f32 v2, v5;
	[tilespmem:s7+$0xC000] =	vst v9;
	v7 =	vadd.f32 v10, v5;
	v5 =	vld [tilespmem:s7+$0xA100]  }
0x122: {  	[tilespmem:s7+$0x8080] =	vst v1;
	v1 =	vld [tilespmem:s7+$0xE100]  }
0x123: {  	[tilespmem:s7+$0x8000] =	vst v0  }
0x124: {  	[tilespmem:s7+$0xE080] =	vst v2;
	v0 =	vadd.f32 v6, v11;
	v2 =	vadd.f32 v4, v11  }
0x125: {  	s5 =	sand.u32 $0x70, s5;
	s29 =	sand.u32 $0x1C00, s9;
	[tilespmem:s7+$0xA080] =	vst v3  }
0x126: {  	s29 =	sor.u32 s5, s29;
	v3 =	vadd.f32 v5, v11;
	[tilespmem:s7+$0xC100] =	vst v2  }
0x127: {  	[tilespmem:s7+$0xC080] =	vst v7;
	v1 =	vadd.f32 v1, v11  }
0x128: {  	[tilespmem:s7+$0xA100] =	vst v3  }
0x129: {  	[tilespmem:s7+$0xE100] =	vst v1  }
0x12a: {  	s5 =	sor.u32 $0x380, s8;
	s8 =	smov.u32 s24;
	[tilespmem:s7+$0x8100] =	vst v0  }
0x12b: {  	v3 =	vld [tilespmem:s5+$0x1A000]  }
0x12c: {  	v0 =	vld [tilespmem:s5+$0x8000];
	_ =	sdelay $0x4  }
0x12d: {  	v0 =	vadd.f32 v0, v3;
	_ =	sdelay $0x1  }
0x12e: {  	[tilespmem:s5+$0x8000] =	vst v0  }
0x12f: {  	v0 =	vld [tilespmem:s29+$0xE300]  }
0x130: {  	v2 =	vld [tilespmem:s29+$0xA180]  }
0x131: {  	v4 =	vld [tilespmem:s7+$0xC380]  }
0x132: {  	v5 =	vld [tilespmem:s7+$0xA380]  }
0x133: {  	v6 =	vld [tilespmem:s29+$0xE180]  }
.Ltmp1:
0x134: {  	v8 =	vld [tilespmem:s7+$0xE380];
	(pc) =	sbr.rel @p0 .LBB2_5-.Ltmp1, $4  }
0x135: {  	v1 =	vld [tilespmem:s29+$0x8300]  }
0x136: {  	v7 =	vld [tilespmem:s29+$0x8180];
	v10 =	vadd.f32 v4, v3  }
0x137: {  	v4 =	vld [tilespmem:s29+$0x1A180];
	v9 =	vadd.f32 v5, v3  }
0x138: {  	v5 =	vld [tilespmem:s29+$0xC180];
	[tilespmem:s7+$0xC380] =	vst v10  }
0x139: {  	v10 =	vld [tilespmem:s29+$0x1A300];
	[tilespmem:s7+$0xA380] =	vst v9;
	v3 =	vadd.f32 v8, v3  }
0x13a: {  	v8 =	vld [tilespmem:s29+$0xE280]  }
0x13b: {  	v9 =	vld [tilespmem:s29+$0xC280];
	[tilespmem:s7+$0xE380] =	vst v3  }
0x13c: {  	v3 =	vadd.f32 v7, v4;
	v7 =	vld [tilespmem:s29+$0xA280]  }
0x13d: {  	v11 =	vld [tilespmem:s29+$0x8280]  }
0x13e: {  	v13 =	vld [tilespmem:s29+$0xA200]  }
0x13f: {  	v6 =	vadd.f32 v6, v4;
	v14 =	vld [tilespmem:s29+$0xA300]  }
0x140: {  	v2 =	vadd.f32 v2, v4;
	v17 =	vld [tilespmem:s29+$0x1A200];
	[tilespmem:s29+$0x8180] =	vst v3  }
0x141: {  	v15 =	vld [tilespmem:s29+$0xC300];
	v4 =	vadd.f32 v5, v4;
	[tilespmem:s29+$0xE180] =	vst v6  }
0x142: {  	v3 =	vld [tilespmem:s29+$0x1A280];
	[tilespmem:s29+$0xA180] =	vst v2;
	v0 =	vadd.f32 v0, v10  }
0x143: {  	v12 =	vld [tilespmem:s29+$0xC200];
	v1 =	vadd.f32 v1, v10;
	[tilespmem:s29+$0xC180] =	vst v4  }
0x144: {  	v16 =	vld [tilespmem:s29+$0x8200];
	[tilespmem:s29+$0xE300] =	vst v0;
	v5 =	vadd.f32 v14, v10  }
0x145: {  	v6 =	vld [tilespmem:s29+$0xE200];
	[tilespmem:s29+$0x8300] =	vst v1;
	v0 =	vadd.f32 v13, v17  }
0x146: {  	v4 =	vld [tilespmem:s29+$0x1A000];
	v10 =	vadd.f32 v15, v10;
	[tilespmem:s29+$0xA300] =	vst v5  }
0x147: {  	v1 =	vld [tilespmem:s29+$0x8080];
	v7 =	vadd.f32 v7, v3;
	[tilespmem:s29+$0xA200] =	vst v0  }
0x148: {  	v8 =	vadd.f32 v8, v3;
	v5 =	vld [tilespmem:s29+$0xE000];
	[tilespmem:s29+$0xC300] =	vst v10  }
0x149: {  	v0 =	vld [tilespmem:s29+$0x1A080];
	[tilespmem:s29+$0xA280] =	vst v7;
	v7 =	vadd.f32 v11, v3;
	v3 =	vadd.f32 v9, v3  }
0x14a: {  	v6 =	vadd.f32 v6, v17;
	[tilespmem:s29+$0xE280] =	vst v8;
	v8 =	vld [tilespmem:s29+$0xC000]  }
0x14b: {  	[tilespmem:s29+$0xC280] =	vst v3;
	v3 =	vld [tilespmem:s29+$0xA000]  }
0x14c: {  	v2 =	vld [tilespmem:s29+$0xE080];
	v11 =	vadd.f32 v16, v17;
	[tilespmem:s29+$0xE200] =	vst v6  }
0x14d: {  	v56 =	vld [tilespmem:s29+$0x1A100];
	[tilespmem:s29+$0x8280] =	vst v7;
	v5 =	vadd.f32 v5, v4  }
0x14e: {  	v9 =	vld [tilespmem:s29+$0x8000];
	[tilespmem:s29+$0x8200] =	vst v11;
	v1 =	vadd.f32 v1, v0  }
0x14f: {  	v7 =	vld [tilespmem:s29+$0xA080];
	v8 =	vadd.f32 v8, v4;
	[tilespmem:s29+$0xE000] =	vst v5  }
0x150: {  	v6 =	vld [tilespmem:s29+$0xC100];
	[tilespmem:s29+$0x8080] =	vst v1;
	v3 =	vadd.f32 v3, v4  }
0x151: {  	v10 =	vld [tilespmem:s29+$0xC080];
	v1 =	vadd.f32 v2, v0;
	[tilespmem:s29+$0xC000] =	vst v8  }
0x152: {  	v11 =	vld [tilespmem:s29+$0x8100];
	[tilespmem:s29+$0xA000] =	vst v3;
	v3 =	vadd.f32 v12, v17  }
0x153: {  	v2 =	vld [tilespmem:s29+$0xE100];
	v4 =	vadd.f32 v9, v4;
	[tilespmem:s29+$0xE080] =	vst v1  }
0x154: {  	v5 =	vadd.f32 v7, v0;
	[tilespmem:s29+$0xC200] =	vst v3;
	v3 =	vld [tilespmem:s29+$0xA100]  }
0x155: {  	v1 =	vadd.f32 v6, v56;
	[tilespmem:s29+$0x8000] =	vst v4  }
0x156: {  	v0 =	vadd.f32 v10, v0;
	[tilespmem:s29+$0xA080] =	vst v5  }
0x157: {  	[tilespmem:s29+$0xC100] =	vst v1;
	v1 =	vadd.f32 v11, v56  }
0x158: {  	[tilespmem:s29+$0xC080] =	vst v0;
	v0 =	vadd.f32 v2, v56  }
0x159: {  	[tilespmem:s29+$0x8100] =	vst v1;
	v3 =	vadd.f32 v3, v56  }
0x15a: {  	[tilespmem:s29+$0xE100] =	vst v0  }
0x15b: {  	s5 =	sor.u32 $0x380, s8;
	[tilespmem:s29+$0xA100] =	vst v3  }
0x15c: {  	v0 =	vld [tilespmem:s5+$0x1A000]  }
0x15d: {  	v1 =	vld [tilespmem:s5+$0x8000];
	_ =	sdelay $0x4  }
0x15e: {  	v1 =	vadd.f32 v1, v0;
	_ =	sdelay $0x1  }
0x15f: {  	[tilespmem:s5+$0x8000] =	vst v1  }
0x160: {  	v1 =	vld [tilespmem:s29+$0xC380]  }
0x161: {  	v2 =	vld [tilespmem:s29+$0xA380]  }
0x162: {  	v3 =	vld [tilespmem:s29+$0xE380];
	_ =	sdelay $0x2  }
0x163: {  	v1 =	vadd.f32 v1, v0  }
0x164: {  	v2 =	vadd.f32 v2, v0  }
0x165: {  	v0 =	vadd.f32 v3, v0;
	[tilespmem:s29+$0xC380] =	vst v1  }
0x166: {  	[tilespmem:s29+$0xA380] =	vst v2  }
0x167: {  	s9 =	sadd.s32 s4, s17;
	[tilespmem:s29+$0xE380] =	vst v0  }
0x168: {  	[hbm4b:s9+s19] =	stream.strided.scatter [tilespmem:s21], [sflag:$0x5], $0x8000, s20, s19, $0x38;
	[tilespmem:$0x1E000] =	vst v63  }
0x169: {  	s17 =	sadd.s32 s15, s12;
	_ =	swait.ge [sflag:s30], $0x8000  }
0x16a: {  	s18 =	sshll.u32 s17, $0x7;
	[sflag:s30] =	ssyncset.done $0x0  }
0x16b: {  	s24 =	sadd.s32 s1, s18;
	s29 =	simm.s32 $0x0;
	[sflag:s30] =	ssyncadd.s32 $0xFFFF8000  }
0x16c: {  	[tilespmem:s29], [sflag:$0x1] =	stream.strided.gather [hbm4b:s24+s19], $0x8000, s20, s19, $0x38;
	[tilespmem:$0x1E000] =	vst v63  }
0x16d: {  	_ =	swait.ge [sflag:s31], $0x8000  }
0x16e: {  	[sflag:s31] =	ssyncset.done $0x0  }
0x16f: {  	[sflag:s31] =	ssyncadd.s32 $0xFFFF8000  }
0x170: {  	_ =	swait.ge [sflag:s2], $0x2000  }
0x171: {  	s7 =	sadd.s32 s3, s18;
	s9 =	simm.s32 $0x18000;
	[sflag:s2] =	ssyncset.done $0x0  }
0x172: {  	s17 =	sand.u32 $0x70, s29;
	s18 =	sand.u32 $0x1C00, s29;
	[sflag:s2] =	ssyncadd.s32 $0xFFFFE000  }
0x173: {  	[tilespmem:s9], [sflag:$0x7] =	stream.linear.gather [hbm4b:s7+s29], $0x2000, $0x38;
	[tilespmem:$0x1E000] =	vst v63  }
0x174: {  	s7 =	sor.u32 s17, s18  }
0x175: {  	v0 =	vld [tilespmem:s7+$0x16300]  }
0x176: {  	v1 =	vld [tilespmem:s7+$0x12180]  }
0x177: {  	v2 =	vld [tilespmem:s7+$0x16180]  }
0x178: {  	v3 =	vld [tilespmem:s7+$0x10180]  }
0x179: {  	v4 =	vld [tilespmem:s7+$0x1C180]  }
0x17a: {  	v5 =	vld [tilespmem:s7+$0x10300]  }
0x17b: {  	v6 =	vld [tilespmem:s7+$0x14180]  }
0x17c: {  	v7 =	vld [tilespmem:s7+$0x1C300]  }
0x17d: {  	v8 =	vld [tilespmem:s7+$0x16280]  }
0x17e: {  	v9 =	vld [tilespmem:s7+$0x14280]  }
0x17f: {  	v10 =	vld [tilespmem:s7+$0x12280]  }
0x180: {  	v59 =	vld [tilespmem:s7+$0x12300]  }
0x181: {  	v11 =	vld [tilespmem:s7+$0x10280];
	v3 =	vadd.f32 v3, v4  }
0x182: {  	v57 =	vld [tilespmem:s7+$0x14200];
	v2 =	vadd.f32 v2, v4  }
0x183: {  	v1 =	vadd.f32 v1, v4;
	[tilespmem:s7+$0x10180] =	vst v3;
	v3 =	vld [tilespmem:s7+$0x1C280]  }
0x184: {  	v60 =	vld [tilespmem:s7+$0x14300];
	v4 =	vadd.f32 v6, v4;
	[tilespmem:s7+$0x16180] =	vst v2  }
0x185: {  	v58 =	vld [tilespmem:s7+$0x12200];
	v6 =	vadd.f32 v59, v7;
	[tilespmem:s7+$0x12180] =	vst v1  }
0x186: {  	v62 =	vld [tilespmem:s7+$0x1C200];
	v0 =	vadd.f32 v0, v7;
	[tilespmem:s7+$0x14180] =	vst v4  }
0x187: {  	v5 =	vadd.f32 v5, v7;
	v2 =	vld [tilespmem:s7+$0x16200];
	[tilespmem:s7+$0x12300] =	vst v6  }
0x188: {  	v4 =	vld [tilespmem:s7+$0x1C000];
	[tilespmem:s7+$0x16300] =	vst v0;
	v10 =	vadd.f32 v10, v3  }
0x189: {  	v7 =	vadd.f32 v60, v7;
	v6 =	vld [tilespmem:s7+$0x16000];
	[tilespmem:s7+$0x10300] =	vst v5;
	v8 =	vadd.f32 v8, v3  }
0x18a: {  	v61 =	vld [tilespmem:s7+$0x10200];
	[tilespmem:s7+$0x12280] =	vst v10;
	v10 =	vadd.f32 v11, v3;
	v3 =	vadd.f32 v9, v3  }
0x18b: {  	v1 =	vld [tilespmem:s7+$0x16080];
	v0 =	vadd.f32 v58, v62;
	[tilespmem:s7+$0x14300] =	vst v7  }
0x18c: {  	[tilespmem:s7+$0x14280] =	vst v3;
	v3 =	vld [tilespmem:s7+$0x12000]  }
0x18d: {  	[tilespmem:s7+$0x12200] =	vst v0;
	v0 =	vld [tilespmem:s7+$0x1C080];
	v2 =	vadd.f32 v2, v62  }
0x18e: {  	v63 =	vld [tilespmem:s7+$0x1C100];
	v6 =	vadd.f32 v6, v4;
	[tilespmem:s7+$0x16280] =	vst v8  }
0x18f: {  	v8 =	vld [tilespmem:s7+$0x14000];
	[tilespmem:s7+$0x16200] =	vst v2  }
0x190: {  	v5 =	vld [tilespmem:s7+$0x10080];
	v11 =	vadd.f32 v61, v62;
	[tilespmem:s7+$0x16000] =	vst v6  }
0x191: {  	v9 =	vld [tilespmem:s7+$0x10000];
	[tilespmem:s7+$0x10280] =	vst v10;
	v2 =	vadd.f32 v3, v4  }
0x192: {  	v1 =	vadd.f32 v1, v0;
	v10 =	vld [tilespmem:s7+$0x12080];
	[tilespmem:s7+$0x10200] =	vst v11  }
0x193: {  	v3 =	vld [tilespmem:s7+$0x14100];
	[tilespmem:s7+$0x12000] =	vst v2;
	v2 =	vadd.f32 v57, v62  }
0x194: {  	v7 =	vld [tilespmem:s7+$0x14080];
	[tilespmem:s7+$0x16080] =	vst v1;
	v8 =	vadd.f32 v8, v4  }
0x195: {  	v11 =	vld [tilespmem:s7+$0x10100];
	[tilespmem:s7+$0x14200] =	vst v2;
	v2 =	vadd.f32 v5, v0  }
0x196: {  	[tilespmem:s7+$0x14000] =	vst v8;
	v4 =	vadd.f32 v9, v4;
	v5 =	vld [tilespmem:s7+$0x12100]  }
0x197: {  	v6 =	vadd.f32 v10, v0;
	[tilespmem:s7+$0x10080] =	vst v2;
	v2 =	vld [tilespmem:s7+$0x16100]  }
0x198: {  	[tilespmem:s7+$0x10000] =	vst v4;
	v1 =	vadd.f32 v3, v63  }
0x199: {  	[tilespmem:s7+$0x12080] =	vst v6;
	v0 =	vadd.f32 v7, v0  }
0x19a: {  	[tilespmem:s7+$0x14100] =	vst v1;
	v1 =	vadd.f32 v11, v63  }
0x19b: {  	[tilespmem:s7+$0x14080] =	vst v0;
	v3 =	vadd.f32 v5, v63  }
0x19c: {  	[tilespmem:s7+$0x10100] =	vst v1;
	v0 =	vadd.f32 v2, v63  }
0x19d: {  	s5 =	sor.u32 s29, s29;
	[tilespmem:s7+$0x12100] =	vst v3  }
0x19e: {  	s5 =	sor.u32 $0x380, s5;
	[tilespmem:s7+$0x16100] =	vst v0  }
0x19f: {  	v3 =	vld [tilespmem:s5+$0x1C000]  }
0x1a0: {  	v0 =	vld [tilespmem:s5+$0x10000];
	_ =	sdelay $0x4  }
0x1a1: {  	s24 =	simm.s32 $0x10;
	s9 =	simm.s32 $0x80;
	v0 =	vadd.f32 v0, v3  }
0x1a2: {  	s29 =	sand.u32 $0x70, s24;
	s18 =	sand.u32 $0x1C00, s9  }
0x1a3: {  	s17 =	sor.u32 s29, s18;
	[tilespmem:s5+$0x10000] =	vst v0  }
0x1a4: {  	v0 =	vld [tilespmem:s17+$0x16300]  }
0x1a5: {  	v2 =	vld [tilespmem:s17+$0x12180]  }
0x1a6: {  	v4 =	vld [tilespmem:s7+$0x14380]  }
0x1a7: {  	v9 =	vld [tilespmem:s7+$0x12380]  }
0x1a8: {  	v6 =	vld [tilespmem:s17+$0x16180]  }
0x1a9: {  	v8 =	vld [tilespmem:s7+$0x16380]  }
0x1aa: {  	v1 =	vld [tilespmem:s17+$0x10300]  }
0x1ab: {  	v7 =	vld [tilespmem:s17+$0x10180];
	v10 =	vadd.f32 v4, v3  }
0x1ac: {  	v5 =	vld [tilespmem:s17+$0x14180]  }
0x1ad: {  	s8 =	sor.u32 s9, s24;
	s18 =	simm.s32 $0x20;
	v4 =	vld [tilespmem:s17+$0x1C180];
	v9 =	vadd.f32 v9, v3;
	[tilespmem:s7+$0x14380] =	vst v10  }
.LBB2_7:
0x1ae: {  	p0 =	sne.s32 s18, $0x3F0  }
0x1af: {  	v10 =	vld [tilespmem:s17+$0x1C300];
	s9 =	sadd.s32 $0x80, s9;
	[tilespmem:s7+$0x12380] =	vst v9;
	v3 =	vadd.f32 v8, v3;
	s5 =	smov.u32 s18;
	s18 =	sadd.s32 $0x10, s18  }
0x1b0: {  	s24 =	sor.u32 s9, s5;
	v8 =	vld [tilespmem:s17+$0x16280]  }
0x1b1: {  	v9 =	vld [tilespmem:s17+$0x14280];
	[tilespmem:s7+$0x16380] =	vst v3;
	s7 =	smov.u32 s17  }
0x1b2: {  	v3 =	vadd.f32 v7, v4;
	v2 =	vadd.f32 v2, v4;
	v7 =	vld [tilespmem:s7+$0x12280]  }
0x1b3: {  	v5 =	vadd.f32 v5, v4;
	v4 =	vadd.f32 v6, v4;
	v6 =	vld [tilespmem:s7+$0x10280]  }
0x1b4: {  	[tilespmem:s7+$0x10180] =	vst v3;
	v3 =	vld [tilespmem:s7+$0x1C280]  }
0x1b5: {  	[tilespmem:s7+$0x16180] =	vst v4;
	v4 =	vld [tilespmem:s7+$0x16200]  }
0x1b6: {  	v11 =	vld [tilespmem:s7+$0x14200]  }
0x1b7: {  	v12 =	vld [tilespmem:s7+$0x12200]  }
0x1b8: {  	v13 =	vld [tilespmem:s7+$0x12300]  }
0x1b9: {  	v6 =	vadd.f32 v6, v3;
	v7 =	vadd.f32 v7, v3;
	v14 =	vld [tilespmem:s7+$0x14300]  }
0x1ba: {  	v9 =	vadd.f32 v9, v3;
	v3 =	vadd.f32 v8, v3;
	v15 =	vld [tilespmem:s7+$0x10200]  }
0x1bb: {  	v8 =	vld [tilespmem:s7+$0x1C200];
	[tilespmem:s7+$0x12280] =	vst v7  }
0x1bc: {  	[tilespmem:s7+$0x12180] =	vst v2  }
0x1bd: {  	v1 =	vadd.f32 v1, v10;
	v2 =	vld [tilespmem:s7+$0x16080];
	[tilespmem:s7+$0x10280] =	vst v6;
	v6 =	vadd.f32 v13, v10  }
0x1be: {  	v0 =	vadd.f32 v0, v10;
	v7 =	vld [tilespmem:s7+$0x12080];
	[tilespmem:s7+$0x16280] =	vst v3;
	v3 =	vadd.f32 v14, v10  }
0x1bf: {  	v10 =	vld [tilespmem:s7+$0x14000];
	[tilespmem:s7+$0x14280] =	vst v9  }
0x1c0: {  	v9 =	vld [tilespmem:s7+$0x12000];
	[tilespmem:s7+$0x14180] =	vst v5;
	v5 =	vadd.f32 v12, v8;
	v4 =	vadd.f32 v4, v8  }
0x1c1: {  	v13 =	vadd.f32 v15, v8;
	v8 =	vadd.f32 v11, v8;
	v12 =	vld [tilespmem:s7+$0x1C000];
	[tilespmem:s7+$0x12300] =	vst v6  }
0x1c2: {  	v6 =	vld [tilespmem:s7+$0x16000];
	[tilespmem:s7+$0x16300] =	vst v0  }
0x1c3: {  	v0 =	vld [tilespmem:s7+$0x10000];
	[tilespmem:s7+$0x10300] =	vst v1  }
0x1c4: {  	v1 =	vld [tilespmem:s7+$0x10080];
	[tilespmem:s7+$0x12200] =	vst v5  }
0x1c5: {  	v5 =	vld [tilespmem:s7+$0x1C080];
	[tilespmem:s7+$0x14300] =	vst v3  }
0x1c6: {  	v3 =	vadd.f32 v9, v12;
	v9 =	vadd.f32 v10, v12;
	v10 =	vld [tilespmem:s7+$0x14080];
	[tilespmem:s7+$0x16200] =	vst v4  }
0x1c7: {  	v4 =	vld [tilespmem:s7+$0x14100];
	[tilespmem:s7+$0x10200] =	vst v13  }
0x1c8: {  	v0 =	vadd.f32 v0, v12;
	[tilespmem:s7+$0x12000] =	vst v3;
	v3 =	vadd.f32 v6, v12;
	v6 =	vld [tilespmem:s7+$0x10100]  }
0x1c9: {  	v11 =	vld [tilespmem:s7+$0x1C100];
	[tilespmem:s7+$0x14200] =	vst v8  }
0x1ca: {  	[tilespmem:s7+$0x16000] =	vst v3;
	v1 =	vadd.f32 v1, v5;
	v3 =	vadd.f32 v7, v5  }
0x1cb: {  	v2 =	vadd.f32 v2, v5;
	[tilespmem:s7+$0x14000] =	vst v9;
	v7 =	vadd.f32 v10, v5;
	v5 =	vld [tilespmem:s7+$0x12100]  }
0x1cc: {  	[tilespmem:s7+$0x10080] =	vst v1;
	v1 =	vld [tilespmem:s7+$0x16100]  }
0x1cd: {  	[tilespmem:s7+$0x10000] =	vst v0  }
0x1ce: {  	[tilespmem:s7+$0x16080] =	vst v2;
	v0 =	vadd.f32 v6, v11;
	v2 =	vadd.f32 v4, v11  }
0x1cf: {  	s5 =	sand.u32 $0x70, s5;
	s17 =	sand.u32 $0x1C00, s9;
	[tilespmem:s7+$0x12080] =	vst v3  }
0x1d0: {  	s17 =	sor.u32 s5, s17;
	v3 =	vadd.f32 v5, v11;
	[tilespmem:s7+$0x14100] =	vst v2  }
0x1d1: {  	[tilespmem:s7+$0x14080] =	vst v7;
	v1 =	vadd.f32 v1, v11  }
0x1d2: {  	[tilespmem:s7+$0x12100] =	vst v3  }
0x1d3: {  	[tilespmem:s7+$0x16100] =	vst v1  }
0x1d4: {  	s5 =	sor.u32 $0x380, s8;
	s8 =	smov.u32 s24;
	[tilespmem:s7+$0x10100] =	vst v0  }
0x1d5: {  	v3 =	vld [tilespmem:s5+$0x1C000]  }
0x1d6: {  	v0 =	vld [tilespmem:s5+$0x10000];
	_ =	sdelay $0x4  }
0x1d7: {  	v0 =	vadd.f32 v0, v3;
	_ =	sdelay $0x1  }
0x1d8: {  	[tilespmem:s5+$0x10000] =	vst v0  }
0x1d9: {  	v0 =	vld [tilespmem:s17+$0x16300]  }
0x1da: {  	v2 =	vld [tilespmem:s17+$0x12180]  }
0x1db: {  	v4 =	vld [tilespmem:s7+$0x14380]  }
0x1dc: {  	v5 =	vld [tilespmem:s7+$0x12380]  }
0x1dd: {  	v6 =	vld [tilespmem:s17+$0x16180]  }
.Ltmp2:
0x1de: {  	v8 =	vld [tilespmem:s7+$0x16380];
	(pc) =	sbr.rel @p0 .LBB2_7-.Ltmp2, $4  }
0x1df: {  	v1 =	vld [tilespmem:s17+$0x10300]  }
0x1e0: {  	v7 =	vld [tilespmem:s17+$0x10180];
	v10 =	vadd.f32 v4, v3  }
0x1e1: {  	v4 =	vld [tilespmem:s17+$0x1C180];
	v9 =	vadd.f32 v5, v3  }
0x1e2: {  	v5 =	vld [tilespmem:s17+$0x14180];
	[tilespmem:s7+$0x14380] =	vst v10  }
0x1e3: {  	v10 =	vld [tilespmem:s17+$0x1C300];
	[tilespmem:s7+$0x12380] =	vst v9;
	v3 =	vadd.f32 v8, v3  }
0x1e4: {  	v31 =	vld [tilespmem:s17+$0x16280]  }
0x1e5: {  	v9 =	vld [tilespmem:s17+$0x14280];
	[tilespmem:s7+$0x16380] =	vst v3  }
0x1e6: {  	v33 =	vld [tilespmem:s17+$0x12280]  }
0x1e7: {  	v11 =	vld [tilespmem:s17+$0x10280]  }
0x1e8: {  	v32 =	vadd.f32 v7, v4;
	v34 =	vld [tilespmem:s17+$0x1C280]  }
0x1e9: {  	v6 =	vadd.f32 v6, v4;
	v35 =	vld [tilespmem:s17+$0x16200]  }
0x1ea: {  	v12 =	vld [tilespmem:s17+$0x14200];
	v2 =	vadd.f32 v2, v4;
	[tilespmem:s17+$0x10180] =	vst v32  }
0x1eb: {  	v13 =	vld [tilespmem:s17+$0x12200];
	v40 =	vadd.f32 v5, v4;
	[tilespmem:s17+$0x16180] =	vst v6  }
0x1ec: {  	v14 =	vld [tilespmem:s17+$0x12300];
	[tilespmem:s17+$0x12180] =	vst v2;
	v0 =	vadd.f32 v0, v10  }
0x1ed: {  	v15 =	vld [tilespmem:s17+$0x14300];
	v1 =	vadd.f32 v1, v10;
	[tilespmem:s17+$0x14180] =	vst v40  }
0x1ee: {  	v17 =	vld [tilespmem:s17+$0x1C200];
	[tilespmem:s17+$0x16300] =	vst v0;
	v7 =	vadd.f32 v33, v34  }
0x1ef: {  	v16 =	vld [tilespmem:s17+$0x10200];
	[tilespmem:s17+$0x10300] =	vst v1;
	v36 =	vadd.f32 v11, v34  }
0x1f0: {  	v37 =	vld [tilespmem:s17+$0x16080];
	v8 =	vadd.f32 v31, v34;
	[tilespmem:s17+$0x12280] =	vst v7  }
0x1f1: {  	v43 =	vld [tilespmem:s17+$0x1C000];
	v3 =	vadd.f32 v9, v34;
	[tilespmem:s17+$0x10280] =	vst v36  }
0x1f2: {  	v44 =	vld [tilespmem:s17+$0x16000];
	v42 =	vadd.f32 v14, v10;
	[tilespmem:s17+$0x16280] =	vst v8  }
0x1f3: {  	v47 =	vld [tilespmem:s17+$0x10080];
	v45 =	vadd.f32 v13, v17;
	[tilespmem:s17+$0x14280] =	vst v3  }
0x1f4: {  	v48 =	vld [tilespmem:s17+$0x1C080];
	v10 =	vadd.f32 v15, v10;
	[tilespmem:s17+$0x12300] =	vst v42  }
0x1f5: {  	v46 =	vld [tilespmem:s17+$0x10000];
	v6 =	vadd.f32 v35, v17;
	[tilespmem:s17+$0x12200] =	vst v45  }
0x1f6: {  	v38 =	vld [tilespmem:s17+$0x12080];
	v50 =	vadd.f32 v16, v17;
	[tilespmem:s17+$0x14300] =	vst v10  }
0x1f7: {  	v51 =	vld [tilespmem:s17+$0x14100];
	v52 =	vadd.f32 v12, v17;
	[tilespmem:s17+$0x16200] =	vst v6  }
0x1f8: {  	v54 =	vld [tilespmem:s17+$0x1C100];
	v5 =	vadd.f32 v44, v43;
	[tilespmem:s17+$0x10200] =	vst v50  }
0x1f9: {  	v49 =	vld [tilespmem:s17+$0x14080];
	v1 =	vadd.f32 v47, v48;
	[tilespmem:s17+$0x14200] =	vst v52  }
0x1fa: {  	v57 =	vld [tilespmem:s17+$0x16100];
	v4 =	vadd.f32 v46, v43;
	[tilespmem:s17+$0x16000] =	vst v5  }
0x1fb: {  	v53 =	vld [tilespmem:s17+$0x10100];
	v56 =	vadd.f32 v37, v48;
	[tilespmem:s17+$0x10080] =	vst v1  }
0x1fc: {  	v41 =	vld [tilespmem:s17+$0x12000];
	v58 =	vadd.f32 v38, v48;
	[tilespmem:s17+$0x10000] =	vst v4  }
0x1fd: {  	v39 =	vld [tilespmem:s17+$0x14000];
	v59 =	vadd.f32 v51, v54;
	[tilespmem:s17+$0x16080] =	vst v56  }
0x1fe: {  	v55 =	vld [tilespmem:s17+$0x12100];
	v0 =	vadd.f32 v49, v48;
	[tilespmem:s17+$0x12080] =	vst v58  }
0x1ff: {  	v60 =	vadd.f32 v57, v54;
	[tilespmem:s17+$0x14100] =	vst v59  }
0x200: {  	v61 =	vadd.f32 v53, v54;
	[tilespmem:s17+$0x14080] =	vst v0  }
0x201: {  	v3 =	vadd.f32 v41, v43;
	[tilespmem:s17+$0x16100] =	vst v60  }
0x202: {  	v8 =	vadd.f32 v39, v43;
	[tilespmem:s17+$0x10100] =	vst v61  }
0x203: {  	[tilespmem:s17+$0x12000] =	vst v3;
	v3 =	vadd.f32 v55, v54  }
0x204: {  	[tilespmem:s17+$0x14000] =	vst v8  }
0x205: {  	s5 =	sor.u32 $0x380, s8;
	[tilespmem:s17+$0x12100] =	vst v3  }
0x206: {  	v0 =	vld [tilespmem:s5+$0x1C000]  }
0x207: {  	v1 =	vld [tilespmem:s5+$0x10000];
	_ =	sdelay $0x4  }
0x208: {  	v1 =	vadd.f32 v1, v0;
	_ =	sdelay $0x1  }
0x209: {  	[tilespmem:s5+$0x10000] =	vst v1  }
0x20a: {  	v1 =	vld [tilespmem:s17+$0x14380]  }
0x20b: {  	v62 =	vld [tilespmem:s17+$0x12380]  }
0x20c: {  	v63 =	vld [tilespmem:s17+$0x16380];
	_ =	sdelay $0x2  }
0x20d: {  	v1 =	vadd.f32 v1, v0  }
0x20e: {  	v2 =	vadd.f32 v62, v0  }
0x20f: {  	v0 =	vadd.f32 v63, v0;
	[tilespmem:s17+$0x14380] =	vst v1  }
0x210: {  	s14 =	sadd.s32 $0x1, s14;
	[tilespmem:s17+$0x12380] =	vst v2  }
0x211: {  	s24 =	sadd.s32 s4, s16;
	p0 =	sne.s32 s14, $0xA;
	[tilespmem:s17+$0x16380] =	vst v0  }
0x212: {  	[hbm4b:s24+s19] =	stream.strided.scatter [tilespmem:s25], [sflag:$0x6], $0x8000, s20, s19, $0x38;
	[tilespmem:$0x1E000] =	vst v63  }
.Ltmp3:
0x213: {  	_ = 	snop;
	(pc) =	sbr.rel @p0 .LBB2_2-.Ltmp3, $4  }
0x214: {  	s29 =	sadd.s32 s15, s13;
	_ =	swait.ge [sflag:s0], $0x8000  }
0x215: {  	s5 =	sshll.u32 s29, $0x7;
	[sflag:s0] =	ssyncset.done $0x0  }
0x216: {  	s5 =	sadd.s32 s1, s5;
	[sflag:s0] =	ssyncadd.s32 $0xFFFF8000  }
0x217: {  	[tilespmem:s21], [sflag:$0x2] =	stream.strided.gather [hbm4b:s5+s19], $0x8000, s20, s19, $0x38;
	[tilespmem:$0x1E000] =	vst v63  }
0x218: {  	_ =	swait.ge [sflag:s22], $0x8000  }
0x219: {  	[sflag:s22] =	ssyncset.done $0x0  }
0x21a: {  	[sflag:s22] =	ssyncadd.s32 $0xFFFF8000  }
0x21b: {  	s5 =	simm.s32 $0x0;
	_ =	swait.ge [sflag:s23], $0x2000  }
0x21c: {  	s8 =	simm.s32 $0x1A000;
	s18 =	sand.u32 $0x70, s5;
	[sflag:s23] =	ssyncset.done $0x0  }
0x21d: {  	s24 =	sand.u32 $0x1C00, s5;
	s7 =	rddreg [dreg:$0x7];
	[sflag:s23] =	ssyncadd.s32 $0xFFFFE000  }
0x21e: {  	[tilespmem:s8], [sflag:$0x8] =	stream.linear.gather [hbm4b:s7+s5], $0x2000, $0x38;
	[tilespmem:$0x1E000] =	vst v63  }
0x21f: {  	s7 =	sor.u32 s18, s24  }
0x220: {  	v0 =	vld [tilespmem:s7+$0x6300]  }
0x221: {  	v1 =	vld [tilespmem:s7+$0x2180]  }
0x222: {  	v2 =	vld [tilespmem:s7+$0x6180]  }
0x223: {  	v3 =	vld [tilespmem:s7+$0x180]  }
0x224: {  	v4 =	vld [tilespmem:s7+$0x18180]  }
0x225: {  	v5 =	vld [tilespmem:s7+$0x300]  }
0x226: {  	v6 =	vld [tilespmem:s7+$0x4180]  }
0x227: {  	v7 =	vld [tilespmem:s7+$0x18300]  }
0x228: {  	v8 =	vld [tilespmem:s7+$0x6280]  }
0x229: {  	v9 =	vld [tilespmem:s7+$0x4280]  }
0x22a: {  	v10 =	vld [tilespmem:s7+$0x2280]  }
0x22b: {  	v14 =	vld [tilespmem:s7+$0x2300]  }
0x22c: {  	v11 =	vld [tilespmem:s7+$0x280];
	v3 =	vadd.f32 v3, v4  }
0x22d: {  	v12 =	vld [tilespmem:s7+$0x4200];
	v2 =	vadd.f32 v2, v4  }
0x22e: {  	v1 =	vadd.f32 v1, v4;
	[tilespmem:s7+$0x180] =	vst v3;
	v3 =	vld [tilespmem:s7+$0x18280]  }
0x22f: {  	v15 =	vld [tilespmem:s7+$0x4300];
	v4 =	vadd.f32 v6, v4;
	[tilespmem:s7+$0x6180] =	vst v2  }
0x230: {  	v13 =	vld [tilespmem:s7+$0x2200];
	v6 =	vadd.f32 v14, v7;
	[tilespmem:s7+$0x2180] =	vst v1  }
0x231: {  	v17 =	vld [tilespmem:s7+$0x18200];
	v0 =	vadd.f32 v0, v7;
	[tilespmem:s7+$0x4180] =	vst v4  }
0x232: {  	v5 =	vadd.f32 v5, v7;
	v2 =	vld [tilespmem:s7+$0x6200];
	[tilespmem:s7+$0x2300] =	vst v6  }
0x233: {  	v4 =	vld [tilespmem:s7+$0x18000];
	[tilespmem:s7+$0x6300] =	vst v0;
	v10 =	vadd.f32 v10, v3  }
0x234: {  	v7 =	vadd.f32 v15, v7;
	v6 =	vld [tilespmem:s7+$0x6000];
	[tilespmem:s7+$0x300] =	vst v5;
	v8 =	vadd.f32 v8, v3  }
0x235: {  	v16 =	vld [tilespmem:s7+$0x200];
	[tilespmem:s7+$0x2280] =	vst v10;
	v10 =	vadd.f32 v11, v3;
	v3 =	vadd.f32 v9, v3  }
0x236: {  	v1 =	vld [tilespmem:s7+$0x6080];
	v0 =	vadd.f32 v13, v17;
	[tilespmem:s7+$0x4300] =	vst v7  }
0x237: {  	[tilespmem:s7+$0x4280] =	vst v3;
	v3 =	vld [tilespmem:s7+$0x2000]  }
0x238: {  	[tilespmem:s7+$0x2200] =	vst v0;
	v0 =	vld [tilespmem:s7+$0x18080];
	v2 =	vadd.f32 v2, v17  }
0x239: {  	v63 =	vld [tilespmem:s7+$0x18100];
	v6 =	vadd.f32 v6, v4;
	[tilespmem:s7+$0x6280] =	vst v8  }
0x23a: {  	v8 =	vld [tilespmem:s7+$0x4000];
	[tilespmem:s7+$0x6200] =	vst v2  }
0x23b: {  	v5 =	vld [tilespmem:s7+$0x80];
	v11 =	vadd.f32 v16, v17;
	[tilespmem:s7+$0x6000] =	vst v6  }
0x23c: {  	v9 =	vld [tilespmem:s7+$0x0];
	[tilespmem:s7+$0x280] =	vst v10;
	v2 =	vadd.f32 v3, v4  }
0x23d: {  	v1 =	vadd.f32 v1, v0;
	v10 =	vld [tilespmem:s7+$0x2080];
	[tilespmem:s7+$0x200] =	vst v11  }
0x23e: {  	v3 =	vld [tilespmem:s7+$0x4100];
	[tilespmem:s7+$0x2000] =	vst v2;
	v2 =	vadd.f32 v12, v17  }
0x23f: {  	v7 =	vld [tilespmem:s7+$0x4080];
	[tilespmem:s7+$0x6080] =	vst v1;
	v8 =	vadd.f32 v8, v4  }
0x240: {  	v11 =	vld [tilespmem:s7+$0x100];
	[tilespmem:s7+$0x4200] =	vst v2;
	v2 =	vadd.f32 v5, v0  }
0x241: {  	[tilespmem:s7+$0x4000] =	vst v8;
	v4 =	vadd.f32 v9, v4;
	v5 =	vld [tilespmem:s7+$0x2100]  }
0x242: {  	v6 =	vadd.f32 v10, v0;
	[tilespmem:s7+$0x80] =	vst v2;
	v2 =	vld [tilespmem:s7+$0x6100]  }
0x243: {  	[tilespmem:s7+$0x0] =	vst v4;
	v1 =	vadd.f32 v3, v63  }
0x244: {  	[tilespmem:s7+$0x2080] =	vst v6;
	v0 =	vadd.f32 v7, v0  }
0x245: {  	[tilespmem:s7+$0x4100] =	vst v1;
	v1 =	vadd.f32 v11, v63  }
0x246: {  	[tilespmem:s7+$0x4080] =	vst v0;
	v3 =	vadd.f32 v5, v63  }
0x247: {  	[tilespmem:s7+$0x100] =	vst v1;
	v0 =	vadd.f32 v2, v63  }
0x248: {  	s5 =	sor.u32 s5, s5;
	[tilespmem:s7+$0x2100] =	vst v3  }
0x249: {  	s5 =	sor.u32 $0x380, s5;
	[tilespmem:s7+$0x6100] =	vst v0  }
0x24a: {  	v3 =	vld [tilespmem:s5+$0x18000]  }
0x24b: {  	v0 =	vld [tilespmem:s5+$0x0];
	_ =	sdelay $0x4  }
0x24c: {  	s29 =	simm.s32 $0x10;
	s9 =	simm.s32 $0x80;
	v0 =	vadd.f32 v0, v3  }
0x24d: {  	s14 =	sand.u32 $0x70, s29;
	s15 =	sand.u32 $0x1C00, s9  }
0x24e: {  	s14 =	sor.u32 s14, s15;
	[tilespmem:s5+$0x0] =	vst v0  }
0x24f: {  	v0 =	vld [tilespmem:s14+$0x6300]  }
0x250: {  	v2 =	vld [tilespmem:s14+$0x2180]  }
0x251: {  	v4 =	vld [tilespmem:s7+$0x4380]  }
0x252: {  	v9 =	vld [tilespmem:s7+$0x2380]  }
0x253: {  	v6 =	vld [tilespmem:s14+$0x6180]  }
0x254: {  	v8 =	vld [tilespmem:s7+$0x6380]  }
0x255: {  	v1 =	vld [tilespmem:s14+$0x300]  }
0x256: {  	v7 =	vld [tilespmem:s14+$0x180];
	v10 =	vadd.f32 v4, v3  }
0x257: {  	v5 =	vld [tilespmem:s14+$0x4180]  }
0x258: {  	s15 =	simm.s32 $0x20;
	s8 =	sor.u32 s9, s29;
	v4 =	vld [tilespmem:s14+$0x18180];
	v9 =	vadd.f32 v9, v3;
	[tilespmem:s7+$0x4380] =	vst v10  }
.LBB2_10:
0x259: {  	p0 =	sne.s32 s15, $0x3F0  }
0x25a: {  	v10 =	vld [tilespmem:s14+$0x18300];
	s9 =	sadd.s32 $0x80, s9;
	[tilespmem:s7+$0x2380] =	vst v9;
	v3 =	vadd.f32 v8, v3;
	s5 =	smov.u32 s15;
	s15 =	sadd.s32 $0x10, s15  }
0x25b: {  	s16 =	sor.u32 s9, s5;
	v8 =	vld [tilespmem:s14+$0x6280]  }
0x25c: {  	v9 =	vld [tilespmem:s14+$0x4280];
	[tilespmem:s7+$0x6380] =	vst v3;
	s7 =	smov.u32 s14  }
0x25d: {  	v3 =	vadd.f32 v7, v4;
	v2 =	vadd.f32 v2, v4;
	v7 =	vld [tilespmem:s7+$0x2280]  }
0x25e: {  	v5 =	vadd.f32 v5, v4;
	v4 =	vadd.f32 v6, v4;
	v6 =	vld [tilespmem:s7+$0x280]  }
0x25f: {  	[tilespmem:s7+$0x180] =	vst v3;
	v3 =	vld [tilespmem:s7+$0x18280]  }
0x260: {  	[tilespmem:s7+$0x6180] =	vst v4;
	v4 =	vld [tilespmem:s7+$0x6200]  }
0x261: {  	v11 =	vld [tilespmem:s7+$0x4200]  }
0x262: {  	v12 =	vld [tilespmem:s7+$0x2200]  }
0x263: {  	v13 =	vld [tilespmem:s7+$0x2300]  }
0x264: {  	v6 =	vadd.f32 v6, v3;
	v7 =	vadd.f32 v7, v3;
	v14 =	vld [tilespmem:s7+$0x4300]  }
0x265: {  	v9 =	vadd.f32 v9, v3;
	v3 =	vadd.f32 v8, v3;
	v15 =	vld [tilespmem:s7+$0x200]  }
0x266: {  	v8 =	vld [tilespmem:s7+$0x18200];
	[tilespmem:s7+$0x2280] =	vst v7  }
0x267: {  	[tilespmem:s7+$0x2180] =	vst v2  }
0x268: {  	v1 =	vadd.f32 v1, v10;
	v2 =	vld [tilespmem:s7+$0x6080];
	[tilespmem:s7+$0x280] =	vst v6;
	v6 =	vadd.f32 v13, v10  }
0x269: {  	v0 =	vadd.f32 v0, v10;
	v7 =	vld [tilespmem:s7+$0x2080];
	[tilespmem:s7+$0x6280] =	vst v3;
	v3 =	vadd.f32 v14, v10  }
0x26a: {  	v10 =	vld [tilespmem:s7+$0x4000];
	[tilespmem:s7+$0x4280] =	vst v9  }
0x26b: {  	v9 =	vld [tilespmem:s7+$0x2000];
	[tilespmem:s7+$0x4180] =	vst v5;
	v5 =	vadd.f32 v12, v8;
	v4 =	vadd.f32 v4, v8  }
0x26c: {  	v13 =	vadd.f32 v15, v8;
	v8 =	vadd.f32 v11, v8;
	v12 =	vld [tilespmem:s7+$0x18000];
	[tilespmem:s7+$0x2300] =	vst v6  }
0x26d: {  	v6 =	vld [tilespmem:s7+$0x6000];
	[tilespmem:s7+$0x6300] =	vst v0  }
0x26e: {  	v0 =	vld [tilespmem:s7+$0x0];
	[tilespmem:s7+$0x300] =	vst v1  }
0x26f: {  	v1 =	vld [tilespmem:s7+$0x80];
	[tilespmem:s7+$0x2200] =	vst v5  }
0x270: {  	v5 =	vld [tilespmem:s7+$0x18080];
	[tilespmem:s7+$0x4300] =	vst v3  }
0x271: {  	v3 =	vadd.f32 v9, v12;
	v9 =	vadd.f32 v10, v12;
	v10 =	vld [tilespmem:s7+$0x4080];
	[tilespmem:s7+$0x6200] =	vst v4  }
0x272: {  	v4 =	vld [tilespmem:s7+$0x4100];
	[tilespmem:s7+$0x200] =	vst v13  }
0x273: {  	v0 =	vadd.f32 v0, v12;
	[tilespmem:s7+$0x2000] =	vst v3;
	v3 =	vadd.f32 v6, v12;
	v6 =	vld [tilespmem:s7+$0x100]  }
0x274: {  	v11 =	vld [tilespmem:s7+$0x18100];
	[tilespmem:s7+$0x4200] =	vst v8  }
0x275: {  	[tilespmem:s7+$0x6000] =	vst v3;
	v1 =	vadd.f32 v1, v5;
	v3 =	vadd.f32 v7, v5  }
0x276: {  	v2 =	vadd.f32 v2, v5;
	[tilespmem:s7+$0x4000] =	vst v9;
	v7 =	vadd.f32 v10, v5;
	v5 =	vld [tilespmem:s7+$0x2100]  }
0x277: {  	[tilespmem:s7+$0x80] =	vst v1;
	v1 =	vld [tilespmem:s7+$0x6100]  }
0x278: {  	[tilespmem:s7+$0x0] =	vst v0  }
0x279: {  	[tilespmem:s7+$0x6080] =	vst v2;
	v0 =	vadd.f32 v6, v11;
	v2 =	vadd.f32 v4, v11  }
0x27a: {  	s5 =	sand.u32 $0x70, s5;
	s14 =	sand.u32 $0x1C00, s9;
	[tilespmem:s7+$0x2080] =	vst v3  }
0x27b: {  	s14 =	sor.u32 s5, s14;
	v3 =	vadd.f32 v5, v11;
	[tilespmem:s7+$0x4100] =	vst v2  }
0x27c: {  	[tilespmem:s7+$0x4080] =	vst v7;
	v1 =	vadd.f32 v1, v11  }
0x27d: {  	[tilespmem:s7+$0x2100] =	vst v3  }
0x27e: {  	[tilespmem:s7+$0x6100] =	vst v1  }
0x27f: {  	s5 =	sor.u32 $0x380, s8;
	s8 =	smov.u32 s16;
	[tilespmem:s7+$0x100] =	vst v0  }
0x280: {  	v3 =	vld [tilespmem:s5+$0x18000]  }
0x281: {  	v0 =	vld [tilespmem:s5+$0x0];
	_ =	sdelay $0x4  }
0x282: {  	v0 =	vadd.f32 v0, v3;
	_ =	sdelay $0x1  }
0x283: {  	[tilespmem:s5+$0x0] =	vst v0  }
0x284: {  	v0 =	vld [tilespmem:s14+$0x6300]  }
0x285: {  	v2 =	vld [tilespmem:s14+$0x2180]  }
0x286: {  	v4 =	vld [tilespmem:s7+$0x4380]  }
0x287: {  	v5 =	vld [tilespmem:s7+$0x2380]  }
0x288: {  	v6 =	vld [tilespmem:s14+$0x6180]  }
.Ltmp4:
0x289: {  	v8 =	vld [tilespmem:s7+$0x6380];
	(pc) =	sbr.rel @p0 .LBB2_10-.Ltmp4, $4  }
0x28a: {  	v1 =	vld [tilespmem:s14+$0x300]  }
0x28b: {  	v7 =	vld [tilespmem:s14+$0x180];
	v10 =	vadd.f32 v4, v3  }
0x28c: {  	v4 =	vld [tilespmem:s14+$0x18180];
	v9 =	vadd.f32 v5, v3  }
0x28d: {  	v5 =	vld [tilespmem:s14+$0x4180];
	[tilespmem:s7+$0x4380] =	vst v10  }
0x28e: {  	v10 =	vld [tilespmem:s14+$0x18300];
	[tilespmem:s7+$0x2380] =	vst v9;
	v3 =	vadd.f32 v8, v3  }
0x28f: {  	v8 =	vld [tilespmem:s14+$0x6280]  }
0x290: {  	v9 =	vld [tilespmem:s14+$0x4280];
	[tilespmem:s7+$0x6380] =	vst v3  }
0x291: {  	v3 =	vadd.f32 v7, v4;
	v7 =	vld [tilespmem:s14+$0x2280]  }
0x292: {  	v11 =	vld [tilespmem:s14+$0x280]  }
0x293: {  	v13 =	vld [tilespmem:s14+$0x2200]  }
0x294: {  	v6 =	vadd.f32 v6, v4;
	v14 =	vld [tilespmem:s14+$0x2300]  }
0x295: {  	v2 =	vadd.f32 v2, v4;
	v17 =	vld [tilespmem:s14+$0x18200];
	[tilespmem:s14+$0x180] =	vst v3  }
0x296: {  	v15 =	vld [tilespmem:s14+$0x4300];
	v4 =	vadd.f32 v5, v4;
	[tilespmem:s14+$0x6180] =	vst v6  }
0x297: {  	v3 =	vld [tilespmem:s14+$0x18280];
	[tilespmem:s14+$0x2180] =	vst v2;
	v0 =	vadd.f32 v0, v10  }
0x298: {  	v12 =	vld [tilespmem:s14+$0x4200];
	v1 =	vadd.f32 v1, v10;
	[tilespmem:s14+$0x4180] =	vst v4  }
0x299: {  	v16 =	vld [tilespmem:s14+$0x200];
	[tilespmem:s14+$0x6300] =	vst v0;
	v5 =	vadd.f32 v14, v10  }
0x29a: {  	v6 =	vld [tilespmem:s14+$0x6200];
	[tilespmem:s14+$0x300] =	vst v1;
	v0 =	vadd.f32 v13, v17  }
0x29b: {  	v4 =	vld [tilespmem:s14+$0x18000];
	v10 =	vadd.f32 v15, v10;
	[tilespmem:s14+$0x2300] =	vst v5  }
0x29c: {  	v1 =	vld [tilespmem:s14+$0x80];
	v7 =	vadd.f32 v7, v3;
	[tilespmem:s14+$0x2200] =	vst v0  }
0x29d: {  	v8 =	vadd.f32 v8, v3;
	v5 =	vld [tilespmem:s14+$0x6000];
	[tilespmem:s14+$0x4300] =	vst v10  }
0x29e: {  	v0 =	vld [tilespmem:s14+$0x18080];
	[tilespmem:s14+$0x2280] =	vst v7;
	v7 =	vadd.f32 v11, v3;
	v3 =	vadd.f32 v9, v3  }
0x29f: {  	v6 =	vadd.f32 v6, v17;
	[tilespmem:s14+$0x6280] =	vst v8;
	v8 =	vld [tilespmem:s14+$0x4000]  }
0x2a0: {  	[tilespmem:s14+$0x4280] =	vst v3;
	v3 =	vld [tilespmem:s14+$0x2000]  }
0x2a1: {  	v2 =	vld [tilespmem:s14+$0x6080];
	v11 =	vadd.f32 v16, v17;
	[tilespmem:s14+$0x6200] =	vst v6  }
0x2a2: {  	v56 =	vld [tilespmem:s14+$0x18100];
	[tilespmem:s14+$0x280] =	vst v7;
	v5 =	vadd.f32 v5, v4  }
0x2a3: {  	v9 =	vld [tilespmem:s14+$0x0];
	[tilespmem:s14+$0x200] =	vst v11;
	v1 =	vadd.f32 v1, v0  }
0x2a4: {  	v7 =	vld [tilespmem:s14+$0x2080];
	v8 =	vadd.f32 v8, v4;
	[tilespmem:s14+$0x6000] =	vst v5  }
0x2a5: {  	v6 =	vld [tilespmem:s14+$0x4100];
	[tilespmem:s14+$0x80] =	vst v1;
	v3 =	vadd.f32 v3, v4  }
0x2a6: {  	v10 =	vld [tilespmem:s14+$0x4080];
	v1 =	vadd.f32 v2, v0;
	[tilespmem:s14+$0x4000] =	vst v8  }
0x2a7: {  	v11 =	vld [tilespmem:s14+$0x100];
	[tilespmem:s14+$0x2000] =	vst v3;
	v3 =	vadd.f32 v12, v17  }
0x2a8: {  	v2 =	vld [tilespmem:s14+$0x6100];
	v4 =	vadd.f32 v9, v4;
	[tilespmem:s14+$0x6080] =	vst v1  }
0x2a9: {  	v5 =	vadd.f32 v7, v0;
	[tilespmem:s14+$0x4200] =	vst v3;
	v3 =	vld [tilespmem:s14+$0x2100]  }
0x2aa: {  	v1 =	vadd.f32 v6, v56;
	[tilespmem:s14+$0x0] =	vst v4  }
0x2ab: {  	v0 =	vadd.f32 v10, v0;
	[tilespmem:s14+$0x2080] =	vst v5  }
0x2ac: {  	[tilespmem:s14+$0x4100] =	vst v1;
	v1 =	vadd.f32 v11, v56  }
0x2ad: {  	[tilespmem:s14+$0x4080] =	vst v0;
	v0 =	vadd.f32 v2, v56  }
0x2ae: {  	[tilespmem:s14+$0x100] =	vst v1;
	v3 =	vadd.f32 v3, v56  }
0x2af: {  	[tilespmem:s14+$0x6100] =	vst v0  }
0x2b0: {  	s5 =	sor.u32 $0x380, s8;
	[tilespmem:s14+$0x2100] =	vst v3  }
0x2b1: {  	v0 =	vld [tilespmem:s5+$0x18000]  }
0x2b2: {  	v1 =	vld [tilespmem:s5+$0x0];
	_ =	sdelay $0x4  }
0x2b3: {  	v1 =	vadd.f32 v1, v0;
	_ =	sdelay $0x1  }
0x2b4: {  	[tilespmem:s5+$0x0] =	vst v1  }
0x2b5: {  	v1 =	vld [tilespmem:s14+$0x4380]  }
0x2b6: {  	v2 =	vld [tilespmem:s14+$0x2380]  }
0x2b7: {  	v3 =	vld [tilespmem:s14+$0x6380];
	_ =	sdelay $0x2  }
0x2b8: {  	v1 =	vadd.f32 v1, v0  }
0x2b9: {  	v2 =	vadd.f32 v2, v0  }
0x2ba: {  	v0 =	vadd.f32 v3, v0;
	[tilespmem:s14+$0x4380] =	vst v1  }
0x2bb: {  	[tilespmem:s14+$0x2380] =	vst v2  }
0x2bc: {  	s15 =	rddreg [dreg:$0x8];
	s16 =	simm.s32 $0x6;
	[tilespmem:s14+$0x6380] =	vst v0;
	s14 =	simm.s32 $0x0  }
0x2bd: {  	[hbm4b:s15+s19] =	stream.strided.scatter [tilespmem:s14], [sflag:$0x4], $0x8000, s20, s19, $0x38;
	[tilespmem:$0x1E000] =	vst v63  }
0x2be: {  	_ =	swait.ge [sflag:s16], $0x8000  }
0x2bf: {  	[sflag:s16] =	ssyncset.done $0x0  }
0x2c0: {  	[sflag:s16] =	ssyncadd.s32 $0xFFFF8000  }
0x2c1: {  	_ =	swait.ge [sflag:s26], $0x8000  }
0x2c2: {  	[sflag:s26] =	ssyncset.done $0x0  }
0x2c3: {  	[sflag:s26] =	ssyncadd.s32 $0xFFFF8000  }
0x2c4: {  	_ =	swait.ge [sflag:s28], $0x2000  }
0x2c5: {  	s17 =	sand.u32 $0x70, s14;
	s18 =	sand.u32 $0x1C00, s14;
	[sflag:s28] =	ssyncset.done $0x0  }
0x2c6: {  	s7 =	sor.u32 s17, s18;
	[sflag:s28] =	ssyncadd.s32 $0xFFFFE000  }
0x2c7: {  	v0 =	vld [tilespmem:s7+$0xE300]  }
0x2c8: {  	v1 =	vld [tilespmem:s7+$0xA180]  }
0x2c9: {  	v2 =	vld [tilespmem:s7+$0xE180]  }
0x2ca: {  	v3 =	vld [tilespmem:s7+$0x8180]  }
0x2cb: {  	v4 =	vld [tilespmem:s7+$0x1A180]  }
0x2cc: {  	v5 =	vld [tilespmem:s7+$0x8300]  }
0x2cd: {  	v6 =	vld [tilespmem:s7+$0xC180]  }
0x2ce: {  	v7 =	vld [tilespmem:s7+$0x1A300]  }
0x2cf: {  	v8 =	vld [tilespmem:s7+$0xE280]  }
0x2d0: {  	v9 =	vld [tilespmem:s7+$0xC280]  }
0x2d1: {  	v10 =	vld [tilespmem:s7+$0xA280]  }
0x2d2: {  	v59 =	vld [tilespmem:s7+$0xA300]  }
0x2d3: {  	v11 =	vld [tilespmem:s7+$0x8280];
	v3 =	vadd.f32 v3, v4  }
0x2d4: {  	v57 =	vld [tilespmem:s7+$0xC200];
	v2 =	vadd.f32 v2, v4  }
0x2d5: {  	v1 =	vadd.f32 v1, v4;
	[tilespmem:s7+$0x8180] =	vst v3;
	v3 =	vld [tilespmem:s7+$0x1A280]  }
0x2d6: {  	v60 =	vld [tilespmem:s7+$0xC300];
	v4 =	vadd.f32 v6, v4;
	[tilespmem:s7+$0xE180] =	vst v2  }
0x2d7: {  	v58 =	vld [tilespmem:s7+$0xA200];
	v6 =	vadd.f32 v59, v7;
	[tilespmem:s7+$0xA180] =	vst v1  }
0x2d8: {  	v62 =	vld [tilespmem:s7+$0x1A200];
	v0 =	vadd.f32 v0, v7;
	[tilespmem:s7+$0xC180] =	vst v4  }
0x2d9: {  	v5 =	vadd.f32 v5, v7;
	v2 =	vld [tilespmem:s7+$0xE200];
	[tilespmem:s7+$0xA300] =	vst v6  }
0x2da: {  	v4 =	vld [tilespmem:s7+$0x1A000];
	[tilespmem:s7+$0xE300] =	vst v0;
	v10 =	vadd.f32 v10, v3  }
0x2db: {  	v7 =	vadd.f32 v60, v7;
	v6 =	vld [tilespmem:s7+$0xE000];
	[tilespmem:s7+$0x8300] =	vst v5;
	v8 =	vadd.f32 v8, v3  }
0x2dc: {  	v61 =	vld [tilespmem:s7+$0x8200];
	[tilespmem:s7+$0xA280] =	vst v10;
	v10 =	vadd.f32 v11, v3;
	v3 =	vadd.f32 v9, v3  }
0x2dd: {  	v1 =	vld [tilespmem:s7+$0xE080];
	v0 =	vadd.f32 v58, v62;
	[tilespmem:s7+$0xC300] =	vst v7  }
0x2de: {  	[tilespmem:s7+$0xC280] =	vst v3;
	v3 =	vld [tilespmem:s7+$0xA000]  }
0x2df: {  	[tilespmem:s7+$0xA200] =	vst v0;
	v0 =	vld [tilespmem:s7+$0x1A080];
	v2 =	vadd.f32 v2, v62  }
0x2e0: {  	v63 =	vld [tilespmem:s7+$0x1A100];
	v6 =	vadd.f32 v6, v4;
	[tilespmem:s7+$0xE280] =	vst v8  }
0x2e1: {  	v8 =	vld [tilespmem:s7+$0xC000];
	[tilespmem:s7+$0xE200] =	vst v2  }
0x2e2: {  	v5 =	vld [tilespmem:s7+$0x8080];
	v11 =	vadd.f32 v61, v62;
	[tilespmem:s7+$0xE000] =	vst v6  }
0x2e3: {  	v9 =	vld [tilespmem:s7+$0x8000];
	[tilespmem:s7+$0x8280] =	vst v10;
	v2 =	vadd.f32 v3, v4  }
0x2e4: {  	v1 =	vadd.f32 v1, v0;
	v10 =	vld [tilespmem:s7+$0xA080];
	[tilespmem:s7+$0x8200] =	vst v11  }
0x2e5: {  	v3 =	vld [tilespmem:s7+$0xC100];
	[tilespmem:s7+$0xA000] =	vst v2;
	v2 =	vadd.f32 v57, v62  }
0x2e6: {  	v7 =	vld [tilespmem:s7+$0xC080];
	[tilespmem:s7+$0xE080] =	vst v1;
	v8 =	vadd.f32 v8, v4  }
0x2e7: {  	v11 =	vld [tilespmem:s7+$0x8100];
	[tilespmem:s7+$0xC200] =	vst v2;
	v2 =	vadd.f32 v5, v0  }
0x2e8: {  	[tilespmem:s7+$0xC000] =	vst v8;
	v4 =	vadd.f32 v9, v4;
	v5 =	vld [tilespmem:s7+$0xA100]  }
0x2e9: {  	v6 =	vadd.f32 v10, v0;
	[tilespmem:s7+$0x8080] =	vst v2;
	v2 =	vld [tilespmem:s7+$0xE100]  }
0x2ea: {  	[tilespmem:s7+$0x8000] =	vst v4;
	v1 =	vadd.f32 v3, v63  }
0x2eb: {  	[tilespmem:s7+$0xA080] =	vst v6;
	v0 =	vadd.f32 v7, v0  }
0x2ec: {  	[tilespmem:s7+$0xC100] =	vst v1;
	v1 =	vadd.f32 v11, v63  }
0x2ed: {  	[tilespmem:s7+$0xC080] =	vst v0;
	v3 =	vadd.f32 v5, v63  }
0x2ee: {  	[tilespmem:s7+$0x8100] =	vst v1;
	v0 =	vadd.f32 v2, v63  }
0x2ef: {  	s5 =	sor.u32 s14, s14;
	[tilespmem:s7+$0xA100] =	vst v3  }
0x2f0: {  	s5 =	sor.u32 $0x380, s5;
	[tilespmem:s7+$0xE100] =	vst v0  }
0x2f1: {  	v3 =	vld [tilespmem:s5+$0x1A000]  }
0x2f2: {  	v0 =	vld [tilespmem:s5+$0x8000];
	_ =	sdelay $0x4  }
0x2f3: {  	s24 =	simm.s32 $0x10;
	s9 =	simm.s32 $0x80;
	v0 =	vadd.f32 v0, v3  }
0x2f4: {  	s29 =	sand.u32 $0x70, s24;
	s15 =	sand.u32 $0x1C00, s9  }
0x2f5: {  	s14 =	sor.u32 s29, s15;
	[tilespmem:s5+$0x8000] =	vst v0  }
0x2f6: {  	v0 =	vld [tilespmem:s14+$0xE300]  }
0x2f7: {  	v2 =	vld [tilespmem:s14+$0xA180]  }
0x2f8: {  	v4 =	vld [tilespmem:s7+$0xC380]  }
0x2f9: {  	v9 =	vld [tilespmem:s7+$0xA380]  }
0x2fa: {  	v6 =	vld [tilespmem:s14+$0xE180]  }
0x2fb: {  	v8 =	vld [tilespmem:s7+$0xE380]  }
0x2fc: {  	v1 =	vld [tilespmem:s14+$0x8300]  }
0x2fd: {  	v7 =	vld [tilespmem:s14+$0x8180];
	v10 =	vadd.f32 v4, v3  }
0x2fe: {  	v5 =	vld [tilespmem:s14+$0xC180]  }
0x2ff: {  	s8 =	sor.u32 s9, s24;
	s15 =	simm.s32 $0x20;
	v4 =	vld [tilespmem:s14+$0x1A180];
	v9 =	vadd.f32 v9, v3;
	[tilespmem:s7+$0xC380] =	vst v10  }
.LBB2_12:
0x300: {  	p0 =	sne.s32 s15, $0x3F0  }
0x301: {  	v10 =	vld [tilespmem:s14+$0x1A300];
	s9 =	sadd.s32 $0x80, s9;
	[tilespmem:s7+$0xA380] =	vst v9;
	v3 =	vadd.f32 v8, v3;
	s5 =	smov.u32 s15;
	s15 =	sadd.s32 $0x10, s15  }
0x302: {  	s16 =	sor.u32 s9, s5;
	v8 =	vld [tilespmem:s14+$0xE280]  }
0x303: {  	v9 =	vld [tilespmem:s14+$0xC280];
	[tilespmem:s7+$0xE380] =	vst v3;
	s7 =	smov.u32 s14  }
0x304: {  	v3 =	vadd.f32 v7, v4;
	v2 =	vadd.f32 v2, v4;
	v7 =	vld [tilespmem:s7+$0xA280]  }
0x305: {  	v5 =	vadd.f32 v5, v4;
	v4 =	vadd.f32 v6, v4;
	v6 =	vld [tilespmem:s7+$0x8280]  }
0x306: {  	[tilespmem:s7+$0x8180] =	vst v3;
	v3 =	vld [tilespmem:s7+$0x1A280]  }
0x307: {  	[tilespmem:s7+$0xE180] =	vst v4;
	v4 =	vld [tilespmem:s7+$0xE200]  }
0x308: {  	v11 =	vld [tilespmem:s7+$0xC200]  }
0x309: {  	v12 =	vld [tilespmem:s7+$0xA200]  }
0x30a: {  	v13 =	vld [tilespmem:s7+$0xA300]  }
0x30b: {  	v6 =	vadd.f32 v6, v3;
	v7 =	vadd.f32 v7, v3;
	v14 =	vld [tilespmem:s7+$0xC300]  }
0x30c: {  	v9 =	vadd.f32 v9, v3;
	v3 =	vadd.f32 v8, v3;
	v15 =	vld [tilespmem:s7+$0x8200]  }
0x30d: {  	v8 =	vld [tilespmem:s7+$0x1A200];
	[tilespmem:s7+$0xA280] =	vst v7  }
0x30e: {  	[tilespmem:s7+$0xA180] =	vst v2  }
0x30f: {  	v1 =	vadd.f32 v1, v10;
	v2 =	vld [tilespmem:s7+$0xE080];
	[tilespmem:s7+$0x8280] =	vst v6;
	v6 =	vadd.f32 v13, v10  }
0x310: {  	v0 =	vadd.f32 v0, v10;
	v7 =	vld [tilespmem:s7+$0xA080];
	[tilespmem:s7+$0xE280] =	vst v3;
	v3 =	vadd.f32 v14, v10  }
0x311: {  	v10 =	vld [tilespmem:s7+$0xC000];
	[tilespmem:s7+$0xC280] =	vst v9  }
0x312: {  	v9 =	vld [tilespmem:s7+$0xA000];
	[tilespmem:s7+$0xC180] =	vst v5;
	v5 =	vadd.f32 v12, v8;
	v4 =	vadd.f32 v4, v8  }
0x313: {  	v13 =	vadd.f32 v15, v8;
	v8 =	vadd.f32 v11, v8;
	v12 =	vld [tilespmem:s7+$0x1A000];
	[tilespmem:s7+$0xA300] =	vst v6  }
0x314: {  	v6 =	vld [tilespmem:s7+$0xE000];
	[tilespmem:s7+$0xE300] =	vst v0  }
0x315: {  	v0 =	vld [tilespmem:s7+$0x8000];
	[tilespmem:s7+$0x8300] =	vst v1  }
0x316: {  	v1 =	vld [tilespmem:s7+$0x8080];
	[tilespmem:s7+$0xA200] =	vst v5  }
0x317: {  	v5 =	vld [tilespmem:s7+$0x1A080];
	[tilespmem:s7+$0xC300] =	vst v3  }
0x318: {  	v3 =	vadd.f32 v9, v12;
	v9 =	vadd.f32 v10, v12;
	v10 =	vld [tilespmem:s7+$0xC080];
	[tilespmem:s7+$0xE200] =	vst v4  }
0x319: {  	v4 =	vld [tilespmem:s7+$0xC100];
	[tilespmem:s7+$0x8200] =	vst v13  }
0x31a: {  	v0 =	vadd.f32 v0, v12;
	[tilespmem:s7+$0xA000] =	vst v3;
	v3 =	vadd.f32 v6, v12;
	v6 =	vld [tilespmem:s7+$0x8100]  }
0x31b: {  	v11 =	vld [tilespmem:s7+$0x1A100];
	[tilespmem:s7+$0xC200] =	vst v8  }
0x31c: {  	[tilespmem:s7+$0xE000] =	vst v3;
	v1 =	vadd.f32 v1, v5;
	v3 =	vadd.f32 v7, v5  }
0x31d: {  	v2 =	vadd.f32 v2, v5;
	[tilespmem:s7+$0xC000] =	vst v9;
	v7 =	vadd.f32 v10, v5;
	v5 =	vld [tilespmem:s7+$0xA100]  }
0x31e: {  	[tilespmem:s7+$0x8080] =	vst v1;
	v1 =	vld [tilespmem:s7+$0xE100]  }
0x31f: {  	[tilespmem:s7+$0x8000] =	vst v0  }
0x320: {  	[tilespmem:s7+$0xE080] =	vst v2;
	v0 =	vadd.f32 v6, v11;
	v2 =	vadd.f32 v4, v11  }
0x321: {  	s5 =	sand.u32 $0x70, s5;
	s14 =	sand.u32 $0x1C00, s9;
	[tilespmem:s7+$0xA080] =	vst v3  }
0x322: {  	s14 =	sor.u32 s5, s14;
	v3 =	vadd.f32 v5, v11;
	[tilespmem:s7+$0xC100] =	vst v2  }
0x323: {  	[tilespmem:s7+$0xC080] =	vst v7;
	v1 =	vadd.f32 v1, v11  }
0x324: {  	[tilespmem:s7+$0xA100] =	vst v3  }
0x325: {  	[tilespmem:s7+$0xE100] =	vst v1  }
0x326: {  	s5 =	sor.u32 $0x380, s8;
	s8 =	smov.u32 s16;
	[tilespmem:s7+$0x8100] =	vst v0  }
0x327: {  	v3 =	vld [tilespmem:s5+$0x1A000]  }
0x328: {  	v0 =	vld [tilespmem:s5+$0x8000];
	_ =	sdelay $0x4  }
0x329: {  	v0 =	vadd.f32 v0, v3;
	_ =	sdelay $0x1  }
0x32a: {  	[tilespmem:s5+$0x8000] =	vst v0  }
0x32b: {  	v0 =	vld [tilespmem:s14+$0xE300]  }
0x32c: {  	v2 =	vld [tilespmem:s14+$0xA180]  }
0x32d: {  	v4 =	vld [tilespmem:s7+$0xC380]  }
0x32e: {  	v5 =	vld [tilespmem:s7+$0xA380]  }
0x32f: {  	v6 =	vld [tilespmem:s14+$0xE180]  }
.Ltmp5:
0x330: {  	v8 =	vld [tilespmem:s7+$0xE380];
	(pc) =	sbr.rel @p0 .LBB2_12-.Ltmp5, $4  }
0x331: {  	v1 =	vld [tilespmem:s14+$0x8300]  }
0x332: {  	v7 =	vld [tilespmem:s14+$0x8180];
	v10 =	vadd.f32 v4, v3  }
0x333: {  	v4 =	vld [tilespmem:s14+$0x1A180];
	v9 =	vadd.f32 v5, v3  }
0x334: {  	v5 =	vld [tilespmem:s14+$0xC180];
	[tilespmem:s7+$0xC380] =	vst v10  }
0x335: {  	v10 =	vld [tilespmem:s14+$0x1A300];
	[tilespmem:s7+$0xA380] =	vst v9;
	v3 =	vadd.f32 v8, v3  }
0x336: {  	v31 =	vld [tilespmem:s14+$0xE280]  }
0x337: {  	v9 =	vld [tilespmem:s14+$0xC280];
	[tilespmem:s7+$0xE380] =	vst v3  }
0x338: {  	v33 =	vld [tilespmem:s14+$0xA280]  }
0x339: {  	v11 =	vld [tilespmem:s14+$0x8280]  }
0x33a: {  	v32 =	vadd.f32 v7, v4;
	v34 =	vld [tilespmem:s14+$0x1A280]  }
0x33b: {  	v6 =	vadd.f32 v6, v4;
	v35 =	vld [tilespmem:s14+$0xE200]  }
0x33c: {  	v12 =	vld [tilespmem:s14+$0xC200];
	v2 =	vadd.f32 v2, v4;
	[tilespmem:s14+$0x8180] =	vst v32  }
0x33d: {  	v13 =	vld [tilespmem:s14+$0xA200];
	v40 =	vadd.f32 v5, v4;
	[tilespmem:s14+$0xE180] =	vst v6  }
0x33e: {  	v14 =	vld [tilespmem:s14+$0xA300];
	[tilespmem:s14+$0xA180] =	vst v2;
	v0 =	vadd.f32 v0, v10  }
0x33f: {  	v15 =	vld [tilespmem:s14+$0xC300];
	v1 =	vadd.f32 v1, v10;
	[tilespmem:s14+$0xC180] =	vst v40  }
0x340: {  	v17 =	vld [tilespmem:s14+$0x1A200];
	[tilespmem:s14+$0xE300] =	vst v0;
	v7 =	vadd.f32 v33, v34  }
0x341: {  	v16 =	vld [tilespmem:s14+$0x8200];
	[tilespmem:s14+$0x8300] =	vst v1;
	v36 =	vadd.f32 v11, v34  }
0x342: {  	v37 =	vld [tilespmem:s14+$0xE080];
	v8 =	vadd.f32 v31, v34;
	[tilespmem:s14+$0xA280] =	vst v7  }
0x343: {  	v43 =	vld [tilespmem:s14+$0x1A000];
	v3 =	vadd.f32 v9, v34;
	[tilespmem:s14+$0x8280] =	vst v36  }
0x344: {  	v44 =	vld [tilespmem:s14+$0xE000];
	v42 =	vadd.f32 v14, v10;
	[tilespmem:s14+$0xE280] =	vst v8  }
0x345: {  	v47 =	vld [tilespmem:s14+$0x8080];
	v45 =	vadd.f32 v13, v17;
	[tilespmem:s14+$0xC280] =	vst v3  }
0x346: {  	v48 =	vld [tilespmem:s14+$0x1A080];
	v10 =	vadd.f32 v15, v10;
	[tilespmem:s14+$0xA300] =	vst v42  }
0x347: {  	v46 =	vld [tilespmem:s14+$0x8000];
	v6 =	vadd.f32 v35, v17;
	[tilespmem:s14+$0xA200] =	vst v45  }
0x348: {  	v38 =	vld [tilespmem:s14+$0xA080];
	v50 =	vadd.f32 v16, v17;
	[tilespmem:s14+$0xC300] =	vst v10  }
0x349: {  	v51 =	vld [tilespmem:s14+$0xC100];
	v52 =	vadd.f32 v12, v17;
	[tilespmem:s14+$0xE200] =	vst v6  }
0x34a: {  	v54 =	vld [tilespmem:s14+$0x1A100];
	v5 =	vadd.f32 v44, v43;
	[tilespmem:s14+$0x8200] =	vst v50  }
0x34b: {  	v49 =	vld [tilespmem:s14+$0xC080];
	v1 =	vadd.f32 v47, v48;
	[tilespmem:s14+$0xC200] =	vst v52  }
0x34c: {  	v57 =	vld [tilespmem:s14+$0xE100];
	v4 =	vadd.f32 v46, v43;
	[tilespmem:s14+$0xE000] =	vst v5  }
0x34d: {  	v53 =	vld [tilespmem:s14+$0x8100];
	v56 =	vadd.f32 v37, v48;
	[tilespmem:s14+$0x8080] =	vst v1  }
0x34e: {  	v41 =	vld [tilespmem:s14+$0xA000];
	v58 =	vadd.f32 v38, v48;
	[tilespmem:s14+$0x8000] =	vst v4  }
0x34f: {  	v39 =	vld [tilespmem:s14+$0xC000];
	v59 =	vadd.f32 v51, v54;
	[tilespmem:s14+$0xE080] =	vst v56  }
0x350: {  	v55 =	vld [tilespmem:s14+$0xA100];
	v0 =	vadd.f32 v49, v48;
	[tilespmem:s14+$0xA080] =	vst v58  }
0x351: {  	v60 =	vadd.f32 v57, v54;
	[tilespmem:s14+$0xC100] =	vst v59  }
0x352: {  	v61 =	vadd.f32 v53, v54;
	[tilespmem:s14+$0xC080] =	vst v0  }
0x353: {  	v3 =	vadd.f32 v41, v43;
	[tilespmem:s14+$0xE100] =	vst v60  }
0x354: {  	v8 =	vadd.f32 v39, v43;
	[tilespmem:s14+$0x8100] =	vst v61  }
0x355: {  	[tilespmem:s14+$0xA000] =	vst v3;
	v3 =	vadd.f32 v55, v54  }
0x356: {  	[tilespmem:s14+$0xC000] =	vst v8  }
0x357: {  	s5 =	sor.u32 $0x380, s8;
	[tilespmem:s14+$0xA100] =	vst v3  }
0x358: {  	v0 =	vld [tilespmem:s5+$0x1A000]  }
0x359: {  	v1 =	vld [tilespmem:s5+$0x8000];
	_ =	sdelay $0x4  }
0x35a: {  	v1 =	vadd.f32 v1, v0;
	_ =	sdelay $0x1  }
0x35b: {  	[tilespmem:s5+$0x8000] =	vst v1  }
0x35c: {  	v1 =	vld [tilespmem:s14+$0xC380]  }
0x35d: {  	v62 =	vld [tilespmem:s14+$0xA380]  }
0x35e: {  	v63 =	vld [tilespmem:s14+$0xE380];
	_ =	sdelay $0x2  }
0x35f: {  	v1 =	vadd.f32 v1, v0  }
0x360: {  	v2 =	vadd.f32 v62, v0  }
0x361: {  	v0 =	vadd.f32 v63, v0;
	[tilespmem:s14+$0xC380] =	vst v1  }
0x362: {  	[tilespmem:s14+$0xA380] =	vst v2  }
0x363: {  	s18 =	rddreg [dreg:$0x9];
	[tilespmem:s14+$0xE380] =	vst v0  }
0x364: {  	[hbm4b:s18+s19] =	stream.strided.scatter [tilespmem:s21], [sflag:$0x5], $0x8000, s20, s19, $0x38;
	[tilespmem:$0x1E000] =	vst v63  }
0x365: {  	_ =	swait.ge [sflag:s30], $0x8000  }
0x366: {  	[sflag:s30] =	ssyncset.done $0x0  }
0x367: {  	[sflag:s30] =	ssyncadd.s32 $0xFFFF8000  }
0x368: {  	_ =	swait.ge [sflag:s0], $0x8000  }
0x369: {  	s24 =	rddreg [dreg:$0xb]  }
0x36a: {  	s29 =	rddreg [dreg:$0xa];
	s7 =	sadd.s32 $0x1, s24  }
0x36b: {  	p0 =	sne.s32 s7, s29  }
.Ltmp6:
0x36c: {  	_ = 	snop;
	(pc) =	sbr.rel @p0 .LBB2_1-.Ltmp6, $3  }
0x36d: {  	_ =	sdelay $0x1  }
0x36e: {  	[sflag:s0] =	ssyncset.done $0x0  }
0x36f: {  	[sflag:s0] =	ssyncadd.s32 $0xFFFF8000  }
0x370: {  	_ =	sfence.sel $0x180000  }
0x371: {  	[bflag:$0x0] =	sbarrier.arrive $0xFFFF  }
0x372: {  	_ =	strace $0x90000047  }
0x373: {  	s0 =	stileid.u32;
	[bflag:$0x2] =	sbarrier.arrive $0xFFFF  }
0x374: {  	p0 =	sne.s32 s0, $0x0;
	s0 =	rddreg [dreg:$0x3]  }
0x375: {  	s0 =	sadd.s32 @!p0 $0x100000, s0  }
0x376: {  	[sflag:s0] =	ssyncadd.tile.s32 @!p0 $0x1;
	_ =	shalt  }
.Lfunc_end2:
_tile_overlayer_lowered:
.L_overlay_start_2:
0x377: {  	(tag) =	ssettag $0x2  }
0x378: {  	s0 =	rddreg [dreg:$0x0];
	s2 =	stileid.u32  }
0x379: {  	s1 =	rddreg [dreg:$0x1];
	p0 =	sne.s32 s2, $0x0  }
0x37a: {  	s3 =	rddreg [dreg:$0x2];
	[bflag:$0x3] =	sbarrier.arrive $0xFFFF;
	s2 =	simm.s32 @!p0 $0x1C0A  }
0x37b: {  	[timem:s3], [sflag:s2] =	dma.local @!p0 [hbm:s0], s1  }
0x37c: {  	s0 =	simm.s32 @!p0 $0xA  }
0x37d: {  	_ =	swait.ge @!p0 [sflag:s0], s1  }
0x37e: {  	s1 =	ssub.s32 @!p0 $0x0, s1;
	[sflag:s0] =	ssyncset.done @!p0 $0x0  }
0x37f: {  	[sflag:s0] =	ssyncadd.s32 @!p0 s1  }
0x380: {  	[bflag:$0x3] =	sbarrier.arrive $0xFFFF  }
0x381: {  	_ =	shalt  }

</sc_bundles>
